<compile_context>
chip_gen: v7x
topology: tpu7x:2x2x1
jax: 0.10.2.dev20260603
libtpu: 0.0.44.dev20260713+nightly
codegen_flags: <defaults>
</compile_context>

<pallas_src>
import functools

import jax
import jax.numpy as jnp
from jax import lax
from jax.experimental import pallas as pl
from jax.experimental.pallas import tpu as pltpu
from jax.experimental.pallas import tpu_sc as plsc

N = 10000
E_EDGES = 320000
D_IN = 128
HEADS1, HID1 = 6, 16
D_OUT = 128

NROWS = 10016
PAD_ROW = 10000
NW = 32
CHUNK = 64
NIT = 164
E_PAD = NW * NIT * CHUNK

W1_COLS = 112
W2_COLS = 144
ST1_COLS = 128
ST2_COLS = 160


def _lane_bcast(v, lane):
    idx = jnp.full((16, 1), lane, jnp.int32)
    dnums = lax.GatherDimensionNumbers(
        offset_dims=(), collapsed_slice_dims=(0,), start_index_map=(0,))
    return lax.gather(v, idx, dnums, (1,),
                      mode=lax.GatherScatterMode.PROMISE_IN_BOUNDS)


def _edge_kernel(ncols, nheads, ncols_st):
    nfeat = ncols - 16
    nch = nfeat // 16
    rpt = NROWS // 16

    mesh = plsc.VectorSubcoreMesh(core_axis_name="c", subcore_axis_name="s")
    nq = NIT // 4

    @functools.partial(
        pl.kernel,
        out_type=jax.ShapeDtypeStruct((2, NROWS, ncols), jnp.float32),
        mesh=mesh,
        compiler_params=pltpu.CompilerParams(use_tc_tiling_on_sc=False,
                                             needs_layout_passes=False),
        scratch_types=[
            pltpu.VMEM((2, CHUNK), jnp.int32),
            pltpu.VMEM((2, CHUNK), jnp.int32),
            pltpu.VMEM((2, CHUNK), jnp.int32),
            pltpu.VMEM((2, CHUNK), jnp.int32),
            pltpu.VMEM((CHUNK, ncols_st), jnp.bfloat16),
            pltpu.VMEM((CHUNK, ncols_st), jnp.bfloat16),
            pltpu.VMEM((CHUNK, 16), jnp.float32),
            pltpu.VMEM((CHUNK, 16), jnp.float32),
            pltpu.VMEM((CHUNK, ncols), jnp.float32),
            pltpu.VMEM((CHUNK, ncols), jnp.float32),
            pltpu.VMEM_SHARED((NROWS, ncols), jnp.float32),
            pltpu.SemaphoreType.DMA, pltpu.SemaphoreType.DMA,
            pltpu.SemaphoreType.DMA, pltpu.SemaphoreType.DMA,
            pltpu.SemaphoreType.DMA, pltpu.SemaphoreType.DMA,
            pltpu.SemaphoreType.DMA, pltpu.SemaphoreType.DMA,
            pltpu.SemaphoreType.DMA, pltpu.SemaphoreType.DMA,
        ],
    )
    def k(g_hbm, ad_hbm, sd_hbm, out_hbm,
          ib0, ib1, ib2, ib3, gbuf0, gbuf1, adbuf0, adbuf1, mbuf0, mbuf1, acc,
          si0, si1, si2, si3, sg0, sg1, sa0, sa1, ss0, ss1):
        cid = lax.axis_index("c")
        sid = lax.axis_index("s")
        wid = sid * 2 + cid
        zero16 = jnp.zeros((16,), jnp.float32)
        ibs, sis = (ib0, ib1, ib2, ib3), (si0, si1, si2, si3)
        gbufs, adbufs, mbufs = (gbuf0, gbuf1), (adbuf0, adbuf1), (mbuf0, mbuf1)
        sgs, sas, sss = (sg0, sg1), (sa0, sa1), (ss0, ss1)

        def zrow(r, carry):
            for kk in range(ncols // 16):
                mbuf0[r, pl.ds(kk * 16, 16)] = zero16
            return carry
        lax.fori_loop(0, CHUNK, zrow, 0)
        base = sid * rpt
        for j in range(rpt // CHUNK):
            pltpu.sync_copy(mbuf0, acc.at[pl.ds(base + j * CHUNK, CHUNK)])
        rem = rpt % CHUNK
        if rem:
            pltpu.sync_copy(mbuf0.at[pl.ds(0, rem)],
                            acc.at[pl.ds(base + rpt - rem, rem)])
        plsc.subcore_barrier()

        def issue_idx(j, u):
            pltpu.async_copy(sd_hbm.at[wid, j], ibs[u], sis[u])

        def wait_idx(j, u):
            pltpu.make_async_copy(sd_hbm.at[wid, j], ibs[u], sis[u]).wait()

        def issue_gather(j, u, p):
            pltpu.async_copy(g_hbm.at[ibs[u].at[0]], gbufs[p], sgs[p])
            pltpu.async_copy(ad_hbm.at[ibs[u].at[1]], adbufs[p], sas[p])

        def wait_gather(u, p):
            pltpu.make_async_copy(g_hbm.at[ibs[u].at[0]], gbufs[p], sgs[p]).wait()
            pltpu.make_async_copy(ad_hbm.at[ibs[u].at[1]], adbufs[p], sas[p]).wait()

        def compute(gbuf, adbuf, mbuf):
            @plsc.parallel_loop(0, CHUNK, unroll=4)
            def _(b):
                chs = []
                for g in range(ncols_st // 32):
                    v = gbuf[b, pl.ds(32 * g, 32)]
                    lo, hi = plsc.unpack(v, format=plsc.PackFormat.INTERLEAVED,
                                         preferred_element_type=jnp.float32)
                    chs.append(lo)
                    chs.append(hi)
                ad = adbuf[b, pl.ds(0, 16)]
                s = chs[nch] + ad
                s = jnp.maximum(s, s * jnp.float32(0.2))
                ex = jnp.exp(s)
                mbuf[b, pl.ds(nfeat, 16)] = ex
                for kk in range(nch):
                    lane = kk if nheads > 1 else 0
                    exk = _lane_bcast(ex, lane)
                    mbuf[b, pl.ds(kk * 16, 16)] = chs[kk] * exk

        issue_idx(0, 0)
        issue_idx(1, 1)
        wait_idx(0, 0)
        issue_gather(0, 0, 0)

        def step(jq, u):
            j = jq * 4 + u
            p = u % 2

            def wait_scat():
                pltpu.make_async_copy(
                    mbufs[p], acc.at[ibs[(u + 2) % 4].at[1]], sss[p]).wait()
            if u < 2:
                @pl.when(jq >= 1)
                def _():
                    wait_scat()
            else:
                wait_scat()

            def pre():
                issue_idx(j + 2, (u + 2) % 4)
            if u < 2:
                pre()
            else:
                @pl.when(jq < nq - 1)
                def _():
                    pre()

            def nxt():
                wait_idx(j + 1, (u + 1) % 4)
                issue_gather(j + 1, (u + 1) % 4, 1 - p)
            if u < 3:
                nxt()
            else:
                @pl.when(jq < nq - 1)
                def _():
                    nxt()

            wait_gather(u, p)
            compute(gbufs[p], adbufs[p], mbufs[p])
            pltpu.async_copy(mbufs[p], acc.at[ibs[u].at[1]], sss[p], add=True)

        def quad(jq, carry):
            for u in range(4):
                step(jq, u)
            return carry

        lax.fori_loop(0, nq, quad, 0)
        for p in (0, 1):
            pltpu.make_async_copy(mbufs[p], acc.at[ibs[2 + p].at[1]], sss[p]).wait()
        plsc.subcore_barrier()
        pltpu.sync_copy(acc.at[pl.ds(base, rpt)],
                        out_hbm.at[cid, pl.ds(base, rpt)])

    return k


_edge_kernel = functools.lru_cache(maxsize=None)(_edge_kernel)


def _interleave_matrix(nlog, nst):
    rowi = lax.broadcasted_iota(jnp.int32, (nlog, nst), 0)
    colj = lax.broadcasted_iota(jnp.int32, (nlog, nst), 1)
    o = 32 * (colj // 32) + 16 * (colj % 2) + (colj % 32) // 2
    return jnp.where(rowi == o, 1.0, 0.0).astype(jnp.float32)


def _head_selector(nfeat, hid):
    rowi = lax.broadcasted_iota(jnp.int32, (nfeat, 16), 0)
    coli = lax.broadcasted_iota(jnp.int32, (nfeat, 16), 1)
    return jnp.where(rowi // hid == coli, 1.0, 0.0).astype(jnp.float32)


def _dense1(x, w1, s1, d1):
    rows, d = x.shape
    br = 2000
    nf = HEADS1 * HID1

    def body(x_ref, w_ref, s_ref, d_ref, g_ref, ad_ref):
        h = jnp.dot(x_ref[...], w_ref[...], preferred_element_type=jnp.float32)
        sel = _head_selector(nf, HID1)
        asrc = jnp.dot(h * s_ref[...], sel, preferred_element_type=jnp.float32)
        adst = jnp.dot(h * d_ref[...], sel, preferred_element_type=jnp.float32)
        gcat = jnp.concatenate([h, asrc], axis=1)
        pmat = _interleave_matrix(W1_COLS, ST1_COLS)
        g_ref[...] = jnp.dot(gcat, pmat,
                             preferred_element_type=jnp.float32
                             ).astype(jnp.bfloat16)
        ad_ref[...] = adst

    return pl.pallas_call(
        body,
        grid=(rows // br,),
        in_specs=[pl.BlockSpec((br, d), lambda i: (i, 0)),
                  pl.BlockSpec((d, nf), lambda i: (0, 0)),
                  pl.BlockSpec((1, nf), lambda i: (0, 0)),
                  pl.BlockSpec((1, nf), lambda i: (0, 0))],
        out_specs=[pl.BlockSpec((br, ST1_COLS), lambda i: (i, 0)),
                   pl.BlockSpec((br, 16), lambda i: (i, 0))],
        out_shape=[jax.ShapeDtypeStruct((NROWS, ST1_COLS), jnp.bfloat16),
                   jax.ShapeDtypeStruct((NROWS, 16), jnp.float32)],
    )(x, w1, s1, d1)


def _combine1(p, w2, s2, d2, b1):
    br = 2504
    nf = HEADS1 * HID1

    def body(p_ref, w_ref, s_ref, d_ref, b1_ref, g_ref, ad_ref):
        ps = p_ref[0] + p_ref[1]
        u = ps[:, :nf]
        dd = ps[:, nf:W1_COLS]
        recip = 1.0 / dd
        rowi = lax.broadcasted_iota(jnp.int32, (16, nf), 0)
        coli = lax.broadcasted_iota(jnp.int32, (16, nf), 1)
        sel = jnp.where(rowi == coli // HID1, 1.0, 0.0).astype(jnp.float32)
        rep = jnp.dot(recip, sel, preferred_element_type=jnp.float32)
        hmid = jnp.maximum(u * rep + b1_ref[...], 0.0)
        h2 = jnp.dot(hmid, w_ref[...], preferred_element_type=jnp.float32)
        sel2 = _head_selector(D_OUT, D_OUT)
        asrc = jnp.dot(h2 * s_ref[...], sel2, preferred_element_type=jnp.float32)
        adst = jnp.dot(h2 * d_ref[...], sel2, preferred_element_type=jnp.float32)
        gcat = jnp.concatenate([h2, asrc], axis=1)
        pmat = _interleave_matrix(W2_COLS, ST2_COLS)
        g_ref[...] = jnp.dot(gcat, pmat,
                             preferred_element_type=jnp.float32
                             ).astype(jnp.bfloat16)
        ad_ref[...] = adst

    return pl.pallas_call(
        body,
        grid=(NROWS // br,),
        in_specs=[pl.BlockSpec((2, br, W1_COLS), lambda i: (0, i, 0)),
                  pl.BlockSpec((nf, D_OUT), lambda i: (0, 0)),
                  pl.BlockSpec((1, D_OUT), lambda i: (0, 0)),
                  pl.BlockSpec((1, D_OUT), lambda i: (0, 0)),
                  pl.BlockSpec((1, nf), lambda i: (0, 0))],
        out_specs=[pl.BlockSpec((br, ST2_COLS), lambda i: (i, 0)),
                   pl.BlockSpec((br, 16), lambda i: (i, 0))],
        out_shape=[jax.ShapeDtypeStruct((NROWS, ST2_COLS), jnp.bfloat16),
                   jax.ShapeDtypeStruct((NROWS, 16), jnp.float32)],
    )(p, w2, s2, d2, b1)


def _combine2(p, b2):
    br = 2000

    def body(p_ref, b2_ref, o_ref):
        ps = p_ref[0] + p_ref[1]
        u = ps[:, :128]
        dd = ps[:, 128:129]
        o_ref[...] = u / dd + b2_ref[...]

    return pl.pallas_call(
        body,
        grid=(N // br,),
        in_specs=[pl.BlockSpec((2, br, W2_COLS), lambda i: (0, i, 0)),
                  pl.BlockSpec((1, 128), lambda i: (0, 0))],
        out_specs=pl.BlockSpec((br, 128), lambda i: (i, 0)),
        out_shape=jax.ShapeDtypeStruct((N, 128), jnp.float32),
    )(p, b2)


def kernel(x, edge_index, W1, att_src1, att_dst1, b1, W2, att_src2, att_dst2, b2):
    loop = jnp.arange(N, dtype=jnp.int32)
    npad = E_PAD - E_EDGES - N
    padv = PAD_ROW + (jnp.arange(npad, dtype=jnp.int32) % (NROWS - PAD_ROW))
    src = jnp.concatenate([edge_index[0], loop, padv]).reshape(NW, NIT, 1, CHUNK)
    dst = jnp.concatenate([edge_index[1], loop, padv]).reshape(NW, NIT, 1, CHUNK)
    sd = jnp.concatenate([src, dst], axis=2)

    nf = HEADS1 * HID1
    g1, ad1 = _dense1(x, W1, att_src1.reshape(1, nf), att_dst1.reshape(1, nf))
    p1 = _edge_kernel(W1_COLS, HEADS1, ST1_COLS)(g1, ad1, sd)
    g2, ad2 = _combine1(p1, W2, att_src2.reshape(1, D_OUT),
                        att_dst2.reshape(1, D_OUT), b1.reshape(1, nf))
    p2 = _edge_kernel(W2_COLS, 1, ST2_COLS)(g2, ad2, sd)
    return _combine2(p2, b2.reshape(1, D_OUT))

# --- scband reference (transcript-rebuilt; emitter-appended) ---
"""Pipeline reference for scband-gat-4758823764090 (READ-ONLY COPY).

The authoritative reference and input builder live on the scoring server;
editing this copy changes nothing except your own understanding.
"""

import jax, jax.numpy as jnp
import numpy as np

N = 10000
E = 320000
D_IN = 128
HID = 16
HEADS = 6
D_OUT = 128


def setup_inputs(seed: int = 0) -> dict:
    key = jax.random.key(seed)
    ks = jax.random.split(key, 10)
    x = jax.random.normal(ks[0], (N, D_IN), dtype=jnp.float32)
    edge_index = jax.random.randint(ks[1], (2, E), 0, N, dtype=jnp.int32)
    s = 0.1
    W1 = jax.random.normal(ks[2], (D_IN, HEADS * HID), dtype=jnp.float32) * s
    att_src1 = jax.random.normal(ks[3], (1, HEADS, HID), dtype=jnp.float32) * s
    att_dst1 = jax.random.normal(ks[4], (1, HEADS, HID), dtype=jnp.float32) * s
    b1 = jnp.zeros((HEADS * HID,), dtype=jnp.float32)
    W2 = jax.random.normal(ks[5], (HEADS * HID, D_OUT), dtype=jnp.float32) * s
    att_src2 = jax.random.normal(ks[6], (1, 1, D_OUT), dtype=jnp.float32) * s
    att_dst2 = jax.random.normal(ks[7], (1, 1, D_OUT), dtype=jnp.float32) * s
    b2 = jnp.zeros((D_OUT,), dtype=jnp.float32)
    return {"x": x, "edge_index": edge_index, "W1": W1, "att_src1": att_src1,
            "att_dst1": att_dst1, "b1": b1, "W2": W2, "att_src2": att_src2,
            "att_dst2": att_dst2, "b2": b2}


def _segment_softmax(alpha, seg, num_segments):
    amax = jax.ops.segment_max(alpha, seg, num_segments=num_segments)
    amax = jnp.where(jnp.isfinite(amax), amax, 0.0)
    ex = jnp.exp(alpha - amax[seg])
    denom = jax.ops.segment_sum(ex, seg, num_segments=num_segments)
    return ex / (denom[seg] + 1e-16)


def _gat_conv(x, src, dst, W, att_src, att_dst, bias, heads, out_ch, concat):
    n = x.shape[0]
    h = (x @ W).reshape(n, heads, out_ch)
    a_src = jnp.sum(h * att_src, axis=-1)  # [n, heads]
    a_dst = jnp.sum(h * att_dst, axis=-1)
    alpha = a_src[src] + a_dst[dst]  # [e, heads]
    alpha = jax.nn.leaky_relu(alpha, negative_slope=0.2)
    alpha = _segment_softmax(alpha, dst, n)
    msg = h[src] * alpha[..., None]  # [e, heads, out_ch]
    out = jax.ops.segment_sum(msg, dst, num_segments=n)  # [n, heads, out_ch]
    if concat:
        out = out.reshape(n, heads * out_ch)
    else:
        out = out.mean(axis=1)
    return out + bias


def reference(x, edge_index, W1, att_src1, att_dst1, b1, W2, att_src2, att_dst2, b2):
    n = x.shape[0]
    loop = jnp.arange(n, dtype=edge_index.dtype)
    src = jnp.concatenate([edge_index[0], loop])
    dst = jnp.concatenate([edge_index[1], loop])
    h = _gat_conv(x, src, dst, W1, att_src1, att_dst1, b1, HEADS, HID, True)
    h = jax.nn.relu(h)
    # dropout is identity in eval mode
    out = _gat_conv(h, src, dst, W2, att_src2, att_dst2, b2, 1, D_OUT, False)
    return out

if __name__ == "__main__":
    import jax
    _d = setup_inputs()
    print(jax.jit(kernel)(*tuple(_d.values())))

</pallas_src>

<mosaic_0001>
#map = affine_map<(d0, d1) -> (0, 0)>
#map1 = affine_map<(d0, d1) -> (0, 0, 0, 0)>
#map2 = affine_map<(d0, d1) -> (0, 0, 0)>
module attributes {stable_mosaic.version = 14 : i64} {
  func.func @k(%arg0: i32, %arg1: i32, %arg2: memref<10016x128xbf16, #tpu.memory_space<hbm>>, %arg3: memref<10016x16xf32, #tpu.memory_space<hbm>>, %arg4: memref<32x164x2x64xi32, #tpu.memory_space<hbm>>, %arg5: memref<2x10016x112xf32, #tpu.memory_space<hbm>>, %arg6: memref<2x64xi32, #tpu.memory_space<vmem>>, %arg7: memref<2x64xi32, #tpu.memory_space<vmem>>, %arg8: memref<2x64xi32, #tpu.memory_space<vmem>>, %arg9: memref<2x64xi32, #tpu.memory_space<vmem>>, %arg10: memref<64x128xbf16, #tpu.memory_space<vmem>>, %arg11: memref<64x128xbf16, #tpu.memory_space<vmem>>, %arg12: memref<64x16xf32, #tpu.memory_space<vmem>>, %arg13: memref<64x16xf32, #tpu.memory_space<vmem>>, %arg14: memref<64x112xf32, #tpu.memory_space<vmem>>, %arg15: memref<64x112xf32, #tpu.memory_space<vmem>>, %arg16: memref<10016x112xf32, #tpu.memory_space<vmem_shared>>, %arg17: memref<!tpu.dma_semaphore, #tpu.memory_space<semaphore_mem>>, %arg18: memref<!tpu.dma_semaphore, #tpu.memory_space<semaphore_mem>>, %arg19: memref<!tpu.dma_semaphore, #tpu.memory_space<semaphore_mem>>, %arg20: memref<!tpu.dma_semaphore, #tpu.memory_space<semaphore_mem>>, %arg21: memref<!tpu.dma_semaphore, #tpu.memory_space<semaphore_mem>>, %arg22: memref<!tpu.dma_semaphore, #tpu.memory_space<semaphore_mem>>, %arg23: memref<!tpu.dma_semaphore, #tpu.memory_space<semaphore_mem>>, %arg24: memref<!tpu.dma_semaphore, #tpu.memory_space<semaphore_mem>>, %arg25: memref<!tpu.dma_semaphore, #tpu.memory_space<semaphore_mem>>, %arg26: memref<!tpu.dma_semaphore, #tpu.memory_space<semaphore_mem>>) attributes {dimension_semantics = [#tpu.dimension_semantics<core_parallel>, #tpu.dimension_semantics<subcore_parallel>], iteration_bounds = array<i64: 2, 16>, scalar_prefetch = 0 : i64, scratch_operands = 21 : i64, tpu.core_type = #tpu.core_type<sc_vector_subcore>, window_params = [{transform_indices = #map}, {transform_indices = #map}, {transform_indices = #map1}, {transform_indices = #map2}]} {
    %mul3A = arith.constant 2 : i32
    %mul3A_0 = arith.muli %arg1, %mul3A : i32
    %add3A = arith.addi %mul3A_0, %arg0 : i32
    %broadcast_in_dim3A = arith.constant 0.000000e+00 : f32
    %broadcast_in_dim3A_1 = vector.broadcast %broadcast_in_dim3A : f32 to vector<16xf32>
    %scan3A = arith.constant 0 : i32
    %scan3A_2 = arith.constant 0 : i32
    %scan3A_3 = arith.constant 64 : i32
    %scan3A_4 = arith.addi %scan3A_2, %scan3A_3 : i32
    %scan3A_5 = arith.constant 1 : i32
    scf.for %scan3A_90 = %scan3A_2 to %scan3A_4 step %scan3A_5  : i32 {
      %swap3A = arith.index_cast %scan3A_90 : i32 to index
      %swap3A_91 = arith.constant 0 : index
      %swap3A_92 = tpu.vector_load %arg14[%swap3A, %swap3A_91] {strides = array<i32>} : memref<64x112xf32, #tpu.memory_space<vmem>>, vector<16xf32>,
      tpu.vector_store %arg14[%swap3A, %swap3A_91], %broadcast_in_dim3A_1 {strides = array<i32>} : memref<64x112xf32, #tpu.memory_space<vmem>>, vector<16xf32>,
      %swap3A_93 = arith.index_cast %scan3A_90 : i32 to index
      %swap3A_94 = arith.constant 16 : index
      %swap3A_95 = tpu.vector_load %arg14[%swap3A_93, %swap3A_94] {strides = array<i32>} : memref<64x112xf32, #tpu.memory_space<vmem>>, vector<16xf32>,
      tpu.vector_store %arg14[%swap3A_93, %swap3A_94], %broadcast_in_dim3A_1 {strides = array<i32>} : memref<64x112xf32, #tpu.memory_space<vmem>>, vector<16xf32>,
      %swap3A_96 = arith.index_cast %scan3A_90 : i32 to index
      %swap3A_97 = arith.constant 32 : index
      %swap3A_98 = tpu.vector_load %arg14[%swap3A_96, %swap3A_97] {strides = array<i32>} : memref<64x112xf32, #tpu.memory_space<vmem>>, vector<16xf32>,
      tpu.vector_store %arg14[%swap3A_96, %swap3A_97], %broadcast_in_dim3A_1 {strides = array<i32>} : memref<64x112xf32, #tpu.memory_space<vmem>>, vector<16xf32>,
      %swap3A_99 = arith.index_cast %scan3A_90 : i32 to index
      %swap3A_100 = arith.constant 48 : index
      %swap3A_101 = tpu.vector_load %arg14[%swap3A_99, %swap3A_100] {strides = array<i32>} : memref<64x112xf32, #tpu.memory_space<vmem>>, vector<16xf32>,
      tpu.vector_store %arg14[%swap3A_99, %swap3A_100], %broadcast_in_dim3A_1 {strides = array<i32>} : memref<64x112xf32, #tpu.memory_space<vmem>>, vector<16xf32>,
      %swap3A_102 = arith.index_cast %scan3A_90 : i32 to index
      %swap3A_103 = arith.constant 64 : index
      %swap3A_104 = tpu.vector_load %arg14[%swap3A_102, %swap3A_103] {strides = array<i32>} : memref<64x112xf32, #tpu.memory_space<vmem>>, vector<16xf32>,
      tpu.vector_store %arg14[%swap3A_102, %swap3A_103], %broadcast_in_dim3A_1 {strides = array<i32>} : memref<64x112xf32, #tpu.memory_space<vmem>>, vector<16xf32>,
      %swap3A_105 = arith.index_cast %scan3A_90 : i32 to index
      %swap3A_106 = arith.constant 80 : index
      %swap3A_107 = tpu.vector_load %arg14[%swap3A_105, %swap3A_106] {strides = array<i32>} : memref<64x112xf32, #tpu.memory_space<vmem>>, vector<16xf32>,
      tpu.vector_store %arg14[%swap3A_105, %swap3A_106], %broadcast_in_dim3A_1 {strides = array<i32>} : memref<64x112xf32, #tpu.memory_space<vmem>>, vector<16xf32>,
      %swap3A_108 = arith.index_cast %scan3A_90 : i32 to index
      %swap3A_109 = arith.constant 96 : index
      %swap3A_110 = tpu.vector_load %arg14[%swap3A_108, %swap3A_109] {strides = array<i32>} : memref<64x112xf32, #tpu.memory_space<vmem>>, vector<16xf32>,
      tpu.vector_store %arg14[%swap3A_108, %swap3A_109], %broadcast_in_dim3A_1 {strides = array<i32>} : memref<64x112xf32, #tpu.memory_space<vmem>>, vector<16xf32>,
    }
    %scan3A_6 = arith.constant 64 : i32
    %mul3A_7 = arith.constant 626 : i32
    %mul3A_8 = arith.muli %arg1, %mul3A_7 : i32
    %add3A_9 = arith.constant 0 : i32
    %add3A_10 = arith.addi %mul3A_8, %add3A_9 : i32
    "tpu.region"() ({
      %run_scoped3A = tpu.sem_alloc : memref<!tpu.dma_semaphore, #tpu.memory_space<semaphore_mem>>
      %dma_start3A_90 = arith.constant 0 : i32
      %dma_start3A_91 = tpu.memref_slice %arg16[%add3A_10, %dma_start3A_90] : memref<10016x112xf32, #tpu.memory_space<vmem_shared>> -> memref<64x112xf32, #tpu.memory_space<vmem_shared>>
      %dma_start3A_92 = arith.constant 0 : i32
      %dma_start3A_93 = tpu.memref_slice %arg16[%add3A_10, %dma_start3A_92] : memref<10016x112xf32, #tpu.memory_space<vmem_shared>> -> memref<64x112xf32, #tpu.memory_space<vmem_shared>>
      tpu.enqueue_dma source(%arg14 : memref<64x112xf32, #tpu.memory_space<vmem>>) target(%dma_start3A_93 : memref<64x112xf32, #tpu.memory_space<vmem_shared>>) target_semaphore(%run_scoped3A : memref<!tpu.dma_semaphore, #tpu.memory_space<semaphore_mem>>)
      %dma_wait3A_94 = arith.constant 0 : i32
      %dma_wait3A_95 = tpu.memref_slice %arg16[%add3A_10, %dma_wait3A_94] : memref<10016x112xf32, #tpu.memory_space<vmem_shared>> -> memref<64x112xf32, #tpu.memory_space<vmem_shared>>
      %dma_wait3A_96 = arith.constant 0 : i32
      %dma_wait3A_97 = tpu.memref_slice %arg16[%add3A_10, %dma_wait3A_96] : memref<10016x112xf32, #tpu.memory_space<vmem_shared>> -> memref<64x112xf32, #tpu.memory_space<vmem_shared>>
      tpu.wait_dma2 semaphore(%run_scoped3A : memref<!tpu.dma_semaphore, #tpu.memory_space<semaphore_mem>>) src(%arg14 : memref<64x112xf32, #tpu.memory_space<vmem>>) dst(%dma_wait3A_97 : memref<64x112xf32, #tpu.memory_space<vmem_shared>>)
      tpu.yield
    }) : () -> ()
    %add3A_11 = arith.constant 64 : i32
    %add3A_12 = arith.addi %mul3A_8, %add3A_11 : i32
    "tpu.region"() ({
      %run_scoped3A = tpu.sem_alloc : memref<!tpu.dma_semaphore, #tpu.memory_space<semaphore_mem>>
      %dma_start3A_90 = arith.constant 0 : i32
      %dma_start3A_91 = tpu.memref_slice %arg16[%add3A_12, %dma_start3A_90] : memref<10016x112xf32, #tpu.memory_space<vmem_shared>> -> memref<64x112xf32, #tpu.memory_space<vmem_shared>>
      %dma_start3A_92 = arith.constant 0 : i32
      %dma_start3A_93 = tpu.memref_slice %arg16[%add3A_12, %dma_start3A_92] : memref<10016x112xf32, #tpu.memory_space<vmem_shared>> -> memref<64x112xf32, #tpu.memory_space<vmem_shared>>
      tpu.enqueue_dma source(%arg14 : memref<64x112xf32, #tpu.memory_space<vmem>>) target(%dma_start3A_93 : memref<64x112xf32, #tpu.memory_space<vmem_shared>>) target_semaphore(%run_scoped3A : memref<!tpu.dma_semaphore, #tpu.memory_space<semaphore_mem>>)
      %dma_wait3A_94 = arith.constant 0 : i32
      %dma_wait3A_95 = tpu.memref_slice %arg16[%add3A_12, %dma_wait3A_94] : memref<10016x112xf32, #tpu.memory_space<vmem_shared>> -> memref<64x112xf32, #tpu.memory_space<vmem_shared>>
      %dma_wait3A_96 = arith.constant 0 : i32
      %dma_wait3A_97 = tpu.memref_slice %arg16[%add3A_12, %dma_wait3A_96] : memref<10016x112xf32, #tpu.memory_space<vmem_shared>> -> memref<64x112xf32, #tpu.memory_space<vmem_shared>>
      tpu.wait_dma2 semaphore(%run_scoped3A : memref<!tpu.dma_semaphore, #tpu.memory_space<semaphore_mem>>) src(%arg14 : memref<64x112xf32, #tpu.memory_space<vmem>>) dst(%dma_wait3A_97 : memref<64x112xf32, #tpu.memory_space<vmem_shared>>)
      tpu.yield
    }) : () -> ()
    %add3A_13 = arith.constant 128 : i32
    %add3A_14 = arith.addi %mul3A_8, %add3A_13 : i32
    "tpu.region"() ({
      %run_scoped3A = tpu.sem_alloc : memref<!tpu.dma_semaphore, #tpu.memory_space<semaphore_mem>>
      %dma_start3A_90 = arith.constant 0 : i32
      %dma_start3A_91 = tpu.memref_slice %arg16[%add3A_14, %dma_start3A_90] : memref<10016x112xf32, #tpu.memory_space<vmem_shared>> -> memref<64x112xf32, #tpu.memory_space<vmem_shared>>
      %dma_start3A_92 = arith.constant 0 : i32
      %dma_start3A_93 = tpu.memref_slice %arg16[%add3A_14, %dma_start3A_92] : memref<10016x112xf32, #tpu.memory_space<vmem_shared>> -> memref<64x112xf32, #tpu.memory_space<vmem_shared>>
      tpu.enqueue_dma source(%arg14 : memref<64x112xf32, #tpu.memory_space<vmem>>) target(%dma_start3A_93 : memref<64x112xf32, #tpu.memory_space<vmem_shared>>) target_semaphore(%run_scoped3A : memref<!tpu.dma_semaphore, #tpu.memory_space<semaphore_mem>>)
      %dma_wait3A_94 = arith.constant 0 : i32
      %dma_wait3A_95 = tpu.memref_slice %arg16[%add3A_14, %dma_wait3A_94] : memref<10016x112xf32, #tpu.memory_space<vmem_shared>> -> memref<64x112xf32, #tpu.memory_space<vmem_shared>>
      %dma_wait3A_96 = arith.constant 0 : i32
      %dma_wait3A_97 = tpu.memref_slice %arg16[%add3A_14, %dma_wait3A_96] : memref<10016x112xf32, #tpu.memory_space<vmem_shared>> -> memref<64x112xf32, #tpu.memory_space<vmem_shared>>
      tpu.wait_dma2 semaphore(%run_scoped3A : memref<!tpu.dma_semaphore, #tpu.memory_space<semaphore_mem>>) src(%arg14 : memref<64x112xf32, #tpu.memory_space<vmem>>) dst(%dma_wait3A_97 : memref<64x112xf32, #tpu.memory_space<vmem_shared>>)
      tpu.yield
    }) : () -> ()
    %add3A_15 = arith.constant 192 : i32
    %add3A_16 = arith.addi %mul3A_8, %add3A_15 : i32
    "tpu.region"() ({
      %run_scoped3A = tpu.sem_alloc : memref<!tpu.dma_semaphore, #tpu.memory_space<semaphore_mem>>
      %dma_start3A_90 = arith.constant 0 : i32
      %dma_start3A_91 = tpu.memref_slice %arg16[%add3A_16, %dma_start3A_90] : memref<10016x112xf32, #tpu.memory_space<vmem_shared>> -> memref<64x112xf32, #tpu.memory_space<vmem_shared>>
      %dma_start3A_92 = arith.constant 0 : i32
      %dma_start3A_93 = tpu.memref_slice %arg16[%add3A_16, %dma_start3A_92] : memref<10016x112xf32, #tpu.memory_space<vmem_shared>> -> memref<64x112xf32, #tpu.memory_space<vmem_shared>>
      tpu.enqueue_dma source(%arg14 : memref<64x112xf32, #tpu.memory_space<vmem>>) target(%dma_start3A_93 : memref<64x112xf32, #tpu.memory_space<vmem_shared>>) target_semaphore(%run_scoped3A : memref<!tpu.dma_semaphore, #tpu.memory_space<semaphore_mem>>)
      %dma_wait3A_94 = arith.constant 0 : i32
      %dma_wait3A_95 = tpu.memref_slice %arg16[%add3A_16, %dma_wait3A_94] : memref<10016x112xf32, #tpu.memory_space<vmem_shared>> -> memref<64x112xf32, #tpu.memory_space<vmem_shared>>
      %dma_wait3A_96 = arith.constant 0 : i32
      %dma_wait3A_97 = tpu.memref_slice %arg16[%add3A_16, %dma_wait3A_96] : memref<10016x112xf32, #tpu.memory_space<vmem_shared>> -> memref<64x112xf32, #tpu.memory_space<vmem_shared>>
      tpu.wait_dma2 semaphore(%run_scoped3A : memref<!tpu.dma_semaphore, #tpu.memory_space<semaphore_mem>>) src(%arg14 : memref<64x112xf32, #tpu.memory_space<vmem>>) dst(%dma_wait3A_97 : memref<64x112xf32, #tpu.memory_space<vmem_shared>>)
      tpu.yield
    }) : () -> ()
    %add3A_17 = arith.constant 256 : i32
    %add3A_18 = arith.addi %mul3A_8, %add3A_17 : i32
    "tpu.region"() ({
      %run_scoped3A = tpu.sem_alloc : memref<!tpu.dma_semaphore, #tpu.memory_space<semaphore_mem>>
      %dma_start3A_90 = arith.constant 0 : i32
      %dma_start3A_91 = tpu.memref_slice %arg16[%add3A_18, %dma_start3A_90] : memref<10016x112xf32, #tpu.memory_space<vmem_shared>> -> memref<64x112xf32, #tpu.memory_space<vmem_shared>>
      %dma_start3A_92 = arith.constant 0 : i32
      %dma_start3A_93 = tpu.memref_slice %arg16[%add3A_18, %dma_start3A_92] : memref<10016x112xf32, #tpu.memory_space<vmem_shared>> -> memref<64x112xf32, #tpu.memory_space<vmem_shared>>
      tpu.enqueue_dma source(%arg14 : memref<64x112xf32, #tpu.memory_space<vmem>>) target(%dma_start3A_93 : memref<64x112xf32, #tpu.memory_space<vmem_shared>>) target_semaphore(%run_scoped3A : memref<!tpu.dma_semaphore, #tpu.memory_space<semaphore_mem>>)
      %dma_wait3A_94 = arith.constant 0 : i32
      %dma_wait3A_95 = tpu.memref_slice %arg16[%add3A_18, %dma_wait3A_94] : memref<10016x112xf32, #tpu.memory_space<vmem_shared>> -> memref<64x112xf32, #tpu.memory_space<vmem_shared>>
      %dma_wait3A_96 = arith.constant 0 : i32
      %dma_wait3A_97 = tpu.memref_slice %arg16[%add3A_18, %dma_wait3A_96] : memref<10016x112xf32, #tpu.memory_space<vmem_shared>> -> memref<64x112xf32, #tpu.memory_space<vmem_shared>>
      tpu.wait_dma2 semaphore(%run_scoped3A : memref<!tpu.dma_semaphore, #tpu.memory_space<semaphore_mem>>) src(%arg14 : memref<64x112xf32, #tpu.memory_space<vmem>>) dst(%dma_wait3A_97 : memref<64x112xf32, #tpu.memory_space<vmem_shared>>)
      tpu.yield
    }) : () -> ()
    %add3A_19 = arith.constant 320 : i32
    %add3A_20 = arith.addi %mul3A_8, %add3A_19 : i32
    "tpu.region"() ({
      %run_scoped3A = tpu.sem_alloc : memref<!tpu.dma_semaphore, #tpu.memory_space<semaphore_mem>>
      %dma_start3A_90 = arith.constant 0 : i32
      %dma_start3A_91 = tpu.memref_slice %arg16[%add3A_20, %dma_start3A_90] : memref<10016x112xf32, #tpu.memory_space<vmem_shared>> -> memref<64x112xf32, #tpu.memory_space<vmem_shared>>
      %dma_start3A_92 = arith.constant 0 : i32
      %dma_start3A_93 = tpu.memref_slice %arg16[%add3A_20, %dma_start3A_92] : memref<10016x112xf32, #tpu.memory_space<vmem_shared>> -> memref<64x112xf32, #tpu.memory_space<vmem_shared>>
      tpu.enqueue_dma source(%arg14 : memref<64x112xf32, #tpu.memory_space<vmem>>) target(%dma_start3A_93 : memref<64x112xf32, #tpu.memory_space<vmem_shared>>) target_semaphore(%run_scoped3A : memref<!tpu.dma_semaphore, #tpu.memory_space<semaphore_mem>>)
      %dma_wait3A_94 = arith.constant 0 : i32
      %dma_wait3A_95 = tpu.memref_slice %arg16[%add3A_20, %dma_wait3A_94] : memref<10016x112xf32, #tpu.memory_space<vmem_shared>> -> memref<64x112xf32, #tpu.memory_space<vmem_shared>>
      %dma_wait3A_96 = arith.constant 0 : i32
      %dma_wait3A_97 = tpu.memref_slice %arg16[%add3A_20, %dma_wait3A_96] : memref<10016x112xf32, #tpu.memory_space<vmem_shared>> -> memref<64x112xf32, #tpu.memory_space<vmem_shared>>
      tpu.wait_dma2 semaphore(%run_scoped3A : memref<!tpu.dma_semaphore, #tpu.memory_space<semaphore_mem>>) src(%arg14 : memref<64x112xf32, #tpu.memory_space<vmem>>) dst(%dma_wait3A_97 : memref<64x112xf32, #tpu.memory_space<vmem_shared>>)
      tpu.yield
    }) : () -> ()
    %add3A_21 = arith.constant 384 : i32
    %add3A_22 = arith.addi %mul3A_8, %add3A_21 : i32
    "tpu.region"() ({
      %run_scoped3A = tpu.sem_alloc : memref<!tpu.dma_semaphore, #tpu.memory_space<semaphore_mem>>
      %dma_start3A_90 = arith.constant 0 : i32
      %dma_start3A_91 = tpu.memref_slice %arg16[%add3A_22, %dma_start3A_90] : memref<10016x112xf32, #tpu.memory_space<vmem_shared>> -> memref<64x112xf32, #tpu.memory_space<vmem_shared>>
      %dma_start3A_92 = arith.constant 0 : i32
      %dma_start3A_93 = tpu.memref_slice %arg16[%add3A_22, %dma_start3A_92] : memref<10016x112xf32, #tpu.memory_space<vmem_shared>> -> memref<64x112xf32, #tpu.memory_space<vmem_shared>>
      tpu.enqueue_dma source(%arg14 : memref<64x112xf32, #tpu.memory_space<vmem>>) target(%dma_start3A_93 : memref<64x112xf32, #tpu.memory_space<vmem_shared>>) target_semaphore(%run_scoped3A : memref<!tpu.dma_semaphore, #tpu.memory_space<semaphore_mem>>)
      %dma_wait3A_94 = arith.constant 0 : i32
      %dma_wait3A_95 = tpu.memref_slice %arg16[%add3A_22, %dma_wait3A_94] : memref<10016x112xf32, #tpu.memory_space<vmem_shared>> -> memref<64x112xf32, #tpu.memory_space<vmem_shared>>
      %dma_wait3A_96 = arith.constant 0 : i32
      %dma_wait3A_97 = tpu.memref_slice %arg16[%add3A_22, %dma_wait3A_96] : memref<10016x112xf32, #tpu.memory_space<vmem_shared>> -> memref<64x112xf32, #tpu.memory_space<vmem_shared>>
      tpu.wait_dma2 semaphore(%run_scoped3A : memref<!tpu.dma_semaphore, #tpu.memory_space<semaphore_mem>>) src(%arg14 : memref<64x112xf32, #tpu.memory_space<vmem>>) dst(%dma_wait3A_97 : memref<64x112xf32, #tpu.memory_space<vmem_shared>>)
      tpu.yield
    }) : () -> ()
    %add3A_23 = arith.constant 448 : i32
    %add3A_24 = arith.addi %mul3A_8, %add3A_23 : i32
    "tpu.region"() ({
      %run_scoped3A = tpu.sem_alloc : memref<!tpu.dma_semaphore, #tpu.memory_space<semaphore_mem>>
      %dma_start3A_90 = arith.constant 0 : i32
      %dma_start3A_91 = tpu.memref_slice %arg16[%add3A_24, %dma_start3A_90] : memref<10016x112xf32, #tpu.memory_space<vmem_shared>> -> memref<64x112xf32, #tpu.memory_space<vmem_shared>>
      %dma_start3A_92 = arith.constant 0 : i32
      %dma_start3A_93 = tpu.memref_slice %arg16[%add3A_24, %dma_start3A_92] : memref<10016x112xf32, #tpu.memory_space<vmem_shared>> -> memref<64x112xf32, #tpu.memory_space<vmem_shared>>
      tpu.enqueue_dma source(%arg14 : memref<64x112xf32, #tpu.memory_space<vmem>>) target(%dma_start3A_93 : memref<64x112xf32, #tpu.memory_space<vmem_shared>>) target_semaphore(%run_scoped3A : memref<!tpu.dma_semaphore, #tpu.memory_space<semaphore_mem>>)
      %dma_wait3A_94 = arith.constant 0 : i32
      %dma_wait3A_95 = tpu.memref_slice %arg16[%add3A_24, %dma_wait3A_94] : memref<10016x112xf32, #tpu.memory_space<vmem_shared>> -> memref<64x112xf32, #tpu.memory_space<vmem_shared>>
      %dma_wait3A_96 = arith.constant 0 : i32
      %dma_wait3A_97 = tpu.memref_slice %arg16[%add3A_24, %dma_wait3A_96] : memref<10016x112xf32, #tpu.memory_space<vmem_shared>> -> memref<64x112xf32, #tpu.memory_space<vmem_shared>>
      tpu.wait_dma2 semaphore(%run_scoped3A : memref<!tpu.dma_semaphore, #tpu.memory_space<semaphore_mem>>) src(%arg14 : memref<64x112xf32, #tpu.memory_space<vmem>>) dst(%dma_wait3A_97 : memref<64x112xf32, #tpu.memory_space<vmem_shared>>)
      tpu.yield
    }) : () -> ()
    %add3A_25 = arith.constant 512 : i32
    %add3A_26 = arith.addi %mul3A_8, %add3A_25 : i32
    "tpu.region"() ({
      %run_scoped3A = tpu.sem_alloc : memref<!tpu.dma_semaphore, #tpu.memory_space<semaphore_mem>>
      %dma_start3A_90 = arith.constant 0 : i32
      %dma_start3A_91 = tpu.memref_slice %arg16[%add3A_26, %dma_start3A_90] : memref<10016x112xf32, #tpu.memory_space<vmem_shared>> -> memref<64x112xf32, #tpu.memory_space<vmem_shared>>
      %dma_start3A_92 = arith.constant 0 : i32
      %dma_start3A_93 = tpu.memref_slice %arg16[%add3A_26, %dma_start3A_92] : memref<10016x112xf32, #tpu.memory_space<vmem_shared>> -> memref<64x112xf32, #tpu.memory_space<vmem_shared>>
      tpu.enqueue_dma source(%arg14 : memref<64x112xf32, #tpu.memory_space<vmem>>) target(%dma_start3A_93 : memref<64x112xf32, #tpu.memory_space<vmem_shared>>) target_semaphore(%run_scoped3A : memref<!tpu.dma_semaphore, #tpu.memory_space<semaphore_mem>>)
      %dma_wait3A_94 = arith.constant 0 : i32
      %dma_wait3A_95 = tpu.memref_slice %arg16[%add3A_26, %dma_wait3A_94] : memref<10016x112xf32, #tpu.memory_space<vmem_shared>> -> memref<64x112xf32, #tpu.memory_space<vmem_shared>>
      %dma_wait3A_96 = arith.constant 0 : i32
      %dma_wait3A_97 = tpu.memref_slice %arg16[%add3A_26, %dma_wait3A_96] : memref<10016x112xf32, #tpu.memory_space<vmem_shared>> -> memref<64x112xf32, #tpu.memory_space<vmem_shared>>
      tpu.wait_dma2 semaphore(%run_scoped3A : memref<!tpu.dma_semaphore, #tpu.memory_space<semaphore_mem>>) src(%arg14 : memref<64x112xf32, #tpu.memory_space<vmem>>) dst(%dma_wait3A_97 : memref<64x112xf32, #tpu.memory_space<vmem_shared>>)
      tpu.yield
    }) : () -> ()
    %add3A_27 = arith.constant 626 : i32
    %add3A_28 = arith.addi %mul3A_8, %add3A_27 : i32
    %sub3A = arith.constant 50 : i32
    %sub3A_29 = arith.subi %add3A_28, %sub3A : i32
    "tpu.region"() ({
      %run_scoped3A = tpu.sem_alloc : memref<!tpu.dma_semaphore, #tpu.memory_space<semaphore_mem>>
      %dma_start3A_90 = arith.constant 0 : i32
      %dma_start3A_91 = arith.constant 0 : i32
      %dma_start3A_92 = tpu.memref_slice %arg14[%dma_start3A_90, %dma_start3A_91] : memref<64x112xf32, #tpu.memory_space<vmem>> -> memref<50x112xf32, #tpu.memory_space<vmem>>
      %dma_start3A_93 = arith.constant 0 : i32
      %dma_start3A_94 = tpu.memref_slice %arg16[%sub3A_29, %dma_start3A_93] : memref<10016x112xf32, #tpu.memory_space<vmem_shared>> -> memref<50x112xf32, #tpu.memory_space<vmem_shared>>
      %dma_start3A_95 = arith.constant 0 : i32
      %dma_start3A_96 = tpu.memref_slice %arg16[%sub3A_29, %dma_start3A_95] : memref<10016x112xf32, #tpu.memory_space<vmem_shared>> -> memref<50x112xf32, #tpu.memory_space<vmem_shared>>
      %dma_start3A_97 = arith.constant 0 : i32
      %dma_start3A_98 = arith.constant 0 : i32
      %dma_start3A_99 = tpu.memref_slice %arg14[%dma_start3A_97, %dma_start3A_98] : memref<64x112xf32, #tpu.memory_space<vmem>> -> memref<50x112xf32, #tpu.memory_space<vmem>>
      tpu.enqueue_dma source(%dma_start3A_99 : memref<50x112xf32, #tpu.memory_space<vmem>>) target(%dma_start3A_96 : memref<50x112xf32, #tpu.memory_space<vmem_shared>>) target_semaphore(%run_scoped3A : memref<!tpu.dma_semaphore, #tpu.memory_space<semaphore_mem>>)
      %dma_wait3A_100 = arith.constant 0 : i32
      %dma_wait3A_101 = arith.constant 0 : i32
      %dma_wait3A_102 = tpu.memref_slice %arg14[%dma_wait3A_100, %dma_wait3A_101] : memref<64x112xf32, #tpu.memory_space<vmem>> -> memref<50x112xf32, #tpu.memory_space<vmem>>
      %dma_wait3A_103 = arith.constant 0 : i32
      %dma_wait3A_104 = tpu.memref_slice %arg16[%sub3A_29, %dma_wait3A_103] : memref<10016x112xf32, #tpu.memory_space<vmem_shared>> -> memref<50x112xf32, #tpu.memory_space<vmem_shared>>
      %dma_wait3A_105 = arith.constant 0 : i32
      %dma_wait3A_106 = tpu.memref_slice %arg16[%sub3A_29, %dma_wait3A_105] : memref<10016x112xf32, #tpu.memory_space<vmem_shared>> -> memref<50x112xf32, #tpu.memory_space<vmem_shared>>
      %dma_wait3A_107 = arith.constant 0 : i32
      %dma_wait3A_108 = arith.constant 0 : i32
      %dma_wait3A_109 = tpu.memref_slice %arg14[%dma_wait3A_107, %dma_wait3A_108] : memref<64x112xf32, #tpu.memory_space<vmem>> -> memref<50x112xf32, #tpu.memory_space<vmem>>
      tpu.wait_dma2 semaphore(%run_scoped3A : memref<!tpu.dma_semaphore, #tpu.memory_space<semaphore_mem>>) src(%dma_wait3A_109 : memref<50x112xf32, #tpu.memory_space<vmem>>) dst(%dma_wait3A_106 : memref<50x112xf32, #tpu.memory_space<vmem_shared>>)
      tpu.yield
    }) : () -> ()
    %barrier3A = arith.constant 0 : index
    tpu.barrier barrier_id(%barrier3A)
    %dma_start3A = arith.constant 0 : i32
    %dma_start3A_30 = arith.constant 0 : i32
    %dma_start3A_31 = arith.constant 0 : i32
    %dma_start3A_32 = tpu.memref_slice %arg4[%add3A, %dma_start3A, %dma_start3A_30, %dma_start3A_31] : memref<32x164x2x64xi32, #tpu.memory_space<hbm>> -> memref<1x1x2x64xi32, #tpu.memory_space<hbm>>
    %dma_start3A_33 = tpu.memref_squeeze %dma_start3A_32 : memref<1x1x2x64xi32, #tpu.memory_space<hbm>> -> memref<2x64xi32, #tpu.memory_space<hbm>>
    %dma_start3A_34 = arith.constant 0 : i32
    %dma_start3A_35 = arith.constant 0 : i32
    %dma_start3A_36 = tpu.memref_slice %arg4[%add3A, %dma_start3A, %dma_start3A_34, %dma_start3A_35] : memref<32x164x2x64xi32, #tpu.memory_space<hbm>> -> memref<1x1x2x64xi32, #tpu.memory_space<hbm>>
    %dma_start3A_37 = tpu.memref_squeeze %dma_start3A_36 : memref<1x1x2x64xi32, #tpu.memory_space<hbm>> -> memref<2x64xi32, #tpu.memory_space<hbm>>
    tpu.enqueue_dma source(%dma_start3A_37 : memref<2x64xi32, #tpu.memory_space<hbm>>) target(%arg6 : memref<2x64xi32, #tpu.memory_space<vmem>>) target_semaphore(%arg17 : memref<!tpu.dma_semaphore, #tpu.memory_space<semaphore_mem>>)
    %dma_start3A_38 = arith.constant 1 : i32
    %dma_start3A_39 = arith.constant 0 : i32
    %dma_start3A_40 = arith.constant 0 : i32
    %dma_start3A_41 = tpu.memref_slice %arg4[%add3A, %dma_start3A_38, %dma_start3A_39, %dma_start3A_40] : memref<32x164x2x64xi32, #tpu.memory_space<hbm>> -> memref<1x1x2x64xi32, #tpu.memory_space<hbm>>
    %dma_start3A_42 = tpu.memref_squeeze %dma_start3A_41 : memref<1x1x2x64xi32, #tpu.memory_space<hbm>> -> memref<2x64xi32, #tpu.memory_space<hbm>>
    %dma_start3A_43 = arith.constant 0 : i32
    %dma_start3A_44 = arith.constant 0 : i32
    %dma_start3A_45 = tpu.memref_slice %arg4[%add3A, %dma_start3A_38, %dma_start3A_43, %dma_start3A_44] : memref<32x164x2x64xi32, #tpu.memory_space<hbm>> -> memref<1x1x2x64xi32, #tpu.memory_space<hbm>>
    %dma_start3A_46 = tpu.memref_squeeze %dma_start3A_45 : memref<1x1x2x64xi32, #tpu.memory_space<hbm>> -> memref<2x64xi32, #tpu.memory_space<hbm>>
    tpu.enqueue_dma source(%dma_start3A_46 : memref<2x64xi32, #tpu.memory_space<hbm>>) target(%arg7 : memref<2x64xi32, #tpu.memory_space<vmem>>) target_semaphore(%arg18 : memref<!tpu.dma_semaphore, #tpu.memory_space<semaphore_mem>>)
    %dma_wait3A = arith.constant 0 : i32
    %dma_wait3A_47 = arith.constant 0 : i32
    %dma_wait3A_48 = arith.constant 0 : i32
    %dma_wait3A_49 = tpu.memref_slice %arg4[%add3A, %dma_wait3A, %dma_wait3A_47, %dma_wait3A_48] : memref<32x164x2x64xi32, #tpu.memory_space<hbm>> -> memref<1x1x2x64xi32, #tpu.memory_space<hbm>>
    %dma_wait3A_50 = tpu.memref_squeeze %dma_wait3A_49 : memref<1x1x2x64xi32, #tpu.memory_space<hbm>> -> memref<2x64xi32, #tpu.memory_space<hbm>>
    %dma_wait3A_51 = arith.constant 0 : i32
    %dma_wait3A_52 = arith.constant 0 : i32
    %dma_wait3A_53 = tpu.memref_slice %arg4[%add3A, %dma_wait3A, %dma_wait3A_51, %dma_wait3A_52] : memref<32x164x2x64xi32, #tpu.memory_space<hbm>> -> memref<1x1x2x64xi32, #tpu.memory_space<hbm>>
    %dma_wait3A_54 = tpu.memref_squeeze %dma_wait3A_53 : memref<1x1x2x64xi32, #tpu.memory_space<hbm>> -> memref<2x64xi32, #tpu.memory_space<hbm>>
    tpu.wait_dma2 semaphore(%arg17 : memref<!tpu.dma_semaphore, #tpu.memory_space<semaphore_mem>>) src(%dma_wait3A_54 : memref<2x64xi32, #tpu.memory_space<hbm>>) dst(%arg6 : memref<2x64xi32, #tpu.memory_space<vmem>>)
    %dma_start3A_55 = arith.constant 0 : i32
    %dma_start3A_56 = arith.constant 0 : i32
    %dma_start3A_57 = tpu.memref_slice %arg6[%dma_start3A_55, %dma_start3A_56] : memref<2x64xi32, #tpu.memory_space<vmem>> -> memref<1x64xi32, #tpu.memory_space<vmem>>
    %dma_start3A_58 = tpu.memref_squeeze %dma_start3A_57 : memref<1x64xi32, #tpu.memory_space<vmem>> -> memref<64xi32, #tpu.memory_space<vmem>>
    %dma_start3A_59 = arith.constant 0 : i32
    %dma_start3A_60 = arith.constant 0 : i32
    %dma_start3A_61 = tpu.memref_slice %arg2[%dma_start3A_59, %dma_start3A_60] : memref<10016x128xbf16, #tpu.memory_space<hbm>> -> memref<10016x128xbf16, #tpu.memory_space<hbm>>
    tpu.enqueue_indirect_dma source(%dma_start3A_61 : memref<10016x128xbf16, #tpu.memory_space<hbm>>) target(%arg10 : memref<64x128xbf16, #tpu.memory_space<vmem>>) offsets(%dma_start3A_58 : memref<64xi32, #tpu.memory_space<vmem>>) semaphore(%arg21 : memref<!tpu.dma_semaphore, #tpu.memory_space<semaphore_mem>>)
    %dma_start3A_62 = arith.constant 1 : i32
    %dma_start3A_63 = arith.constant 0 : i32
    %dma_start3A_64 = tpu.memref_slice %arg6[%dma_start3A_62, %dma_start3A_63] : memref<2x64xi32, #tpu.memory_space<vmem>> -> memref<1x64xi32, #tpu.memory_space<vmem>>
    %dma_start3A_65 = tpu.memref_squeeze %dma_start3A_64 : memref<1x64xi32, #tpu.memory_space<vmem>> -> memref<64xi32, #tpu.memory_space<vmem>>
    %dma_start3A_66 = arith.constant 0 : i32
    %dma_start3A_67 = arith.constant 0 : i32
    %dma_start3A_68 = tpu.memref_slice %arg3[%dma_start3A_66, %dma_start3A_67] : memref<10016x16xf32, #tpu.memory_space<hbm>> -> memref<10016x16xf32, #tpu.memory_space<hbm>>
    tpu.enqueue_indirect_dma source(%dma_start3A_68 : memref<10016x16xf32, #tpu.memory_space<hbm>>) target(%arg12 : memref<64x16xf32, #tpu.memory_space<vmem>>) offsets(%dma_start3A_65 : memref<64xi32, #tpu.memory_space<vmem>>) semaphore(%arg23 : memref<!tpu.dma_semaphore, #tpu.memory_space<semaphore_mem>>)
    %scan3A_69 = arith.constant 0 : i32
    %scan3A_70 = arith.constant 0 : i32
    %scan3A_71 = arith.constant 41 : i32
    %scan3A_72 = arith.addi %scan3A_70, %scan3A_71 : i32
    %scan3A_73 = arith.constant 1 : i32
    scf.for %scan3A_90 = %scan3A_70 to %scan3A_72 step %scan3A_73  : i32 {
      %mul3A_91 = arith.constant 4 : i32
      %mul3A_92 = arith.muli %scan3A_90, %mul3A_91 : i32
      %add3A_93 = arith.constant 0 : i32
      %add3A_94 = arith.addi %mul3A_92, %add3A_93 : i32
      %ge3A = arith.constant 1 : i32
      %ge3A_95 = arith.cmpi sge, %scan3A_90, %ge3A : i32
      %convert_element_type3A = arith.extui %ge3A_95 : i1 to i32
      %cond3A = arith.constant 0 : i32
      %cond3A_96 = arith.cmpi ne, %convert_element_type3A, %cond3A : i32
      scf.if %cond3A_96 {
        %dma_wait3A_335 = arith.constant 1 : i32
        %dma_wait3A_336 = arith.constant 0 : i32
        %dma_wait3A_337 = tpu.memref_slice %arg8[%dma_wait3A_335, %dma_wait3A_336] : memref<2x64xi32, #tpu.memory_space<vmem>> -> memref<1x64xi32, #tpu.memory_space<vmem>>
        %dma_wait3A_338 = tpu.memref_squeeze %dma_wait3A_337 : memref<1x64xi32, #tpu.memory_space<vmem>> -> memref<64xi32, #tpu.memory_space<vmem>>
        %dma_wait3A_339 = arith.constant 0 : i32
        %dma_wait3A_340 = arith.constant 0 : i32
        %dma_wait3A_341 = tpu.memref_slice %arg16[%dma_wait3A_339, %dma_wait3A_340] : memref<10016x112xf32, #tpu.memory_space<vmem_shared>> -> memref<10016x112xf32, #tpu.memory_space<vmem_shared>>
        tpu.wait_indirect_dma semaphore(%arg25 : memref<!tpu.dma_semaphore, #tpu.memory_space<semaphore_mem>>) src(%arg14 : memref<64x112xf32, #tpu.memory_space<vmem>>) dst(%dma_wait3A_341 : memref<10016x112xf32, #tpu.memory_space<vmem_shared>>)
      } else {
      }
      %add3A_97 = arith.constant 2 : i32
      %add3A_98 = arith.addi %add3A_94, %add3A_97 : i32
      %dma_start3A_99 = arith.constant 0 : i32
      %dma_start3A_100 = arith.constant 0 : i32
      %dma_start3A_101 = tpu.memref_slice %arg4[%add3A, %add3A_98, %dma_start3A_99, %dma_start3A_100] : memref<32x164x2x64xi32, #tpu.memory_space<hbm>> -> memref<1x1x2x64xi32, #tpu.memory_space<hbm>>
      %dma_start3A_102 = tpu.memref_squeeze %dma_start3A_101 : memref<1x1x2x64xi32, #tpu.memory_space<hbm>> -> memref<2x64xi32, #tpu.memory_space<hbm>>
      %dma_start3A_103 = arith.constant 0 : i32
      %dma_start3A_104 = arith.constant 0 : i32
      %dma_start3A_105 = tpu.memref_slice %arg4[%add3A, %add3A_98, %dma_start3A_103, %dma_start3A_104] : memref<32x164x2x64xi32, #tpu.memory_space<hbm>> -> memref<1x1x2x64xi32, #tpu.memory_space<hbm>>
      %dma_start3A_106 = tpu.memref_squeeze %dma_start3A_105 : memref<1x1x2x64xi32, #tpu.memory_space<hbm>> -> memref<2x64xi32, #tpu.memory_space<hbm>>
      tpu.enqueue_dma source(%dma_start3A_106 : memref<2x64xi32, #tpu.memory_space<hbm>>) target(%arg8 : memref<2x64xi32, #tpu.memory_space<vmem>>) target_semaphore(%arg19 : memref<!tpu.dma_semaphore, #tpu.memory_space<semaphore_mem>>)
      %add3A_107 = arith.constant 1 : i32
      %add3A_108 = arith.addi %add3A_94, %add3A_107 : i32
      %dma_wait3A_109 = arith.constant 0 : i32
      %dma_wait3A_110 = arith.constant 0 : i32
      %dma_wait3A_111 = tpu.memref_slice %arg4[%add3A, %add3A_108, %dma_wait3A_109, %dma_wait3A_110] : memref<32x164x2x64xi32, #tpu.memory_space<hbm>> -> memref<1x1x2x64xi32, #tpu.memory_space<hbm>>
      %dma_wait3A_112 = tpu.memref_squeeze %dma_wait3A_111 : memref<1x1x2x64xi32, #tpu.memory_space<hbm>> -> memref<2x64xi32, #tpu.memory_space<hbm>>
      %dma_wait3A_113 = arith.constant 0 : i32
      %dma_wait3A_114 = arith.constant 0 : i32
      %dma_wait3A_115 = tpu.memref_slice %arg4[%add3A, %add3A_108, %dma_wait3A_113, %dma_wait3A_114] : memref<32x164x2x64xi32, #tpu.memory_space<hbm>> -> memref<1x1x2x64xi32, #tpu.memory_space<hbm>>
      %dma_wait3A_116 = tpu.memref_squeeze %dma_wait3A_115 : memref<1x1x2x64xi32, #tpu.memory_space<hbm>> -> memref<2x64xi32, #tpu.memory_space<hbm>>
      tpu.wait_dma2 semaphore(%arg18 : memref<!tpu.dma_semaphore, #tpu.memory_space<semaphore_mem>>) src(%dma_wait3A_116 : memref<2x64xi32, #tpu.memory_space<hbm>>) dst(%arg7 : memref<2x64xi32, #tpu.memory_space<vmem>>)
      %add3A_117 = arith.constant 1 : i32
      %add3A_118 = arith.addi %add3A_94, %add3A_117 : i32
      %dma_start3A_119 = arith.constant 0 : i32
      %dma_start3A_120 = arith.constant 0 : i32
      %dma_start3A_121 = tpu.memref_slice %arg7[%dma_start3A_119, %dma_start3A_120] : memref<2x64xi32, #tpu.memory_space<vmem>> -> memref<1x64xi32, #tpu.memory_space<vmem>>
      %dma_start3A_122 = tpu.memref_squeeze %dma_start3A_121 : memref<1x64xi32, #tpu.memory_space<vmem>> -> memref<64xi32, #tpu.memory_space<vmem>>
      %dma_start3A_123 = arith.constant 0 : i32
      %dma_start3A_124 = arith.constant 0 : i32
      %dma_start3A_125 = tpu.memref_slice %arg2[%dma_start3A_123, %dma_start3A_124] : memref<10016x128xbf16, #tpu.memory_space<hbm>> -> memref<10016x128xbf16, #tpu.memory_space<hbm>>
      tpu.enqueue_indirect_dma source(%dma_start3A_125 : memref<10016x128xbf16, #tpu.memory_space<hbm>>) target(%arg11 : memref<64x128xbf16, #tpu.memory_space<vmem>>) offsets(%dma_start3A_122 : memref<64xi32, #tpu.memory_space<vmem>>) semaphore(%arg22 : memref<!tpu.dma_semaphore, #tpu.memory_space<semaphore_mem>>)
      %dma_start3A_126 = arith.constant 1 : i32
      %dma_start3A_127 = arith.constant 0 : i32
      %dma_start3A_128 = tpu.memref_slice %arg7[%dma_start3A_126, %dma_start3A_127] : memref<2x64xi32, #tpu.memory_space<vmem>> -> memref<1x64xi32, #tpu.memory_space<vmem>>
      %dma_start3A_129 = tpu.memref_squeeze %dma_start3A_128 : memref<1x64xi32, #tpu.memory_space<vmem>> -> memref<64xi32, #tpu.memory_space<vmem>>
      %dma_start3A_130 = arith.constant 0 : i32
      %dma_start3A_131 = arith.constant 0 : i32
      %dma_start3A_132 = tpu.memref_slice %arg3[%dma_start3A_130, %dma_start3A_131] : memref<10016x16xf32, #tpu.memory_space<hbm>> -> memref<10016x16xf32, #tpu.memory_space<hbm>>
      tpu.enqueue_indirect_dma source(%dma_start3A_132 : memref<10016x16xf32, #tpu.memory_space<hbm>>) target(%arg13 : memref<64x16xf32, #tpu.memory_space<vmem>>) offsets(%dma_start3A_129 : memref<64xi32, #tpu.memory_space<vmem>>) semaphore(%arg24 : memref<!tpu.dma_semaphore, #tpu.memory_space<semaphore_mem>>)
      %dma_wait3A_133 = arith.constant 0 : i32
      %dma_wait3A_134 = arith.constant 0 : i32
      %dma_wait3A_135 = tpu.memref_slice %arg6[%dma_wait3A_133, %dma_wait3A_134] : memref<2x64xi32, #tpu.memory_space<vmem>> -> memref<1x64xi32, #tpu.memory_space<vmem>>
      %dma_wait3A_136 = tpu.memref_squeeze %dma_wait3A_135 : memref<1x64xi32, #tpu.memory_space<vmem>> -> memref<64xi32, #tpu.memory_space<vmem>>
      %dma_wait3A_137 = arith.constant 0 : i32
      %dma_wait3A_138 = arith.constant 0 : i32
      %dma_wait3A_139 = tpu.memref_slice %arg2[%dma_wait3A_137, %dma_wait3A_138] : memref<10016x128xbf16, #tpu.memory_space<hbm>> -> memref<10016x128xbf16, #tpu.memory_space<hbm>>
      tpu.wait_indirect_dma semaphore(%arg21 : memref<!tpu.dma_semaphore, #tpu.memory_space<semaphore_mem>>) src(%dma_wait3A_139 : memref<10016x128xbf16, #tpu.memory_space<hbm>>) dst(%arg10 : memref<64x128xbf16, #tpu.memory_space<vmem>>)
      %dma_wait3A_140 = arith.constant 1 : i32
      %dma_wait3A_141 = arith.constant 0 : i32
      %dma_wait3A_142 = tpu.memref_slice %arg6[%dma_wait3A_140, %dma_wait3A_141] : memref<2x64xi32, #tpu.memory_space<vmem>> -> memref<1x64xi32, #tpu.memory_space<vmem>>
      %dma_wait3A_143 = tpu.memref_squeeze %dma_wait3A_142 : memref<1x64xi32, #tpu.memory_space<vmem>> -> memref<64xi32, #tpu.memory_space<vmem>>
      %dma_wait3A_144 = arith.constant 0 : i32
      %dma_wait3A_145 = arith.constant 0 : i32
      %dma_wait3A_146 = tpu.memref_slice %arg3[%dma_wait3A_144, %dma_wait3A_145] : memref<10016x16xf32, #tpu.memory_space<hbm>> -> memref<10016x16xf32, #tpu.memory_space<hbm>>
      tpu.wait_indirect_dma semaphore(%arg23 : memref<!tpu.dma_semaphore, #tpu.memory_space<semaphore_mem>>) src(%dma_wait3A_146 : memref<10016x16xf32, #tpu.memory_space<hbm>>) dst(%arg12 : memref<64x16xf32, #tpu.memory_space<vmem>>)
      %parallel_loop3A = arith.constant 0 : i32
      %parallel_loop3A_147 = arith.constant 64 : i32
      %parallel_loop3A_148 = arith.constant 1 : i32
      scf.for %parallel_loop3A_335 = %parallel_loop3A to %parallel_loop3A_147 step %parallel_loop3A_148  : i32 {
        %parallel_loop3A_336 = arith.index_cast %parallel_loop3A_335 : i32 to index
        %parallel_loop3A_337 = arith.constant 0 : index
        %parallel_loop3A_338 = tpu.vector_load %arg10[%parallel_loop3A_336, %parallel_loop3A_337] {strides = array<i32>} : memref<64x128xbf16, #tpu.memory_space<vmem>>, vector<32xbf16>,
        %parallel_loop3A_339 = tpu.unpack_subelements %parallel_loop3A_338, 0 {pack_format = #tpu.pack_format<interleaved>} : vector<32xbf16> -> vector<16xf32>
        %parallel_loop3A_340 = tpu.unpack_subelements %parallel_loop3A_338, 1 {pack_format = #tpu.pack_format<interleaved>} : vector<32xbf16> -> vector<16xf32>
        %parallel_loop3A_341 = arith.index_cast %parallel_loop3A_335 : i32 to index
        %parallel_loop3A_342 = arith.constant 32 : index
        %parallel_loop3A_343 = tpu.vector_load %arg10[%parallel_loop3A_341, %parallel_loop3A_342] {strides = array<i32>} : memref<64x128xbf16, #tpu.memory_space<vmem>>, vector<32xbf16>,
        %parallel_loop3A_344 = tpu.unpack_subelements %parallel_loop3A_343, 0 {pack_format = #tpu.pack_format<interleaved>} : vector<32xbf16> -> vector<16xf32>
        %parallel_loop3A_345 = tpu.unpack_subelements %parallel_loop3A_343, 1 {pack_format = #tpu.pack_format<interleaved>} : vector<32xbf16> -> vector<16xf32>
        %parallel_loop3A_346 = arith.index_cast %parallel_loop3A_335 : i32 to index
        %parallel_loop3A_347 = arith.constant 64 : index
        %parallel_loop3A_348 = tpu.vector_load %arg10[%parallel_loop3A_346, %parallel_loop3A_347] {strides = array<i32>} : memref<64x128xbf16, #tpu.memory_space<vmem>>, vector<32xbf16>,
        %parallel_loop3A_349 = tpu.unpack_subelements %parallel_loop3A_348, 0 {pack_format = #tpu.pack_format<interleaved>} : vector<32xbf16> -> vector<16xf32>
        %parallel_loop3A_350 = tpu.unpack_subelements %parallel_loop3A_348, 1 {pack_format = #tpu.pack_format<interleaved>} : vector<32xbf16> -> vector<16xf32>
        %parallel_loop3A_351 = arith.index_cast %parallel_loop3A_335 : i32 to index
        %parallel_loop3A_352 = arith.constant 96 : index
        %parallel_loop3A_353 = tpu.vector_load %arg10[%parallel_loop3A_351, %parallel_loop3A_352] {strides = array<i32>} : memref<64x128xbf16, #tpu.memory_space<vmem>>, vector<32xbf16>,
        %parallel_loop3A_354 = tpu.unpack_subelements %parallel_loop3A_353, 0 {pack_format = #tpu.pack_format<interleaved>} : vector<32xbf16> -> vector<16xf32>
        %parallel_loop3A_355 = tpu.unpack_subelements %parallel_loop3A_353, 1 {pack_format = #tpu.pack_format<interleaved>} : vector<32xbf16> -> vector<16xf32>
        %parallel_loop3A_356 = arith.index_cast %parallel_loop3A_335 : i32 to index
        %parallel_loop3A_357 = arith.constant 0 : index
        %parallel_loop3A_358 = tpu.vector_load %arg12[%parallel_loop3A_356, %parallel_loop3A_357] {strides = array<i32>} : memref<64x16xf32, #tpu.memory_space<vmem>>, vector<16xf32>,
        %parallel_loop3A_359 = arith.addf %parallel_loop3A_354, %parallel_loop3A_358 : vector<16xf32>
        %parallel_loop3A_360 = arith.constant 2.000000e-01 : f32
        %parallel_loop3A_361 = vector.broadcast %parallel_loop3A_360 : f32 to vector<16xf32>
        %parallel_loop3A_362 = arith.mulf %parallel_loop3A_359, %parallel_loop3A_361 : vector<16xf32>
        %parallel_loop3A_363 = arith.maximumf %parallel_loop3A_359, %parallel_loop3A_362 : vector<16xf32>
        %parallel_loop3A_364 = math.exp %parallel_loop3A_363 : vector<16xf32>
        %parallel_loop3A_365 = arith.index_cast %parallel_loop3A_335 : i32 to index
        %parallel_loop3A_366 = arith.constant 96 : index
        %parallel_loop3A_367 = tpu.vector_load %arg14[%parallel_loop3A_365, %parallel_loop3A_366] {strides = array<i32>} : memref<64x112xf32, #tpu.memory_space<vmem>>, vector<16xf32>,
        tpu.vector_store %arg14[%parallel_loop3A_365, %parallel_loop3A_366], %parallel_loop3A_364 {strides = array<i32>} : memref<64x112xf32, #tpu.memory_space<vmem>>, vector<16xf32>,
        %parallel_loop3A_368 = arith.constant 0 : i32
        %parallel_loop3A_369 = vector.broadcast %parallel_loop3A_368 : i32 to vector<16x1xi32>
        %parallel_loop3A_370 = vector.shape_cast %parallel_loop3A_369 : vector<16x1xi32> to vector<16xi32>
        %parallel_loop3A_371 = tpu.dynamic_gather %parallel_loop3A_364[%parallel_loop3A_370] in [0] : vector<16xf32>, vector<16xi32> -> vector<16xf32>
        %parallel_loop3A_372 = arith.mulf %parallel_loop3A_339, %parallel_loop3A_371 : vector<16xf32>
        %parallel_loop3A_373 = arith.index_cast %parallel_loop3A_335 : i32 to index
        %parallel_loop3A_374 = arith.constant 0 : index
        %parallel_loop3A_375 = tpu.vector_load %arg14[%parallel_loop3A_373, %parallel_loop3A_374] {strides = array<i32>} : memref<64x112xf32, #tpu.memory_space<vmem>>, vector<16xf32>,
        tpu.vector_store %arg14[%parallel_loop3A_373, %parallel_loop3A_374], %parallel_loop3A_372 {strides = array<i32>} : memref<64x112xf32, #tpu.memory_space<vmem>>, vector<16xf32>,
        %parallel_loop3A_376 = arith.constant 1 : i32
        %parallel_loop3A_377 = vector.broadcast %parallel_loop3A_376 : i32 to vector<16x1xi32>
        %parallel_loop3A_378 = vector.shape_cast %parallel_loop3A_377 : vector<16x1xi32> to vector<16xi32>
        %parallel_loop3A_379 = tpu.dynamic_gather %parallel_loop3A_364[%parallel_loop3A_378] in [0] : vector<16xf32>, vector<16xi32> -> vector<16xf32>
        %parallel_loop3A_380 = arith.mulf %parallel_loop3A_340, %parallel_loop3A_379 : vector<16xf32>
        %parallel_loop3A_381 = arith.index_cast %parallel_loop3A_335 : i32 to index
        %parallel_loop3A_382 = arith.constant 16 : index
        %parallel_loop3A_383 = tpu.vector_load %arg14[%parallel_loop3A_381, %parallel_loop3A_382] {strides = array<i32>} : memref<64x112xf32, #tpu.memory_space<vmem>>, vector<16xf32>,
        tpu.vector_store %arg14[%parallel_loop3A_381, %parallel_loop3A_382], %parallel_loop3A_380 {strides = array<i32>} : memref<64x112xf32, #tpu.memory_space<vmem>>, vector<16xf32>,
        %parallel_loop3A_384 = arith.constant 2 : i32
        %parallel_loop3A_385 = vector.broadcast %parallel_loop3A_384 : i32 to vector<16x1xi32>
        %parallel_loop3A_386 = vector.shape_cast %parallel_loop3A_385 : vector<16x1xi32> to vector<16xi32>
        %parallel_loop3A_387 = tpu.dynamic_gather %parallel_loop3A_364[%parallel_loop3A_386] in [0] : vector<16xf32>, vector<16xi32> -> vector<16xf32>
        %parallel_loop3A_388 = arith.mulf %parallel_loop3A_344, %parallel_loop3A_387 : vector<16xf32>
        %parallel_loop3A_389 = arith.index_cast %parallel_loop3A_335 : i32 to index
        %parallel_loop3A_390 = arith.constant 32 : index
        %parallel_loop3A_391 = tpu.vector_load %arg14[%parallel_loop3A_389, %parallel_loop3A_390] {strides = array<i32>} : memref<64x112xf32, #tpu.memory_space<vmem>>, vector<16xf32>,
        tpu.vector_store %arg14[%parallel_loop3A_389, %parallel_loop3A_390], %parallel_loop3A_388 {strides = array<i32>} : memref<64x112xf32, #tpu.memory_space<vmem>>, vector<16xf32>,
        %parallel_loop3A_392 = arith.constant 3 : i32
        %parallel_loop3A_393 = vector.broadcast %parallel_loop3A_392 : i32 to vector<16x1xi32>
        %parallel_loop3A_394 = vector.shape_cast %parallel_loop3A_393 : vector<16x1xi32> to vector<16xi32>
        %parallel_loop3A_395 = tpu.dynamic_gather %parallel_loop3A_364[%parallel_loop3A_394] in [0] : vector<16xf32>, vector<16xi32> -> vector<16xf32>
        %parallel_loop3A_396 = arith.mulf %parallel_loop3A_345, %parallel_loop3A_395 : vector<16xf32>
        %parallel_loop3A_397 = arith.index_cast %parallel_loop3A_335 : i32 to index
        %parallel_loop3A_398 = arith.constant 48 : index
        %parallel_loop3A_399 = tpu.vector_load %arg14[%parallel_loop3A_397, %parallel_loop3A_398] {strides = array<i32>} : memref<64x112xf32, #tpu.memory_space<vmem>>, vector<16xf32>,
        tpu.vector_store %arg14[%parallel_loop3A_397, %parallel_loop3A_398], %parallel_loop3A_396 {strides = array<i32>} : memref<64x112xf32, #tpu.memory_space<vmem>>, vector<16xf32>,
        %parallel_loop3A_400 = arith.constant 4 : i32
        %parallel_loop3A_401 = vector.broadcast %parallel_loop3A_400 : i32 to vector<16x1xi32>
        %parallel_loop3A_402 = vector.shape_cast %parallel_loop3A_401 : vector<16x1xi32> to vector<16xi32>
        %parallel_loop3A_403 = tpu.dynamic_gather %parallel_loop3A_364[%parallel_loop3A_402] in [0] : vector<16xf32>, vector<16xi32> -> vector<16xf32>
        %parallel_loop3A_404 = arith.mulf %parallel_loop3A_349, %parallel_loop3A_403 : vector<16xf32>
        %parallel_loop3A_405 = arith.index_cast %parallel_loop3A_335 : i32 to index
        %parallel_loop3A_406 = arith.constant 64 : index
        %parallel_loop3A_407 = tpu.vector_load %arg14[%parallel_loop3A_405, %parallel_loop3A_406] {strides = array<i32>} : memref<64x112xf32, #tpu.memory_space<vmem>>, vector<16xf32>,
        tpu.vector_store %arg14[%parallel_loop3A_405, %parallel_loop3A_406], %parallel_loop3A_404 {strides = array<i32>} : memref<64x112xf32, #tpu.memory_space<vmem>>, vector<16xf32>,
        %parallel_loop3A_408 = arith.constant 5 : i32
        %parallel_loop3A_409 = vector.broadcast %parallel_loop3A_408 : i32 to vector<16x1xi32>
        %parallel_loop3A_410 = vector.shape_cast %parallel_loop3A_409 : vector<16x1xi32> to vector<16xi32>
        %parallel_loop3A_411 = tpu.dynamic_gather %parallel_loop3A_364[%parallel_loop3A_410] in [0] : vector<16xf32>, vector<16xi32> -> vector<16xf32>
        %parallel_loop3A_412 = arith.mulf %parallel_loop3A_350, %parallel_loop3A_411 : vector<16xf32>
        %parallel_loop3A_413 = arith.index_cast %parallel_loop3A_335 : i32 to index
        %parallel_loop3A_414 = arith.constant 80 : index
        %parallel_loop3A_415 = tpu.vector_load %arg14[%parallel_loop3A_413, %parallel_loop3A_414] {strides = array<i32>} : memref<64x112xf32, #tpu.memory_space<vmem>>, vector<16xf32>,
        tpu.vector_store %arg14[%parallel_loop3A_413, %parallel_loop3A_414], %parallel_loop3A_412 {strides = array<i32>} : memref<64x112xf32, #tpu.memory_space<vmem>>, vector<16xf32>,
      } {sc.loop_unroll_factor = 4 : i64, sc.parallel_access}
      %dma_start3A_149 = arith.constant 1 : i32
      %dma_start3A_150 = arith.constant 0 : i32
      %dma_start3A_151 = tpu.memref_slice %arg6[%dma_start3A_149, %dma_start3A_150] : memref<2x64xi32, #tpu.memory_space<vmem>> -> memref<1x64xi32, #tpu.memory_space<vmem>>
      %dma_start3A_152 = tpu.memref_squeeze %dma_start3A_151 : memref<1x64xi32, #tpu.memory_space<vmem>> -> memref<64xi32, #tpu.memory_space<vmem>>
      %dma_start3A_153 = arith.constant 0 : i32
      %dma_start3A_154 = arith.constant 0 : i32
      %dma_start3A_155 = tpu.memref_slice %arg16[%dma_start3A_153, %dma_start3A_154] : memref<10016x112xf32, #tpu.memory_space<vmem_shared>> -> memref<10016x112xf32, #tpu.memory_space<vmem_shared>>
      tpu.enqueue_indirect_dma source(%arg14 : memref<64x112xf32, #tpu.memory_space<vmem>>) target(%dma_start3A_155 : memref<10016x112xf32, #tpu.memory_space<vmem_shared>>) offsets(%dma_start3A_152 : memref<64xi32, #tpu.memory_space<vmem>>) semaphore(%arg25 : memref<!tpu.dma_semaphore, #tpu.memory_space<semaphore_mem>>) {add = true}
      %mul3A_156 = arith.constant 4 : i32
      %mul3A_157 = arith.muli %scan3A_90, %mul3A_156 : i32
      %add3A_158 = arith.constant 1 : i32
      %add3A_159 = arith.addi %mul3A_157, %add3A_158 : i32
      %ge3A_160 = arith.constant 1 : i32
      %ge3A_161 = arith.cmpi sge, %scan3A_90, %ge3A_160 : i32
      %convert_element_type3A_162 = arith.extui %ge3A_161 : i1 to i32
      %cond3A_163 = arith.constant 0 : i32
      %cond3A_164 = arith.cmpi ne, %convert_element_type3A_162, %cond3A_163 : i32
      scf.if %cond3A_164 {
        %dma_wait3A_335 = arith.constant 1 : i32
        %dma_wait3A_336 = arith.constant 0 : i32
        %dma_wait3A_337 = tpu.memref_slice %arg9[%dma_wait3A_335, %dma_wait3A_336] : memref<2x64xi32, #tpu.memory_space<vmem>> -> memref<1x64xi32, #tpu.memory_space<vmem>>
        %dma_wait3A_338 = tpu.memref_squeeze %dma_wait3A_337 : memref<1x64xi32, #tpu.memory_space<vmem>> -> memref<64xi32, #tpu.memory_space<vmem>>
        %dma_wait3A_339 = arith.constant 0 : i32
        %dma_wait3A_340 = arith.constant 0 : i32
        %dma_wait3A_341 = tpu.memref_slice %arg16[%dma_wait3A_339, %dma_wait3A_340] : memref<10016x112xf32, #tpu.memory_space<vmem_shared>> -> memref<10016x112xf32, #tpu.memory_space<vmem_shared>>
        tpu.wait_indirect_dma semaphore(%arg26 : memref<!tpu.dma_semaphore, #tpu.memory_space<semaphore_mem>>) src(%arg15 : memref<64x112xf32, #tpu.memory_space<vmem>>) dst(%dma_wait3A_341 : memref<10016x112xf32, #tpu.memory_space<vmem_shared>>)
      } else {
      }
      %add3A_165 = arith.constant 2 : i32
      %add3A_166 = arith.addi %add3A_159, %add3A_165 : i32
      %dma_start3A_167 = arith.constant 0 : i32
      %dma_start3A_168 = arith.constant 0 : i32
      %dma_start3A_169 = tpu.memref_slice %arg4[%add3A, %add3A_166, %dma_start3A_167, %dma_start3A_168] : memref<32x164x2x64xi32, #tpu.memory_space<hbm>> -> memref<1x1x2x64xi32, #tpu.memory_space<hbm>>
      %dma_start3A_170 = tpu.memref_squeeze %dma_start3A_169 : memref<1x1x2x64xi32, #tpu.memory_space<hbm>> -> memref<2x64xi32, #tpu.memory_space<hbm>>
      %dma_start3A_171 = arith.constant 0 : i32
      %dma_start3A_172 = arith.constant 0 : i32
      %dma_start3A_173 = tpu.memref_slice %arg4[%add3A, %add3A_166, %dma_start3A_171, %dma_start3A_172] : memref<32x164x2x64xi32, #tpu.memory_space<hbm>> -> memref<1x1x2x64xi32, #tpu.memory_space<hbm>>
      %dma_start3A_174 = tpu.memref_squeeze %dma_start3A_173 : memref<1x1x2x64xi32, #tpu.memory_space<hbm>> -> memref<2x64xi32, #tpu.memory_space<hbm>>
      tpu.enqueue_dma source(%dma_start3A_174 : memref<2x64xi32, #tpu.memory_space<hbm>>) target(%arg9 : memref<2x64xi32, #tpu.memory_space<vmem>>) target_semaphore(%arg20 : memref<!tpu.dma_semaphore, #tpu.memory_space<semaphore_mem>>)
      %add3A_175 = arith.constant 1 : i32
      %add3A_176 = arith.addi %add3A_159, %add3A_175 : i32
      %dma_wait3A_177 = arith.constant 0 : i32
      %dma_wait3A_178 = arith.constant 0 : i32
      %dma_wait3A_179 = tpu.memref_slice %arg4[%add3A, %add3A_176, %dma_wait3A_177, %dma_wait3A_178] : memref<32x164x2x64xi32, #tpu.memory_space<hbm>> -> memref<1x1x2x64xi32, #tpu.memory_space<hbm>>
      %dma_wait3A_180 = tpu.memref_squeeze %dma_wait3A_179 : memref<1x1x2x64xi32, #tpu.memory_space<hbm>> -> memref<2x64xi32, #tpu.memory_space<hbm>>
      %dma_wait3A_181 = arith.constant 0 : i32
      %dma_wait3A_182 = arith.constant 0 : i32
      %dma_wait3A_183 = tpu.memref_slice %arg4[%add3A, %add3A_176, %dma_wait3A_181, %dma_wait3A_182] : memref<32x164x2x64xi32, #tpu.memory_space<hbm>> -> memref<1x1x2x64xi32, #tpu.memory_space<hbm>>
      %dma_wait3A_184 = tpu.memref_squeeze %dma_wait3A_183 : memref<1x1x2x64xi32, #tpu.memory_space<hbm>> -> memref<2x64xi32, #tpu.memory_space<hbm>>
      tpu.wait_dma2 semaphore(%arg19 : memref<!tpu.dma_semaphore, #tpu.memory_space<semaphore_mem>>) src(%dma_wait3A_184 : memref<2x64xi32, #tpu.memory_space<hbm>>) dst(%arg8 : memref<2x64xi32, #tpu.memory_space<vmem>>)
      %add3A_185 = arith.constant 1 : i32
      %add3A_186 = arith.addi %add3A_159, %add3A_185 : i32
      %dma_start3A_187 = arith.constant 0 : i32
      %dma_start3A_188 = arith.constant 0 : i32
      %dma_start3A_189 = tpu.memref_slice %arg8[%dma_start3A_187, %dma_start3A_188] : memref<2x64xi32, #tpu.memory_space<vmem>> -> memref<1x64xi32, #tpu.memory_space<vmem>>
      %dma_start3A_190 = tpu.memref_squeeze %dma_start3A_189 : memref<1x64xi32, #tpu.memory_space<vmem>> -> memref<64xi32, #tpu.memory_space<vmem>>
      %dma_start3A_191 = arith.constant 0 : i32
      %dma_start3A_192 = arith.constant 0 : i32
      %dma_start3A_193 = tpu.memref_slice %arg2[%dma_start3A_191, %dma_start3A_192] : memref<10016x128xbf16, #tpu.memory_space<hbm>> -> memref<10016x128xbf16, #tpu.memory_space<hbm>>
      tpu.enqueue_indirect_dma source(%dma_start3A_193 : memref<10016x128xbf16, #tpu.memory_space<hbm>>) target(%arg10 : memref<64x128xbf16, #tpu.memory_space<vmem>>) offsets(%dma_start3A_190 : memref<64xi32, #tpu.memory_space<vmem>>) semaphore(%arg21 : memref<!tpu.dma_semaphore, #tpu.memory_space<semaphore_mem>>)
      %dma_start3A_194 = arith.constant 1 : i32
      %dma_start3A_195 = arith.constant 0 : i32
      %dma_start3A_196 = tpu.memref_slice %arg8[%dma_start3A_194, %dma_start3A_195] : memref<2x64xi32, #tpu.memory_space<vmem>> -> memref<1x64xi32, #tpu.memory_space<vmem>>
      %dma_start3A_197 = tpu.memref_squeeze %dma_start3A_196 : memref<1x64xi32, #tpu.memory_space<vmem>> -> memref<64xi32, #tpu.memory_space<vmem>>
      %dma_start3A_198 = arith.constant 0 : i32
      %dma_start3A_199 = arith.constant 0 : i32
      %dma_start3A_200 = tpu.memref_slice %arg3[%dma_start3A_198, %dma_start3A_199] : memref<10016x16xf32, #tpu.memory_space<hbm>> -> memref<10016x16xf32, #tpu.memory_space<hbm>>
      tpu.enqueue_indirect_dma source(%dma_start3A_200 : memref<10016x16xf32, #tpu.memory_space<hbm>>) target(%arg12 : memref<64x16xf32, #tpu.memory_space<vmem>>) offsets(%dma_start3A_197 : memref<64xi32, #tpu.memory_space<vmem>>) semaphore(%arg23 : memref<!tpu.dma_semaphore, #tpu.memory_space<semaphore_mem>>)
      %dma_wait3A_201 = arith.constant 0 : i32
      %dma_wait3A_202 = arith.constant 0 : i32
      %dma_wait3A_203 = tpu.memref_slice %arg7[%dma_wait3A_201, %dma_wait3A_202] : memref<2x64xi32, #tpu.memory_space<vmem>> -> memref<1x64xi32, #tpu.memory_space<vmem>>
      %dma_wait3A_204 = tpu.memref_squeeze %dma_wait3A_203 : memref<1x64xi32, #tpu.memory_space<vmem>> -> memref<64xi32, #tpu.memory_space<vmem>>
      %dma_wait3A_205 = arith.constant 0 : i32
      %dma_wait3A_206 = arith.constant 0 : i32
      %dma_wait3A_207 = tpu.memref_slice %arg2[%dma_wait3A_205, %dma_wait3A_206] : memref<10016x128xbf16, #tpu.memory_space<hbm>> -> memref<10016x128xbf16, #tpu.memory_space<hbm>>
      tpu.wait_indirect_dma semaphore(%arg22 : memref<!tpu.dma_semaphore, #tpu.memory_space<semaphore_mem>>) src(%dma_wait3A_207 : memref<10016x128xbf16, #tpu.memory_space<hbm>>) dst(%arg11 : memref<64x128xbf16, #tpu.memory_space<vmem>>)
      %dma_wait3A_208 = arith.constant 1 : i32
      %dma_wait3A_209 = arith.constant 0 : i32
      %dma_wait3A_210 = tpu.memref_slice %arg7[%dma_wait3A_208, %dma_wait3A_209] : memref<2x64xi32, #tpu.memory_space<vmem>> -> memref<1x64xi32, #tpu.memory_space<vmem>>
      %dma_wait3A_211 = tpu.memref_squeeze %dma_wait3A_210 : memref<1x64xi32, #tpu.memory_space<vmem>> -> memref<64xi32, #tpu.memory_space<vmem>>
      %dma_wait3A_212 = arith.constant 0 : i32
      %dma_wait3A_213 = arith.constant 0 : i32
      %dma_wait3A_214 = tpu.memref_slice %arg3[%dma_wait3A_212, %dma_wait3A_213] : memref<10016x16xf32, #tpu.memory_space<hbm>> -> memref<10016x16xf32, #tpu.memory_space<hbm>>
      tpu.wait_indirect_dma semaphore(%arg24 : memref<!tpu.dma_semaphore, #tpu.memory_space<semaphore_mem>>) src(%dma_wait3A_214 : memref<10016x16xf32, #tpu.memory_space<hbm>>) dst(%arg13 : memref<64x16xf32, #tpu.memory_space<vmem>>)
      %parallel_loop3A_215 = arith.constant 0 : i32
      %parallel_loop3A_216 = arith.constant 64 : i32
      %parallel_loop3A_217 = arith.constant 1 : i32
      scf.for %parallel_loop3A_335 = %parallel_loop3A_215 to %parallel_loop3A_216 step %parallel_loop3A_217  : i32 {
        %parallel_loop3A_336 = arith.index_cast %parallel_loop3A_335 : i32 to index
        %parallel_loop3A_337 = arith.constant 0 : index
        %parallel_loop3A_338 = tpu.vector_load %arg11[%parallel_loop3A_336, %parallel_loop3A_337] {strides = array<i32>} : memref<64x128xbf16, #tpu.memory_space<vmem>>, vector<32xbf16>,
        %parallel_loop3A_339 = tpu.unpack_subelements %parallel_loop3A_338, 0 {pack_format = #tpu.pack_format<interleaved>} : vector<32xbf16> -> vector<16xf32>
        %parallel_loop3A_340 = tpu.unpack_subelements %parallel_loop3A_338, 1 {pack_format = #tpu.pack_format<interleaved>} : vector<32xbf16> -> vector<16xf32>
        %parallel_loop3A_341 = arith.index_cast %parallel_loop3A_335 : i32 to index
        %parallel_loop3A_342 = arith.constant 32 : index
        %parallel_loop3A_343 = tpu.vector_load %arg11[%parallel_loop3A_341, %parallel_loop3A_342] {strides = array<i32>} : memref<64x128xbf16, #tpu.memory_space<vmem>>, vector<32xbf16>,
        %parallel_loop3A_344 = tpu.unpack_subelements %parallel_loop3A_343, 0 {pack_format = #tpu.pack_format<interleaved>} : vector<32xbf16> -> vector<16xf32>
        %parallel_loop3A_345 = tpu.unpack_subelements %parallel_loop3A_343, 1 {pack_format = #tpu.pack_format<interleaved>} : vector<32xbf16> -> vector<16xf32>
        %parallel_loop3A_346 = arith.index_cast %parallel_loop3A_335 : i32 to index
        %parallel_loop3A_347 = arith.constant 64 : index
        %parallel_loop3A_348 = tpu.vector_load %arg11[%parallel_loop3A_346, %parallel_loop3A_347] {strides = array<i32>} : memref<64x128xbf16, #tpu.memory_space<vmem>>, vector<32xbf16>,
        %parallel_loop3A_349 = tpu.unpack_subelements %parallel_loop3A_348, 0 {pack_format = #tpu.pack_format<interleaved>} : vector<32xbf16> -> vector<16xf32>
        %parallel_loop3A_350 = tpu.unpack_subelements %parallel_loop3A_348, 1 {pack_format = #tpu.pack_format<interleaved>} : vector<32xbf16> -> vector<16xf32>
        %parallel_loop3A_351 = arith.index_cast %parallel_loop3A_335 : i32 to index
        %parallel_loop3A_352 = arith.constant 96 : index
        %parallel_loop3A_353 = tpu.vector_load %arg11[%parallel_loop3A_351, %parallel_loop3A_352] {strides = array<i32>} : memref<64x128xbf16, #tpu.memory_space<vmem>>, vector<32xbf16>,
        %parallel_loop3A_354 = tpu.unpack_subelements %parallel_loop3A_353, 0 {pack_format = #tpu.pack_format<interleaved>} : vector<32xbf16> -> vector<16xf32>
        %parallel_loop3A_355 = tpu.unpack_subelements %parallel_loop3A_353, 1 {pack_format = #tpu.pack_format<interleaved>} : vector<32xbf16> -> vector<16xf32>
        %parallel_loop3A_356 = arith.index_cast %parallel_loop3A_335 : i32 to index
        %parallel_loop3A_357 = arith.constant 0 : index
        %parallel_loop3A_358 = tpu.vector_load %arg13[%parallel_loop3A_356, %parallel_loop3A_357] {strides = array<i32>} : memref<64x16xf32, #tpu.memory_space<vmem>>, vector<16xf32>,
        %parallel_loop3A_359 = arith.addf %parallel_loop3A_354, %parallel_loop3A_358 : vector<16xf32>
        %parallel_loop3A_360 = arith.constant 2.000000e-01 : f32
        %parallel_loop3A_361 = vector.broadcast %parallel_loop3A_360 : f32 to vector<16xf32>
        %parallel_loop3A_362 = arith.mulf %parallel_loop3A_359, %parallel_loop3A_361 : vector<16xf32>
        %parallel_loop3A_363 = arith.maximumf %parallel_loop3A_359, %parallel_loop3A_362 : vector<16xf32>
        %parallel_loop3A_364 = math.exp %parallel_loop3A_363 : vector<16xf32>
        %parallel_loop3A_365 = arith.index_cast %parallel_loop3A_335 : i32 to index
        %parallel_loop3A_366 = arith.constant 96 : index
        %parallel_loop3A_367 = tpu.vector_load %arg15[%parallel_loop3A_365, %parallel_loop3A_366] {strides = array<i32>} : memref<64x112xf32, #tpu.memory_space<vmem>>, vector<16xf32>,
        tpu.vector_store %arg15[%parallel_loop3A_365, %parallel_loop3A_366], %parallel_loop3A_364 {strides = array<i32>} : memref<64x112xf32, #tpu.memory_space<vmem>>, vector<16xf32>,
        %parallel_loop3A_368 = arith.constant 0 : i32
        %parallel_loop3A_369 = vector.broadcast %parallel_loop3A_368 : i32 to vector<16x1xi32>
        %parallel_loop3A_370 = vector.shape_cast %parallel_loop3A_369 : vector<16x1xi32> to vector<16xi32>
        %parallel_loop3A_371 = tpu.dynamic_gather %parallel_loop3A_364[%parallel_loop3A_370] in [0] : vector<16xf32>, vector<16xi32> -> vector<16xf32>
        %parallel_loop3A_372 = arith.mulf %parallel_loop3A_339, %parallel_loop3A_371 : vector<16xf32>
        %parallel_loop3A_373 = arith.index_cast %parallel_loop3A_335 : i32 to index
        %parallel_loop3A_374 = arith.constant 0 : index
        %parallel_loop3A_375 = tpu.vector_load %arg15[%parallel_loop3A_373, %parallel_loop3A_374] {strides = array<i32>} : memref<64x112xf32, #tpu.memory_space<vmem>>, vector<16xf32>,
        tpu.vector_store %arg15[%parallel_loop3A_373, %parallel_loop3A_374], %parallel_loop3A_372 {strides = array<i32>} : memref<64x112xf32, #tpu.memory_space<vmem>>, vector<16xf32>,
        %parallel_loop3A_376 = arith.constant 1 : i32
        %parallel_loop3A_377 = vector.broadcast %parallel_loop3A_376 : i32 to vector<16x1xi32>
        %parallel_loop3A_378 = vector.shape_cast %parallel_loop3A_377 : vector<16x1xi32> to vector<16xi32>
        %parallel_loop3A_379 = tpu.dynamic_gather %parallel_loop3A_364[%parallel_loop3A_378] in [0] : vector<16xf32>, vector<16xi32> -> vector<16xf32>
        %parallel_loop3A_380 = arith.mulf %parallel_loop3A_340, %parallel_loop3A_379 : vector<16xf32>
        %parallel_loop3A_381 = arith.index_cast %parallel_loop3A_335 : i32 to index
        %parallel_loop3A_382 = arith.constant 16 : index
        %parallel_loop3A_383 = tpu.vector_load %arg15[%parallel_loop3A_381, %parallel_loop3A_382] {strides = array<i32>} : memref<64x112xf32, #tpu.memory_space<vmem>>, vector<16xf32>,
        tpu.vector_store %arg15[%parallel_loop3A_381, %parallel_loop3A_382], %parallel_loop3A_380 {strides = array<i32>} : memref<64x112xf32, #tpu.memory_space<vmem>>, vector<16xf32>,
        %parallel_loop3A_384 = arith.constant 2 : i32
        %parallel_loop3A_385 = vector.broadcast %parallel_loop3A_384 : i32 to vector<16x1xi32>
        %parallel_loop3A_386 = vector.shape_cast %parallel_loop3A_385 : vector<16x1xi32> to vector<16xi32>
        %parallel_loop3A_387 = tpu.dynamic_gather %parallel_loop3A_364[%parallel_loop3A_386] in [0] : vector<16xf32>, vector<16xi32> -> vector<16xf32>
        %parallel_loop3A_388 = arith.mulf %parallel_loop3A_344, %parallel_loop3A_387 : vector<16xf32>
        %parallel_loop3A_389 = arith.index_cast %parallel_loop3A_335 : i32 to index
        %parallel_loop3A_390 = arith.constant 32 : index
        %parallel_loop3A_391 = tpu.vector_load %arg15[%parallel_loop3A_389, %parallel_loop3A_390] {strides = array<i32>} : memref<64x112xf32, #tpu.memory_space<vmem>>, vector<16xf32>,
        tpu.vector_store %arg15[%parallel_loop3A_389, %parallel_loop3A_390], %parallel_loop3A_388 {strides = array<i32>} : memref<64x112xf32, #tpu.memory_space<vmem>>, vector<16xf32>,
        %parallel_loop3A_392 = arith.constant 3 : i32
        %parallel_loop3A_393 = vector.broadcast %parallel_loop3A_392 : i32 to vector<16x1xi32>
        %parallel_loop3A_394 = vector.shape_cast %parallel_loop3A_393 : vector<16x1xi32> to vector<16xi32>
        %parallel_loop3A_395 = tpu.dynamic_gather %parallel_loop3A_364[%parallel_loop3A_394] in [0] : vector<16xf32>, vector<16xi32> -> vector<16xf32>
        %parallel_loop3A_396 = arith.mulf %parallel_loop3A_345, %parallel_loop3A_395 : vector<16xf32>
        %parallel_loop3A_397 = arith.index_cast %parallel_loop3A_335 : i32 to index
        %parallel_loop3A_398 = arith.constant 48 : index
        %parallel_loop3A_399 = tpu.vector_load %arg15[%parallel_loop3A_397, %parallel_loop3A_398] {strides = array<i32>} : memref<64x112xf32, #tpu.memory_space<vmem>>, vector<16xf32>,
        tpu.vector_store %arg15[%parallel_loop3A_397, %parallel_loop3A_398], %parallel_loop3A_396 {strides = array<i32>} : memref<64x112xf32, #tpu.memory_space<vmem>>, vector<16xf32>,
        %parallel_loop3A_400 = arith.constant 4 : i32
        %parallel_loop3A_401 = vector.broadcast %parallel_loop3A_400 : i32 to vector<16x1xi32>
        %parallel_loop3A_402 = vector.shape_cast %parallel_loop3A_401 : vector<16x1xi32> to vector<16xi32>
        %parallel_loop3A_403 = tpu.dynamic_gather %parallel_loop3A_364[%parallel_loop3A_402] in [0] : vector<16xf32>, vector<16xi32> -> vector<16xf32>
        %parallel_loop3A_404 = arith.mulf %parallel_loop3A_349, %parallel_loop3A_403 : vector<16xf32>
        %parallel_loop3A_405 = arith.index_cast %parallel_loop3A_335 : i32 to index
        %parallel_loop3A_406 = arith.constant 64 : index
        %parallel_loop3A_407 = tpu.vector_load %arg15[%parallel_loop3A_405, %parallel_loop3A_406] {strides = array<i32>} : memref<64x112xf32, #tpu.memory_space<vmem>>, vector<16xf32>,
        tpu.vector_store %arg15[%parallel_loop3A_405, %parallel_loop3A_406], %parallel_loop3A_404 {strides = array<i32>} : memref<64x112xf32, #tpu.memory_space<vmem>>, vector<16xf32>,
        %parallel_loop3A_408 = arith.constant 5 : i32
        %parallel_loop3A_409 = vector.broadcast %parallel_loop3A_408 : i32 to vector<16x1xi32>
        %parallel_loop3A_410 = vector.shape_cast %parallel_loop3A_409 : vector<16x1xi32> to vector<16xi32>
        %parallel_loop3A_411 = tpu.dynamic_gather %parallel_loop3A_364[%parallel_loop3A_410] in [0] : vector<16xf32>, vector<16xi32> -> vector<16xf32>
        %parallel_loop3A_412 = arith.mulf %parallel_loop3A_350, %parallel_loop3A_411 : vector<16xf32>
        %parallel_loop3A_413 = arith.index_cast %parallel_loop3A_335 : i32 to index
        %parallel_loop3A_414 = arith.constant 80 : index
        %parallel_loop3A_415 = tpu.vector_load %arg15[%parallel_loop3A_413, %parallel_loop3A_414] {strides = array<i32>} : memref<64x112xf32, #tpu.memory_space<vmem>>, vector<16xf32>,
        tpu.vector_store %arg15[%parallel_loop3A_413, %parallel_loop3A_414], %parallel_loop3A_412 {strides = array<i32>} : memref<64x112xf32, #tpu.memory_space<vmem>>, vector<16xf32>,
      } {sc.loop_unroll_factor = 4 : i64, sc.parallel_access}
      %dma_start3A_218 = arith.constant 1 : i32
      %dma_start3A_219 = arith.constant 0 : i32
      %dma_start3A_220 = tpu.memref_slice %arg7[%dma_start3A_218, %dma_start3A_219] : memref<2x64xi32, #tpu.memory_space<vmem>> -> memref<1x64xi32, #tpu.memory_space<vmem>>
      %dma_start3A_221 = tpu.memref_squeeze %dma_start3A_220 : memref<1x64xi32, #tpu.memory_space<vmem>> -> memref<64xi32, #tpu.memory_space<vmem>>
      %dma_start3A_222 = arith.constant 0 : i32
      %dma_start3A_223 = arith.constant 0 : i32
      %dma_start3A_224 = tpu.memref_slice %arg16[%dma_start3A_222, %dma_start3A_223] : memref<10016x112xf32, #tpu.memory_space<vmem_shared>> -> memref<10016x112xf32, #tpu.memory_space<vmem_shared>>
      tpu.enqueue_indirect_dma source(%arg15 : memref<64x112xf32, #tpu.memory_space<vmem>>) target(%dma_start3A_224 : memref<10016x112xf32, #tpu.memory_space<vmem_shared>>) offsets(%dma_start3A_221 : memref<64xi32, #tpu.memory_space<vmem>>) semaphore(%arg26 : memref<!tpu.dma_semaphore, #tpu.memory_space<semaphore_mem>>) {add = true}
      %mul3A_225 = arith.constant 4 : i32
      %mul3A_226 = arith.muli %scan3A_90, %mul3A_225 : i32
      %add3A_227 = arith.constant 2 : i32
      %add3A_228 = arith.addi %mul3A_226, %add3A_227 : i32
      %dma_wait3A_229 = arith.constant 1 : i32
      %dma_wait3A_230 = arith.constant 0 : i32
      %dma_wait3A_231 = tpu.memref_slice %arg6[%dma_wait3A_229, %dma_wait3A_230] : memref<2x64xi32, #tpu.memory_space<vmem>> -> memref<1x64xi32, #tpu.memory_space<vmem>>
      %dma_wait3A_232 = tpu.memref_squeeze %dma_wait3A_231 : memref<1x64xi32, #tpu.memory_space<vmem>> -> memref<64xi32, #tpu.memory_space<vmem>>
      %dma_wait3A_233 = arith.constant 0 : i32
      %dma_wait3A_234 = arith.constant 0 : i32
      %dma_wait3A_235 = tpu.memref_slice %arg16[%dma_wait3A_233, %dma_wait3A_234] : memref<10016x112xf32, #tpu.memory_space<vmem_shared>> -> memref<10016x112xf32, #tpu.memory_space<vmem_shared>>
      tpu.wait_indirect_dma semaphore(%arg25 : memref<!tpu.dma_semaphore, #tpu.memory_space<semaphore_mem>>) src(%arg14 : memref<64x112xf32, #tpu.memory_space<vmem>>) dst(%dma_wait3A_235 : memref<10016x112xf32, #tpu.memory_space<vmem_shared>>)
      %lt3A = arith.constant 40 : i32
      %lt3A_236 = arith.cmpi slt, %scan3A_90, %lt3A : i32
      %convert_element_type3A_237 = arith.extui %lt3A_236 : i1 to i32
      %cond3A_238 = arith.constant 0 : i32
      %cond3A_239 = arith.cmpi ne, %convert_element_type3A_237, %cond3A_238 : i32
      scf.if %cond3A_239 {
        %add3A_335 = arith.constant 2 : i32
        %add3A_336 = arith.addi %add3A_228, %add3A_335 : i32
        %dma_start3A_337 = arith.constant 0 : i32
        %dma_start3A_338 = arith.constant 0 : i32
        %dma_start3A_339 = tpu.memref_slice %arg4[%add3A, %add3A_336, %dma_start3A_337, %dma_start3A_338] : memref<32x164x2x64xi32, #tpu.memory_space<hbm>> -> memref<1x1x2x64xi32, #tpu.memory_space<hbm>>
        %dma_start3A_340 = tpu.memref_squeeze %dma_start3A_339 : memref<1x1x2x64xi32, #tpu.memory_space<hbm>> -> memref<2x64xi32, #tpu.memory_space<hbm>>
        %dma_start3A_341 = arith.constant 0 : i32
        %dma_start3A_342 = arith.constant 0 : i32
        %dma_start3A_343 = tpu.memref_slice %arg4[%add3A, %add3A_336, %dma_start3A_341, %dma_start3A_342] : memref<32x164x2x64xi32, #tpu.memory_space<hbm>> -> memref<1x1x2x64xi32, #tpu.memory_space<hbm>>
        %dma_start3A_344 = tpu.memref_squeeze %dma_start3A_343 : memref<1x1x2x64xi32, #tpu.memory_space<hbm>> -> memref<2x64xi32, #tpu.memory_space<hbm>>
        tpu.enqueue_dma source(%dma_start3A_344 : memref<2x64xi32, #tpu.memory_space<hbm>>) target(%arg6 : memref<2x64xi32, #tpu.memory_space<vmem>>) target_semaphore(%arg17 : memref<!tpu.dma_semaphore, #tpu.memory_space<semaphore_mem>>)
      } else {
      }
      %add3A_240 = arith.constant 1 : i32
      %add3A_241 = arith.addi %add3A_228, %add3A_240 : i32
      %dma_wait3A_242 = arith.constant 0 : i32
      %dma_wait3A_243 = arith.constant 0 : i32
      %dma_wait3A_244 = tpu.memref_slice %arg4[%add3A, %add3A_241, %dma_wait3A_242, %dma_wait3A_243] : memref<32x164x2x64xi32, #tpu.memory_space<hbm>> -> memref<1x1x2x64xi32, #tpu.memory_space<hbm>>
      %dma_wait3A_245 = tpu.memref_squeeze %dma_wait3A_244 : memref<1x1x2x64xi32, #tpu.memory_space<hbm>> -> memref<2x64xi32, #tpu.memory_space<hbm>>
      %dma_wait3A_246 = arith.constant 0 : i32
      %dma_wait3A_247 = arith.constant 0 : i32
      %dma_wait3A_248 = tpu.memref_slice %arg4[%add3A, %add3A_241, %dma_wait3A_246, %dma_wait3A_247] : memref<32x164x2x64xi32, #tpu.memory_space<hbm>> -> memref<1x1x2x64xi32, #tpu.memory_space<hbm>>
      %dma_wait3A_249 = tpu.memref_squeeze %dma_wait3A_248 : memref<1x1x2x64xi32, #tpu.memory_space<hbm>> -> memref<2x64xi32, #tpu.memory_space<hbm>>
      tpu.wait_dma2 semaphore(%arg20 : memref<!tpu.dma_semaphore, #tpu.memory_space<semaphore_mem>>) src(%dma_wait3A_249 : memref<2x64xi32, #tpu.memory_space<hbm>>) dst(%arg9 : memref<2x64xi32, #tpu.memory_space<vmem>>)
      %add3A_250 = arith.constant 1 : i32
      %add3A_251 = arith.addi %add3A_228, %add3A_250 : i32
      %dma_start3A_252 = arith.constant 0 : i32
      %dma_start3A_253 = arith.constant 0 : i32
      %dma_start3A_254 = tpu.memref_slice %arg9[%dma_start3A_252, %dma_start3A_253] : memref<2x64xi32, #tpu.memory_space<vmem>> -> memref<1x64xi32, #tpu.memory_space<vmem>>
      %dma_start3A_255 = tpu.memref_squeeze %dma_start3A_254 : memref<1x64xi32, #tpu.memory_space<vmem>> -> memref<64xi32, #tpu.memory_space<vmem>>
      %dma_start3A_256 = arith.constant 0 : i32
      %dma_start3A_257 = arith.constant 0 : i32
      %dma_start3A_258 = tpu.memref_slice %arg2[%dma_start3A_256, %dma_start3A_257] : memref<10016x128xbf16, #tpu.memory_space<hbm>> -> memref<10016x128xbf16, #tpu.memory_space<hbm>>
      tpu.enqueue_indirect_dma source(%dma_start3A_258 : memref<10016x128xbf16, #tpu.memory_space<hbm>>) target(%arg11 : memref<64x128xbf16, #tpu.memory_space<vmem>>) offsets(%dma_start3A_255 : memref<64xi32, #tpu.memory_space<vmem>>) semaphore(%arg22 : memref<!tpu.dma_semaphore, #tpu.memory_space<semaphore_mem>>)
      %dma_start3A_259 = arith.constant 1 : i32
      %dma_start3A_260 = arith.constant 0 : i32
      %dma_start3A_261 = tpu.memref_slice %arg9[%dma_start3A_259, %dma_start3A_260] : memref<2x64xi32, #tpu.memory_space<vmem>> -> memref<1x64xi32, #tpu.memory_space<vmem>>
      %dma_start3A_262 = tpu.memref_squeeze %dma_start3A_261 : memref<1x64xi32, #tpu.memory_space<vmem>> -> memref<64xi32, #tpu.memory_space<vmem>>
      %dma_start3A_263 = arith.constant 0 : i32
      %dma_start3A_264 = arith.constant 0 : i32
      %dma_start3A_265 = tpu.memref_slice %arg3[%dma_start3A_263, %dma_start3A_264] : memref<10016x16xf32, #tpu.memory_space<hbm>> -> memref<10016x16xf32, #tpu.memory_space<hbm>>
      tpu.enqueue_indirect_dma source(%dma_start3A_265 : memref<10016x16xf32, #tpu.memory_space<hbm>>) target(%arg13 : memref<64x16xf32, #tpu.memory_space<vmem>>) offsets(%dma_start3A_262 : memref<64xi32, #tpu.memory_space<vmem>>) semaphore(%arg24 : memref<!tpu.dma_semaphore, #tpu.memory_space<semaphore_mem>>)
      %dma_wait3A_266 = arith.constant 0 : i32
      %dma_wait3A_267 = arith.constant 0 : i32
      %dma_wait3A_268 = tpu.memref_slice %arg8[%dma_wait3A_266, %dma_wait3A_267] : memref<2x64xi32, #tpu.memory_space<vmem>> -> memref<1x64xi32, #tpu.memory_space<vmem>>
      %dma_wait3A_269 = tpu.memref_squeeze %dma_wait3A_268 : memref<1x64xi32, #tpu.memory_space<vmem>> -> memref<64xi32, #tpu.memory_space<vmem>>
      %dma_wait3A_270 = arith.constant 0 : i32
      %dma_wait3A_271 = arith.constant 0 : i32
      %dma_wait3A_272 = tpu.memref_slice %arg2[%dma_wait3A_270, %dma_wait3A_271] : memref<10016x128xbf16, #tpu.memory_space<hbm>> -> memref<10016x128xbf16, #tpu.memory_space<hbm>>
      tpu.wait_indirect_dma semaphore(%arg21 : memref<!tpu.dma_semaphore, #tpu.memory_space<semaphore_mem>>) src(%dma_wait3A_272 : memref<10016x128xbf16, #tpu.memory_space<hbm>>) dst(%arg10 : memref<64x128xbf16, #tpu.memory_space<vmem>>)
      %dma_wait3A_273 = arith.constant 1 : i32
      %dma_wait3A_274 = arith.constant 0 : i32
      %dma_wait3A_275 = tpu.memref_slice %arg8[%dma_wait3A_273, %dma_wait3A_274] : memref<2x64xi32, #tpu.memory_space<vmem>> -> memref<1x64xi32, #tpu.memory_space<vmem>>
      %dma_wait3A_276 = tpu.memref_squeeze %dma_wait3A_275 : memref<1x64xi32, #tpu.memory_space<vmem>> -> memref<64xi32, #tpu.memory_space<vmem>>
      %dma_wait3A_277 = arith.constant 0 : i32
      %dma_wait3A_278 = arith.constant 0 : i32
      %dma_wait3A_279 = tpu.memref_slice %arg3[%dma_wait3A_277, %dma_wait3A_278] : memref<10016x16xf32, #tpu.memory_space<hbm>> -> memref<10016x16xf32, #tpu.memory_space<hbm>>
      tpu.wait_indirect_dma semaphore(%arg23 : memref<!tpu.dma_semaphore, #tpu.memory_space<semaphore_mem>>) src(%dma_wait3A_279 : memref<10016x16xf32, #tpu.memory_space<hbm>>) dst(%arg12 : memref<64x16xf32, #tpu.memory_space<vmem>>)
      %parallel_loop3A_280 = arith.constant 0 : i32
      %parallel_loop3A_281 = arith.constant 64 : i32
      %parallel_loop3A_282 = arith.constant 1 : i32
      scf.for %parallel_loop3A_335 = %parallel_loop3A_280 to %parallel_loop3A_281 step %parallel_loop3A_282  : i32 {
        %parallel_loop3A_336 = arith.index_cast %parallel_loop3A_335 : i32 to index
        %parallel_loop3A_337 = arith.constant 0 : index
        %parallel_loop3A_338 = tpu.vector_load %arg10[%parallel_loop3A_336, %parallel_loop3A_337] {strides = array<i32>} : memref<64x128xbf16, #tpu.memory_space<vmem>>, vector<32xbf16>,
        %parallel_loop3A_339 = tpu.unpack_subelements %parallel_loop3A_338, 0 {pack_format = #tpu.pack_format<interleaved>} : vector<32xbf16> -> vector<16xf32>
        %parallel_loop3A_340 = tpu.unpack_subelements %parallel_loop3A_338, 1 {pack_format = #tpu.pack_format<interleaved>} : vector<32xbf16> -> vector<16xf32>
        %parallel_loop3A_341 = arith.index_cast %parallel_loop3A_335 : i32 to index
        %parallel_loop3A_342 = arith.constant 32 : index
        %parallel_loop3A_343 = tpu.vector_load %arg10[%parallel_loop3A_341, %parallel_loop3A_342] {strides = array<i32>} : memref<64x128xbf16, #tpu.memory_space<vmem>>, vector<32xbf16>,
        %parallel_loop3A_344 = tpu.unpack_subelements %parallel_loop3A_343, 0 {pack_format = #tpu.pack_format<interleaved>} : vector<32xbf16> -> vector<16xf32>
        %parallel_loop3A_345 = tpu.unpack_subelements %parallel_loop3A_343, 1 {pack_format = #tpu.pack_format<interleaved>} : vector<32xbf16> -> vector<16xf32>
        %parallel_loop3A_346 = arith.index_cast %parallel_loop3A_335 : i32 to index
        %parallel_loop3A_347 = arith.constant 64 : index
        %parallel_loop3A_348 = tpu.vector_load %arg10[%parallel_loop3A_346, %parallel_loop3A_347] {strides = array<i32>} : memref<64x128xbf16, #tpu.memory_space<vmem>>, vector<32xbf16>,
        %parallel_loop3A_349 = tpu.unpack_subelements %parallel_loop3A_348, 0 {pack_format = #tpu.pack_format<interleaved>} : vector<32xbf16> -> vector<16xf32>
        %parallel_loop3A_350 = tpu.unpack_subelements %parallel_loop3A_348, 1 {pack_format = #tpu.pack_format<interleaved>} : vector<32xbf16> -> vector<16xf32>
        %parallel_loop3A_351 = arith.index_cast %parallel_loop3A_335 : i32 to index
        %parallel_loop3A_352 = arith.constant 96 : index
        %parallel_loop3A_353 = tpu.vector_load %arg10[%parallel_loop3A_351, %parallel_loop3A_352] {strides = array<i32>} : memref<64x128xbf16, #tpu.memory_space<vmem>>, vector<32xbf16>,
        %parallel_loop3A_354 = tpu.unpack_subelements %parallel_loop3A_353, 0 {pack_format = #tpu.pack_format<interleaved>} : vector<32xbf16> -> vector<16xf32>
        %parallel_loop3A_355 = tpu.unpack_subelements %parallel_loop3A_353, 1 {pack_format = #tpu.pack_format<interleaved>} : vector<32xbf16> -> vector<16xf32>
        %parallel_loop3A_356 = arith.index_cast %parallel_loop3A_335 : i32 to index
        %parallel_loop3A_357 = arith.constant 0 : index
        %parallel_loop3A_358 = tpu.vector_load %arg12[%parallel_loop3A_356, %parallel_loop3A_357] {strides = array<i32>} : memref<64x16xf32, #tpu.memory_space<vmem>>, vector<16xf32>,
        %parallel_loop3A_359 = arith.addf %parallel_loop3A_354, %parallel_loop3A_358 : vector<16xf32>
        %parallel_loop3A_360 = arith.constant 2.000000e-01 : f32
        %parallel_loop3A_361 = vector.broadcast %parallel_loop3A_360 : f32 to vector<16xf32>
        %parallel_loop3A_362 = arith.mulf %parallel_loop3A_359, %parallel_loop3A_361 : vector<16xf32>
        %parallel_loop3A_363 = arith.maximumf %parallel_loop3A_359, %parallel_loop3A_362 : vector<16xf32>
        %parallel_loop3A_364 = math.exp %parallel_loop3A_363 : vector<16xf32>
        %parallel_loop3A_365 = arith.index_cast %parallel_loop3A_335 : i32 to index
        %parallel_loop3A_366 = arith.constant 96 : index
        %parallel_loop3A_367 = tpu.vector_load %arg14[%parallel_loop3A_365, %parallel_loop3A_366] {strides = array<i32>} : memref<64x112xf32, #tpu.memory_space<vmem>>, vector<16xf32>,
        tpu.vector_store %arg14[%parallel_loop3A_365, %parallel_loop3A_366], %parallel_loop3A_364 {strides = array<i32>} : memref<64x112xf32, #tpu.memory_space<vmem>>, vector<16xf32>,
        %parallel_loop3A_368 = arith.constant 0 : i32
        %parallel_loop3A_369 = vector.broadcast %parallel_loop3A_368 : i32 to vector<16x1xi32>
        %parallel_loop3A_370 = vector.shape_cast %parallel_loop3A_369 : vector<16x1xi32> to vector<16xi32>
        %parallel_loop3A_371 = tpu.dynamic_gather %parallel_loop3A_364[%parallel_loop3A_370] in [0] : vector<16xf32>, vector<16xi32> -> vector<16xf32>
        %parallel_loop3A_372 = arith.mulf %parallel_loop3A_339, %parallel_loop3A_371 : vector<16xf32>
        %parallel_loop3A_373 = arith.index_cast %parallel_loop3A_335 : i32 to index
        %parallel_loop3A_374 = arith.constant 0 : index
        %parallel_loop3A_375 = tpu.vector_load %arg14[%parallel_loop3A_373, %parallel_loop3A_374] {strides = array<i32>} : memref<64x112xf32, #tpu.memory_space<vmem>>, vector<16xf32>,
        tpu.vector_store %arg14[%parallel_loop3A_373, %parallel_loop3A_374], %parallel_loop3A_372 {strides = array<i32>} : memref<64x112xf32, #tpu.memory_space<vmem>>, vector<16xf32>,
        %parallel_loop3A_376 = arith.constant 1 : i32
        %parallel_loop3A_377 = vector.broadcast %parallel_loop3A_376 : i32 to vector<16x1xi32>
        %parallel_loop3A_378 = vector.shape_cast %parallel_loop3A_377 : vector<16x1xi32> to vector<16xi32>
        %parallel_loop3A_379 = tpu.dynamic_gather %parallel_loop3A_364[%parallel_loop3A_378] in [0] : vector<16xf32>, vector<16xi32> -> vector<16xf32>
        %parallel_loop3A_380 = arith.mulf %parallel_loop3A_340, %parallel_loop3A_379 : vector<16xf32>
        %parallel_loop3A_381 = arith.index_cast %parallel_loop3A_335 : i32 to index
        %parallel_loop3A_382 = arith.constant 16 : index
        %parallel_loop3A_383 = tpu.vector_load %arg14[%parallel_loop3A_381, %parallel_loop3A_382] {strides = array<i32>} : memref<64x112xf32, #tpu.memory_space<vmem>>, vector<16xf32>,
        tpu.vector_store %arg14[%parallel_loop3A_381, %parallel_loop3A_382], %parallel_loop3A_380 {strides = array<i32>} : memref<64x112xf32, #tpu.memory_space<vmem>>, vector<16xf32>,
        %parallel_loop3A_384 = arith.constant 2 : i32
        %parallel_loop3A_385 = vector.broadcast %parallel_loop3A_384 : i32 to vector<16x1xi32>
        %parallel_loop3A_386 = vector.shape_cast %parallel_loop3A_385 : vector<16x1xi32> to vector<16xi32>
        %parallel_loop3A_387 = tpu.dynamic_gather %parallel_loop3A_364[%parallel_loop3A_386] in [0] : vector<16xf32>, vector<16xi32> -> vector<16xf32>
        %parallel_loop3A_388 = arith.mulf %parallel_loop3A_344, %parallel_loop3A_387 : vector<16xf32>
        %parallel_loop3A_389 = arith.index_cast %parallel_loop3A_335 : i32 to index
        %parallel_loop3A_390 = arith.constant 32 : index
        %parallel_loop3A_391 = tpu.vector_load %arg14[%parallel_loop3A_389, %parallel_loop3A_390] {strides = array<i32>} : memref<64x112xf32, #tpu.memory_space<vmem>>, vector<16xf32>,
        tpu.vector_store %arg14[%parallel_loop3A_389, %parallel_loop3A_390], %parallel_loop3A_388 {strides = array<i32>} : memref<64x112xf32, #tpu.memory_space<vmem>>, vector<16xf32>,
        %parallel_loop3A_392 = arith.constant 3 : i32
        %parallel_loop3A_393 = vector.broadcast %parallel_loop3A_392 : i32 to vector<16x1xi32>
        %parallel_loop3A_394 = vector.shape_cast %parallel_loop3A_393 : vector<16x1xi32> to vector<16xi32>
        %parallel_loop3A_395 = tpu.dynamic_gather %parallel_loop3A_364[%parallel_loop3A_394] in [0] : vector<16xf32>, vector<16xi32> -> vector<16xf32>
        %parallel_loop3A_396 = arith.mulf %parallel_loop3A_345, %parallel_loop3A_395 : vector<16xf32>
        %parallel_loop3A_397 = arith.index_cast %parallel_loop3A_335 : i32 to index
        %parallel_loop3A_398 = arith.constant 48 : index
        %parallel_loop3A_399 = tpu.vector_load %arg14[%parallel_loop3A_397, %parallel_loop3A_398] {strides = array<i32>} : memref<64x112xf32, #tpu.memory_space<vmem>>, vector<16xf32>,
        tpu.vector_store %arg14[%parallel_loop3A_397, %parallel_loop3A_398], %parallel_loop3A_396 {strides = array<i32>} : memref<64x112xf32, #tpu.memory_space<vmem>>, vector<16xf32>,
        %parallel_loop3A_400 = arith.constant 4 : i32
        %parallel_loop3A_401 = vector.broadcast %parallel_loop3A_400 : i32 to vector<16x1xi32>
        %parallel_loop3A_402 = vector.shape_cast %parallel_loop3A_401 : vector<16x1xi32> to vector<16xi32>
        %parallel_loop3A_403 = tpu.dynamic_gather %parallel_loop3A_364[%parallel_loop3A_402] in [0] : vector<16xf32>, vector<16xi32> -> vector<16xf32>
        %parallel_loop3A_404 = arith.mulf %parallel_loop3A_349, %parallel_loop3A_403 : vector<16xf32>
        %parallel_loop3A_405 = arith.index_cast %parallel_loop3A_335 : i32 to index
        %parallel_loop3A_406 = arith.constant 64 : index
        %parallel_loop3A_407 = tpu.vector_load %arg14[%parallel_loop3A_405, %parallel_loop3A_406] {strides = array<i32>} : memref<64x112xf32, #tpu.memory_space<vmem>>, vector<16xf32>,
        tpu.vector_store %arg14[%parallel_loop3A_405, %parallel_loop3A_406], %parallel_loop3A_404 {strides = array<i32>} : memref<64x112xf32, #tpu.memory_space<vmem>>, vector<16xf32>,
        %parallel_loop3A_408 = arith.constant 5 : i32
        %parallel_loop3A_409 = vector.broadcast %parallel_loop3A_408 : i32 to vector<16x1xi32>
        %parallel_loop3A_410 = vector.shape_cast %parallel_loop3A_409 : vector<16x1xi32> to vector<16xi32>
        %parallel_loop3A_411 = tpu.dynamic_gather %parallel_loop3A_364[%parallel_loop3A_410] in [0] : vector<16xf32>, vector<16xi32> -> vector<16xf32>
        %parallel_loop3A_412 = arith.mulf %parallel_loop3A_350, %parallel_loop3A_411 : vector<16xf32>
        %parallel_loop3A_413 = arith.index_cast %parallel_loop3A_335 : i32 to index
        %parallel_loop3A_414 = arith.constant 80 : index
        %parallel_loop3A_415 = tpu.vector_load %arg14[%parallel_loop3A_413, %parallel_loop3A_414] {strides = array<i32>} : memref<64x112xf32, #tpu.memory_space<vmem>>, vector<16xf32>,
        tpu.vector_store %arg14[%parallel_loop3A_413, %parallel_loop3A_414], %parallel_loop3A_412 {strides = array<i32>} : memref<64x112xf32, #tpu.memory_space<vmem>>, vector<16xf32>,
      } {sc.loop_unroll_factor = 4 : i64, sc.parallel_access}
      %dma_start3A_283 = arith.constant 1 : i32
      %dma_start3A_284 = arith.constant 0 : i32
      %dma_start3A_285 = tpu.memref_slice %arg8[%dma_start3A_283, %dma_start3A_284] : memref<2x64xi32, #tpu.memory_space<vmem>> -> memref<1x64xi32, #tpu.memory_space<vmem>>
      %dma_start3A_286 = tpu.memref_squeeze %dma_start3A_285 : memref<1x64xi32, #tpu.memory_space<vmem>> -> memref<64xi32, #tpu.memory_space<vmem>>
      %dma_start3A_287 = arith.constant 0 : i32
      %dma_start3A_288 = arith.constant 0 : i32
      %dma_start3A_289 = tpu.memref_slice %arg16[%dma_start3A_287, %dma_start3A_288] : memref<10016x112xf32, #tpu.memory_space<vmem_shared>> -> memref<10016x112xf32, #tpu.memory_space<vmem_shared>>
      tpu.enqueue_indirect_dma source(%arg14 : memref<64x112xf32, #tpu.memory_space<vmem>>) target(%dma_start3A_289 : memref<10016x112xf32, #tpu.memory_space<vmem_shared>>) offsets(%dma_start3A_286 : memref<64xi32, #tpu.memory_space<vmem>>) semaphore(%arg25 : memref<!tpu.dma_semaphore, #tpu.memory_space<semaphore_mem>>) {add = true}
      %mul3A_290 = arith.constant 4 : i32
      %mul3A_291 = arith.muli %scan3A_90, %mul3A_290 : i32
      %add3A_292 = arith.constant 3 : i32
      %add3A_293 = arith.addi %mul3A_291, %add3A_292 : i32
      %dma_wait3A_294 = arith.constant 1 : i32
      %dma_wait3A_295 = arith.constant 0 : i32
      %dma_wait3A_296 = tpu.memref_slice %arg7[%dma_wait3A_294, %dma_wait3A_295] : memref<2x64xi32, #tpu.memory_space<vmem>> -> memref<1x64xi32, #tpu.memory_space<vmem>>
      %dma_wait3A_297 = tpu.memref_squeeze %dma_wait3A_296 : memref<1x64xi32, #tpu.memory_space<vmem>> -> memref<64xi32, #tpu.memory_space<vmem>>
      %dma_wait3A_298 = arith.constant 0 : i32
      %dma_wait3A_299 = arith.constant 0 : i32
      %dma_wait3A_300 = tpu.memref_slice %arg16[%dma_wait3A_298, %dma_wait3A_299] : memref<10016x112xf32, #tpu.memory_space<vmem_shared>> -> memref<10016x112xf32, #tpu.memory_space<vmem_shared>>
      tpu.wait_indirect_dma semaphore(%arg26 : memref<!tpu.dma_semaphore, #tpu.memory_space<semaphore_mem>>) src(%arg15 : memref<64x112xf32, #tpu.memory_space<vmem>>) dst(%dma_wait3A_300 : memref<10016x112xf32, #tpu.memory_space<vmem_shared>>)
      %lt3A_301 = arith.constant 40 : i32
      %lt3A_302 = arith.cmpi slt, %scan3A_90, %lt3A_301 : i32
      %convert_element_type3A_303 = arith.extui %lt3A_302 : i1 to i32
      %cond3A_304 = arith.constant 0 : i32
      %cond3A_305 = arith.cmpi ne, %convert_element_type3A_303, %cond3A_304 : i32
      scf.if %cond3A_305 {
        %add3A_335 = arith.constant 2 : i32
        %add3A_336 = arith.addi %add3A_293, %add3A_335 : i32
        %dma_start3A_337 = arith.constant 0 : i32
        %dma_start3A_338 = arith.constant 0 : i32
        %dma_start3A_339 = tpu.memref_slice %arg4[%add3A, %add3A_336, %dma_start3A_337, %dma_start3A_338] : memref<32x164x2x64xi32, #tpu.memory_space<hbm>> -> memref<1x1x2x64xi32, #tpu.memory_space<hbm>>
        %dma_start3A_340 = tpu.memref_squeeze %dma_start3A_339 : memref<1x1x2x64xi32, #tpu.memory_space<hbm>> -> memref<2x64xi32, #tpu.memory_space<hbm>>
        %dma_start3A_341 = arith.constant 0 : i32
        %dma_start3A_342 = arith.constant 0 : i32
        %dma_start3A_343 = tpu.memref_slice %arg4[%add3A, %add3A_336, %dma_start3A_341, %dma_start3A_342] : memref<32x164x2x64xi32, #tpu.memory_space<hbm>> -> memref<1x1x2x64xi32, #tpu.memory_space<hbm>>
        %dma_start3A_344 = tpu.memref_squeeze %dma_start3A_343 : memref<1x1x2x64xi32, #tpu.memory_space<hbm>> -> memref<2x64xi32, #tpu.memory_space<hbm>>
        tpu.enqueue_dma source(%dma_start3A_344 : memref<2x64xi32, #tpu.memory_space<hbm>>) target(%arg7 : memref<2x64xi32, #tpu.memory_space<vmem>>) target_semaphore(%arg18 : memref<!tpu.dma_semaphore, #tpu.memory_space<semaphore_mem>>)
      } else {
      }
      %lt3A_306 = arith.constant 40 : i32
      %lt3A_307 = arith.cmpi slt, %scan3A_90, %lt3A_306 : i32
      %convert_element_type3A_308 = arith.extui %lt3A_307 : i1 to i32
      %cond3A_309 = arith.constant 0 : i32
      %cond3A_310 = arith.cmpi ne, %convert_element_type3A_308, %cond3A_309 : i32
      scf.if %cond3A_310 {
        %add3A_335 = arith.constant 1 : i32
        %add3A_336 = arith.addi %add3A_293, %add3A_335 : i32
        %dma_wait3A_337 = arith.constant 0 : i32
        %dma_wait3A_338 = arith.constant 0 : i32
        %dma_wait3A_339 = tpu.memref_slice %arg4[%add3A, %add3A_336, %dma_wait3A_337, %dma_wait3A_338] : memref<32x164x2x64xi32, #tpu.memory_space<hbm>> -> memref<1x1x2x64xi32, #tpu.memory_space<hbm>>
        %dma_wait3A_340 = tpu.memref_squeeze %dma_wait3A_339 : memref<1x1x2x64xi32, #tpu.memory_space<hbm>> -> memref<2x64xi32, #tpu.memory_space<hbm>>
        %dma_wait3A_341 = arith.constant 0 : i32
        %dma_wait3A_342 = arith.constant 0 : i32
        %dma_wait3A_343 = tpu.memref_slice %arg4[%add3A, %add3A_336, %dma_wait3A_341, %dma_wait3A_342] : memref<32x164x2x64xi32, #tpu.memory_space<hbm>> -> memref<1x1x2x64xi32, #tpu.memory_space<hbm>>
        %dma_wait3A_344 = tpu.memref_squeeze %dma_wait3A_343 : memref<1x1x2x64xi32, #tpu.memory_space<hbm>> -> memref<2x64xi32, #tpu.memory_space<hbm>>
        tpu.wait_dma2 semaphore(%arg17 : memref<!tpu.dma_semaphore, #tpu.memory_space<semaphore_mem>>) src(%dma_wait3A_344 : memref<2x64xi32, #tpu.memory_space<hbm>>) dst(%arg6 : memref<2x64xi32, #tpu.memory_space<vmem>>)
        %add3A_345 = arith.constant 1 : i32
        %add3A_346 = arith.addi %add3A_293, %add3A_345 : i32
        %dma_start3A_347 = arith.constant 0 : i32
        %dma_start3A_348 = arith.constant 0 : i32
        %dma_start3A_349 = tpu.memref_slice %arg6[%dma_start3A_347, %dma_start3A_348] : memref<2x64xi32, #tpu.memory_space<vmem>> -> memref<1x64xi32, #tpu.memory_space<vmem>>
        %dma_start3A_350 = tpu.memref_squeeze %dma_start3A_349 : memref<1x64xi32, #tpu.memory_space<vmem>> -> memref<64xi32, #tpu.memory_space<vmem>>
        %dma_start3A_351 = arith.constant 0 : i32
        %dma_start3A_352 = arith.constant 0 : i32
        %dma_start3A_353 = tpu.memref_slice %arg2[%dma_start3A_351, %dma_start3A_352] : memref<10016x128xbf16, #tpu.memory_space<hbm>> -> memref<10016x128xbf16, #tpu.memory_space<hbm>>
        tpu.enqueue_indirect_dma source(%dma_start3A_353 : memref<10016x128xbf16, #tpu.memory_space<hbm>>) target(%arg10 : memref<64x128xbf16, #tpu.memory_space<vmem>>) offsets(%dma_start3A_350 : memref<64xi32, #tpu.memory_space<vmem>>) semaphore(%arg21 : memref<!tpu.dma_semaphore, #tpu.memory_space<semaphore_mem>>)
        %dma_start3A_354 = arith.constant 1 : i32
        %dma_start3A_355 = arith.constant 0 : i32
        %dma_start3A_356 = tpu.memref_slice %arg6[%dma_start3A_354, %dma_start3A_355] : memref<2x64xi32, #tpu.memory_space<vmem>> -> memref<1x64xi32, #tpu.memory_space<vmem>>
        %dma_start3A_357 = tpu.memref_squeeze %dma_start3A_356 : memref<1x64xi32, #tpu.memory_space<vmem>> -> memref<64xi32, #tpu.memory_space<vmem>>
        %dma_start3A_358 = arith.constant 0 : i32
        %dma_start3A_359 = arith.constant 0 : i32
        %dma_start3A_360 = tpu.memref_slice %arg3[%dma_start3A_358, %dma_start3A_359] : memref<10016x16xf32, #tpu.memory_space<hbm>> -> memref<10016x16xf32, #tpu.memory_space<hbm>>
        tpu.enqueue_indirect_dma source(%dma_start3A_360 : memref<10016x16xf32, #tpu.memory_space<hbm>>) target(%arg12 : memref<64x16xf32, #tpu.memory_space<vmem>>) offsets(%dma_start3A_357 : memref<64xi32, #tpu.memory_space<vmem>>) semaphore(%arg23 : memref<!tpu.dma_semaphore, #tpu.memory_space<semaphore_mem>>)
      } else {
      }
      %dma_wait3A_311 = arith.constant 0 : i32
      %dma_wait3A_312 = arith.constant 0 : i32
      %dma_wait3A_313 = tpu.memref_slice %arg9[%dma_wait3A_311, %dma_wait3A_312] : memref<2x64xi32, #tpu.memory_space<vmem>> -> memref<1x64xi32, #tpu.memory_space<vmem>>
      %dma_wait3A_314 = tpu.memref_squeeze %dma_wait3A_313 : memref<1x64xi32, #tpu.memory_space<vmem>> -> memref<64xi32, #tpu.memory_space<vmem>>
      %dma_wait3A_315 = arith.constant 0 : i32
      %dma_wait3A_316 = arith.constant 0 : i32
      %dma_wait3A_317 = tpu.memref_slice %arg2[%dma_wait3A_315, %dma_wait3A_316] : memref<10016x128xbf16, #tpu.memory_space<hbm>> -> memref<10016x128xbf16, #tpu.memory_space<hbm>>
      tpu.wait_indirect_dma semaphore(%arg22 : memref<!tpu.dma_semaphore, #tpu.memory_space<semaphore_mem>>) src(%dma_wait3A_317 : memref<10016x128xbf16, #tpu.memory_space<hbm>>) dst(%arg11 : memref<64x128xbf16, #tpu.memory_space<vmem>>)
      %dma_wait3A_318 = arith.constant 1 : i32
      %dma_wait3A_319 = arith.constant 0 : i32
      %dma_wait3A_320 = tpu.memref_slice %arg9[%dma_wait3A_318, %dma_wait3A_319] : memref<2x64xi32, #tpu.memory_space<vmem>> -> memref<1x64xi32, #tpu.memory_space<vmem>>
      %dma_wait3A_321 = tpu.memref_squeeze %dma_wait3A_320 : memref<1x64xi32, #tpu.memory_space<vmem>> -> memref<64xi32, #tpu.memory_space<vmem>>
      %dma_wait3A_322 = arith.constant 0 : i32
      %dma_wait3A_323 = arith.constant 0 : i32
      %dma_wait3A_324 = tpu.memref_slice %arg3[%dma_wait3A_322, %dma_wait3A_323] : memref<10016x16xf32, #tpu.memory_space<hbm>> -> memref<10016x16xf32, #tpu.memory_space<hbm>>
      tpu.wait_indirect_dma semaphore(%arg24 : memref<!tpu.dma_semaphore, #tpu.memory_space<semaphore_mem>>) src(%dma_wait3A_324 : memref<10016x16xf32, #tpu.memory_space<hbm>>) dst(%arg13 : memref<64x16xf32, #tpu.memory_space<vmem>>)
      %parallel_loop3A_325 = arith.constant 0 : i32
      %parallel_loop3A_326 = arith.constant 64 : i32
      %parallel_loop3A_327 = arith.constant 1 : i32
      scf.for %parallel_loop3A_335 = %parallel_loop3A_325 to %parallel_loop3A_326 step %parallel_loop3A_327  : i32 {
        %parallel_loop3A_336 = arith.index_cast %parallel_loop3A_335 : i32 to index
        %parallel_loop3A_337 = arith.constant 0 : index
        %parallel_loop3A_338 = tpu.vector_load %arg11[%parallel_loop3A_336, %parallel_loop3A_337] {strides = array<i32>} : memref<64x128xbf16, #tpu.memory_space<vmem>>, vector<32xbf16>,
        %parallel_loop3A_339 = tpu.unpack_subelements %parallel_loop3A_338, 0 {pack_format = #tpu.pack_format<interleaved>} : vector<32xbf16> -> vector<16xf32>
        %parallel_loop3A_340 = tpu.unpack_subelements %parallel_loop3A_338, 1 {pack_format = #tpu.pack_format<interleaved>} : vector<32xbf16> -> vector<16xf32>
        %parallel_loop3A_341 = arith.index_cast %parallel_loop3A_335 : i32 to index
        %parallel_loop3A_342 = arith.constant 32 : index
        %parallel_loop3A_343 = tpu.vector_load %arg11[%parallel_loop3A_341, %parallel_loop3A_342] {strides = array<i32>} : memref<64x128xbf16, #tpu.memory_space<vmem>>, vector<32xbf16>,
        %parallel_loop3A_344 = tpu.unpack_subelements %parallel_loop3A_343, 0 {pack_format = #tpu.pack_format<interleaved>} : vector<32xbf16> -> vector<16xf32>
        %parallel_loop3A_345 = tpu.unpack_subelements %parallel_loop3A_343, 1 {pack_format = #tpu.pack_format<interleaved>} : vector<32xbf16> -> vector<16xf32>
        %parallel_loop3A_346 = arith.index_cast %parallel_loop3A_335 : i32 to index
        %parallel_loop3A_347 = arith.constant 64 : index
        %parallel_loop3A_348 = tpu.vector_load %arg11[%parallel_loop3A_346, %parallel_loop3A_347] {strides = array<i32>} : memref<64x128xbf16, #tpu.memory_space<vmem>>, vector<32xbf16>,
        %parallel_loop3A_349 = tpu.unpack_subelements %parallel_loop3A_348, 0 {pack_format = #tpu.pack_format<interleaved>} : vector<32xbf16> -> vector<16xf32>
        %parallel_loop3A_350 = tpu.unpack_subelements %parallel_loop3A_348, 1 {pack_format = #tpu.pack_format<interleaved>} : vector<32xbf16> -> vector<16xf32>
        %parallel_loop3A_351 = arith.index_cast %parallel_loop3A_335 : i32 to index
        %parallel_loop3A_352 = arith.constant 96 : index
        %parallel_loop3A_353 = tpu.vector_load %arg11[%parallel_loop3A_351, %parallel_loop3A_352] {strides = array<i32>} : memref<64x128xbf16, #tpu.memory_space<vmem>>, vector<32xbf16>,
        %parallel_loop3A_354 = tpu.unpack_subelements %parallel_loop3A_353, 0 {pack_format = #tpu.pack_format<interleaved>} : vector<32xbf16> -> vector<16xf32>
        %parallel_loop3A_355 = tpu.unpack_subelements %parallel_loop3A_353, 1 {pack_format = #tpu.pack_format<interleaved>} : vector<32xbf16> -> vector<16xf32>
        %parallel_loop3A_356 = arith.index_cast %parallel_loop3A_335 : i32 to index
        %parallel_loop3A_357 = arith.constant 0 : index
        %parallel_loop3A_358 = tpu.vector_load %arg13[%parallel_loop3A_356, %parallel_loop3A_357] {strides = array<i32>} : memref<64x16xf32, #tpu.memory_space<vmem>>, vector<16xf32>,
        %parallel_loop3A_359 = arith.addf %parallel_loop3A_354, %parallel_loop3A_358 : vector<16xf32>
        %parallel_loop3A_360 = arith.constant 2.000000e-01 : f32
        %parallel_loop3A_361 = vector.broadcast %parallel_loop3A_360 : f32 to vector<16xf32>
        %parallel_loop3A_362 = arith.mulf %parallel_loop3A_359, %parallel_loop3A_361 : vector<16xf32>
        %parallel_loop3A_363 = arith.maximumf %parallel_loop3A_359, %parallel_loop3A_362 : vector<16xf32>
        %parallel_loop3A_364 = math.exp %parallel_loop3A_363 : vector<16xf32>
        %parallel_loop3A_365 = arith.index_cast %parallel_loop3A_335 : i32 to index
        %parallel_loop3A_366 = arith.constant 96 : index
        %parallel_loop3A_367 = tpu.vector_load %arg15[%parallel_loop3A_365, %parallel_loop3A_366] {strides = array<i32>} : memref<64x112xf32, #tpu.memory_space<vmem>>, vector<16xf32>,
        tpu.vector_store %arg15[%parallel_loop3A_365, %parallel_loop3A_366], %parallel_loop3A_364 {strides = array<i32>} : memref<64x112xf32, #tpu.memory_space<vmem>>, vector<16xf32>,
        %parallel_loop3A_368 = arith.constant 0 : i32
        %parallel_loop3A_369 = vector.broadcast %parallel_loop3A_368 : i32 to vector<16x1xi32>
        %parallel_loop3A_370 = vector.shape_cast %parallel_loop3A_369 : vector<16x1xi32> to vector<16xi32>
        %parallel_loop3A_371 = tpu.dynamic_gather %parallel_loop3A_364[%parallel_loop3A_370] in [0] : vector<16xf32>, vector<16xi32> -> vector<16xf32>
        %parallel_loop3A_372 = arith.mulf %parallel_loop3A_339, %parallel_loop3A_371 : vector<16xf32>
        %parallel_loop3A_373 = arith.index_cast %parallel_loop3A_335 : i32 to index
        %parallel_loop3A_374 = arith.constant 0 : index
        %parallel_loop3A_375 = tpu.vector_load %arg15[%parallel_loop3A_373, %parallel_loop3A_374] {strides = array<i32>} : memref<64x112xf32, #tpu.memory_space<vmem>>, vector<16xf32>,
        tpu.vector_store %arg15[%parallel_loop3A_373, %parallel_loop3A_374], %parallel_loop3A_372 {strides = array<i32>} : memref<64x112xf32, #tpu.memory_space<vmem>>, vector<16xf32>,
        %parallel_loop3A_376 = arith.constant 1 : i32
        %parallel_loop3A_377 = vector.broadcast %parallel_loop3A_376 : i32 to vector<16x1xi32>
        %parallel_loop3A_378 = vector.shape_cast %parallel_loop3A_377 : vector<16x1xi32> to vector<16xi32>
        %parallel_loop3A_379 = tpu.dynamic_gather %parallel_loop3A_364[%parallel_loop3A_378] in [0] : vector<16xf32>, vector<16xi32> -> vector<16xf32>
        %parallel_loop3A_380 = arith.mulf %parallel_loop3A_340, %parallel_loop3A_379 : vector<16xf32>
        %parallel_loop3A_381 = arith.index_cast %parallel_loop3A_335 : i32 to index
        %parallel_loop3A_382 = arith.constant 16 : index
        %parallel_loop3A_383 = tpu.vector_load %arg15[%parallel_loop3A_381, %parallel_loop3A_382] {strides = array<i32>} : memref<64x112xf32, #tpu.memory_space<vmem>>, vector<16xf32>,
        tpu.vector_store %arg15[%parallel_loop3A_381, %parallel_loop3A_382], %parallel_loop3A_380 {strides = array<i32>} : memref<64x112xf32, #tpu.memory_space<vmem>>, vector<16xf32>,
        %parallel_loop3A_384 = arith.constant 2 : i32
        %parallel_loop3A_385 = vector.broadcast %parallel_loop3A_384 : i32 to vector<16x1xi32>
        %parallel_loop3A_386 = vector.shape_cast %parallel_loop3A_385 : vector<16x1xi32> to vector<16xi32>
        %parallel_loop3A_387 = tpu.dynamic_gather %parallel_loop3A_364[%parallel_loop3A_386] in [0] : vector<16xf32>, vector<16xi32> -> vector<16xf32>
        %parallel_loop3A_388 = arith.mulf %parallel_loop3A_344, %parallel_loop3A_387 : vector<16xf32>
        %parallel_loop3A_389 = arith.index_cast %parallel_loop3A_335 : i32 to index
        %parallel_loop3A_390 = arith.constant 32 : index
        %parallel_loop3A_391 = tpu.vector_load %arg15[%parallel_loop3A_389, %parallel_loop3A_390] {strides = array<i32>} : memref<64x112xf32, #tpu.memory_space<vmem>>, vector<16xf32>,
        tpu.vector_store %arg15[%parallel_loop3A_389, %parallel_loop3A_390], %parallel_loop3A_388 {strides = array<i32>} : memref<64x112xf32, #tpu.memory_space<vmem>>, vector<16xf32>,
        %parallel_loop3A_392 = arith.constant 3 : i32
        %parallel_loop3A_393 = vector.broadcast %parallel_loop3A_392 : i32 to vector<16x1xi32>
        %parallel_loop3A_394 = vector.shape_cast %parallel_loop3A_393 : vector<16x1xi32> to vector<16xi32>
        %parallel_loop3A_395 = tpu.dynamic_gather %parallel_loop3A_364[%parallel_loop3A_394] in [0] : vector<16xf32>, vector<16xi32> -> vector<16xf32>
        %parallel_loop3A_396 = arith.mulf %parallel_loop3A_345, %parallel_loop3A_395 : vector<16xf32>
        %parallel_loop3A_397 = arith.index_cast %parallel_loop3A_335 : i32 to index
        %parallel_loop3A_398 = arith.constant 48 : index
        %parallel_loop3A_399 = tpu.vector_load %arg15[%parallel_loop3A_397, %parallel_loop3A_398] {strides = array<i32>} : memref<64x112xf32, #tpu.memory_space<vmem>>, vector<16xf32>,
        tpu.vector_store %arg15[%parallel_loop3A_397, %parallel_loop3A_398], %parallel_loop3A_396 {strides = array<i32>} : memref<64x112xf32, #tpu.memory_space<vmem>>, vector<16xf32>,
        %parallel_loop3A_400 = arith.constant 4 : i32
        %parallel_loop3A_401 = vector.broadcast %parallel_loop3A_400 : i32 to vector<16x1xi32>
        %parallel_loop3A_402 = vector.shape_cast %parallel_loop3A_401 : vector<16x1xi32> to vector<16xi32>
        %parallel_loop3A_403 = tpu.dynamic_gather %parallel_loop3A_364[%parallel_loop3A_402] in [0] : vector<16xf32>, vector<16xi32> -> vector<16xf32>
        %parallel_loop3A_404 = arith.mulf %parallel_loop3A_349, %parallel_loop3A_403 : vector<16xf32>
        %parallel_loop3A_405 = arith.index_cast %parallel_loop3A_335 : i32 to index
        %parallel_loop3A_406 = arith.constant 64 : index
        %parallel_loop3A_407 = tpu.vector_load %arg15[%parallel_loop3A_405, %parallel_loop3A_406] {strides = array<i32>} : memref<64x112xf32, #tpu.memory_space<vmem>>, vector<16xf32>,
        tpu.vector_store %arg15[%parallel_loop3A_405, %parallel_loop3A_406], %parallel_loop3A_404 {strides = array<i32>} : memref<64x112xf32, #tpu.memory_space<vmem>>, vector<16xf32>,
        %parallel_loop3A_408 = arith.constant 5 : i32
        %parallel_loop3A_409 = vector.broadcast %parallel_loop3A_408 : i32 to vector<16x1xi32>
        %parallel_loop3A_410 = vector.shape_cast %parallel_loop3A_409 : vector<16x1xi32> to vector<16xi32>
        %parallel_loop3A_411 = tpu.dynamic_gather %parallel_loop3A_364[%parallel_loop3A_410] in [0] : vector<16xf32>, vector<16xi32> -> vector<16xf32>
        %parallel_loop3A_412 = arith.mulf %parallel_loop3A_350, %parallel_loop3A_411 : vector<16xf32>
        %parallel_loop3A_413 = arith.index_cast %parallel_loop3A_335 : i32 to index
        %parallel_loop3A_414 = arith.constant 80 : index
        %parallel_loop3A_415 = tpu.vector_load %arg15[%parallel_loop3A_413, %parallel_loop3A_414] {strides = array<i32>} : memref<64x112xf32, #tpu.memory_space<vmem>>, vector<16xf32>,
        tpu.vector_store %arg15[%parallel_loop3A_413, %parallel_loop3A_414], %parallel_loop3A_412 {strides = array<i32>} : memref<64x112xf32, #tpu.memory_space<vmem>>, vector<16xf32>,
      } {sc.loop_unroll_factor = 4 : i64, sc.parallel_access}
      %dma_start3A_328 = arith.constant 1 : i32
      %dma_start3A_329 = arith.constant 0 : i32
      %dma_start3A_330 = tpu.memref_slice %arg9[%dma_start3A_328, %dma_start3A_329] : memref<2x64xi32, #tpu.memory_space<vmem>> -> memref<1x64xi32, #tpu.memory_space<vmem>>
      %dma_start3A_331 = tpu.memref_squeeze %dma_start3A_330 : memref<1x64xi32, #tpu.memory_space<vmem>> -> memref<64xi32, #tpu.memory_space<vmem>>
      %dma_start3A_332 = arith.constant 0 : i32
      %dma_start3A_333 = arith.constant 0 : i32
      %dma_start3A_334 = tpu.memref_slice %arg16[%dma_start3A_332, %dma_start3A_333] : memref<10016x112xf32, #tpu.memory_space<vmem_shared>> -> memref<10016x112xf32, #tpu.memory_space<vmem_shared>>
      tpu.enqueue_indirect_dma source(%arg15 : memref<64x112xf32, #tpu.memory_space<vmem>>) target(%dma_start3A_334 : memref<10016x112xf32, #tpu.memory_space<vmem_shared>>) offsets(%dma_start3A_331 : memref<64xi32, #tpu.memory_space<vmem>>) semaphore(%arg26 : memref<!tpu.dma_semaphore, #tpu.memory_space<semaphore_mem>>) {add = true}
    }
    %scan3A_74 = arith.constant 41 : i32
    %dma_wait3A_75 = arith.constant 1 : i32
    %dma_wait3A_76 = arith.constant 0 : i32
    %dma_wait3A_77 = tpu.memref_slice %arg8[%dma_wait3A_75, %dma_wait3A_76] : memref<2x64xi32, #tpu.memory_space<vmem>> -> memref<1x64xi32, #tpu.memory_space<vmem>>
    %dma_wait3A_78 = tpu.memref_squeeze %dma_wait3A_77 : memref<1x64xi32, #tpu.memory_space<vmem>> -> memref<64xi32, #tpu.memory_space<vmem>>
    %dma_wait3A_79 = arith.constant 0 : i32
    %dma_wait3A_80 = arith.constant 0 : i32
    %dma_wait3A_81 = tpu.memref_slice %arg16[%dma_wait3A_79, %dma_wait3A_80] : memref<10016x112xf32, #tpu.memory_space<vmem_shared>> -> memref<10016x112xf32, #tpu.memory_space<vmem_shared>>
    tpu.wait_indirect_dma semaphore(%arg25 : memref<!tpu.dma_semaphore, #tpu.memory_space<semaphore_mem>>) src(%arg14 : memref<64x112xf32, #tpu.memory_space<vmem>>) dst(%dma_wait3A_81 : memref<10016x112xf32, #tpu.memory_space<vmem_shared>>)
    %dma_wait3A_82 = arith.constant 1 : i32
    %dma_wait3A_83 = arith.constant 0 : i32
    %dma_wait3A_84 = tpu.memref_slice %arg9[%dma_wait3A_82, %dma_wait3A_83] : memref<2x64xi32, #tpu.memory_space<vmem>> -> memref<1x64xi32, #tpu.memory_space<vmem>>
    %dma_wait3A_85 = tpu.memref_squeeze %dma_wait3A_84 : memref<1x64xi32, #tpu.memory_space<vmem>> -> memref<64xi32, #tpu.memory_space<vmem>>
    %dma_wait3A_86 = arith.constant 0 : i32
    %dma_wait3A_87 = arith.constant 0 : i32
    %dma_wait3A_88 = tpu.memref_slice %arg16[%dma_wait3A_86, %dma_wait3A_87] : memref<10016x112xf32, #tpu.memory_space<vmem_shared>> -> memref<10016x112xf32, #tpu.memory_space<vmem_shared>>
    tpu.wait_indirect_dma semaphore(%arg26 : memref<!tpu.dma_semaphore, #tpu.memory_space<semaphore_mem>>) src(%arg15 : memref<64x112xf32, #tpu.memory_space<vmem>>) dst(%dma_wait3A_88 : memref<10016x112xf32, #tpu.memory_space<vmem_shared>>)
    %barrier3A_89 = arith.constant 0 : index
    tpu.barrier barrier_id(%barrier3A_89)
    "tpu.region"() ({
      %run_scoped3A = tpu.sem_alloc : memref<!tpu.dma_semaphore, #tpu.memory_space<semaphore_mem>>
      %dma_start3A_90 = arith.constant 0 : i32
      %dma_start3A_91 = tpu.memref_slice %arg5[%arg0, %mul3A_8, %dma_start3A_90] : memref<2x10016x112xf32, #tpu.memory_space<hbm>> -> memref<1x626x112xf32, #tpu.memory_space<hbm>>
      %dma_start3A_92 = tpu.memref_squeeze %dma_start3A_91 : memref<1x626x112xf32, #tpu.memory_space<hbm>> -> memref<626x112xf32, #tpu.memory_space<hbm>>
      %dma_start3A_93 = arith.constant 0 : i32
      %dma_start3A_94 = tpu.memref_slice %arg16[%mul3A_8, %dma_start3A_93] : memref<10016x112xf32, #tpu.memory_space<vmem_shared>> -> memref<626x112xf32, #tpu.memory_space<vmem_shared>>
      tpu.enqueue_dma source(%dma_start3A_94 : memref<626x112xf32, #tpu.memory_space<vmem_shared>>) target(%dma_start3A_92 : memref<626x112xf32, #tpu.memory_space<hbm>>) target_semaphore(%run_scoped3A : memref<!tpu.dma_semaphore, #tpu.memory_space<semaphore_mem>>)
      %dma_wait3A_95 = arith.constant 0 : i32
      %dma_wait3A_96 = tpu.memref_slice %arg5[%arg0, %mul3A_8, %dma_wait3A_95] : memref<2x10016x112xf32, #tpu.memory_space<hbm>> -> memref<1x626x112xf32, #tpu.memory_space<hbm>>
      %dma_wait3A_97 = tpu.memref_squeeze %dma_wait3A_96 : memref<1x626x112xf32, #tpu.memory_space<hbm>> -> memref<626x112xf32, #tpu.memory_space<hbm>>
      %dma_wait3A_98 = arith.constant 0 : i32
      %dma_wait3A_99 = tpu.memref_slice %arg16[%mul3A_8, %dma_wait3A_98] : memref<10016x112xf32, #tpu.memory_space<vmem_shared>> -> memref<626x112xf32, #tpu.memory_space<vmem_shared>>
      tpu.wait_dma2 semaphore(%run_scoped3A : memref<!tpu.dma_semaphore, #tpu.memory_space<semaphore_mem>>) src(%dma_wait3A_99 : memref<626x112xf32, #tpu.memory_space<vmem_shared>>) dst(%dma_wait3A_97 : memref<626x112xf32, #tpu.memory_space<hbm>>)
      tpu.yield
    }) : () -> ()
    return
  }
}

#map = affine_map<(d0, d1) -> (0, 0)>
#map1 = affine_map<(d0, d1) -> (0, 0, 0, 0)>
#map2 = affine_map<(d0, d1) -> (0, 0, 0)>
module attributes {stable_mosaic.version = 14 : i64} {
  func.func @k(%arg0: i32, %arg1: i32, %arg2: memref<10016x160xbf16, #tpu.memory_space<hbm>>, %arg3: memref<10016x16xf32, #tpu.memory_space<hbm>>, %arg4: memref<32x164x2x64xi32, #tpu.memory_space<hbm>>, %arg5: memref<2x10016x144xf32, #tpu.memory_space<hbm>>, %arg6: memref<2x64xi32, #tpu.memory_space<vmem>>, %arg7: memref<2x64xi32, #tpu.memory_space<vmem>>, %arg8: memref<2x64xi32, #tpu.memory_space<vmem>>, %arg9: memref<2x64xi32, #tpu.memory_space<vmem>>, %arg10: memref<64x160xbf16, #tpu.memory_space<vmem>>, %arg11: memref<64x160xbf16, #tpu.memory_space<vmem>>, %arg12: memref<64x16xf32, #tpu.memory_space<vmem>>, %arg13: memref<64x16xf32, #tpu.memory_space<vmem>>, %arg14: memref<64x144xf32, #tpu.memory_space<vmem>>, %arg15: memref<64x144xf32, #tpu.memory_space<vmem>>, %arg16: memref<10016x144xf32, #tpu.memory_space<vmem_shared>>, %arg17: memref<!tpu.dma_semaphore, #tpu.memory_space<semaphore_mem>>, %arg18: memref<!tpu.dma_semaphore, #tpu.memory_space<semaphore_mem>>, %arg19: memref<!tpu.dma_semaphore, #tpu.memory_space<semaphore_mem>>, %arg20: memref<!tpu.dma_semaphore, #tpu.memory_space<semaphore_mem>>, %arg21: memref<!tpu.dma_semaphore, #tpu.memory_space<semaphore_mem>>, %arg22: memref<!tpu.dma_semaphore, #tpu.memory_space<semaphore_mem>>, %arg23: memref<!tpu.dma_semaphore, #tpu.memory_space<semaphore_mem>>, %arg24: memref<!tpu.dma_semaphore, #tpu.memory_space<semaphore_mem>>, %arg25: memref<!tpu.dma_semaphore, #tpu.memory_space<semaphore_mem>>, %arg26: memref<!tpu.dma_semaphore, #tpu.memory_space<semaphore_mem>>) attributes {dimension_semantics = [#tpu.dimension_semantics<core_parallel>, #tpu.dimension_semantics<subcore_parallel>], iteration_bounds = array<i64: 2, 16>, scalar_prefetch = 0 : i64, scratch_operands = 21 : i64, tpu.core_type = #tpu.core_type<sc_vector_subcore>, window_params = [{transform_indices = #map}, {transform_indices = #map}, {transform_indices = #map1}, {transform_indices = #map2}]} {
    %mul3A = arith.constant 2 : i32
    %mul3A_0 = arith.muli %arg1, %mul3A : i32
    %add3A = arith.addi %mul3A_0, %arg0 : i32
    %broadcast_in_dim3A = arith.constant 0.000000e+00 : f32
    %broadcast_in_dim3A_1 = vector.broadcast %broadcast_in_dim3A : f32 to vector<16xf32>
    %scan3A = arith.constant 0 : i32
    %scan3A_2 = arith.constant 0 : i32
    %scan3A_3 = arith.constant 64 : i32
    %scan3A_4 = arith.addi %scan3A_2, %scan3A_3 : i32
    %scan3A_5 = arith.constant 1 : i32
    scf.for %scan3A_90 = %scan3A_2 to %scan3A_4 step %scan3A_5  : i32 {
      %swap3A = arith.index_cast %scan3A_90 : i32 to index
      %swap3A_91 = arith.constant 0 : index
      %swap3A_92 = tpu.vector_load %arg14[%swap3A, %swap3A_91] {strides = array<i32>} : memref<64x144xf32, #tpu.memory_space<vmem>>, vector<16xf32>,
      tpu.vector_store %arg14[%swap3A, %swap3A_91], %broadcast_in_dim3A_1 {strides = array<i32>} : memref<64x144xf32, #tpu.memory_space<vmem>>, vector<16xf32>,
      %swap3A_93 = arith.index_cast %scan3A_90 : i32 to index
      %swap3A_94 = arith.constant 16 : index
      %swap3A_95 = tpu.vector_load %arg14[%swap3A_93, %swap3A_94] {strides = array<i32>} : memref<64x144xf32, #tpu.memory_space<vmem>>, vector<16xf32>,
      tpu.vector_store %arg14[%swap3A_93, %swap3A_94], %broadcast_in_dim3A_1 {strides = array<i32>} : memref<64x144xf32, #tpu.memory_space<vmem>>, vector<16xf32>,
      %swap3A_96 = arith.index_cast %scan3A_90 : i32 to index
      %swap3A_97 = arith.constant 32 : index
      %swap3A_98 = tpu.vector_load %arg14[%swap3A_96, %swap3A_97] {strides = array<i32>} : memref<64x144xf32, #tpu.memory_space<vmem>>, vector<16xf32>,
      tpu.vector_store %arg14[%swap3A_96, %swap3A_97], %broadcast_in_dim3A_1 {strides = array<i32>} : memref<64x144xf32, #tpu.memory_space<vmem>>, vector<16xf32>,
      %swap3A_99 = arith.index_cast %scan3A_90 : i32 to index
      %swap3A_100 = arith.constant 48 : index
      %swap3A_101 = tpu.vector_load %arg14[%swap3A_99, %swap3A_100] {strides = array<i32>} : memref<64x144xf32, #tpu.memory_space<vmem>>, vector<16xf32>,
      tpu.vector_store %arg14[%swap3A_99, %swap3A_100], %broadcast_in_dim3A_1 {strides = array<i32>} : memref<64x144xf32, #tpu.memory_space<vmem>>, vector<16xf32>,
      %swap3A_102 = arith.index_cast %scan3A_90 : i32 to index
      %swap3A_103 = arith.constant 64 : index
      %swap3A_104 = tpu.vector_load %arg14[%swap3A_102, %swap3A_103] {strides = array<i32>} : memref<64x144xf32, #tpu.memory_space<vmem>>, vector<16xf32>,
      tpu.vector_store %arg14[%swap3A_102, %swap3A_103], %broadcast_in_dim3A_1 {strides = array<i32>} : memref<64x144xf32, #tpu.memory_space<vmem>>, vector<16xf32>,
      %swap3A_105 = arith.index_cast %scan3A_90 : i32 to index
      %swap3A_106 = arith.constant 80 : index
      %swap3A_107 = tpu.vector_load %arg14[%swap3A_105, %swap3A_106] {strides = array<i32>} : memref<64x144xf32, #tpu.memory_space<vmem>>, vector<16xf32>,
      tpu.vector_store %arg14[%swap3A_105, %swap3A_106], %broadcast_in_dim3A_1 {strides = array<i32>} : memref<64x144xf32, #tpu.memory_space<vmem>>, vector<16xf32>,
      %swap3A_108 = arith.index_cast %scan3A_90 : i32 to index
      %swap3A_109 = arith.constant 96 : index
      %swap3A_110 = tpu.vector_load %arg14[%swap3A_108, %swap3A_109] {strides = array<i32>} : memref<64x144xf32, #tpu.memory_space<vmem>>, vector<16xf32>,
      tpu.vector_store %arg14[%swap3A_108, %swap3A_109], %broadcast_in_dim3A_1 {strides = array<i32>} : memref<64x144xf32, #tpu.memory_space<vmem>>, vector<16xf32>,
      %swap3A_111 = arith.index_cast %scan3A_90 : i32 to index
      %swap3A_112 = arith.constant 112 : index
      %swap3A_113 = tpu.vector_load %arg14[%swap3A_111, %swap3A_112] {strides = array<i32>} : memref<64x144xf32, #tpu.memory_space<vmem>>, vector<16xf32>,
      tpu.vector_store %arg14[%swap3A_111, %swap3A_112], %broadcast_in_dim3A_1 {strides = array<i32>} : memref<64x144xf32, #tpu.memory_space<vmem>>, vector<16xf32>,
      %swap3A_114 = arith.index_cast %scan3A_90 : i32 to index
      %swap3A_115 = arith.constant 128 : index
      %swap3A_116 = tpu.vector_load %arg14[%swap3A_114, %swap3A_115] {strides = array<i32>} : memref<64x144xf32, #tpu.memory_space<vmem>>, vector<16xf32>,
      tpu.vector_store %arg14[%swap3A_114, %swap3A_115], %broadcast_in_dim3A_1 {strides = array<i32>} : memref<64x144xf32, #tpu.memory_space<vmem>>, vector<16xf32>,
    }
    %scan3A_6 = arith.constant 64 : i32
    %mul3A_7 = arith.constant 626 : i32
    %mul3A_8 = arith.muli %arg1, %mul3A_7 : i32
    %add3A_9 = arith.constant 0 : i32
    %add3A_10 = arith.addi %mul3A_8, %add3A_9 : i32
    "tpu.region"() ({
      %run_scoped3A = tpu.sem_alloc : memref<!tpu.dma_semaphore, #tpu.memory_space<semaphore_mem>>
      %dma_start3A_90 = arith.constant 0 : i32
      %dma_start3A_91 = tpu.memref_slice %arg16[%add3A_10, %dma_start3A_90] : memref<10016x144xf32, #tpu.memory_space<vmem_shared>> -> memref<64x144xf32, #tpu.memory_space<vmem_shared>>
      %dma_start3A_92 = arith.constant 0 : i32
      %dma_start3A_93 = tpu.memref_slice %arg16[%add3A_10, %dma_start3A_92] : memref<10016x144xf32, #tpu.memory_space<vmem_shared>> -> memref<64x144xf32, #tpu.memory_space<vmem_shared>>
      tpu.enqueue_dma source(%arg14 : memref<64x144xf32, #tpu.memory_space<vmem>>) target(%dma_start3A_93 : memref<64x144xf32, #tpu.memory_space<vmem_shared>>) target_semaphore(%run_scoped3A : memref<!tpu.dma_semaphore, #tpu.memory_space<semaphore_mem>>)
      %dma_wait3A_94 = arith.constant 0 : i32
      %dma_wait3A_95 = tpu.memref_slice %arg16[%add3A_10, %dma_wait3A_94] : memref<10016x144xf32, #tpu.memory_space<vmem_shared>> -> memref<64x144xf32, #tpu.memory_space<vmem_shared>>
      %dma_wait3A_96 = arith.constant 0 : i32
      %dma_wait3A_97 = tpu.memref_slice %arg16[%add3A_10, %dma_wait3A_96] : memref<10016x144xf32, #tpu.memory_space<vmem_shared>> -> memref<64x144xf32, #tpu.memory_space<vmem_shared>>
      tpu.wait_dma2 semaphore(%run_scoped3A : memref<!tpu.dma_semaphore, #tpu.memory_space<semaphore_mem>>) src(%arg14 : memref<64x144xf32, #tpu.memory_space<vmem>>) dst(%dma_wait3A_97 : memref<64x144xf32, #tpu.memory_space<vmem_shared>>)
      tpu.yield
    }) : () -> ()
    %add3A_11 = arith.constant 64 : i32
    %add3A_12 = arith.addi %mul3A_8, %add3A_11 : i32
    "tpu.region"() ({
      %run_scoped3A = tpu.sem_alloc : memref<!tpu.dma_semaphore, #tpu.memory_space<semaphore_mem>>
      %dma_start3A_90 = arith.constant 0 : i32
      %dma_start3A_91 = tpu.memref_slice %arg16[%add3A_12, %dma_start3A_90] : memref<10016x144xf32, #tpu.memory_space<vmem_shared>> -> memref<64x144xf32, #tpu.memory_space<vmem_shared>>
      %dma_start3A_92 = arith.constant 0 : i32
      %dma_start3A_93 = tpu.memref_slice %arg16[%add3A_12, %dma_start3A_92] : memref<10016x144xf32, #tpu.memory_space<vmem_shared>> -> memref<64x144xf32, #tpu.memory_space<vmem_shared>>
      tpu.enqueue_dma source(%arg14 : memref<64x144xf32, #tpu.memory_space<vmem>>) target(%dma_start3A_93 : memref<64x144xf32, #tpu.memory_space<vmem_shared>>) target_semaphore(%run_scoped3A : memref<!tpu.dma_semaphore, #tpu.memory_space<semaphore_mem>>)
      %dma_wait3A_94 = arith.constant 0 : i32
      %dma_wait3A_95 = tpu.memref_slice %arg16[%add3A_12, %dma_wait3A_94] : memref<10016x144xf32, #tpu.memory_space<vmem_shared>> -> memref<64x144xf32, #tpu.memory_space<vmem_shared>>
      %dma_wait3A_96 = arith.constant 0 : i32
      %dma_wait3A_97 = tpu.memref_slice %arg16[%add3A_12, %dma_wait3A_96] : memref<10016x144xf32, #tpu.memory_space<vmem_shared>> -> memref<64x144xf32, #tpu.memory_space<vmem_shared>>
      tpu.wait_dma2 semaphore(%run_scoped3A : memref<!tpu.dma_semaphore, #tpu.memory_space<semaphore_mem>>) src(%arg14 : memref<64x144xf32, #tpu.memory_space<vmem>>) dst(%dma_wait3A_97 : memref<64x144xf32, #tpu.memory_space<vmem_shared>>)
      tpu.yield
    }) : () -> ()
    %add3A_13 = arith.constant 128 : i32
    %add3A_14 = arith.addi %mul3A_8, %add3A_13 : i32
    "tpu.region"() ({
      %run_scoped3A = tpu.sem_alloc : memref<!tpu.dma_semaphore, #tpu.memory_space<semaphore_mem>>
      %dma_start3A_90 = arith.constant 0 : i32
      %dma_start3A_91 = tpu.memref_slice %arg16[%add3A_14, %dma_start3A_90] : memref<10016x144xf32, #tpu.memory_space<vmem_shared>> -> memref<64x144xf32, #tpu.memory_space<vmem_shared>>
      %dma_start3A_92 = arith.constant 0 : i32
      %dma_start3A_93 = tpu.memref_slice %arg16[%add3A_14, %dma_start3A_92] : memref<10016x144xf32, #tpu.memory_space<vmem_shared>> -> memref<64x144xf32, #tpu.memory_space<vmem_shared>>
      tpu.enqueue_dma source(%arg14 : memref<64x144xf32, #tpu.memory_space<vmem>>) target(%dma_start3A_93 : memref<64x144xf32, #tpu.memory_space<vmem_shared>>) target_semaphore(%run_scoped3A : memref<!tpu.dma_semaphore, #tpu.memory_space<semaphore_mem>>)
      %dma_wait3A_94 = arith.constant 0 : i32
      %dma_wait3A_95 = tpu.memref_slice %arg16[%add3A_14, %dma_wait3A_94] : memref<10016x144xf32, #tpu.memory_space<vmem_shared>> -> memref<64x144xf32, #tpu.memory_space<vmem_shared>>
      %dma_wait3A_96 = arith.constant 0 : i32
      %dma_wait3A_97 = tpu.memref_slice %arg16[%add3A_14, %dma_wait3A_96] : memref<10016x144xf32, #tpu.memory_space<vmem_shared>> -> memref<64x144xf32, #tpu.memory_space<vmem_shared>>
      tpu.wait_dma2 semaphore(%run_scoped3A : memref<!tpu.dma_semaphore, #tpu.memory_space<semaphore_mem>>) src(%arg14 : memref<64x144xf32, #tpu.memory_space<vmem>>) dst(%dma_wait3A_97 : memref<64x144xf32, #tpu.memory_space<vmem_shared>>)
      tpu.yield
    }) : () -> ()
    %add3A_15 = arith.constant 192 : i32
    %add3A_16 = arith.addi %mul3A_8, %add3A_15 : i32
    "tpu.region"() ({
      %run_scoped3A = tpu.sem_alloc : memref<!tpu.dma_semaphore, #tpu.memory_space<semaphore_mem>>
      %dma_start3A_90 = arith.constant 0 : i32
      %dma_start3A_91 = tpu.memref_slice %arg16[%add3A_16, %dma_start3A_90] : memref<10016x144xf32, #tpu.memory_space<vmem_shared>> -> memref<64x144xf32, #tpu.memory_space<vmem_shared>>
      %dma_start3A_92 = arith.constant 0 : i32
      %dma_start3A_93 = tpu.memref_slice %arg16[%add3A_16, %dma_start3A_92] : memref<10016x144xf32, #tpu.memory_space<vmem_shared>> -> memref<64x144xf32, #tpu.memory_space<vmem_shared>>
      tpu.enqueue_dma source(%arg14 : memref<64x144xf32, #tpu.memory_space<vmem>>) target(%dma_start3A_93 : memref<64x144xf32, #tpu.memory_space<vmem_shared>>) target_semaphore(%run_scoped3A : memref<!tpu.dma_semaphore, #tpu.memory_space<semaphore_mem>>)
      %dma_wait3A_94 = arith.constant 0 : i32
      %dma_wait3A_95 = tpu.memref_slice %arg16[%add3A_16, %dma_wait3A_94] : memref<10016x144xf32, #tpu.memory_space<vmem_shared>> -> memref<64x144xf32, #tpu.memory_space<vmem_shared>>
      %dma_wait3A_96 = arith.constant 0 : i32
      %dma_wait3A_97 = tpu.memref_slice %arg16[%add3A_16, %dma_wait3A_96] : memref<10016x144xf32, #tpu.memory_space<vmem_shared>> -> memref<64x144xf32, #tpu.memory_space<vmem_shared>>
      tpu.wait_dma2 semaphore(%run_scoped3A : memref<!tpu.dma_semaphore, #tpu.memory_space<semaphore_mem>>) src(%arg14 : memref<64x144xf32, #tpu.memory_space<vmem>>) dst(%dma_wait3A_97 : memref<64x144xf32, #tpu.memory_space<vmem_shared>>)
      tpu.yield
    }) : () -> ()
    %add3A_17 = arith.constant 256 : i32
    %add3A_18 = arith.addi %mul3A_8, %add3A_17 : i32
    "tpu.region"() ({
      %run_scoped3A = tpu.sem_alloc : memref<!tpu.dma_semaphore, #tpu.memory_space<semaphore_mem>>
      %dma_start3A_90 = arith.constant 0 : i32
      %dma_start3A_91 = tpu.memref_slice %arg16[%add3A_18, %dma_start3A_90] : memref<10016x144xf32, #tpu.memory_space<vmem_shared>> -> memref<64x144xf32, #tpu.memory_space<vmem_shared>>
      %dma_start3A_92 = arith.constant 0 : i32
      %dma_start3A_93 = tpu.memref_slice %arg16[%add3A_18, %dma_start3A_92] : memref<10016x144xf32, #tpu.memory_space<vmem_shared>> -> memref<64x144xf32, #tpu.memory_space<vmem_shared>>
      tpu.enqueue_dma source(%arg14 : memref<64x144xf32, #tpu.memory_space<vmem>>) target(%dma_start3A_93 : memref<64x144xf32, #tpu.memory_space<vmem_shared>>) target_semaphore(%run_scoped3A : memref<!tpu.dma_semaphore, #tpu.memory_space<semaphore_mem>>)
      %dma_wait3A_94 = arith.constant 0 : i32
      %dma_wait3A_95 = tpu.memref_slice %arg16[%add3A_18, %dma_wait3A_94] : memref<10016x144xf32, #tpu.memory_space<vmem_shared>> -> memref<64x144xf32, #tpu.memory_space<vmem_shared>>
      %dma_wait3A_96 = arith.constant 0 : i32
      %dma_wait3A_97 = tpu.memref_slice %arg16[%add3A_18, %dma_wait3A_96] : memref<10016x144xf32, #tpu.memory_space<vmem_shared>> -> memref<64x144xf32, #tpu.memory_space<vmem_shared>>
      tpu.wait_dma2 semaphore(%run_scoped3A : memref<!tpu.dma_semaphore, #tpu.memory_space<semaphore_mem>>) src(%arg14 : memref<64x144xf32, #tpu.memory_space<vmem>>) dst(%dma_wait3A_97 : memref<64x144xf32, #tpu.memory_space<vmem_shared>>)
      tpu.yield
    }) : () -> ()
    %add3A_19 = arith.constant 320 : i32
    %add3A_20 = arith.addi %mul3A_8, %add3A_19 : i32
    "tpu.region"() ({
      %run_scoped3A = tpu.sem_alloc : memref<!tpu.dma_semaphore, #tpu.memory_space<semaphore_mem>>
      %dma_start3A_90 = arith.constant 0 : i32
      %dma_start3A_91 = tpu.memref_slice %arg16[%add3A_20, %dma_start3A_90] : memref<10016x144xf32, #tpu.memory_space<vmem_shared>> -> memref<64x144xf32, #tpu.memory_space<vmem_shared>>
      %dma_start3A_92 = arith.constant 0 : i32
      %dma_start3A_93 = tpu.memref_slice %arg16[%add3A_20, %dma_start3A_92] : memref<10016x144xf32, #tpu.memory_space<vmem_shared>> -> memref<64x144xf32, #tpu.memory_space<vmem_shared>>
      tpu.enqueue_dma source(%arg14 : memref<64x144xf32, #tpu.memory_space<vmem>>) target(%dma_start3A_93 : memref<64x144xf32, #tpu.memory_space<vmem_shared>>) target_semaphore(%run_scoped3A : memref<!tpu.dma_semaphore, #tpu.memory_space<semaphore_mem>>)
      %dma_wait3A_94 = arith.constant 0 : i32
      %dma_wait3A_95 = tpu.memref_slice %arg16[%add3A_20, %dma_wait3A_94] : memref<10016x144xf32, #tpu.memory_space<vmem_shared>> -> memref<64x144xf32, #tpu.memory_space<vmem_shared>>
      %dma_wait3A_96 = arith.constant 0 : i32
      %dma_wait3A_97 = tpu.memref_slice %arg16[%add3A_20, %dma_wait3A_96] : memref<10016x144xf32, #tpu.memory_space<vmem_shared>> -> memref<64x144xf32, #tpu.memory_space<vmem_shared>>
      tpu.wait_dma2 semaphore(%run_scoped3A : memref<!tpu.dma_semaphore, #tpu.memory_space<semaphore_mem>>) src(%arg14 : memref<64x144xf32, #tpu.memory_space<vmem>>) dst(%dma_wait3A_97 : memref<64x144xf32, #tpu.memory_space<vmem_shared>>)
      tpu.yield
    }) : () -> ()
    %add3A_21 = arith.constant 384 : i32
    %add3A_22 = arith.addi %mul3A_8, %add3A_21 : i32
    "tpu.region"() ({
      %run_scoped3A = tpu.sem_alloc : memref<!tpu.dma_semaphore, #tpu.memory_space<semaphore_mem>>
      %dma_start3A_90 = arith.constant 0 : i32
      %dma_start3A_91 = tpu.memref_slice %arg16[%add3A_22, %dma_start3A_90] : memref<10016x144xf32, #tpu.memory_space<vmem_shared>> -> memref<64x144xf32, #tpu.memory_space<vmem_shared>>
      %dma_start3A_92 = arith.constant 0 : i32
      %dma_start3A_93 = tpu.memref_slice %arg16[%add3A_22, %dma_start3A_92] : memref<10016x144xf32, #tpu.memory_space<vmem_shared>> -> memref<64x144xf32, #tpu.memory_space<vmem_shared>>
      tpu.enqueue_dma source(%arg14 : memref<64x144xf32, #tpu.memory_space<vmem>>) target(%dma_start3A_93 : memref<64x144xf32, #tpu.memory_space<vmem_shared>>) target_semaphore(%run_scoped3A : memref<!tpu.dma_semaphore, #tpu.memory_space<semaphore_mem>>)
      %dma_wait3A_94 = arith.constant 0 : i32
      %dma_wait3A_95 = tpu.memref_slice %arg16[%add3A_22, %dma_wait3A_94] : memref<10016x144xf32, #tpu.memory_space<vmem_shared>> -> memref<64x144xf32, #tpu.memory_space<vmem_shared>>
      %dma_wait3A_96 = arith.constant 0 : i32
      %dma_wait3A_97 = tpu.memref_slice %arg16[%add3A_22, %dma_wait3A_96] : memref<10016x144xf32, #tpu.memory_space<vmem_shared>> -> memref<64x144xf32, #tpu.memory_space<vmem_shared>>
      tpu.wait_dma2 semaphore(%run_scoped3A : memref<!tpu.dma_semaphore, #tpu.memory_space<semaphore_mem>>) src(%arg14 : memref<64x144xf32, #tpu.memory_space<vmem>>) dst(%dma_wait3A_97 : memref<64x144xf32, #tpu.memory_space<vmem_shared>>)
      tpu.yield
    }) : () -> ()
    %add3A_23 = arith.constant 448 : i32
    %add3A_24 = arith.addi %mul3A_8, %add3A_23 : i32
    "tpu.region"() ({
      %run_scoped3A = tpu.sem_alloc : memref<!tpu.dma_semaphore, #tpu.memory_space<semaphore_mem>>
      %dma_start3A_90 = arith.constant 0 : i32
      %dma_start3A_91 = tpu.memref_slice %arg16[%add3A_24, %dma_start3A_90] : memref<10016x144xf32, #tpu.memory_space<vmem_shared>> -> memref<64x144xf32, #tpu.memory_space<vmem_shared>>
      %dma_start3A_92 = arith.constant 0 : i32
      %dma_start3A_93 = tpu.memref_slice %arg16[%add3A_24, %dma_start3A_92] : memref<10016x144xf32, #tpu.memory_space<vmem_shared>> -> memref<64x144xf32, #tpu.memory_space<vmem_shared>>
      tpu.enqueue_dma source(%arg14 : memref<64x144xf32, #tpu.memory_space<vmem>>) target(%dma_start3A_93 : memref<64x144xf32, #tpu.memory_space<vmem_shared>>) target_semaphore(%run_scoped3A : memref<!tpu.dma_semaphore, #tpu.memory_space<semaphore_mem>>)
      %dma_wait3A_94 = arith.constant 0 : i32
      %dma_wait3A_95 = tpu.memref_slice %arg16[%add3A_24, %dma_wait3A_94] : memref<10016x144xf32, #tpu.memory_space<vmem_shared>> -> memref<64x144xf32, #tpu.memory_space<vmem_shared>>
      %dma_wait3A_96 = arith.constant 0 : i32
      %dma_wait3A_97 = tpu.memref_slice %arg16[%add3A_24, %dma_wait3A_96] : memref<10016x144xf32, #tpu.memory_space<vmem_shared>> -> memref<64x144xf32, #tpu.memory_space<vmem_shared>>
      tpu.wait_dma2 semaphore(%run_scoped3A : memref<!tpu.dma_semaphore, #tpu.memory_space<semaphore_mem>>) src(%arg14 : memref<64x144xf32, #tpu.memory_space<vmem>>) dst(%dma_wait3A_97 : memref<64x144xf32, #tpu.memory_space<vmem_shared>>)
      tpu.yield
    }) : () -> ()
    %add3A_25 = arith.constant 512 : i32
    %add3A_26 = arith.addi %mul3A_8, %add3A_25 : i32
    "tpu.region"() ({
      %run_scoped3A = tpu.sem_alloc : memref<!tpu.dma_semaphore, #tpu.memory_space<semaphore_mem>>
      %dma_start3A_90 = arith.constant 0 : i32
      %dma_start3A_91 = tpu.memref_slice %arg16[%add3A_26, %dma_start3A_90] : memref<10016x144xf32, #tpu.memory_space<vmem_shared>> -> memref<64x144xf32, #tpu.memory_space<vmem_shared>>
      %dma_start3A_92 = arith.constant 0 : i32
      %dma_start3A_93 = tpu.memref_slice %arg16[%add3A_26, %dma_start3A_92] : memref<10016x144xf32, #tpu.memory_space<vmem_shared>> -> memref<64x144xf32, #tpu.memory_space<vmem_shared>>
      tpu.enqueue_dma source(%arg14 : memref<64x144xf32, #tpu.memory_space<vmem>>) target(%dma_start3A_93 : memref<64x144xf32, #tpu.memory_space<vmem_shared>>) target_semaphore(%run_scoped3A : memref<!tpu.dma_semaphore, #tpu.memory_space<semaphore_mem>>)
      %dma_wait3A_94 = arith.constant 0 : i32
      %dma_wait3A_95 = tpu.memref_slice %arg16[%add3A_26, %dma_wait3A_94] : memref<10016x144xf32, #tpu.memory_space<vmem_shared>> -> memref<64x144xf32, #tpu.memory_space<vmem_shared>>
      %dma_wait3A_96 = arith.constant 0 : i32
      %dma_wait3A_97 = tpu.memref_slice %arg16[%add3A_26, %dma_wait3A_96] : memref<10016x144xf32, #tpu.memory_space<vmem_shared>> -> memref<64x144xf32, #tpu.memory_space<vmem_shared>>
      tpu.wait_dma2 semaphore(%run_scoped3A : memref<!tpu.dma_semaphore, #tpu.memory_space<semaphore_mem>>) src(%arg14 : memref<64x144xf32, #tpu.memory_space<vmem>>) dst(%dma_wait3A_97 : memref<64x144xf32, #tpu.memory_space<vmem_shared>>)
      tpu.yield
    }) : () -> ()
    %add3A_27 = arith.constant 626 : i32
    %add3A_28 = arith.addi %mul3A_8, %add3A_27 : i32
    %sub3A = arith.constant 50 : i32
    %sub3A_29 = arith.subi %add3A_28, %sub3A : i32
    "tpu.region"() ({
      %run_scoped3A = tpu.sem_alloc : memref<!tpu.dma_semaphore, #tpu.memory_space<semaphore_mem>>
      %dma_start3A_90 = arith.constant 0 : i32
      %dma_start3A_91 = arith.constant 0 : i32
      %dma_start3A_92 = tpu.memref_slice %arg14[%dma_start3A_90, %dma_start3A_91] : memref<64x144xf32, #tpu.memory_space<vmem>> -> memref<50x144xf32, #tpu.memory_space<vmem>>
      %dma_start3A_93 = arith.constant 0 : i32
      %dma_start3A_94 = tpu.memref_slice %arg16[%sub3A_29, %dma_start3A_93] : memref<10016x144xf32, #tpu.memory_space<vmem_shared>> -> memref<50x144xf32, #tpu.memory_space<vmem_shared>>
      %dma_start3A_95 = arith.constant 0 : i32
      %dma_start3A_96 = tpu.memref_slice %arg16[%sub3A_29, %dma_start3A_95] : memref<10016x144xf32, #tpu.memory_space<vmem_shared>> -> memref<50x144xf32, #tpu.memory_space<vmem_shared>>
      %dma_start3A_97 = arith.constant 0 : i32
      %dma_start3A_98 = arith.constant 0 : i32
      %dma_start3A_99 = tpu.memref_slice %arg14[%dma_start3A_97, %dma_start3A_98] : memref<64x144xf32, #tpu.memory_space<vmem>> -> memref<50x144xf32, #tpu.memory_space<vmem>>
      tpu.enqueue_dma source(%dma_start3A_99 : memref<50x144xf32, #tpu.memory_space<vmem>>) target(%dma_start3A_96 : memref<50x144xf32, #tpu.memory_space<vmem_shared>>) target_semaphore(%run_scoped3A : memref<!tpu.dma_semaphore, #tpu.memory_space<semaphore_mem>>)
      %dma_wait3A_100 = arith.constant 0 : i32
      %dma_wait3A_101 = arith.constant 0 : i32
      %dma_wait3A_102 = tpu.memref_slice %arg14[%dma_wait3A_100, %dma_wait3A_101] : memref<64x144xf32, #tpu.memory_space<vmem>> -> memref<50x144xf32, #tpu.memory_space<vmem>>
      %dma_wait3A_103 = arith.constant 0 : i32
      %dma_wait3A_104 = tpu.memref_slice %arg16[%sub3A_29, %dma_wait3A_103] : memref<10016x144xf32, #tpu.memory_space<vmem_shared>> -> memref<50x144xf32, #tpu.memory_space<vmem_shared>>
      %dma_wait3A_105 = arith.constant 0 : i32
      %dma_wait3A_106 = tpu.memref_slice %arg16[%sub3A_29, %dma_wait3A_105] : memref<10016x144xf32, #tpu.memory_space<vmem_shared>> -> memref<50x144xf32, #tpu.memory_space<vmem_shared>>
      %dma_wait3A_107 = arith.constant 0 : i32
      %dma_wait3A_108 = arith.constant 0 : i32
      %dma_wait3A_109 = tpu.memref_slice %arg14[%dma_wait3A_107, %dma_wait3A_108] : memref<64x144xf32, #tpu.memory_space<vmem>> -> memref<50x144xf32, #tpu.memory_space<vmem>>
      tpu.wait_dma2 semaphore(%run_scoped3A : memref<!tpu.dma_semaphore, #tpu.memory_space<semaphore_mem>>) src(%dma_wait3A_109 : memref<50x144xf32, #tpu.memory_space<vmem>>) dst(%dma_wait3A_106 : memref<50x144xf32, #tpu.memory_space<vmem_shared>>)
      tpu.yield
    }) : () -> ()
    %barrier3A = arith.constant 0 : index
    tpu.barrier barrier_id(%barrier3A)
    %dma_start3A = arith.constant 0 : i32
    %dma_start3A_30 = arith.constant 0 : i32
    %dma_start3A_31 = arith.constant 0 : i32
    %dma_start3A_32 = tpu.memref_slice %arg4[%add3A, %dma_start3A, %dma_start3A_30, %dma_start3A_31] : memref<32x164x2x64xi32, #tpu.memory_space<hbm>> -> memref<1x1x2x64xi32, #tpu.memory_space<hbm>>
    %dma_start3A_33 = tpu.memref_squeeze %dma_start3A_32 : memref<1x1x2x64xi32, #tpu.memory_space<hbm>> -> memref<2x64xi32, #tpu.memory_space<hbm>>
    %dma_start3A_34 = arith.constant 0 : i32
    %dma_start3A_35 = arith.constant 0 : i32
    %dma_start3A_36 = tpu.memref_slice %arg4[%add3A, %dma_start3A, %dma_start3A_34, %dma_start3A_35] : memref<32x164x2x64xi32, #tpu.memory_space<hbm>> -> memref<1x1x2x64xi32, #tpu.memory_space<hbm>>
    %dma_start3A_37 = tpu.memref_squeeze %dma_start3A_36 : memref<1x1x2x64xi32, #tpu.memory_space<hbm>> -> memref<2x64xi32, #tpu.memory_space<hbm>>
    tpu.enqueue_dma source(%dma_start3A_37 : memref<2x64xi32, #tpu.memory_space<hbm>>) target(%arg6 : memref<2x64xi32, #tpu.memory_space<vmem>>) target_semaphore(%arg17 : memref<!tpu.dma_semaphore, #tpu.memory_space<semaphore_mem>>)
    %dma_start3A_38 = arith.constant 1 : i32
    %dma_start3A_39 = arith.constant 0 : i32
    %dma_start3A_40 = arith.constant 0 : i32
    %dma_start3A_41 = tpu.memref_slice %arg4[%add3A, %dma_start3A_38, %dma_start3A_39, %dma_start3A_40] : memref<32x164x2x64xi32, #tpu.memory_space<hbm>> -> memref<1x1x2x64xi32, #tpu.memory_space<hbm>>
    %dma_start3A_42 = tpu.memref_squeeze %dma_start3A_41 : memref<1x1x2x64xi32, #tpu.memory_space<hbm>> -> memref<2x64xi32, #tpu.memory_space<hbm>>
    %dma_start3A_43 = arith.constant 0 : i32
    %dma_start3A_44 = arith.constant 0 : i32
    %dma_start3A_45 = tpu.memref_slice %arg4[%add3A, %dma_start3A_38, %dma_start3A_43, %dma_start3A_44] : memref<32x164x2x64xi32, #tpu.memory_space<hbm>> -> memref<1x1x2x64xi32, #tpu.memory_space<hbm>>
    %dma_start3A_46 = tpu.memref_squeeze %dma_start3A_45 : memref<1x1x2x64xi32, #tpu.memory_space<hbm>> -> memref<2x64xi32, #tpu.memory_space<hbm>>
    tpu.enqueue_dma source(%dma_start3A_46 : memref<2x64xi32, #tpu.memory_space<hbm>>) target(%arg7 : memref<2x64xi32, #tpu.memory_space<vmem>>) target_semaphore(%arg18 : memref<!tpu.dma_semaphore, #tpu.memory_space<semaphore_mem>>)
    %dma_wait3A = arith.constant 0 : i32
    %dma_wait3A_47 = arith.constant 0 : i32
    %dma_wait3A_48 = arith.constant 0 : i32
    %dma_wait3A_49 = tpu.memref_slice %arg4[%add3A, %dma_wait3A, %dma_wait3A_47, %dma_wait3A_48] : memref<32x164x2x64xi32, #tpu.memory_space<hbm>> -> memref<1x1x2x64xi32, #tpu.memory_space<hbm>>
    %dma_wait3A_50 = tpu.memref_squeeze %dma_wait3A_49 : memref<1x1x2x64xi32, #tpu.memory_space<hbm>> -> memref<2x64xi32, #tpu.memory_space<hbm>>
    %dma_wait3A_51 = arith.constant 0 : i32
    %dma_wait3A_52 = arith.constant 0 : i32
    %dma_wait3A_53 = tpu.memref_slice %arg4[%add3A, %dma_wait3A, %dma_wait3A_51, %dma_wait3A_52] : memref<32x164x2x64xi32, #tpu.memory_space<hbm>> -> memref<1x1x2x64xi32, #tpu.memory_space<hbm>>
    %dma_wait3A_54 = tpu.memref_squeeze %dma_wait3A_53 : memref<1x1x2x64xi32, #tpu.memory_space<hbm>> -> memref<2x64xi32, #tpu.memory_space<hbm>>
    tpu.wait_dma2 semaphore(%arg17 : memref<!tpu.dma_semaphore, #tpu.memory_space<semaphore_mem>>) src(%dma_wait3A_54 : memref<2x64xi32, #tpu.memory_space<hbm>>) dst(%arg6 : memref<2x64xi32, #tpu.memory_space<vmem>>)
    %dma_start3A_55 = arith.constant 0 : i32
    %dma_start3A_56 = arith.constant 0 : i32
    %dma_start3A_57 = tpu.memref_slice %arg6[%dma_start3A_55, %dma_start3A_56] : memref<2x64xi32, #tpu.memory_space<vmem>> -> memref<1x64xi32, #tpu.memory_space<vmem>>
    %dma_start3A_58 = tpu.memref_squeeze %dma_start3A_57 : memref<1x64xi32, #tpu.memory_space<vmem>> -> memref<64xi32, #tpu.memory_space<vmem>>
    %dma_start3A_59 = arith.constant 0 : i32
    %dma_start3A_60 = arith.constant 0 : i32
    %dma_start3A_61 = tpu.memref_slice %arg2[%dma_start3A_59, %dma_start3A_60] : memref<10016x160xbf16, #tpu.memory_space<hbm>> -> memref<10016x160xbf16, #tpu.memory_space<hbm>>
    tpu.enqueue_indirect_dma source(%dma_start3A_61 : memref<10016x160xbf16, #tpu.memory_space<hbm>>) target(%arg10 : memref<64x160xbf16, #tpu.memory_space<vmem>>) offsets(%dma_start3A_58 : memref<64xi32, #tpu.memory_space<vmem>>) semaphore(%arg21 : memref<!tpu.dma_semaphore, #tpu.memory_space<semaphore_mem>>)
    %dma_start3A_62 = arith.constant 1 : i32
    %dma_start3A_63 = arith.constant 0 : i32
    %dma_start3A_64 = tpu.memref_slice %arg6[%dma_start3A_62, %dma_start3A_63] : memref<2x64xi32, #tpu.memory_space<vmem>> -> memref<1x64xi32, #tpu.memory_space<vmem>>
    %dma_start3A_65 = tpu.memref_squeeze %dma_start3A_64 : memref<1x64xi32, #tpu.memory_space<vmem>> -> memref<64xi32, #tpu.memory_space<vmem>>
    %dma_start3A_66 = arith.constant 0 : i32
    %dma_start3A_67 = arith.constant 0 : i32
    %dma_start3A_68 = tpu.memref_slice %arg3[%dma_start3A_66, %dma_start3A_67] : memref<10016x16xf32, #tpu.memory_space<hbm>> -> memref<10016x16xf32, #tpu.memory_space<hbm>>
    tpu.enqueue_indirect_dma source(%dma_start3A_68 : memref<10016x16xf32, #tpu.memory_space<hbm>>) target(%arg12 : memref<64x16xf32, #tpu.memory_space<vmem>>) offsets(%dma_start3A_65 : memref<64xi32, #tpu.memory_space<vmem>>) semaphore(%arg23 : memref<!tpu.dma_semaphore, #tpu.memory_space<semaphore_mem>>)
    %scan3A_69 = arith.constant 0 : i32
    %scan3A_70 = arith.constant 0 : i32
    %scan3A_71 = arith.constant 41 : i32
    %scan3A_72 = arith.addi %scan3A_70, %scan3A_71 : i32
    %scan3A_73 = arith.constant 1 : i32
    scf.for %scan3A_90 = %scan3A_70 to %scan3A_72 step %scan3A_73  : i32 {
      %mul3A_91 = arith.constant 4 : i32
      %mul3A_92 = arith.muli %scan3A_90, %mul3A_91 : i32
      %add3A_93 = arith.constant 0 : i32
      %add3A_94 = arith.addi %mul3A_92, %add3A_93 : i32
      %ge3A = arith.constant 1 : i32
      %ge3A_95 = arith.cmpi sge, %scan3A_90, %ge3A : i32
      %convert_element_type3A = arith.extui %ge3A_95 : i1 to i32
      %cond3A = arith.constant 0 : i32
      %cond3A_96 = arith.cmpi ne, %convert_element_type3A, %cond3A : i32
      scf.if %cond3A_96 {
        %dma_wait3A_335 = arith.constant 1 : i32
        %dma_wait3A_336 = arith.constant 0 : i32
        %dma_wait3A_337 = tpu.memref_slice %arg8[%dma_wait3A_335, %dma_wait3A_336] : memref<2x64xi32, #tpu.memory_space<vmem>> -> memref<1x64xi32, #tpu.memory_space<vmem>>
        %dma_wait3A_338 = tpu.memref_squeeze %dma_wait3A_337 : memref<1x64xi32, #tpu.memory_space<vmem>> -> memref<64xi32, #tpu.memory_space<vmem>>
        %dma_wait3A_339 = arith.constant 0 : i32
        %dma_wait3A_340 = arith.constant 0 : i32
        %dma_wait3A_341 = tpu.memref_slice %arg16[%dma_wait3A_339, %dma_wait3A_340] : memref<10016x144xf32, #tpu.memory_space<vmem_shared>> -> memref<10016x144xf32, #tpu.memory_space<vmem_shared>>
        tpu.wait_indirect_dma semaphore(%arg25 : memref<!tpu.dma_semaphore, #tpu.memory_space<semaphore_mem>>) src(%arg14 : memref<64x144xf32, #tpu.memory_space<vmem>>) dst(%dma_wait3A_341 : memref<10016x144xf32, #tpu.memory_space<vmem_shared>>)
      } else {
      }
      %add3A_97 = arith.constant 2 : i32
      %add3A_98 = arith.addi %add3A_94, %add3A_97 : i32
      %dma_start3A_99 = arith.constant 0 : i32
      %dma_start3A_100 = arith.constant 0 : i32
      %dma_start3A_101 = tpu.memref_slice %arg4[%add3A, %add3A_98, %dma_start3A_99, %dma_start3A_100] : memref<32x164x2x64xi32, #tpu.memory_space<hbm>> -> memref<1x1x2x64xi32, #tpu.memory_space<hbm>>
      %dma_start3A_102 = tpu.memref_squeeze %dma_start3A_101 : memref<1x1x2x64xi32, #tpu.memory_space<hbm>> -> memref<2x64xi32, #tpu.memory_space<hbm>>
      %dma_start3A_103 = arith.constant 0 : i32
      %dma_start3A_104 = arith.constant 0 : i32
      %dma_start3A_105 = tpu.memref_slice %arg4[%add3A, %add3A_98, %dma_start3A_103, %dma_start3A_104] : memref<32x164x2x64xi32, #tpu.memory_space<hbm>> -> memref<1x1x2x64xi32, #tpu.memory_space<hbm>>
      %dma_start3A_106 = tpu.memref_squeeze %dma_start3A_105 : memref<1x1x2x64xi32, #tpu.memory_space<hbm>> -> memref<2x64xi32, #tpu.memory_space<hbm>>
      tpu.enqueue_dma source(%dma_start3A_106 : memref<2x64xi32, #tpu.memory_space<hbm>>) target(%arg8 : memref<2x64xi32, #tpu.memory_space<vmem>>) target_semaphore(%arg19 : memref<!tpu.dma_semaphore, #tpu.memory_space<semaphore_mem>>)
      %add3A_107 = arith.constant 1 : i32
      %add3A_108 = arith.addi %add3A_94, %add3A_107 : i32
      %dma_wait3A_109 = arith.constant 0 : i32
      %dma_wait3A_110 = arith.constant 0 : i32
      %dma_wait3A_111 = tpu.memref_slice %arg4[%add3A, %add3A_108, %dma_wait3A_109, %dma_wait3A_110] : memref<32x164x2x64xi32, #tpu.memory_space<hbm>> -> memref<1x1x2x64xi32, #tpu.memory_space<hbm>>
      %dma_wait3A_112 = tpu.memref_squeeze %dma_wait3A_111 : memref<1x1x2x64xi32, #tpu.memory_space<hbm>> -> memref<2x64xi32, #tpu.memory_space<hbm>>
      %dma_wait3A_113 = arith.constant 0 : i32
      %dma_wait3A_114 = arith.constant 0 : i32
      %dma_wait3A_115 = tpu.memref_slice %arg4[%add3A, %add3A_108, %dma_wait3A_113, %dma_wait3A_114] : memref<32x164x2x64xi32, #tpu.memory_space<hbm>> -> memref<1x1x2x64xi32, #tpu.memory_space<hbm>>
      %dma_wait3A_116 = tpu.memref_squeeze %dma_wait3A_115 : memref<1x1x2x64xi32, #tpu.memory_space<hbm>> -> memref<2x64xi32, #tpu.memory_space<hbm>>
      tpu.wait_dma2 semaphore(%arg18 : memref<!tpu.dma_semaphore, #tpu.memory_space<semaphore_mem>>) src(%dma_wait3A_116 : memref<2x64xi32, #tpu.memory_space<hbm>>) dst(%arg7 : memref<2x64xi32, #tpu.memory_space<vmem>>)
      %add3A_117 = arith.constant 1 : i32
      %add3A_118 = arith.addi %add3A_94, %add3A_117 : i32
      %dma_start3A_119 = arith.constant 0 : i32
      %dma_start3A_120 = arith.constant 0 : i32
      %dma_start3A_121 = tpu.memref_slice %arg7[%dma_start3A_119, %dma_start3A_120] : memref<2x64xi32, #tpu.memory_space<vmem>> -> memref<1x64xi32, #tpu.memory_space<vmem>>
      %dma_start3A_122 = tpu.memref_squeeze %dma_start3A_121 : memref<1x64xi32, #tpu.memory_space<vmem>> -> memref<64xi32, #tpu.memory_space<vmem>>
      %dma_start3A_123 = arith.constant 0 : i32
      %dma_start3A_124 = arith.constant 0 : i32
      %dma_start3A_125 = tpu.memref_slice %arg2[%dma_start3A_123, %dma_start3A_124] : memref<10016x160xbf16, #tpu.memory_space<hbm>> -> memref<10016x160xbf16, #tpu.memory_space<hbm>>
      tpu.enqueue_indirect_dma source(%dma_start3A_125 : memref<10016x160xbf16, #tpu.memory_space<hbm>>) target(%arg11 : memref<64x160xbf16, #tpu.memory_space<vmem>>) offsets(%dma_start3A_122 : memref<64xi32, #tpu.memory_space<vmem>>) semaphore(%arg22 : memref<!tpu.dma_semaphore, #tpu.memory_space<semaphore_mem>>)
      %dma_start3A_126 = arith.constant 1 : i32
      %dma_start3A_127 = arith.constant 0 : i32
      %dma_start3A_128 = tpu.memref_slice %arg7[%dma_start3A_126, %dma_start3A_127] : memref<2x64xi32, #tpu.memory_space<vmem>> -> memref<1x64xi32, #tpu.memory_space<vmem>>
      %dma_start3A_129 = tpu.memref_squeeze %dma_start3A_128 : memref<1x64xi32, #tpu.memory_space<vmem>> -> memref<64xi32, #tpu.memory_space<vmem>>
      %dma_start3A_130 = arith.constant 0 : i32
      %dma_start3A_131 = arith.constant 0 : i32
      %dma_start3A_132 = tpu.memref_slice %arg3[%dma_start3A_130, %dma_start3A_131] : memref<10016x16xf32, #tpu.memory_space<hbm>> -> memref<10016x16xf32, #tpu.memory_space<hbm>>
      tpu.enqueue_indirect_dma source(%dma_start3A_132 : memref<10016x16xf32, #tpu.memory_space<hbm>>) target(%arg13 : memref<64x16xf32, #tpu.memory_space<vmem>>) offsets(%dma_start3A_129 : memref<64xi32, #tpu.memory_space<vmem>>) semaphore(%arg24 : memref<!tpu.dma_semaphore, #tpu.memory_space<semaphore_mem>>)
      %dma_wait3A_133 = arith.constant 0 : i32
      %dma_wait3A_134 = arith.constant 0 : i32
      %dma_wait3A_135 = tpu.memref_slice %arg6[%dma_wait3A_133, %dma_wait3A_134] : memref<2x64xi32, #tpu.memory_space<vmem>> -> memref<1x64xi32, #tpu.memory_space<vmem>>
      %dma_wait3A_136 = tpu.memref_squeeze %dma_wait3A_135 : memref<1x64xi32, #tpu.memory_space<vmem>> -> memref<64xi32, #tpu.memory_space<vmem>>
      %dma_wait3A_137 = arith.constant 0 : i32
      %dma_wait3A_138 = arith.constant 0 : i32
      %dma_wait3A_139 = tpu.memref_slice %arg2[%dma_wait3A_137, %dma_wait3A_138] : memref<10016x160xbf16, #tpu.memory_space<hbm>> -> memref<10016x160xbf16, #tpu.memory_space<hbm>>
      tpu.wait_indirect_dma semaphore(%arg21 : memref<!tpu.dma_semaphore, #tpu.memory_space<semaphore_mem>>) src(%dma_wait3A_139 : memref<10016x160xbf16, #tpu.memory_space<hbm>>) dst(%arg10 : memref<64x160xbf16, #tpu.memory_space<vmem>>)
      %dma_wait3A_140 = arith.constant 1 : i32
      %dma_wait3A_141 = arith.constant 0 : i32
      %dma_wait3A_142 = tpu.memref_slice %arg6[%dma_wait3A_140, %dma_wait3A_141] : memref<2x64xi32, #tpu.memory_space<vmem>> -> memref<1x64xi32, #tpu.memory_space<vmem>>
      %dma_wait3A_143 = tpu.memref_squeeze %dma_wait3A_142 : memref<1x64xi32, #tpu.memory_space<vmem>> -> memref<64xi32, #tpu.memory_space<vmem>>
      %dma_wait3A_144 = arith.constant 0 : i32
      %dma_wait3A_145 = arith.constant 0 : i32
      %dma_wait3A_146 = tpu.memref_slice %arg3[%dma_wait3A_144, %dma_wait3A_145] : memref<10016x16xf32, #tpu.memory_space<hbm>> -> memref<10016x16xf32, #tpu.memory_space<hbm>>
      tpu.wait_indirect_dma semaphore(%arg23 : memref<!tpu.dma_semaphore, #tpu.memory_space<semaphore_mem>>) src(%dma_wait3A_146 : memref<10016x16xf32, #tpu.memory_space<hbm>>) dst(%arg12 : memref<64x16xf32, #tpu.memory_space<vmem>>)
      %parallel_loop3A = arith.constant 0 : i32
      %parallel_loop3A_147 = arith.constant 64 : i32
      %parallel_loop3A_148 = arith.constant 1 : i32
      scf.for %parallel_loop3A_335 = %parallel_loop3A to %parallel_loop3A_147 step %parallel_loop3A_148  : i32 {
        %parallel_loop3A_336 = arith.index_cast %parallel_loop3A_335 : i32 to index
        %parallel_loop3A_337 = arith.constant 0 : index
        %parallel_loop3A_338 = tpu.vector_load %arg10[%parallel_loop3A_336, %parallel_loop3A_337] {strides = array<i32>} : memref<64x160xbf16, #tpu.memory_space<vmem>>, vector<32xbf16>,
        %parallel_loop3A_339 = tpu.unpack_subelements %parallel_loop3A_338, 0 {pack_format = #tpu.pack_format<interleaved>} : vector<32xbf16> -> vector<16xf32>
        %parallel_loop3A_340 = tpu.unpack_subelements %parallel_loop3A_338, 1 {pack_format = #tpu.pack_format<interleaved>} : vector<32xbf16> -> vector<16xf32>
        %parallel_loop3A_341 = arith.index_cast %parallel_loop3A_335 : i32 to index
        %parallel_loop3A_342 = arith.constant 32 : index
        %parallel_loop3A_343 = tpu.vector_load %arg10[%parallel_loop3A_341, %parallel_loop3A_342] {strides = array<i32>} : memref<64x160xbf16, #tpu.memory_space<vmem>>, vector<32xbf16>,
        %parallel_loop3A_344 = tpu.unpack_subelements %parallel_loop3A_343, 0 {pack_format = #tpu.pack_format<interleaved>} : vector<32xbf16> -> vector<16xf32>
        %parallel_loop3A_345 = tpu.unpack_subelements %parallel_loop3A_343, 1 {pack_format = #tpu.pack_format<interleaved>} : vector<32xbf16> -> vector<16xf32>
        %parallel_loop3A_346 = arith.index_cast %parallel_loop3A_335 : i32 to index
        %parallel_loop3A_347 = arith.constant 64 : index
        %parallel_loop3A_348 = tpu.vector_load %arg10[%parallel_loop3A_346, %parallel_loop3A_347] {strides = array<i32>} : memref<64x160xbf16, #tpu.memory_space<vmem>>, vector<32xbf16>,
        %parallel_loop3A_349 = tpu.unpack_subelements %parallel_loop3A_348, 0 {pack_format = #tpu.pack_format<interleaved>} : vector<32xbf16> -> vector<16xf32>
        %parallel_loop3A_350 = tpu.unpack_subelements %parallel_loop3A_348, 1 {pack_format = #tpu.pack_format<interleaved>} : vector<32xbf16> -> vector<16xf32>
        %parallel_loop3A_351 = arith.index_cast %parallel_loop3A_335 : i32 to index
        %parallel_loop3A_352 = arith.constant 96 : index
        %parallel_loop3A_353 = tpu.vector_load %arg10[%parallel_loop3A_351, %parallel_loop3A_352] {strides = array<i32>} : memref<64x160xbf16, #tpu.memory_space<vmem>>, vector<32xbf16>,
        %parallel_loop3A_354 = tpu.unpack_subelements %parallel_loop3A_353, 0 {pack_format = #tpu.pack_format<interleaved>} : vector<32xbf16> -> vector<16xf32>
        %parallel_loop3A_355 = tpu.unpack_subelements %parallel_loop3A_353, 1 {pack_format = #tpu.pack_format<interleaved>} : vector<32xbf16> -> vector<16xf32>
        %parallel_loop3A_356 = arith.index_cast %parallel_loop3A_335 : i32 to index
        %parallel_loop3A_357 = arith.constant 128 : index
        %parallel_loop3A_358 = tpu.vector_load %arg10[%parallel_loop3A_356, %parallel_loop3A_357] {strides = array<i32>} : memref<64x160xbf16, #tpu.memory_space<vmem>>, vector<32xbf16>,
        %parallel_loop3A_359 = tpu.unpack_subelements %parallel_loop3A_358, 0 {pack_format = #tpu.pack_format<interleaved>} : vector<32xbf16> -> vector<16xf32>
        %parallel_loop3A_360 = tpu.unpack_subelements %parallel_loop3A_358, 1 {pack_format = #tpu.pack_format<interleaved>} : vector<32xbf16> -> vector<16xf32>
        %parallel_loop3A_361 = arith.index_cast %parallel_loop3A_335 : i32 to index
        %parallel_loop3A_362 = arith.constant 0 : index
        %parallel_loop3A_363 = tpu.vector_load %arg12[%parallel_loop3A_361, %parallel_loop3A_362] {strides = array<i32>} : memref<64x16xf32, #tpu.memory_space<vmem>>, vector<16xf32>,
        %parallel_loop3A_364 = arith.addf %parallel_loop3A_359, %parallel_loop3A_363 : vector<16xf32>
        %parallel_loop3A_365 = arith.constant 2.000000e-01 : f32
        %parallel_loop3A_366 = vector.broadcast %parallel_loop3A_365 : f32 to vector<16xf32>
        %parallel_loop3A_367 = arith.mulf %parallel_loop3A_364, %parallel_loop3A_366 : vector<16xf32>
        %parallel_loop3A_368 = arith.maximumf %parallel_loop3A_364, %parallel_loop3A_367 : vector<16xf32>
        %parallel_loop3A_369 = math.exp %parallel_loop3A_368 : vector<16xf32>
        %parallel_loop3A_370 = arith.index_cast %parallel_loop3A_335 : i32 to index
        %parallel_loop3A_371 = arith.constant 128 : index
        %parallel_loop3A_372 = tpu.vector_load %arg14[%parallel_loop3A_370, %parallel_loop3A_371] {strides = array<i32>} : memref<64x144xf32, #tpu.memory_space<vmem>>, vector<16xf32>,
        tpu.vector_store %arg14[%parallel_loop3A_370, %parallel_loop3A_371], %parallel_loop3A_369 {strides = array<i32>} : memref<64x144xf32, #tpu.memory_space<vmem>>, vector<16xf32>,
        %parallel_loop3A_373 = arith.constant 0 : i32
        %parallel_loop3A_374 = vector.broadcast %parallel_loop3A_373 : i32 to vector<16x1xi32>
        %parallel_loop3A_375 = vector.shape_cast %parallel_loop3A_374 : vector<16x1xi32> to vector<16xi32>
        %parallel_loop3A_376 = tpu.dynamic_gather %parallel_loop3A_369[%parallel_loop3A_375] in [0] : vector<16xf32>, vector<16xi32> -> vector<16xf32>
        %parallel_loop3A_377 = arith.mulf %parallel_loop3A_339, %parallel_loop3A_376 : vector<16xf32>
        %parallel_loop3A_378 = arith.index_cast %parallel_loop3A_335 : i32 to index
        %parallel_loop3A_379 = arith.constant 0 : index
        %parallel_loop3A_380 = tpu.vector_load %arg14[%parallel_loop3A_378, %parallel_loop3A_379] {strides = array<i32>} : memref<64x144xf32, #tpu.memory_space<vmem>>, vector<16xf32>,
        tpu.vector_store %arg14[%parallel_loop3A_378, %parallel_loop3A_379], %parallel_loop3A_377 {strides = array<i32>} : memref<64x144xf32, #tpu.memory_space<vmem>>, vector<16xf32>,
        %parallel_loop3A_381 = arith.constant 0 : i32
        %parallel_loop3A_382 = vector.broadcast %parallel_loop3A_381 : i32 to vector<16x1xi32>
        %parallel_loop3A_383 = vector.shape_cast %parallel_loop3A_382 : vector<16x1xi32> to vector<16xi32>
        %parallel_loop3A_384 = tpu.dynamic_gather %parallel_loop3A_369[%parallel_loop3A_383] in [0] : vector<16xf32>, vector<16xi32> -> vector<16xf32>
        %parallel_loop3A_385 = arith.mulf %parallel_loop3A_340, %parallel_loop3A_384 : vector<16xf32>
        %parallel_loop3A_386 = arith.index_cast %parallel_loop3A_335 : i32 to index
        %parallel_loop3A_387 = arith.constant 16 : index
        %parallel_loop3A_388 = tpu.vector_load %arg14[%parallel_loop3A_386, %parallel_loop3A_387] {strides = array<i32>} : memref<64x144xf32, #tpu.memory_space<vmem>>, vector<16xf32>,
        tpu.vector_store %arg14[%parallel_loop3A_386, %parallel_loop3A_387], %parallel_loop3A_385 {strides = array<i32>} : memref<64x144xf32, #tpu.memory_space<vmem>>, vector<16xf32>,
        %parallel_loop3A_389 = arith.constant 0 : i32
        %parallel_loop3A_390 = vector.broadcast %parallel_loop3A_389 : i32 to vector<16x1xi32>
        %parallel_loop3A_391 = vector.shape_cast %parallel_loop3A_390 : vector<16x1xi32> to vector<16xi32>
        %parallel_loop3A_392 = tpu.dynamic_gather %parallel_loop3A_369[%parallel_loop3A_391] in [0] : vector<16xf32>, vector<16xi32> -> vector<16xf32>
        %parallel_loop3A_393 = arith.mulf %parallel_loop3A_344, %parallel_loop3A_392 : vector<16xf32>
        %parallel_loop3A_394 = arith.index_cast %parallel_loop3A_335 : i32 to index
        %parallel_loop3A_395 = arith.constant 32 : index
        %parallel_loop3A_396 = tpu.vector_load %arg14[%parallel_loop3A_394, %parallel_loop3A_395] {strides = array<i32>} : memref<64x144xf32, #tpu.memory_space<vmem>>, vector<16xf32>,
        tpu.vector_store %arg14[%parallel_loop3A_394, %parallel_loop3A_395], %parallel_loop3A_393 {strides = array<i32>} : memref<64x144xf32, #tpu.memory_space<vmem>>, vector<16xf32>,
        %parallel_loop3A_397 = arith.constant 0 : i32
        %parallel_loop3A_398 = vector.broadcast %parallel_loop3A_397 : i32 to vector<16x1xi32>
        %parallel_loop3A_399 = vector.shape_cast %parallel_loop3A_398 : vector<16x1xi32> to vector<16xi32>
        %parallel_loop3A_400 = tpu.dynamic_gather %parallel_loop3A_369[%parallel_loop3A_399] in [0] : vector<16xf32>, vector<16xi32> -> vector<16xf32>
        %parallel_loop3A_401 = arith.mulf %parallel_loop3A_345, %parallel_loop3A_400 : vector<16xf32>
        %parallel_loop3A_402 = arith.index_cast %parallel_loop3A_335 : i32 to index
        %parallel_loop3A_403 = arith.constant 48 : index
        %parallel_loop3A_404 = tpu.vector_load %arg14[%parallel_loop3A_402, %parallel_loop3A_403] {strides = array<i32>} : memref<64x144xf32, #tpu.memory_space<vmem>>, vector<16xf32>,
        tpu.vector_store %arg14[%parallel_loop3A_402, %parallel_loop3A_403], %parallel_loop3A_401 {strides = array<i32>} : memref<64x144xf32, #tpu.memory_space<vmem>>, vector<16xf32>,
        %parallel_loop3A_405 = arith.constant 0 : i32
        %parallel_loop3A_406 = vector.broadcast %parallel_loop3A_405 : i32 to vector<16x1xi32>
        %parallel_loop3A_407 = vector.shape_cast %parallel_loop3A_406 : vector<16x1xi32> to vector<16xi32>
        %parallel_loop3A_408 = tpu.dynamic_gather %parallel_loop3A_369[%parallel_loop3A_407] in [0] : vector<16xf32>, vector<16xi32> -> vector<16xf32>
        %parallel_loop3A_409 = arith.mulf %parallel_loop3A_349, %parallel_loop3A_408 : vector<16xf32>
        %parallel_loop3A_410 = arith.index_cast %parallel_loop3A_335 : i32 to index
        %parallel_loop3A_411 = arith.constant 64 : index
        %parallel_loop3A_412 = tpu.vector_load %arg14[%parallel_loop3A_410, %parallel_loop3A_411] {strides = array<i32>} : memref<64x144xf32, #tpu.memory_space<vmem>>, vector<16xf32>,
        tpu.vector_store %arg14[%parallel_loop3A_410, %parallel_loop3A_411], %parallel_loop3A_409 {strides = array<i32>} : memref<64x144xf32, #tpu.memory_space<vmem>>, vector<16xf32>,
        %parallel_loop3A_413 = arith.constant 0 : i32
        %parallel_loop3A_414 = vector.broadcast %parallel_loop3A_413 : i32 to vector<16x1xi32>
        %parallel_loop3A_415 = vector.shape_cast %parallel_loop3A_414 : vector<16x1xi32> to vector<16xi32>
        %parallel_loop3A_416 = tpu.dynamic_gather %parallel_loop3A_369[%parallel_loop3A_415] in [0] : vector<16xf32>, vector<16xi32> -> vector<16xf32>
        %parallel_loop3A_417 = arith.mulf %parallel_loop3A_350, %parallel_loop3A_416 : vector<16xf32>
        %parallel_loop3A_418 = arith.index_cast %parallel_loop3A_335 : i32 to index
        %parallel_loop3A_419 = arith.constant 80 : index
        %parallel_loop3A_420 = tpu.vector_load %arg14[%parallel_loop3A_418, %parallel_loop3A_419] {strides = array<i32>} : memref<64x144xf32, #tpu.memory_space<vmem>>, vector<16xf32>,
        tpu.vector_store %arg14[%parallel_loop3A_418, %parallel_loop3A_419], %parallel_loop3A_417 {strides = array<i32>} : memref<64x144xf32, #tpu.memory_space<vmem>>, vector<16xf32>,
        %parallel_loop3A_421 = arith.constant 0 : i32
        %parallel_loop3A_422 = vector.broadcast %parallel_loop3A_421 : i32 to vector<16x1xi32>
        %parallel_loop3A_423 = vector.shape_cast %parallel_loop3A_422 : vector<16x1xi32> to vector<16xi32>
        %parallel_loop3A_424 = tpu.dynamic_gather %parallel_loop3A_369[%parallel_loop3A_423] in [0] : vector<16xf32>, vector<16xi32> -> vector<16xf32>
        %parallel_loop3A_425 = arith.mulf %parallel_loop3A_354, %parallel_loop3A_424 : vector<16xf32>
        %parallel_loop3A_426 = arith.index_cast %parallel_loop3A_335 : i32 to index
        %parallel_loop3A_427 = arith.constant 96 : index
        %parallel_loop3A_428 = tpu.vector_load %arg14[%parallel_loop3A_426, %parallel_loop3A_427] {strides = array<i32>} : memref<64x144xf32, #tpu.memory_space<vmem>>, vector<16xf32>,
        tpu.vector_store %arg14[%parallel_loop3A_426, %parallel_loop3A_427], %parallel_loop3A_425 {strides = array<i32>} : memref<64x144xf32, #tpu.memory_space<vmem>>, vector<16xf32>,
        %parallel_loop3A_429 = arith.constant 0 : i32
        %parallel_loop3A_430 = vector.broadcast %parallel_loop3A_429 : i32 to vector<16x1xi32>
        %parallel_loop3A_431 = vector.shape_cast %parallel_loop3A_430 : vector<16x1xi32> to vector<16xi32>
        %parallel_loop3A_432 = tpu.dynamic_gather %parallel_loop3A_369[%parallel_loop3A_431] in [0] : vector<16xf32>, vector<16xi32> -> vector<16xf32>
        %parallel_loop3A_433 = arith.mulf %parallel_loop3A_355, %parallel_loop3A_432 : vector<16xf32>
        %parallel_loop3A_434 = arith.index_cast %parallel_loop3A_335 : i32 to index
        %parallel_loop3A_435 = arith.constant 112 : index
        %parallel_loop3A_436 = tpu.vector_load %arg14[%parallel_loop3A_434, %parallel_loop3A_435] {strides = array<i32>} : memref<64x144xf32, #tpu.memory_space<vmem>>, vector<16xf32>,
        tpu.vector_store %arg14[%parallel_loop3A_434, %parallel_loop3A_435], %parallel_loop3A_433 {strides = array<i32>} : memref<64x144xf32, #tpu.memory_space<vmem>>, vector<16xf32>,
      } {sc.loop_unroll_factor = 4 : i64, sc.parallel_access}
      %dma_start3A_149 = arith.constant 1 : i32
      %dma_start3A_150 = arith.constant 0 : i32
      %dma_start3A_151 = tpu.memref_slice %arg6[%dma_start3A_149, %dma_start3A_150] : memref<2x64xi32, #tpu.memory_space<vmem>> -> memref<1x64xi32, #tpu.memory_space<vmem>>
      %dma_start3A_152 = tpu.memref_squeeze %dma_start3A_151 : memref<1x64xi32, #tpu.memory_space<vmem>> -> memref<64xi32, #tpu.memory_space<vmem>>
      %dma_start3A_153 = arith.constant 0 : i32
      %dma_start3A_154 = arith.constant 0 : i32
      %dma_start3A_155 = tpu.memref_slice %arg16[%dma_start3A_153, %dma_start3A_154] : memref<10016x144xf32, #tpu.memory_space<vmem_shared>> -> memref<10016x144xf32, #tpu.memory_space<vmem_shared>>
      tpu.enqueue_indirect_dma source(%arg14 : memref<64x144xf32, #tpu.memory_space<vmem>>) target(%dma_start3A_155 : memref<10016x144xf32, #tpu.memory_space<vmem_shared>>) offsets(%dma_start3A_152 : memref<64xi32, #tpu.memory_space<vmem>>) semaphore(%arg25 : memref<!tpu.dma_semaphore, #tpu.memory_space<semaphore_mem>>) {add = true}
      %mul3A_156 = arith.constant 4 : i32
      %mul3A_157 = arith.muli %scan3A_90, %mul3A_156 : i32
      %add3A_158 = arith.constant 1 : i32
      %add3A_159 = arith.addi %mul3A_157, %add3A_158 : i32
      %ge3A_160 = arith.constant 1 : i32
      %ge3A_161 = arith.cmpi sge, %scan3A_90, %ge3A_160 : i32
      %convert_element_type3A_162 = arith.extui %ge3A_161 : i1 to i32
      %cond3A_163 = arith.constant 0 : i32
      %cond3A_164 = arith.cmpi ne, %convert_element_type3A_162, %cond3A_163 : i32
      scf.if %cond3A_164 {
        %dma_wait3A_335 = arith.constant 1 : i32
        %dma_wait3A_336 = arith.constant 0 : i32
        %dma_wait3A_337 = tpu.memref_slice %arg9[%dma_wait3A_335, %dma_wait3A_336] : memref<2x64xi32, #tpu.memory_space<vmem>> -> memref<1x64xi32, #tpu.memory_space<vmem>>
        %dma_wait3A_338 = tpu.memref_squeeze %dma_wait3A_337 : memref<1x64xi32, #tpu.memory_space<vmem>> -> memref<64xi32, #tpu.memory_space<vmem>>
        %dma_wait3A_339 = arith.constant 0 : i32
        %dma_wait3A_340 = arith.constant 0 : i32
        %dma_wait3A_341 = tpu.memref_slice %arg16[%dma_wait3A_339, %dma_wait3A_340] : memref<10016x144xf32, #tpu.memory_space<vmem_shared>> -> memref<10016x144xf32, #tpu.memory_space<vmem_shared>>
        tpu.wait_indirect_dma semaphore(%arg26 : memref<!tpu.dma_semaphore, #tpu.memory_space<semaphore_mem>>) src(%arg15 : memref<64x144xf32, #tpu.memory_space<vmem>>) dst(%dma_wait3A_341 : memref<10016x144xf32, #tpu.memory_space<vmem_shared>>)
      } else {
      }
      %add3A_165 = arith.constant 2 : i32
      %add3A_166 = arith.addi %add3A_159, %add3A_165 : i32
      %dma_start3A_167 = arith.constant 0 : i32
      %dma_start3A_168 = arith.constant 0 : i32
      %dma_start3A_169 = tpu.memref_slice %arg4[%add3A, %add3A_166, %dma_start3A_167, %dma_start3A_168] : memref<32x164x2x64xi32, #tpu.memory_space<hbm>> -> memref<1x1x2x64xi32, #tpu.memory_space<hbm>>
      %dma_start3A_170 = tpu.memref_squeeze %dma_start3A_169 : memref<1x1x2x64xi32, #tpu.memory_space<hbm>> -> memref<2x64xi32, #tpu.memory_space<hbm>>
      %dma_start3A_171 = arith.constant 0 : i32
      %dma_start3A_172 = arith.constant 0 : i32
      %dma_start3A_173 = tpu.memref_slice %arg4[%add3A, %add3A_166, %dma_start3A_171, %dma_start3A_172] : memref<32x164x2x64xi32, #tpu.memory_space<hbm>> -> memref<1x1x2x64xi32, #tpu.memory_space<hbm>>
      %dma_start3A_174 = tpu.memref_squeeze %dma_start3A_173 : memref<1x1x2x64xi32, #tpu.memory_space<hbm>> -> memref<2x64xi32, #tpu.memory_space<hbm>>
      tpu.enqueue_dma source(%dma_start3A_174 : memref<2x64xi32, #tpu.memory_space<hbm>>) target(%arg9 : memref<2x64xi32, #tpu.memory_space<vmem>>) target_semaphore(%arg20 : memref<!tpu.dma_semaphore, #tpu.memory_space<semaphore_mem>>)
      %add3A_175 = arith.constant 1 : i32
      %add3A_176 = arith.addi %add3A_159, %add3A_175 : i32
      %dma_wait3A_177 = arith.constant 0 : i32
      %dma_wait3A_178 = arith.constant 0 : i32
      %dma_wait3A_179 = tpu.memref_slice %arg4[%add3A, %add3A_176, %dma_wait3A_177, %dma_wait3A_178] : memref<32x164x2x64xi32, #tpu.memory_space<hbm>> -> memref<1x1x2x64xi32, #tpu.memory_space<hbm>>
      %dma_wait3A_180 = tpu.memref_squeeze %dma_wait3A_179 : memref<1x1x2x64xi32, #tpu.memory_space<hbm>> -> memref<2x64xi32, #tpu.memory_space<hbm>>
      %dma_wait3A_181 = arith.constant 0 : i32
      %dma_wait3A_182 = arith.constant 0 : i32
      %dma_wait3A_183 = tpu.memref_slice %arg4[%add3A, %add3A_176, %dma_wait3A_181, %dma_wait3A_182] : memref<32x164x2x64xi32, #tpu.memory_space<hbm>> -> memref<1x1x2x64xi32, #tpu.memory_space<hbm>>
      %dma_wait3A_184 = tpu.memref_squeeze %dma_wait3A_183 : memref<1x1x2x64xi32, #tpu.memory_space<hbm>> -> memref<2x64xi32, #tpu.memory_space<hbm>>
      tpu.wait_dma2 semaphore(%arg19 : memref<!tpu.dma_semaphore, #tpu.memory_space<semaphore_mem>>) src(%dma_wait3A_184 : memref<2x64xi32, #tpu.memory_space<hbm>>) dst(%arg8 : memref<2x64xi32, #tpu.memory_space<vmem>>)
      %add3A_185 = arith.constant 1 : i32
      %add3A_186 = arith.addi %add3A_159, %add3A_185 : i32
      %dma_start3A_187 = arith.constant 0 : i32
      %dma_start3A_188 = arith.constant 0 : i32
      %dma_start3A_189 = tpu.memref_slice %arg8[%dma_start3A_187, %dma_start3A_188] : memref<2x64xi32, #tpu.memory_space<vmem>> -> memref<1x64xi32, #tpu.memory_space<vmem>>
      %dma_start3A_190 = tpu.memref_squeeze %dma_start3A_189 : memref<1x64xi32, #tpu.memory_space<vmem>> -> memref<64xi32, #tpu.memory_space<vmem>>
      %dma_start3A_191 = arith.constant 0 : i32
      %dma_start3A_192 = arith.constant 0 : i32
      %dma_start3A_193 = tpu.memref_slice %arg2[%dma_start3A_191, %dma_start3A_192] : memref<10016x160xbf16, #tpu.memory_space<hbm>> -> memref<10016x160xbf16, #tpu.memory_space<hbm>>
      tpu.enqueue_indirect_dma source(%dma_start3A_193 : memref<10016x160xbf16, #tpu.memory_space<hbm>>) target(%arg10 : memref<64x160xbf16, #tpu.memory_space<vmem>>) offsets(%dma_start3A_190 : memref<64xi32, #tpu.memory_space<vmem>>) semaphore(%arg21 : memref<!tpu.dma_semaphore, #tpu.memory_space<semaphore_mem>>)
      %dma_start3A_194 = arith.constant 1 : i32
      %dma_start3A_195 = arith.constant 0 : i32
      %dma_start3A_196 = tpu.memref_slice %arg8[%dma_start3A_194, %dma_start3A_195] : memref<2x64xi32, #tpu.memory_space<vmem>> -> memref<1x64xi32, #tpu.memory_space<vmem>>
      %dma_start3A_197 = tpu.memref_squeeze %dma_start3A_196 : memref<1x64xi32, #tpu.memory_space<vmem>> -> memref<64xi32, #tpu.memory_space<vmem>>
      %dma_start3A_198 = arith.constant 0 : i32
      %dma_start3A_199 = arith.constant 0 : i32
      %dma_start3A_200 = tpu.memref_slice %arg3[%dma_start3A_198, %dma_start3A_199] : memref<10016x16xf32, #tpu.memory_space<hbm>> -> memref<10016x16xf32, #tpu.memory_space<hbm>>
      tpu.enqueue_indirect_dma source(%dma_start3A_200 : memref<10016x16xf32, #tpu.memory_space<hbm>>) target(%arg12 : memref<64x16xf32, #tpu.memory_space<vmem>>) offsets(%dma_start3A_197 : memref<64xi32, #tpu.memory_space<vmem>>) semaphore(%arg23 : memref<!tpu.dma_semaphore, #tpu.memory_space<semaphore_mem>>)
      %dma_wait3A_201 = arith.constant 0 : i32
      %dma_wait3A_202 = arith.constant 0 : i32
      %dma_wait3A_203 = tpu.memref_slice %arg7[%dma_wait3A_201, %dma_wait3A_202] : memref<2x64xi32, #tpu.memory_space<vmem>> -> memref<1x64xi32, #tpu.memory_space<vmem>>
      %dma_wait3A_204 = tpu.memref_squeeze %dma_wait3A_203 : memref<1x64xi32, #tpu.memory_space<vmem>> -> memref<64xi32, #tpu.memory_space<vmem>>
      %dma_wait3A_205 = arith.constant 0 : i32
      %dma_wait3A_206 = arith.constant 0 : i32
      %dma_wait3A_207 = tpu.memref_slice %arg2[%dma_wait3A_205, %dma_wait3A_206] : memref<10016x160xbf16, #tpu.memory_space<hbm>> -> memref<10016x160xbf16, #tpu.memory_space<hbm>>
      tpu.wait_indirect_dma semaphore(%arg22 : memref<!tpu.dma_semaphore, #tpu.memory_space<semaphore_mem>>) src(%dma_wait3A_207 : memref<10016x160xbf16, #tpu.memory_space<hbm>>) dst(%arg11 : memref<64x160xbf16, #tpu.memory_space<vmem>>)
      %dma_wait3A_208 = arith.constant 1 : i32
      %dma_wait3A_209 = arith.constant 0 : i32
      %dma_wait3A_210 = tpu.memref_slice %arg7[%dma_wait3A_208, %dma_wait3A_209] : memref<2x64xi32, #tpu.memory_space<vmem>> -> memref<1x64xi32, #tpu.memory_space<vmem>>
      %dma_wait3A_211 = tpu.memref_squeeze %dma_wait3A_210 : memref<1x64xi32, #tpu.memory_space<vmem>> -> memref<64xi32, #tpu.memory_space<vmem>>
      %dma_wait3A_212 = arith.constant 0 : i32
      %dma_wait3A_213 = arith.constant 0 : i32
      %dma_wait3A_214 = tpu.memref_slice %arg3[%dma_wait3A_212, %dma_wait3A_213] : memref<10016x16xf32, #tpu.memory_space<hbm>> -> memref<10016x16xf32, #tpu.memory_space<hbm>>
      tpu.wait_indirect_dma semaphore(%arg24 : memref<!tpu.dma_semaphore, #tpu.memory_space<semaphore_mem>>) src(%dma_wait3A_214 : memref<10016x16xf32, #tpu.memory_space<hbm>>) dst(%arg13 : memref<64x16xf32, #tpu.memory_space<vmem>>)
      %parallel_loop3A_215 = arith.constant 0 : i32
      %parallel_loop3A_216 = arith.constant 64 : i32
      %parallel_loop3A_217 = arith.constant 1 : i32
      scf.for %parallel_loop3A_335 = %parallel_loop3A_215 to %parallel_loop3A_216 step %parallel_loop3A_217  : i32 {
        %parallel_loop3A_336 = arith.index_cast %parallel_loop3A_335 : i32 to index
        %parallel_loop3A_337 = arith.constant 0 : index
        %parallel_loop3A_338 = tpu.vector_load %arg11[%parallel_loop3A_336, %parallel_loop3A_337] {strides = array<i32>} : memref<64x160xbf16, #tpu.memory_space<vmem>>, vector<32xbf16>,
        %parallel_loop3A_339 = tpu.unpack_subelements %parallel_loop3A_338, 0 {pack_format = #tpu.pack_format<interleaved>} : vector<32xbf16> -> vector<16xf32>
        %parallel_loop3A_340 = tpu.unpack_subelements %parallel_loop3A_338, 1 {pack_format = #tpu.pack_format<interleaved>} : vector<32xbf16> -> vector<16xf32>
        %parallel_loop3A_341 = arith.index_cast %parallel_loop3A_335 : i32 to index
        %parallel_loop3A_342 = arith.constant 32 : index
        %parallel_loop3A_343 = tpu.vector_load %arg11[%parallel_loop3A_341, %parallel_loop3A_342] {strides = array<i32>} : memref<64x160xbf16, #tpu.memory_space<vmem>>, vector<32xbf16>,
        %parallel_loop3A_344 = tpu.unpack_subelements %parallel_loop3A_343, 0 {pack_format = #tpu.pack_format<interleaved>} : vector<32xbf16> -> vector<16xf32>
        %parallel_loop3A_345 = tpu.unpack_subelements %parallel_loop3A_343, 1 {pack_format = #tpu.pack_format<interleaved>} : vector<32xbf16> -> vector<16xf32>
        %parallel_loop3A_346 = arith.index_cast %parallel_loop3A_335 : i32 to index
        %parallel_loop3A_347 = arith.constant 64 : index
        %parallel_loop3A_348 = tpu.vector_load %arg11[%parallel_loop3A_346, %parallel_loop3A_347] {strides = array<i32>} : memref<64x160xbf16, #tpu.memory_space<vmem>>, vector<32xbf16>,
        %parallel_loop3A_349 = tpu.unpack_subelements %parallel_loop3A_348, 0 {pack_format = #tpu.pack_format<interleaved>} : vector<32xbf16> -> vector<16xf32>
        %parallel_loop3A_350 = tpu.unpack_subelements %parallel_loop3A_348, 1 {pack_format = #tpu.pack_format<interleaved>} : vector<32xbf16> -> vector<16xf32>
        %parallel_loop3A_351 = arith.index_cast %parallel_loop3A_335 : i32 to index
        %parallel_loop3A_352 = arith.constant 96 : index
        %parallel_loop3A_353 = tpu.vector_load %arg11[%parallel_loop3A_351, %parallel_loop3A_352] {strides = array<i32>} : memref<64x160xbf16, #tpu.memory_space<vmem>>, vector<32xbf16>,
        %parallel_loop3A_354 = tpu.unpack_subelements %parallel_loop3A_353, 0 {pack_format = #tpu.pack_format<interleaved>} : vector<32xbf16> -> vector<16xf32>
        %parallel_loop3A_355 = tpu.unpack_subelements %parallel_loop3A_353, 1 {pack_format = #tpu.pack_format<interleaved>} : vector<32xbf16> -> vector<16xf32>
        %parallel_loop3A_356 = arith.index_cast %parallel_loop3A_335 : i32 to index
        %parallel_loop3A_357 = arith.constant 128 : index
        %parallel_loop3A_358 = tpu.vector_load %arg11[%parallel_loop3A_356, %parallel_loop3A_357] {strides = array<i32>} : memref<64x160xbf16, #tpu.memory_space<vmem>>, vector<32xbf16>,
        %parallel_loop3A_359 = tpu.unpack_subelements %parallel_loop3A_358, 0 {pack_format = #tpu.pack_format<interleaved>} : vector<32xbf16> -> vector<16xf32>
        %parallel_loop3A_360 = tpu.unpack_subelements %parallel_loop3A_358, 1 {pack_format = #tpu.pack_format<interleaved>} : vector<32xbf16> -> vector<16xf32>
        %parallel_loop3A_361 = arith.index_cast %parallel_loop3A_335 : i32 to index
        %parallel_loop3A_362 = arith.constant 0 : index
        %parallel_loop3A_363 = tpu.vector_load %arg13[%parallel_loop3A_361, %parallel_loop3A_362] {strides = array<i32>} : memref<64x16xf32, #tpu.memory_space<vmem>>, vector<16xf32>,
        %parallel_loop3A_364 = arith.addf %parallel_loop3A_359, %parallel_loop3A_363 : vector<16xf32>
        %parallel_loop3A_365 = arith.constant 2.000000e-01 : f32
        %parallel_loop3A_366 = vector.broadcast %parallel_loop3A_365 : f32 to vector<16xf32>
        %parallel_loop3A_367 = arith.mulf %parallel_loop3A_364, %parallel_loop3A_366 : vector<16xf32>
        %parallel_loop3A_368 = arith.maximumf %parallel_loop3A_364, %parallel_loop3A_367 : vector<16xf32>
        %parallel_loop3A_369 = math.exp %parallel_loop3A_368 : vector<16xf32>
        %parallel_loop3A_370 = arith.index_cast %parallel_loop3A_335 : i32 to index
        %parallel_loop3A_371 = arith.constant 128 : index
        %parallel_loop3A_372 = tpu.vector_load %arg15[%parallel_loop3A_370, %parallel_loop3A_371] {strides = array<i32>} : memref<64x144xf32, #tpu.memory_space<vmem>>, vector<16xf32>,
        tpu.vector_store %arg15[%parallel_loop3A_370, %parallel_loop3A_371], %parallel_loop3A_369 {strides = array<i32>} : memref<64x144xf32, #tpu.memory_space<vmem>>, vector<16xf32>,
        %parallel_loop3A_373 = arith.constant 0 : i32
        %parallel_loop3A_374 = vector.broadcast %parallel_loop3A_373 : i32 to vector<16x1xi32>
        %parallel_loop3A_375 = vector.shape_cast %parallel_loop3A_374 : vector<16x1xi32> to vector<16xi32>
        %parallel_loop3A_376 = tpu.dynamic_gather %parallel_loop3A_369[%parallel_loop3A_375] in [0] : vector<16xf32>, vector<16xi32> -> vector<16xf32>
        %parallel_loop3A_377 = arith.mulf %parallel_loop3A_339, %parallel_loop3A_376 : vector<16xf32>
        %parallel_loop3A_378 = arith.index_cast %parallel_loop3A_335 : i32 to index
        %parallel_loop3A_379 = arith.constant 0 : index
        %parallel_loop3A_380 = tpu.vector_load %arg15[%parallel_loop3A_378, %parallel_loop3A_379] {strides = array<i32>} : memref<64x144xf32, #tpu.memory_space<vmem>>, vector<16xf32>,
        tpu.vector_store %arg15[%parallel_loop3A_378, %parallel_loop3A_379], %parallel_loop3A_377 {strides = array<i32>} : memref<64x144xf32, #tpu.memory_space<vmem>>, vector<16xf32>,
        %parallel_loop3A_381 = arith.constant 0 : i32
        %parallel_loop3A_382 = vector.broadcast %parallel_loop3A_381 : i32 to vector<16x1xi32>
        %parallel_loop3A_383 = vector.shape_cast %parallel_loop3A_382 : vector<16x1xi32> to vector<16xi32>
        %parallel_loop3A_384 = tpu.dynamic_gather %parallel_loop3A_369[%parallel_loop3A_383] in [0] : vector<16xf32>, vector<16xi32> -> vector<16xf32>
        %parallel_loop3A_385 = arith.mulf %parallel_loop3A_340, %parallel_loop3A_384 : vector<16xf32>
        %parallel_loop3A_386 = arith.index_cast %parallel_loop3A_335 : i32 to index
        %parallel_loop3A_387 = arith.constant 16 : index
        %parallel_loop3A_388 = tpu.vector_load %arg15[%parallel_loop3A_386, %parallel_loop3A_387] {strides = array<i32>} : memref<64x144xf32, #tpu.memory_space<vmem>>, vector<16xf32>,
        tpu.vector_store %arg15[%parallel_loop3A_386, %parallel_loop3A_387], %parallel_loop3A_385 {strides = array<i32>} : memref<64x144xf32, #tpu.memory_space<vmem>>, vector<16xf32>,
        %parallel_loop3A_389 = arith.constant 0 : i32
        %parallel_loop3A_390 = vector.broadcast %parallel_loop3A_389 : i32 to vector<16x1xi32>
        %parallel_loop3A_391 = vector.shape_cast %parallel_loop3A_390 : vector<16x1xi32> to vector<16xi32>
        %parallel_loop3A_392 = tpu.dynamic_gather %parallel_loop3A_369[%parallel_loop3A_391] in [0] : vector<16xf32>, vector<16xi32> -> vector<16xf32>
        %parallel_loop3A_393 = arith.mulf %parallel_loop3A_344, %parallel_loop3A_392 : vector<16xf32>
        %parallel_loop3A_394 = arith.index_cast %parallel_loop3A_335 : i32 to index
        %parallel_loop3A_395 = arith.constant 32 : index
        %parallel_loop3A_396 = tpu.vector_load %arg15[%parallel_loop3A_394, %parallel_loop3A_395] {strides = array<i32>} : memref<64x144xf32, #tpu.memory_space<vmem>>, vector<16xf32>,
        tpu.vector_store %arg15[%parallel_loop3A_394, %parallel_loop3A_395], %parallel_loop3A_393 {strides = array<i32>} : memref<64x144xf32, #tpu.memory_space<vmem>>, vector<16xf32>,
        %parallel_loop3A_397 = arith.constant 0 : i32
        %parallel_loop3A_398 = vector.broadcast %parallel_loop3A_397 : i32 to vector<16x1xi32>
        %parallel_loop3A_399 = vector.shape_cast %parallel_loop3A_398 : vector<16x1xi32> to vector<16xi32>
        %parallel_loop3A_400 = tpu.dynamic_gather %parallel_loop3A_369[%parallel_loop3A_399] in [0] : vector<16xf32>, vector<16xi32> -> vector<16xf32>
        %parallel_loop3A_401 = arith.mulf %parallel_loop3A_345, %parallel_loop3A_400 : vector<16xf32>
        %parallel_loop3A_402 = arith.index_cast %parallel_loop3A_335 : i32 to index
        %parallel_loop3A_403 = arith.constant 48 : index
        %parallel_loop3A_404 = tpu.vector_load %arg15[%parallel_loop3A_402, %parallel_loop3A_403] {strides = array<i32>} : memref<64x144xf32, #tpu.memory_space<vmem>>, vector<16xf32>,
        tpu.vector_store %arg15[%parallel_loop3A_402, %parallel_loop3A_403], %parallel_loop3A_401 {strides = array<i32>} : memref<64x144xf32, #tpu.memory_space<vmem>>, vector<16xf32>,
        %parallel_loop3A_405 = arith.constant 0 : i32
        %parallel_loop3A_406 = vector.broadcast %parallel_loop3A_405 : i32 to vector<16x1xi32>
        %parallel_loop3A_407 = vector.shape_cast %parallel_loop3A_406 : vector<16x1xi32> to vector<16xi32>
        %parallel_loop3A_408 = tpu.dynamic_gather %parallel_loop3A_369[%parallel_loop3A_407] in [0] : vector<16xf32>, vector<16xi32> -> vector<16xf32>
        %parallel_loop3A_409 = arith.mulf %parallel_loop3A_349, %parallel_loop3A_408 : vector<16xf32>
        %parallel_loop3A_410 = arith.index_cast %parallel_loop3A_335 : i32 to index
        %parallel_loop3A_411 = arith.constant 64 : index
        %parallel_loop3A_412 = tpu.vector_load %arg15[%parallel_loop3A_410, %parallel_loop3A_411] {strides = array<i32>} : memref<64x144xf32, #tpu.memory_space<vmem>>, vector<16xf32>,
        tpu.vector_store %arg15[%parallel_loop3A_410, %parallel_loop3A_411], %parallel_loop3A_409 {strides = array<i32>} : memref<64x144xf32, #tpu.memory_space<vmem>>, vector<16xf32>,
        %parallel_loop3A_413 = arith.constant 0 : i32
        %parallel_loop3A_414 = vector.broadcast %parallel_loop3A_413 : i32 to vector<16x1xi32>
        %parallel_loop3A_415 = vector.shape_cast %parallel_loop3A_414 : vector<16x1xi32> to vector<16xi32>
        %parallel_loop3A_416 = tpu.dynamic_gather %parallel_loop3A_369[%parallel_loop3A_415] in [0] : vector<16xf32>, vector<16xi32> -> vector<16xf32>
        %parallel_loop3A_417 = arith.mulf %parallel_loop3A_350, %parallel_loop3A_416 : vector<16xf32>
        %parallel_loop3A_418 = arith.index_cast %parallel_loop3A_335 : i32 to index
        %parallel_loop3A_419 = arith.constant 80 : index
        %parallel_loop3A_420 = tpu.vector_load %arg15[%parallel_loop3A_418, %parallel_loop3A_419] {strides = array<i32>} : memref<64x144xf32, #tpu.memory_space<vmem>>, vector<16xf32>,
        tpu.vector_store %arg15[%parallel_loop3A_418, %parallel_loop3A_419], %parallel_loop3A_417 {strides = array<i32>} : memref<64x144xf32, #tpu.memory_space<vmem>>, vector<16xf32>,
        %parallel_loop3A_421 = arith.constant 0 : i32
        %parallel_loop3A_422 = vector.broadcast %parallel_loop3A_421 : i32 to vector<16x1xi32>
        %parallel_loop3A_423 = vector.shape_cast %parallel_loop3A_422 : vector<16x1xi32> to vector<16xi32>
        %parallel_loop3A_424 = tpu.dynamic_gather %parallel_loop3A_369[%parallel_loop3A_423] in [0] : vector<16xf32>, vector<16xi32> -> vector<16xf32>
        %parallel_loop3A_425 = arith.mulf %parallel_loop3A_354, %parallel_loop3A_424 : vector<16xf32>
        %parallel_loop3A_426 = arith.index_cast %parallel_loop3A_335 : i32 to index
        %parallel_loop3A_427 = arith.constant 96 : index
        %parallel_loop3A_428 = tpu.vector_load %arg15[%parallel_loop3A_426, %parallel_loop3A_427] {strides = array<i32>} : memref<64x144xf32, #tpu.memory_space<vmem>>, vector<16xf32>,
        tpu.vector_store %arg15[%parallel_loop3A_426, %parallel_loop3A_427], %parallel_loop3A_425 {strides = array<i32>} : memref<64x144xf32, #tpu.memory_space<vmem>>, vector<16xf32>,
        %parallel_loop3A_429 = arith.constant 0 : i32
        %parallel_loop3A_430 = vector.broadcast %parallel_loop3A_429 : i32 to vector<16x1xi32>
        %parallel_loop3A_431 = vector.shape_cast %parallel_loop3A_430 : vector<16x1xi32> to vector<16xi32>
        %parallel_loop3A_432 = tpu.dynamic_gather %parallel_loop3A_369[%parallel_loop3A_431] in [0] : vector<16xf32>, vector<16xi32> -> vector<16xf32>
        %parallel_loop3A_433 = arith.mulf %parallel_loop3A_355, %parallel_loop3A_432 : vector<16xf32>
        %parallel_loop3A_434 = arith.index_cast %parallel_loop3A_335 : i32 to index
        %parallel_loop3A_435 = arith.constant 112 : index
        %parallel_loop3A_436 = tpu.vector_load %arg15[%parallel_loop3A_434, %parallel_loop3A_435] {strides = array<i32>} : memref<64x144xf32, #tpu.memory_space<vmem>>, vector<16xf32>,
        tpu.vector_store %arg15[%parallel_loop3A_434, %parallel_loop3A_435], %parallel_loop3A_433 {strides = array<i32>} : memref<64x144xf32, #tpu.memory_space<vmem>>, vector<16xf32>,
      } {sc.loop_unroll_factor = 4 : i64, sc.parallel_access}
      %dma_start3A_218 = arith.constant 1 : i32
      %dma_start3A_219 = arith.constant 0 : i32
      %dma_start3A_220 = tpu.memref_slice %arg7[%dma_start3A_218, %dma_start3A_219] : memref<2x64xi32, #tpu.memory_space<vmem>> -> memref<1x64xi32, #tpu.memory_space<vmem>>
      %dma_start3A_221 = tpu.memref_squeeze %dma_start3A_220 : memref<1x64xi32, #tpu.memory_space<vmem>> -> memref<64xi32, #tpu.memory_space<vmem>>
      %dma_start3A_222 = arith.constant 0 : i32
      %dma_start3A_223 = arith.constant 0 : i32
      %dma_start3A_224 = tpu.memref_slice %arg16[%dma_start3A_222, %dma_start3A_223] : memref<10016x144xf32, #tpu.memory_space<vmem_shared>> -> memref<10016x144xf32, #tpu.memory_space<vmem_shared>>
      tpu.enqueue_indirect_dma source(%arg15 : memref<64x144xf32, #tpu.memory_space<vmem>>) target(%dma_start3A_224 : memref<10016x144xf32, #tpu.memory_space<vmem_shared>>) offsets(%dma_start3A_221 : memref<64xi32, #tpu.memory_space<vmem>>) semaphore(%arg26 : memref<!tpu.dma_semaphore, #tpu.memory_space<semaphore_mem>>) {add = true}
      %mul3A_225 = arith.constant 4 : i32
      %mul3A_226 = arith.muli %scan3A_90, %mul3A_225 : i32
      %add3A_227 = arith.constant 2 : i32
      %add3A_228 = arith.addi %mul3A_226, %add3A_227 : i32
      %dma_wait3A_229 = arith.constant 1 : i32
      %dma_wait3A_230 = arith.constant 0 : i32
      %dma_wait3A_231 = tpu.memref_slice %arg6[%dma_wait3A_229, %dma_wait3A_230] : memref<2x64xi32, #tpu.memory_space<vmem>> -> memref<1x64xi32, #tpu.memory_space<vmem>>
      %dma_wait3A_232 = tpu.memref_squeeze %dma_wait3A_231 : memref<1x64xi32, #tpu.memory_space<vmem>> -> memref<64xi32, #tpu.memory_space<vmem>>
      %dma_wait3A_233 = arith.constant 0 : i32
      %dma_wait3A_234 = arith.constant 0 : i32
      %dma_wait3A_235 = tpu.memref_slice %arg16[%dma_wait3A_233, %dma_wait3A_234] : memref<10016x144xf32, #tpu.memory_space<vmem_shared>> -> memref<10016x144xf32, #tpu.memory_space<vmem_shared>>
      tpu.wait_indirect_dma semaphore(%arg25 : memref<!tpu.dma_semaphore, #tpu.memory_space<semaphore_mem>>) src(%arg14 : memref<64x144xf32, #tpu.memory_space<vmem>>) dst(%dma_wait3A_235 : memref<10016x144xf32, #tpu.memory_space<vmem_shared>>)
      %lt3A = arith.constant 40 : i32
      %lt3A_236 = arith.cmpi slt, %scan3A_90, %lt3A : i32
      %convert_element_type3A_237 = arith.extui %lt3A_236 : i1 to i32
      %cond3A_238 = arith.constant 0 : i32
      %cond3A_239 = arith.cmpi ne, %convert_element_type3A_237, %cond3A_238 : i32
      scf.if %cond3A_239 {
        %add3A_335 = arith.constant 2 : i32
        %add3A_336 = arith.addi %add3A_228, %add3A_335 : i32
        %dma_start3A_337 = arith.constant 0 : i32
        %dma_start3A_338 = arith.constant 0 : i32
        %dma_start3A_339 = tpu.memref_slice %arg4[%add3A, %add3A_336, %dma_start3A_337, %dma_start3A_338] : memref<32x164x2x64xi32, #tpu.memory_space<hbm>> -> memref<1x1x2x64xi32, #tpu.memory_space<hbm>>
        %dma_start3A_340 = tpu.memref_squeeze %dma_start3A_339 : memref<1x1x2x64xi32, #tpu.memory_space<hbm>> -> memref<2x64xi32, #tpu.memory_space<hbm>>
        %dma_start3A_341 = arith.constant 0 : i32
        %dma_start3A_342 = arith.constant 0 : i32
        %dma_start3A_343 = tpu.memref_slice %arg4[%add3A, %add3A_336, %dma_start3A_341, %dma_start3A_342] : memref<32x164x2x64xi32, #tpu.memory_space<hbm>> -> memref<1x1x2x64xi32, #tpu.memory_space<hbm>>
        %dma_start3A_344 = tpu.memref_squeeze %dma_start3A_343 : memref<1x1x2x64xi32, #tpu.memory_space<hbm>> -> memref<2x64xi32, #tpu.memory_space<hbm>>
        tpu.enqueue_dma source(%dma_start3A_344 : memref<2x64xi32, #tpu.memory_space<hbm>>) target(%arg6 : memref<2x64xi32, #tpu.memory_space<vmem>>) target_semaphore(%arg17 : memref<!tpu.dma_semaphore, #tpu.memory_space<semaphore_mem>>)
      } else {
      }
      %add3A_240 = arith.constant 1 : i32
      %add3A_241 = arith.addi %add3A_228, %add3A_240 : i32
      %dma_wait3A_242 = arith.constant 0 : i32
      %dma_wait3A_243 = arith.constant 0 : i32
      %dma_wait3A_244 = tpu.memref_slice %arg4[%add3A, %add3A_241, %dma_wait3A_242, %dma_wait3A_243] : memref<32x164x2x64xi32, #tpu.memory_space<hbm>> -> memref<1x1x2x64xi32, #tpu.memory_space<hbm>>
      %dma_wait3A_245 = tpu.memref_squeeze %dma_wait3A_244 : memref<1x1x2x64xi32, #tpu.memory_space<hbm>> -> memref<2x64xi32, #tpu.memory_space<hbm>>
      %dma_wait3A_246 = arith.constant 0 : i32
      %dma_wait3A_247 = arith.constant 0 : i32
      %dma_wait3A_248 = tpu.memref_slice %arg4[%add3A, %add3A_241, %dma_wait3A_246, %dma_wait3A_247] : memref<32x164x2x64xi32, #tpu.memory_space<hbm>> -> memref<1x1x2x64xi32, #tpu.memory_space<hbm>>
      %dma_wait3A_249 = tpu.memref_squeeze %dma_wait3A_248 : memref<1x1x2x64xi32, #tpu.memory_space<hbm>> -> memref<2x64xi32, #tpu.memory_space<hbm>>
      tpu.wait_dma2 semaphore(%arg20 : memref<!tpu.dma_semaphore, #tpu.memory_space<semaphore_mem>>) src(%dma_wait3A_249 : memref<2x64xi32, #tpu.memory_space<hbm>>) dst(%arg9 : memref<2x64xi32, #tpu.memory_space<vmem>>)
      %add3A_250 = arith.constant 1 : i32
      %add3A_251 = arith.addi %add3A_228, %add3A_250 : i32
      %dma_start3A_252 = arith.constant 0 : i32
      %dma_start3A_253 = arith.constant 0 : i32
      %dma_start3A_254 = tpu.memref_slice %arg9[%dma_start3A_252, %dma_start3A_253] : memref<2x64xi32, #tpu.memory_space<vmem>> -> memref<1x64xi32, #tpu.memory_space<vmem>>
      %dma_start3A_255 = tpu.memref_squeeze %dma_start3A_254 : memref<1x64xi32, #tpu.memory_space<vmem>> -> memref<64xi32, #tpu.memory_space<vmem>>
      %dma_start3A_256 = arith.constant 0 : i32
      %dma_start3A_257 = arith.constant 0 : i32
      %dma_start3A_258 = tpu.memref_slice %arg2[%dma_start3A_256, %dma_start3A_257] : memref<10016x160xbf16, #tpu.memory_space<hbm>> -> memref<10016x160xbf16, #tpu.memory_space<hbm>>
      tpu.enqueue_indirect_dma source(%dma_start3A_258 : memref<10016x160xbf16, #tpu.memory_space<hbm>>) target(%arg11 : memref<64x160xbf16, #tpu.memory_space<vmem>>) offsets(%dma_start3A_255 : memref<64xi32, #tpu.memory_space<vmem>>) semaphore(%arg22 : memref<!tpu.dma_semaphore, #tpu.memory_space<semaphore_mem>>)
      %dma_start3A_259 = arith.constant 1 : i32
      %dma_start3A_260 = arith.constant 0 : i32
      %dma_start3A_261 = tpu.memref_slice %arg9[%dma_start3A_259, %dma_start3A_260] : memref<2x64xi32, #tpu.memory_space<vmem>> -> memref<1x64xi32, #tpu.memory_space<vmem>>
      %dma_start3A_262 = tpu.memref_squeeze %dma_start3A_261 : memref<1x64xi32, #tpu.memory_space<vmem>> -> memref<64xi32, #tpu.memory_space<vmem>>
      %dma_start3A_263 = arith.constant 0 : i32
      %dma_start3A_264 = arith.constant 0 : i32
      %dma_start3A_265 = tpu.memref_slice %arg3[%dma_start3A_263, %dma_start3A_264] : memref<10016x16xf32, #tpu.memory_space<hbm>> -> memref<10016x16xf32, #tpu.memory_space<hbm>>
      tpu.enqueue_indirect_dma source(%dma_start3A_265 : memref<10016x16xf32, #tpu.memory_space<hbm>>) target(%arg13 : memref<64x16xf32, #tpu.memory_space<vmem>>) offsets(%dma_start3A_262 : memref<64xi32, #tpu.memory_space<vmem>>) semaphore(%arg24 : memref<!tpu.dma_semaphore, #tpu.memory_space<semaphore_mem>>)
      %dma_wait3A_266 = arith.constant 0 : i32
      %dma_wait3A_267 = arith.constant 0 : i32
      %dma_wait3A_268 = tpu.memref_slice %arg8[%dma_wait3A_266, %dma_wait3A_267] : memref<2x64xi32, #tpu.memory_space<vmem>> -> memref<1x64xi32, #tpu.memory_space<vmem>>
      %dma_wait3A_269 = tpu.memref_squeeze %dma_wait3A_268 : memref<1x64xi32, #tpu.memory_space<vmem>> -> memref<64xi32, #tpu.memory_space<vmem>>
      %dma_wait3A_270 = arith.constant 0 : i32
      %dma_wait3A_271 = arith.constant 0 : i32
      %dma_wait3A_272 = tpu.memref_slice %arg2[%dma_wait3A_270, %dma_wait3A_271] : memref<10016x160xbf16, #tpu.memory_space<hbm>> -> memref<10016x160xbf16, #tpu.memory_space<hbm>>
      tpu.wait_indirect_dma semaphore(%arg21 : memref<!tpu.dma_semaphore, #tpu.memory_space<semaphore_mem>>) src(%dma_wait3A_272 : memref<10016x160xbf16, #tpu.memory_space<hbm>>) dst(%arg10 : memref<64x160xbf16, #tpu.memory_space<vmem>>)
      %dma_wait3A_273 = arith.constant 1 : i32
      %dma_wait3A_274 = arith.constant 0 : i32
      %dma_wait3A_275 = tpu.memref_slice %arg8[%dma_wait3A_273, %dma_wait3A_274] : memref<2x64xi32, #tpu.memory_space<vmem>> -> memref<1x64xi32, #tpu.memory_space<vmem>>
      %dma_wait3A_276 = tpu.memref_squeeze %dma_wait3A_275 : memref<1x64xi32, #tpu.memory_space<vmem>> -> memref<64xi32, #tpu.memory_space<vmem>>
      %dma_wait3A_277 = arith.constant 0 : i32
      %dma_wait3A_278 = arith.constant 0 : i32
      %dma_wait3A_279 = tpu.memref_slice %arg3[%dma_wait3A_277, %dma_wait3A_278] : memref<10016x16xf32, #tpu.memory_space<hbm>> -> memref<10016x16xf32, #tpu.memory_space<hbm>>
      tpu.wait_indirect_dma semaphore(%arg23 : memref<!tpu.dma_semaphore, #tpu.memory_space<semaphore_mem>>) src(%dma_wait3A_279 : memref<10016x16xf32, #tpu.memory_space<hbm>>) dst(%arg12 : memref<64x16xf32, #tpu.memory_space<vmem>>)
      %parallel_loop3A_280 = arith.constant 0 : i32
      %parallel_loop3A_281 = arith.constant 64 : i32
      %parallel_loop3A_282 = arith.constant 1 : i32
      scf.for %parallel_loop3A_335 = %parallel_loop3A_280 to %parallel_loop3A_281 step %parallel_loop3A_282  : i32 {
        %parallel_loop3A_336 = arith.index_cast %parallel_loop3A_335 : i32 to index
        %parallel_loop3A_337 = arith.constant 0 : index
        %parallel_loop3A_338 = tpu.vector_load %arg10[%parallel_loop3A_336, %parallel_loop3A_337] {strides = array<i32>} : memref<64x160xbf16, #tpu.memory_space<vmem>>, vector<32xbf16>,
        %parallel_loop3A_339 = tpu.unpack_subelements %parallel_loop3A_338, 0 {pack_format = #tpu.pack_format<interleaved>} : vector<32xbf16> -> vector<16xf32>
        %parallel_loop3A_340 = tpu.unpack_subelements %parallel_loop3A_338, 1 {pack_format = #tpu.pack_format<interleaved>} : vector<32xbf16> -> vector<16xf32>
        %parallel_loop3A_341 = arith.index_cast %parallel_loop3A_335 : i32 to index
        %parallel_loop3A_342 = arith.constant 32 : index
        %parallel_loop3A_343 = tpu.vector_load %arg10[%parallel_loop3A_341, %parallel_loop3A_342] {strides = array<i32>} : memref<64x160xbf16, #tpu.memory_space<vmem>>, vector<32xbf16>,
        %parallel_loop3A_344 = tpu.unpack_subelements %parallel_loop3A_343, 0 {pack_format = #tpu.pack_format<interleaved>} : vector<32xbf16> -> vector<16xf32>
        %parallel_loop3A_345 = tpu.unpack_subelements %parallel_loop3A_343, 1 {pack_format = #tpu.pack_format<interleaved>} : vector<32xbf16> -> vector<16xf32>
        %parallel_loop3A_346 = arith.index_cast %parallel_loop3A_335 : i32 to index
        %parallel_loop3A_347 = arith.constant 64 : index
        %parallel_loop3A_348 = tpu.vector_load %arg10[%parallel_loop3A_346, %parallel_loop3A_347] {strides = array<i32>} : memref<64x160xbf16, #tpu.memory_space<vmem>>, vector<32xbf16>,
        %parallel_loop3A_349 = tpu.unpack_subelements %parallel_loop3A_348, 0 {pack_format = #tpu.pack_format<interleaved>} : vector<32xbf16> -> vector<16xf32>
        %parallel_loop3A_350 = tpu.unpack_subelements %parallel_loop3A_348, 1 {pack_format = #tpu.pack_format<interleaved>} : vector<32xbf16> -> vector<16xf32>
        %parallel_loop3A_351 = arith.index_cast %parallel_loop3A_335 : i32 to index
        %parallel_loop3A_352 = arith.constant 96 : index
        %parallel_loop3A_353 = tpu.vector_load %arg10[%parallel_loop3A_351, %parallel_loop3A_352] {strides = array<i32>} : memref<64x160xbf16, #tpu.memory_space<vmem>>, vector<32xbf16>,
        %parallel_loop3A_354 = tpu.unpack_subelements %parallel_loop3A_353, 0 {pack_format = #tpu.pack_format<interleaved>} : vector<32xbf16> -> vector<16xf32>
        %parallel_loop3A_355 = tpu.unpack_subelements %parallel_loop3A_353, 1 {pack_format = #tpu.pack_format<interleaved>} : vector<32xbf16> -> vector<16xf32>
        %parallel_loop3A_356 = arith.index_cast %parallel_loop3A_335 : i32 to index
        %parallel_loop3A_357 = arith.constant 128 : index
        %parallel_loop3A_358 = tpu.vector_load %arg10[%parallel_loop3A_356, %parallel_loop3A_357] {strides = array<i32>} : memref<64x160xbf16, #tpu.memory_space<vmem>>, vector<32xbf16>,
        %parallel_loop3A_359 = tpu.unpack_subelements %parallel_loop3A_358, 0 {pack_format = #tpu.pack_format<interleaved>} : vector<32xbf16> -> vector<16xf32>
        %parallel_loop3A_360 = tpu.unpack_subelements %parallel_loop3A_358, 1 {pack_format = #tpu.pack_format<interleaved>} : vector<32xbf16> -> vector<16xf32>
        %parallel_loop3A_361 = arith.index_cast %parallel_loop3A_335 : i32 to index
        %parallel_loop3A_362 = arith.constant 0 : index
        %parallel_loop3A_363 = tpu.vector_load %arg12[%parallel_loop3A_361, %parallel_loop3A_362] {strides = array<i32>} : memref<64x16xf32, #tpu.memory_space<vmem>>, vector<16xf32>,
        %parallel_loop3A_364 = arith.addf %parallel_loop3A_359, %parallel_loop3A_363 : vector<16xf32>
        %parallel_loop3A_365 = arith.constant 2.000000e-01 : f32
        %parallel_loop3A_366 = vector.broadcast %parallel_loop3A_365 : f32 to vector<16xf32>
        %parallel_loop3A_367 = arith.mulf %parallel_loop3A_364, %parallel_loop3A_366 : vector<16xf32>
        %parallel_loop3A_368 = arith.maximumf %parallel_loop3A_364, %parallel_loop3A_367 : vector<16xf32>
        %parallel_loop3A_369 = math.exp %parallel_loop3A_368 : vector<16xf32>
        %parallel_loop3A_370 = arith.index_cast %parallel_loop3A_335 : i32 to index
        %parallel_loop3A_371 = arith.constant 128 : index
        %parallel_loop3A_372 = tpu.vector_load %arg14[%parallel_loop3A_370, %parallel_loop3A_371] {strides = array<i32>} : memref<64x144xf32, #tpu.memory_space<vmem>>, vector<16xf32>,
        tpu.vector_store %arg14[%parallel_loop3A_370, %parallel_loop3A_371], %parallel_loop3A_369 {strides = array<i32>} : memref<64x144xf32, #tpu.memory_space<vmem>>, vector<16xf32>,
        %parallel_loop3A_373 = arith.constant 0 : i32
        %parallel_loop3A_374 = vector.broadcast %parallel_loop3A_373 : i32 to vector<16x1xi32>
        %parallel_loop3A_375 = vector.shape_cast %parallel_loop3A_374 : vector<16x1xi32> to vector<16xi32>
        %parallel_loop3A_376 = tpu.dynamic_gather %parallel_loop3A_369[%parallel_loop3A_375] in [0] : vector<16xf32>, vector<16xi32> -> vector<16xf32>
        %parallel_loop3A_377 = arith.mulf %parallel_loop3A_339, %parallel_loop3A_376 : vector<16xf32>
        %parallel_loop3A_378 = arith.index_cast %parallel_loop3A_335 : i32 to index
        %parallel_loop3A_379 = arith.constant 0 : index
        %parallel_loop3A_380 = tpu.vector_load %arg14[%parallel_loop3A_378, %parallel_loop3A_379] {strides = array<i32>} : memref<64x144xf32, #tpu.memory_space<vmem>>, vector<16xf32>,
        tpu.vector_store %arg14[%parallel_loop3A_378, %parallel_loop3A_379], %parallel_loop3A_377 {strides = array<i32>} : memref<64x144xf32, #tpu.memory_space<vmem>>, vector<16xf32>,
        %parallel_loop3A_381 = arith.constant 0 : i32
        %parallel_loop3A_382 = vector.broadcast %parallel_loop3A_381 : i32 to vector<16x1xi32>
        %parallel_loop3A_383 = vector.shape_cast %parallel_loop3A_382 : vector<16x1xi32> to vector<16xi32>
        %parallel_loop3A_384 = tpu.dynamic_gather %parallel_loop3A_369[%parallel_loop3A_383] in [0] : vector<16xf32>, vector<16xi32> -> vector<16xf32>
        %parallel_loop3A_385 = arith.mulf %parallel_loop3A_340, %parallel_loop3A_384 : vector<16xf32>
        %parallel_loop3A_386 = arith.index_cast %parallel_loop3A_335 : i32 to index
        %parallel_loop3A_387 = arith.constant 16 : index
        %parallel_loop3A_388 = tpu.vector_load %arg14[%parallel_loop3A_386, %parallel_loop3A_387] {strides = array<i32>} : memref<64x144xf32, #tpu.memory_space<vmem>>, vector<16xf32>,
        tpu.vector_store %arg14[%parallel_loop3A_386, %parallel_loop3A_387], %parallel_loop3A_385 {strides = array<i32>} : memref<64x144xf32, #tpu.memory_space<vmem>>, vector<16xf32>,
        %parallel_loop3A_389 = arith.constant 0 : i32
        %parallel_loop3A_390 = vector.broadcast %parallel_loop3A_389 : i32 to vector<16x1xi32>
        %parallel_loop3A_391 = vector.shape_cast %parallel_loop3A_390 : vector<16x1xi32> to vector<16xi32>
        %parallel_loop3A_392 = tpu.dynamic_gather %parallel_loop3A_369[%parallel_loop3A_391] in [0] : vector<16xf32>, vector<16xi32> -> vector<16xf32>
        %parallel_loop3A_393 = arith.mulf %parallel_loop3A_344, %parallel_loop3A_392 : vector<16xf32>
        %parallel_loop3A_394 = arith.index_cast %parallel_loop3A_335 : i32 to index
        %parallel_loop3A_395 = arith.constant 32 : index
        %parallel_loop3A_396 = tpu.vector_load %arg14[%parallel_loop3A_394, %parallel_loop3A_395] {strides = array<i32>} : memref<64x144xf32, #tpu.memory_space<vmem>>, vector<16xf32>,
        tpu.vector_store %arg14[%parallel_loop3A_394, %parallel_loop3A_395], %parallel_loop3A_393 {strides = array<i32>} : memref<64x144xf32, #tpu.memory_space<vmem>>, vector<16xf32>,
        %parallel_loop3A_397 = arith.constant 0 : i32
        %parallel_loop3A_398 = vector.broadcast %parallel_loop3A_397 : i32 to vector<16x1xi32>
        %parallel_loop3A_399 = vector.shape_cast %parallel_loop3A_398 : vector<16x1xi32> to vector<16xi32>
        %parallel_loop3A_400 = tpu.dynamic_gather %parallel_loop3A_369[%parallel_loop3A_399] in [0] : vector<16xf32>, vector<16xi32> -> vector<16xf32>
        %parallel_loop3A_401 = arith.mulf %parallel_loop3A_345, %parallel_loop3A_400 : vector<16xf32>
        %parallel_loop3A_402 = arith.index_cast %parallel_loop3A_335 : i32 to index
        %parallel_loop3A_403 = arith.constant 48 : index
        %parallel_loop3A_404 = tpu.vector_load %arg14[%parallel_loop3A_402, %parallel_loop3A_403] {strides = array<i32>} : memref<64x144xf32, #tpu.memory_space<vmem>>, vector<16xf32>,
        tpu.vector_store %arg14[%parallel_loop3A_402, %parallel_loop3A_403], %parallel_loop3A_401 {strides = array<i32>} : memref<64x144xf32, #tpu.memory_space<vmem>>, vector<16xf32>,
        %parallel_loop3A_405 = arith.constant 0 : i32
        %parallel_loop3A_406 = vector.broadcast %parallel_loop3A_405 : i32 to vector<16x1xi32>
        %parallel_loop3A_407 = vector.shape_cast %parallel_loop3A_406 : vector<16x1xi32> to vector<16xi32>
        %parallel_loop3A_408 = tpu.dynamic_gather %parallel_loop3A_369[%parallel_loop3A_407] in [0] : vector<16xf32>, vector<16xi32> -> vector<16xf32>
        %parallel_loop3A_409 = arith.mulf %parallel_loop3A_349, %parallel_loop3A_408 : vector<16xf32>
        %parallel_loop3A_410 = arith.index_cast %parallel_loop3A_335 : i32 to index
        %parallel_loop3A_411 = arith.constant 64 : index
        %parallel_loop3A_412 = tpu.vector_load %arg14[%parallel_loop3A_410, %parallel_loop3A_411] {strides = array<i32>} : memref<64x144xf32, #tpu.memory_space<vmem>>, vector<16xf32>,
        tpu.vector_store %arg14[%parallel_loop3A_410, %parallel_loop3A_411], %parallel_loop3A_409 {strides = array<i32>} : memref<64x144xf32, #tpu.memory_space<vmem>>, vector<16xf32>,
        %parallel_loop3A_413 = arith.constant 0 : i32
        %parallel_loop3A_414 = vector.broadcast %parallel_loop3A_413 : i32 to vector<16x1xi32>
        %parallel_loop3A_415 = vector.shape_cast %parallel_loop3A_414 : vector<16x1xi32> to vector<16xi32>
        %parallel_loop3A_416 = tpu.dynamic_gather %parallel_loop3A_369[%parallel_loop3A_415] in [0] : vector<16xf32>, vector<16xi32> -> vector<16xf32>
        %parallel_loop3A_417 = arith.mulf %parallel_loop3A_350, %parallel_loop3A_416 : vector<16xf32>
        %parallel_loop3A_418 = arith.index_cast %parallel_loop3A_335 : i32 to index
        %parallel_loop3A_419 = arith.constant 80 : index
        %parallel_loop3A_420 = tpu.vector_load %arg14[%parallel_loop3A_418, %parallel_loop3A_419] {strides = array<i32>} : memref<64x144xf32, #tpu.memory_space<vmem>>, vector<16xf32>,
        tpu.vector_store %arg14[%parallel_loop3A_418, %parallel_loop3A_419], %parallel_loop3A_417 {strides = array<i32>} : memref<64x144xf32, #tpu.memory_space<vmem>>, vector<16xf32>,
        %parallel_loop3A_421 = arith.constant 0 : i32
        %parallel_loop3A_422 = vector.broadcast %parallel_loop3A_421 : i32 to vector<16x1xi32>
        %parallel_loop3A_423 = vector.shape_cast %parallel_loop3A_422 : vector<16x1xi32> to vector<16xi32>
        %parallel_loop3A_424 = tpu.dynamic_gather %parallel_loop3A_369[%parallel_loop3A_423] in [0] : vector<16xf32>, vector<16xi32> -> vector<16xf32>
        %parallel_loop3A_425 = arith.mulf %parallel_loop3A_354, %parallel_loop3A_424 : vector<16xf32>
        %parallel_loop3A_426 = arith.index_cast %parallel_loop3A_335 : i32 to index
        %parallel_loop3A_427 = arith.constant 96 : index
        %parallel_loop3A_428 = tpu.vector_load %arg14[%parallel_loop3A_426, %parallel_loop3A_427] {strides = array<i32>} : memref<64x144xf32, #tpu.memory_space<vmem>>, vector<16xf32>,
        tpu.vector_store %arg14[%parallel_loop3A_426, %parallel_loop3A_427], %parallel_loop3A_425 {strides = array<i32>} : memref<64x144xf32, #tpu.memory_space<vmem>>, vector<16xf32>,
        %parallel_loop3A_429 = arith.constant 0 : i32
        %parallel_loop3A_430 = vector.broadcast %parallel_loop3A_429 : i32 to vector<16x1xi32>
        %parallel_loop3A_431 = vector.shape_cast %parallel_loop3A_430 : vector<16x1xi32> to vector<16xi32>
        %parallel_loop3A_432 = tpu.dynamic_gather %parallel_loop3A_369[%parallel_loop3A_431] in [0] : vector<16xf32>, vector<16xi32> -> vector<16xf32>
        %parallel_loop3A_433 = arith.mulf %parallel_loop3A_355, %parallel_loop3A_432 : vector<16xf32>
        %parallel_loop3A_434 = arith.index_cast %parallel_loop3A_335 : i32 to index
        %parallel_loop3A_435 = arith.constant 112 : index
        %parallel_loop3A_436 = tpu.vector_load %arg14[%parallel_loop3A_434, %parallel_loop3A_435] {strides = array<i32>} : memref<64x144xf32, #tpu.memory_space<vmem>>, vector<16xf32>,
        tpu.vector_store %arg14[%parallel_loop3A_434, %parallel_loop3A_435], %parallel_loop3A_433 {strides = array<i32>} : memref<64x144xf32, #tpu.memory_space<vmem>>, vector<16xf32>,
      } {sc.loop_unroll_factor = 4 : i64, sc.parallel_access}
      %dma_start3A_283 = arith.constant 1 : i32
      %dma_start3A_284 = arith.constant 0 : i32
      %dma_start3A_285 = tpu.memref_slice %arg8[%dma_start3A_283, %dma_start3A_284] : memref<2x64xi32, #tpu.memory_space<vmem>> -> memref<1x64xi32, #tpu.memory_space<vmem>>
      %dma_start3A_286 = tpu.memref_squeeze %dma_start3A_285 : memref<1x64xi32, #tpu.memory_space<vmem>> -> memref<64xi32, #tpu.memory_space<vmem>>
      %dma_start3A_287 = arith.constant 0 : i32
      %dma_start3A_288 = arith.constant 0 : i32
      %dma_start3A_289 = tpu.memref_slice %arg16[%dma_start3A_287, %dma_start3A_288] : memref<10016x144xf32, #tpu.memory_space<vmem_shared>> -> memref<10016x144xf32, #tpu.memory_space<vmem_shared>>
      tpu.enqueue_indirect_dma source(%arg14 : memref<64x144xf32, #tpu.memory_space<vmem>>) target(%dma_start3A_289 : memref<10016x144xf32, #tpu.memory_space<vmem_shared>>) offsets(%dma_start3A_286 : memref<64xi32, #tpu.memory_space<vmem>>) semaphore(%arg25 : memref<!tpu.dma_semaphore, #tpu.memory_space<semaphore_mem>>) {add = true}
      %mul3A_290 = arith.constant 4 : i32
      %mul3A_291 = arith.muli %scan3A_90, %mul3A_290 : i32
      %add3A_292 = arith.constant 3 : i32
      %add3A_293 = arith.addi %mul3A_291, %add3A_292 : i32
      %dma_wait3A_294 = arith.constant 1 : i32
      %dma_wait3A_295 = arith.constant 0 : i32
      %dma_wait3A_296 = tpu.memref_slice %arg7[%dma_wait3A_294, %dma_wait3A_295] : memref<2x64xi32, #tpu.memory_space<vmem>> -> memref<1x64xi32, #tpu.memory_space<vmem>>
      %dma_wait3A_297 = tpu.memref_squeeze %dma_wait3A_296 : memref<1x64xi32, #tpu.memory_space<vmem>> -> memref<64xi32, #tpu.memory_space<vmem>>
      %dma_wait3A_298 = arith.constant 0 : i32
      %dma_wait3A_299 = arith.constant 0 : i32
      %dma_wait3A_300 = tpu.memref_slice %arg16[%dma_wait3A_298, %dma_wait3A_299] : memref<10016x144xf32, #tpu.memory_space<vmem_shared>> -> memref<10016x144xf32, #tpu.memory_space<vmem_shared>>
      tpu.wait_indirect_dma semaphore(%arg26 : memref<!tpu.dma_semaphore, #tpu.memory_space<semaphore_mem>>) src(%arg15 : memref<64x144xf32, #tpu.memory_space<vmem>>) dst(%dma_wait3A_300 : memref<10016x144xf32, #tpu.memory_space<vmem_shared>>)
      %lt3A_301 = arith.constant 40 : i32
      %lt3A_302 = arith.cmpi slt, %scan3A_90, %lt3A_301 : i32
      %convert_element_type3A_303 = arith.extui %lt3A_302 : i1 to i32
      %cond3A_304 = arith.constant 0 : i32
      %cond3A_305 = arith.cmpi ne, %convert_element_type3A_303, %cond3A_304 : i32
      scf.if %cond3A_305 {
        %add3A_335 = arith.constant 2 : i32
        %add3A_336 = arith.addi %add3A_293, %add3A_335 : i32
        %dma_start3A_337 = arith.constant 0 : i32
        %dma_start3A_338 = arith.constant 0 : i32
        %dma_start3A_339 = tpu.memref_slice %arg4[%add3A, %add3A_336, %dma_start3A_337, %dma_start3A_338] : memref<32x164x2x64xi32, #tpu.memory_space<hbm>> -> memref<1x1x2x64xi32, #tpu.memory_space<hbm>>
        %dma_start3A_340 = tpu.memref_squeeze %dma_start3A_339 : memref<1x1x2x64xi32, #tpu.memory_space<hbm>> -> memref<2x64xi32, #tpu.memory_space<hbm>>
        %dma_start3A_341 = arith.constant 0 : i32
        %dma_start3A_342 = arith.constant 0 : i32
        %dma_start3A_343 = tpu.memref_slice %arg4[%add3A, %add3A_336, %dma_start3A_341, %dma_start3A_342] : memref<32x164x2x64xi32, #tpu.memory_space<hbm>> -> memref<1x1x2x64xi32, #tpu.memory_space<hbm>>
        %dma_start3A_344 = tpu.memref_squeeze %dma_start3A_343 : memref<1x1x2x64xi32, #tpu.memory_space<hbm>> -> memref<2x64xi32, #tpu.memory_space<hbm>>
        tpu.enqueue_dma source(%dma_start3A_344 : memref<2x64xi32, #tpu.memory_space<hbm>>) target(%arg7 : memref<2x64xi32, #tpu.memory_space<vmem>>) target_semaphore(%arg18 : memref<!tpu.dma_semaphore, #tpu.memory_space<semaphore_mem>>)
      } else {
      }
      %lt3A_306 = arith.constant 40 : i32
      %lt3A_307 = arith.cmpi slt, %scan3A_90, %lt3A_306 : i32
      %convert_element_type3A_308 = arith.extui %lt3A_307 : i1 to i32
      %cond3A_309 = arith.constant 0 : i32
      %cond3A_310 = arith.cmpi ne, %convert_element_type3A_308, %cond3A_309 : i32
      scf.if %cond3A_310 {
        %add3A_335 = arith.constant 1 : i32
        %add3A_336 = arith.addi %add3A_293, %add3A_335 : i32
        %dma_wait3A_337 = arith.constant 0 : i32
        %dma_wait3A_338 = arith.constant 0 : i32
        %dma_wait3A_339 = tpu.memref_slice %arg4[%add3A, %add3A_336, %dma_wait3A_337, %dma_wait3A_338] : memref<32x164x2x64xi32, #tpu.memory_space<hbm>> -> memref<1x1x2x64xi32, #tpu.memory_space<hbm>>
        %dma_wait3A_340 = tpu.memref_squeeze %dma_wait3A_339 : memref<1x1x2x64xi32, #tpu.memory_space<hbm>> -> memref<2x64xi32, #tpu.memory_space<hbm>>
        %dma_wait3A_341 = arith.constant 0 : i32
        %dma_wait3A_342 = arith.constant 0 : i32
        %dma_wait3A_343 = tpu.memref_slice %arg4[%add3A, %add3A_336, %dma_wait3A_341, %dma_wait3A_342] : memref<32x164x2x64xi32, #tpu.memory_space<hbm>> -> memref<1x1x2x64xi32, #tpu.memory_space<hbm>>
        %dma_wait3A_344 = tpu.memref_squeeze %dma_wait3A_343 : memref<1x1x2x64xi32, #tpu.memory_space<hbm>> -> memref<2x64xi32, #tpu.memory_space<hbm>>
        tpu.wait_dma2 semaphore(%arg17 : memref<!tpu.dma_semaphore, #tpu.memory_space<semaphore_mem>>) src(%dma_wait3A_344 : memref<2x64xi32, #tpu.memory_space<hbm>>) dst(%arg6 : memref<2x64xi32, #tpu.memory_space<vmem>>)
        %add3A_345 = arith.constant 1 : i32
        %add3A_346 = arith.addi %add3A_293, %add3A_345 : i32
        %dma_start3A_347 = arith.constant 0 : i32
        %dma_start3A_348 = arith.constant 0 : i32
        %dma_start3A_349 = tpu.memref_slice %arg6[%dma_start3A_347, %dma_start3A_348] : memref<2x64xi32, #tpu.memory_space<vmem>> -> memref<1x64xi32, #tpu.memory_space<vmem>>
        %dma_start3A_350 = tpu.memref_squeeze %dma_start3A_349 : memref<1x64xi32, #tpu.memory_space<vmem>> -> memref<64xi32, #tpu.memory_space<vmem>>
        %dma_start3A_351 = arith.constant 0 : i32
        %dma_start3A_352 = arith.constant 0 : i32
        %dma_start3A_353 = tpu.memref_slice %arg2[%dma_start3A_351, %dma_start3A_352] : memref<10016x160xbf16, #tpu.memory_space<hbm>> -> memref<10016x160xbf16, #tpu.memory_space<hbm>>
        tpu.enqueue_indirect_dma source(%dma_start3A_353 : memref<10016x160xbf16, #tpu.memory_space<hbm>>) target(%arg10 : memref<64x160xbf16, #tpu.memory_space<vmem>>) offsets(%dma_start3A_350 : memref<64xi32, #tpu.memory_space<vmem>>) semaphore(%arg21 : memref<!tpu.dma_semaphore, #tpu.memory_space<semaphore_mem>>)
        %dma_start3A_354 = arith.constant 1 : i32
        %dma_start3A_355 = arith.constant 0 : i32
        %dma_start3A_356 = tpu.memref_slice %arg6[%dma_start3A_354, %dma_start3A_355] : memref<2x64xi32, #tpu.memory_space<vmem>> -> memref<1x64xi32, #tpu.memory_space<vmem>>
        %dma_start3A_357 = tpu.memref_squeeze %dma_start3A_356 : memref<1x64xi32, #tpu.memory_space<vmem>> -> memref<64xi32, #tpu.memory_space<vmem>>
        %dma_start3A_358 = arith.constant 0 : i32
        %dma_start3A_359 = arith.constant 0 : i32
        %dma_start3A_360 = tpu.memref_slice %arg3[%dma_start3A_358, %dma_start3A_359] : memref<10016x16xf32, #tpu.memory_space<hbm>> -> memref<10016x16xf32, #tpu.memory_space<hbm>>
        tpu.enqueue_indirect_dma source(%dma_start3A_360 : memref<10016x16xf32, #tpu.memory_space<hbm>>) target(%arg12 : memref<64x16xf32, #tpu.memory_space<vmem>>) offsets(%dma_start3A_357 : memref<64xi32, #tpu.memory_space<vmem>>) semaphore(%arg23 : memref<!tpu.dma_semaphore, #tpu.memory_space<semaphore_mem>>)
      } else {
      }
      %dma_wait3A_311 = arith.constant 0 : i32
      %dma_wait3A_312 = arith.constant 0 : i32
      %dma_wait3A_313 = tpu.memref_slice %arg9[%dma_wait3A_311, %dma_wait3A_312] : memref<2x64xi32, #tpu.memory_space<vmem>> -> memref<1x64xi32, #tpu.memory_space<vmem>>
      %dma_wait3A_314 = tpu.memref_squeeze %dma_wait3A_313 : memref<1x64xi32, #tpu.memory_space<vmem>> -> memref<64xi32, #tpu.memory_space<vmem>>
      %dma_wait3A_315 = arith.constant 0 : i32
      %dma_wait3A_316 = arith.constant 0 : i32
      %dma_wait3A_317 = tpu.memref_slice %arg2[%dma_wait3A_315, %dma_wait3A_316] : memref<10016x160xbf16, #tpu.memory_space<hbm>> -> memref<10016x160xbf16, #tpu.memory_space<hbm>>
      tpu.wait_indirect_dma semaphore(%arg22 : memref<!tpu.dma_semaphore, #tpu.memory_space<semaphore_mem>>) src(%dma_wait3A_317 : memref<10016x160xbf16, #tpu.memory_space<hbm>>) dst(%arg11 : memref<64x160xbf16, #tpu.memory_space<vmem>>)
      %dma_wait3A_318 = arith.constant 1 : i32
      %dma_wait3A_319 = arith.constant 0 : i32
      %dma_wait3A_320 = tpu.memref_slice %arg9[%dma_wait3A_318, %dma_wait3A_319] : memref<2x64xi32, #tpu.memory_space<vmem>> -> memref<1x64xi32, #tpu.memory_space<vmem>>
      %dma_wait3A_321 = tpu.memref_squeeze %dma_wait3A_320 : memref<1x64xi32, #tpu.memory_space<vmem>> -> memref<64xi32, #tpu.memory_space<vmem>>
      %dma_wait3A_322 = arith.constant 0 : i32
      %dma_wait3A_323 = arith.constant 0 : i32
      %dma_wait3A_324 = tpu.memref_slice %arg3[%dma_wait3A_322, %dma_wait3A_323] : memref<10016x16xf32, #tpu.memory_space<hbm>> -> memref<10016x16xf32, #tpu.memory_space<hbm>>
      tpu.wait_indirect_dma semaphore(%arg24 : memref<!tpu.dma_semaphore, #tpu.memory_space<semaphore_mem>>) src(%dma_wait3A_324 : memref<10016x16xf32, #tpu.memory_space<hbm>>) dst(%arg13 : memref<64x16xf32, #tpu.memory_space<vmem>>)
      %parallel_loop3A_325 = arith.constant 0 : i32
      %parallel_loop3A_326 = arith.constant 64 : i32
      %parallel_loop3A_327 = arith.constant 1 : i32
      scf.for %parallel_loop3A_335 = %parallel_loop3A_325 to %parallel_loop3A_326 step %parallel_loop3A_327  : i32 {
        %parallel_loop3A_336 = arith.index_cast %parallel_loop3A_335 : i32 to index
        %parallel_loop3A_337 = arith.constant 0 : index
        %parallel_loop3A_338 = tpu.vector_load %arg11[%parallel_loop3A_336, %parallel_loop3A_337] {strides = array<i32>} : memref<64x160xbf16, #tpu.memory_space<vmem>>, vector<32xbf16>,
        %parallel_loop3A_339 = tpu.unpack_subelements %parallel_loop3A_338, 0 {pack_format = #tpu.pack_format<interleaved>} : vector<32xbf16> -> vector<16xf32>
        %parallel_loop3A_340 = tpu.unpack_subelements %parallel_loop3A_338, 1 {pack_format = #tpu.pack_format<interleaved>} : vector<32xbf16> -> vector<16xf32>
        %parallel_loop3A_341 = arith.index_cast %parallel_loop3A_335 : i32 to index
        %parallel_loop3A_342 = arith.constant 32 : index
        %parallel_loop3A_343 = tpu.vector_load %arg11[%parallel_loop3A_341, %parallel_loop3A_342] {strides = array<i32>} : memref<64x160xbf16, #tpu.memory_space<vmem>>, vector<32xbf16>,
        %parallel_loop3A_344 = tpu.unpack_subelements %parallel_loop3A_343, 0 {pack_format = #tpu.pack_format<interleaved>} : vector<32xbf16> -> vector<16xf32>
        %parallel_loop3A_345 = tpu.unpack_subelements %parallel_loop3A_343, 1 {pack_format = #tpu.pack_format<interleaved>} : vector<32xbf16> -> vector<16xf32>
        %parallel_loop3A_346 = arith.index_cast %parallel_loop3A_335 : i32 to index
        %parallel_loop3A_347 = arith.constant 64 : index
        %parallel_loop3A_348 = tpu.vector_load %arg11[%parallel_loop3A_346, %parallel_loop3A_347] {strides = array<i32>} : memref<64x160xbf16, #tpu.memory_space<vmem>>, vector<32xbf16>,
        %parallel_loop3A_349 = tpu.unpack_subelements %parallel_loop3A_348, 0 {pack_format = #tpu.pack_format<interleaved>} : vector<32xbf16> -> vector<16xf32>
        %parallel_loop3A_350 = tpu.unpack_subelements %parallel_loop3A_348, 1 {pack_format = #tpu.pack_format<interleaved>} : vector<32xbf16> -> vector<16xf32>
        %parallel_loop3A_351 = arith.index_cast %parallel_loop3A_335 : i32 to index
        %parallel_loop3A_352 = arith.constant 96 : index
        %parallel_loop3A_353 = tpu.vector_load %arg11[%parallel_loop3A_351, %parallel_loop3A_352] {strides = array<i32>} : memref<64x160xbf16, #tpu.memory_space<vmem>>, vector<32xbf16>,
        %parallel_loop3A_354 = tpu.unpack_subelements %parallel_loop3A_353, 0 {pack_format = #tpu.pack_format<interleaved>} : vector<32xbf16> -> vector<16xf32>
        %parallel_loop3A_355 = tpu.unpack_subelements %parallel_loop3A_353, 1 {pack_format = #tpu.pack_format<interleaved>} : vector<32xbf16> -> vector<16xf32>
        %parallel_loop3A_356 = arith.index_cast %parallel_loop3A_335 : i32 to index
        %parallel_loop3A_357 = arith.constant 128 : index
        %parallel_loop3A_358 = tpu.vector_load %arg11[%parallel_loop3A_356, %parallel_loop3A_357] {strides = array<i32>} : memref<64x160xbf16, #tpu.memory_space<vmem>>, vector<32xbf16>,
        %parallel_loop3A_359 = tpu.unpack_subelements %parallel_loop3A_358, 0 {pack_format = #tpu.pack_format<interleaved>} : vector<32xbf16> -> vector<16xf32>
        %parallel_loop3A_360 = tpu.unpack_subelements %parallel_loop3A_358, 1 {pack_format = #tpu.pack_format<interleaved>} : vector<32xbf16> -> vector<16xf32>
        %parallel_loop3A_361 = arith.index_cast %parallel_loop3A_335 : i32 to index
        %parallel_loop3A_362 = arith.constant 0 : index
        %parallel_loop3A_363 = tpu.vector_load %arg13[%parallel_loop3A_361, %parallel_loop3A_362] {strides = array<i32>} : memref<64x16xf32, #tpu.memory_space<vmem>>, vector<16xf32>,
        %parallel_loop3A_364 = arith.addf %parallel_loop3A_359, %parallel_loop3A_363 : vector<16xf32>
        %parallel_loop3A_365 = arith.constant 2.000000e-01 : f32
        %parallel_loop3A_366 = vector.broadcast %parallel_loop3A_365 : f32 to vector<16xf32>
        %parallel_loop3A_367 = arith.mulf %parallel_loop3A_364, %parallel_loop3A_366 : vector<16xf32>
        %parallel_loop3A_368 = arith.maximumf %parallel_loop3A_364, %parallel_loop3A_367 : vector<16xf32>
        %parallel_loop3A_369 = math.exp %parallel_loop3A_368 : vector<16xf32>
        %parallel_loop3A_370 = arith.index_cast %parallel_loop3A_335 : i32 to index
        %parallel_loop3A_371 = arith.constant 128 : index
        %parallel_loop3A_372 = tpu.vector_load %arg15[%parallel_loop3A_370, %parallel_loop3A_371] {strides = array<i32>} : memref<64x144xf32, #tpu.memory_space<vmem>>, vector<16xf32>,
        tpu.vector_store %arg15[%parallel_loop3A_370, %parallel_loop3A_371], %parallel_loop3A_369 {strides = array<i32>} : memref<64x144xf32, #tpu.memory_space<vmem>>, vector<16xf32>,
        %parallel_loop3A_373 = arith.constant 0 : i32
        %parallel_loop3A_374 = vector.broadcast %parallel_loop3A_373 : i32 to vector<16x1xi32>
        %parallel_loop3A_375 = vector.shape_cast %parallel_loop3A_374 : vector<16x1xi32> to vector<16xi32>
        %parallel_loop3A_376 = tpu.dynamic_gather %parallel_loop3A_369[%parallel_loop3A_375] in [0] : vector<16xf32>, vector<16xi32> -> vector<16xf32>
        %parallel_loop3A_377 = arith.mulf %parallel_loop3A_339, %parallel_loop3A_376 : vector<16xf32>
        %parallel_loop3A_378 = arith.index_cast %parallel_loop3A_335 : i32 to index
        %parallel_loop3A_379 = arith.constant 0 : index
        %parallel_loop3A_380 = tpu.vector_load %arg15[%parallel_loop3A_378, %parallel_loop3A_379] {strides = array<i32>} : memref<64x144xf32, #tpu.memory_space<vmem>>, vector<16xf32>,
        tpu.vector_store %arg15[%parallel_loop3A_378, %parallel_loop3A_379], %parallel_loop3A_377 {strides = array<i32>} : memref<64x144xf32, #tpu.memory_space<vmem>>, vector<16xf32>,
        %parallel_loop3A_381 = arith.constant 0 : i32
        %parallel_loop3A_382 = vector.broadcast %parallel_loop3A_381 : i32 to vector<16x1xi32>
        %parallel_loop3A_383 = vector.shape_cast %parallel_loop3A_382 : vector<16x1xi32> to vector<16xi32>
        %parallel_loop3A_384 = tpu.dynamic_gather %parallel_loop3A_369[%parallel_loop3A_383] in [0] : vector<16xf32>, vector<16xi32> -> vector<16xf32>
        %parallel_loop3A_385 = arith.mulf %parallel_loop3A_340, %parallel_loop3A_384 : vector<16xf32>
        %parallel_loop3A_386 = arith.index_cast %parallel_loop3A_335 : i32 to index
        %parallel_loop3A_387 = arith.constant 16 : index
        %parallel_loop3A_388 = tpu.vector_load %arg15[%parallel_loop3A_386, %parallel_loop3A_387] {strides = array<i32>} : memref<64x144xf32, #tpu.memory_space<vmem>>, vector<16xf32>,
        tpu.vector_store %arg15[%parallel_loop3A_386, %parallel_loop3A_387], %parallel_loop3A_385 {strides = array<i32>} : memref<64x144xf32, #tpu.memory_space<vmem>>, vector<16xf32>,
        %parallel_loop3A_389 = arith.constant 0 : i32
        %parallel_loop3A_390 = vector.broadcast %parallel_loop3A_389 : i32 to vector<16x1xi32>
        %parallel_loop3A_391 = vector.shape_cast %parallel_loop3A_390 : vector<16x1xi32> to vector<16xi32>
        %parallel_loop3A_392 = tpu.dynamic_gather %parallel_loop3A_369[%parallel_loop3A_391] in [0] : vector<16xf32>, vector<16xi32> -> vector<16xf32>
        %parallel_loop3A_393 = arith.mulf %parallel_loop3A_344, %parallel_loop3A_392 : vector<16xf32>
        %parallel_loop3A_394 = arith.index_cast %parallel_loop3A_335 : i32 to index
        %parallel_loop3A_395 = arith.constant 32 : index
        %parallel_loop3A_396 = tpu.vector_load %arg15[%parallel_loop3A_394, %parallel_loop3A_395] {strides = array<i32>} : memref<64x144xf32, #tpu.memory_space<vmem>>, vector<16xf32>,
        tpu.vector_store %arg15[%parallel_loop3A_394, %parallel_loop3A_395], %parallel_loop3A_393 {strides = array<i32>} : memref<64x144xf32, #tpu.memory_space<vmem>>, vector<16xf32>,
        %parallel_loop3A_397 = arith.constant 0 : i32
        %parallel_loop3A_398 = vector.broadcast %parallel_loop3A_397 : i32 to vector<16x1xi32>
        %parallel_loop3A_399 = vector.shape_cast %parallel_loop3A_398 : vector<16x1xi32> to vector<16xi32>
        %parallel_loop3A_400 = tpu.dynamic_gather %parallel_loop3A_369[%parallel_loop3A_399] in [0] : vector<16xf32>, vector<16xi32> -> vector<16xf32>
        %parallel_loop3A_401 = arith.mulf %parallel_loop3A_345, %parallel_loop3A_400 : vector<16xf32>
        %parallel_loop3A_402 = arith.index_cast %parallel_loop3A_335 : i32 to index
        %parallel_loop3A_403 = arith.constant 48 : index
        %parallel_loop3A_404 = tpu.vector_load %arg15[%parallel_loop3A_402, %parallel_loop3A_403] {strides = array<i32>} : memref<64x144xf32, #tpu.memory_space<vmem>>, vector<16xf32>,
        tpu.vector_store %arg15[%parallel_loop3A_402, %parallel_loop3A_403], %parallel_loop3A_401 {strides = array<i32>} : memref<64x144xf32, #tpu.memory_space<vmem>>, vector<16xf32>,
        %parallel_loop3A_405 = arith.constant 0 : i32
        %parallel_loop3A_406 = vector.broadcast %parallel_loop3A_405 : i32 to vector<16x1xi32>
        %parallel_loop3A_407 = vector.shape_cast %parallel_loop3A_406 : vector<16x1xi32> to vector<16xi32>
        %parallel_loop3A_408 = tpu.dynamic_gather %parallel_loop3A_369[%parallel_loop3A_407] in [0] : vector<16xf32>, vector<16xi32> -> vector<16xf32>
        %parallel_loop3A_409 = arith.mulf %parallel_loop3A_349, %parallel_loop3A_408 : vector<16xf32>
        %parallel_loop3A_410 = arith.index_cast %parallel_loop3A_335 : i32 to index
        %parallel_loop3A_411 = arith.constant 64 : index
        %parallel_loop3A_412 = tpu.vector_load %arg15[%parallel_loop3A_410, %parallel_loop3A_411] {strides = array<i32>} : memref<64x144xf32, #tpu.memory_space<vmem>>, vector<16xf32>,
        tpu.vector_store %arg15[%parallel_loop3A_410, %parallel_loop3A_411], %parallel_loop3A_409 {strides = array<i32>} : memref<64x144xf32, #tpu.memory_space<vmem>>, vector<16xf32>,
        %parallel_loop3A_413 = arith.constant 0 : i32
        %parallel_loop3A_414 = vector.broadcast %parallel_loop3A_413 : i32 to vector<16x1xi32>
        %parallel_loop3A_415 = vector.shape_cast %parallel_loop3A_414 : vector<16x1xi32> to vector<16xi32>
        %parallel_loop3A_416 = tpu.dynamic_gather %parallel_loop3A_369[%parallel_loop3A_415] in [0] : vector<16xf32>, vector<16xi32> -> vector<16xf32>
        %parallel_loop3A_417 = arith.mulf %parallel_loop3A_350, %parallel_loop3A_416 : vector<16xf32>
        %parallel_loop3A_418 = arith.index_cast %parallel_loop3A_335 : i32 to index
        %parallel_loop3A_419 = arith.constant 80 : index
        %parallel_loop3A_420 = tpu.vector_load %arg15[%parallel_loop3A_418, %parallel_loop3A_419] {strides = array<i32>} : memref<64x144xf32, #tpu.memory_space<vmem>>, vector<16xf32>,
        tpu.vector_store %arg15[%parallel_loop3A_418, %parallel_loop3A_419], %parallel_loop3A_417 {strides = array<i32>} : memref<64x144xf32, #tpu.memory_space<vmem>>, vector<16xf32>,
        %parallel_loop3A_421 = arith.constant 0 : i32
        %parallel_loop3A_422 = vector.broadcast %parallel_loop3A_421 : i32 to vector<16x1xi32>
        %parallel_loop3A_423 = vector.shape_cast %parallel_loop3A_422 : vector<16x1xi32> to vector<16xi32>
        %parallel_loop3A_424 = tpu.dynamic_gather %parallel_loop3A_369[%parallel_loop3A_423] in [0] : vector<16xf32>, vector<16xi32> -> vector<16xf32>
        %parallel_loop3A_425 = arith.mulf %parallel_loop3A_354, %parallel_loop3A_424 : vector<16xf32>
        %parallel_loop3A_426 = arith.index_cast %parallel_loop3A_335 : i32 to index
        %parallel_loop3A_427 = arith.constant 96 : index
        %parallel_loop3A_428 = tpu.vector_load %arg15[%parallel_loop3A_426, %parallel_loop3A_427] {strides = array<i32>} : memref<64x144xf32, #tpu.memory_space<vmem>>, vector<16xf32>,
        tpu.vector_store %arg15[%parallel_loop3A_426, %parallel_loop3A_427], %parallel_loop3A_425 {strides = array<i32>} : memref<64x144xf32, #tpu.memory_space<vmem>>, vector<16xf32>,
        %parallel_loop3A_429 = arith.constant 0 : i32
        %parallel_loop3A_430 = vector.broadcast %parallel_loop3A_429 : i32 to vector<16x1xi32>
        %parallel_loop3A_431 = vector.shape_cast %parallel_loop3A_430 : vector<16x1xi32> to vector<16xi32>
        %parallel_loop3A_432 = tpu.dynamic_gather %parallel_loop3A_369[%parallel_loop3A_431] in [0] : vector<16xf32>, vector<16xi32> -> vector<16xf32>
        %parallel_loop3A_433 = arith.mulf %parallel_loop3A_355, %parallel_loop3A_432 : vector<16xf32>
        %parallel_loop3A_434 = arith.index_cast %parallel_loop3A_335 : i32 to index
        %parallel_loop3A_435 = arith.constant 112 : index
        %parallel_loop3A_436 = tpu.vector_load %arg15[%parallel_loop3A_434, %parallel_loop3A_435] {strides = array<i32>} : memref<64x144xf32, #tpu.memory_space<vmem>>, vector<16xf32>,
        tpu.vector_store %arg15[%parallel_loop3A_434, %parallel_loop3A_435], %parallel_loop3A_433 {strides = array<i32>} : memref<64x144xf32, #tpu.memory_space<vmem>>, vector<16xf32>,
      } {sc.loop_unroll_factor = 4 : i64, sc.parallel_access}
      %dma_start3A_328 = arith.constant 1 : i32
      %dma_start3A_329 = arith.constant 0 : i32
      %dma_start3A_330 = tpu.memref_slice %arg9[%dma_start3A_328, %dma_start3A_329] : memref<2x64xi32, #tpu.memory_space<vmem>> -> memref<1x64xi32, #tpu.memory_space<vmem>>
      %dma_start3A_331 = tpu.memref_squeeze %dma_start3A_330 : memref<1x64xi32, #tpu.memory_space<vmem>> -> memref<64xi32, #tpu.memory_space<vmem>>
      %dma_start3A_332 = arith.constant 0 : i32
      %dma_start3A_333 = arith.constant 0 : i32
      %dma_start3A_334 = tpu.memref_slice %arg16[%dma_start3A_332, %dma_start3A_333] : memref<10016x144xf32, #tpu.memory_space<vmem_shared>> -> memref<10016x144xf32, #tpu.memory_space<vmem_shared>>
      tpu.enqueue_indirect_dma source(%arg15 : memref<64x144xf32, #tpu.memory_space<vmem>>) target(%dma_start3A_334 : memref<10016x144xf32, #tpu.memory_space<vmem_shared>>) offsets(%dma_start3A_331 : memref<64xi32, #tpu.memory_space<vmem>>) semaphore(%arg26 : memref<!tpu.dma_semaphore, #tpu.memory_space<semaphore_mem>>) {add = true}
    }
    %scan3A_74 = arith.constant 41 : i32
    %dma_wait3A_75 = arith.constant 1 : i32
    %dma_wait3A_76 = arith.constant 0 : i32
    %dma_wait3A_77 = tpu.memref_slice %arg8[%dma_wait3A_75, %dma_wait3A_76] : memref<2x64xi32, #tpu.memory_space<vmem>> -> memref<1x64xi32, #tpu.memory_space<vmem>>
    %dma_wait3A_78 = tpu.memref_squeeze %dma_wait3A_77 : memref<1x64xi32, #tpu.memory_space<vmem>> -> memref<64xi32, #tpu.memory_space<vmem>>
    %dma_wait3A_79 = arith.constant 0 : i32
    %dma_wait3A_80 = arith.constant 0 : i32
    %dma_wait3A_81 = tpu.memref_slice %arg16[%dma_wait3A_79, %dma_wait3A_80] : memref<10016x144xf32, #tpu.memory_space<vmem_shared>> -> memref<10016x144xf32, #tpu.memory_space<vmem_shared>>
    tpu.wait_indirect_dma semaphore(%arg25 : memref<!tpu.dma_semaphore, #tpu.memory_space<semaphore_mem>>) src(%arg14 : memref<64x144xf32, #tpu.memory_space<vmem>>) dst(%dma_wait3A_81 : memref<10016x144xf32, #tpu.memory_space<vmem_shared>>)
    %dma_wait3A_82 = arith.constant 1 : i32
    %dma_wait3A_83 = arith.constant 0 : i32
    %dma_wait3A_84 = tpu.memref_slice %arg9[%dma_wait3A_82, %dma_wait3A_83] : memref<2x64xi32, #tpu.memory_space<vmem>> -> memref<1x64xi32, #tpu.memory_space<vmem>>
    %dma_wait3A_85 = tpu.memref_squeeze %dma_wait3A_84 : memref<1x64xi32, #tpu.memory_space<vmem>> -> memref<64xi32, #tpu.memory_space<vmem>>
    %dma_wait3A_86 = arith.constant 0 : i32
    %dma_wait3A_87 = arith.constant 0 : i32
    %dma_wait3A_88 = tpu.memref_slice %arg16[%dma_wait3A_86, %dma_wait3A_87] : memref<10016x144xf32, #tpu.memory_space<vmem_shared>> -> memref<10016x144xf32, #tpu.memory_space<vmem_shared>>
    tpu.wait_indirect_dma semaphore(%arg26 : memref<!tpu.dma_semaphore, #tpu.memory_space<semaphore_mem>>) src(%arg15 : memref<64x144xf32, #tpu.memory_space<vmem>>) dst(%dma_wait3A_88 : memref<10016x144xf32, #tpu.memory_space<vmem_shared>>)
    %barrier3A_89 = arith.constant 0 : index
    tpu.barrier barrier_id(%barrier3A_89)
    "tpu.region"() ({
      %run_scoped3A = tpu.sem_alloc : memref<!tpu.dma_semaphore, #tpu.memory_space<semaphore_mem>>
      %dma_start3A_90 = arith.constant 0 : i32
      %dma_start3A_91 = tpu.memref_slice %arg5[%arg0, %mul3A_8, %dma_start3A_90] : memref<2x10016x144xf32, #tpu.memory_space<hbm>> -> memref<1x626x144xf32, #tpu.memory_space<hbm>>
      %dma_start3A_92 = tpu.memref_squeeze %dma_start3A_91 : memref<1x626x144xf32, #tpu.memory_space<hbm>> -> memref<626x144xf32, #tpu.memory_space<hbm>>
      %dma_start3A_93 = arith.constant 0 : i32
      %dma_start3A_94 = tpu.memref_slice %arg16[%mul3A_8, %dma_start3A_93] : memref<10016x144xf32, #tpu.memory_space<vmem_shared>> -> memref<626x144xf32, #tpu.memory_space<vmem_shared>>
      tpu.enqueue_dma source(%dma_start3A_94 : memref<626x144xf32, #tpu.memory_space<vmem_shared>>) target(%dma_start3A_92 : memref<626x144xf32, #tpu.memory_space<hbm>>) target_semaphore(%run_scoped3A : memref<!tpu.dma_semaphore, #tpu.memory_space<semaphore_mem>>)
      %dma_wait3A_95 = arith.constant 0 : i32
      %dma_wait3A_96 = tpu.memref_slice %arg5[%arg0, %mul3A_8, %dma_wait3A_95] : memref<2x10016x144xf32, #tpu.memory_space<hbm>> -> memref<1x626x144xf32, #tpu.memory_space<hbm>>
      %dma_wait3A_97 = tpu.memref_squeeze %dma_wait3A_96 : memref<1x626x144xf32, #tpu.memory_space<hbm>> -> memref<626x144xf32, #tpu.memory_space<hbm>>
      %dma_wait3A_98 = arith.constant 0 : i32
      %dma_wait3A_99 = tpu.memref_slice %arg16[%mul3A_8, %dma_wait3A_98] : memref<10016x144xf32, #tpu.memory_space<vmem_shared>> -> memref<626x144xf32, #tpu.memory_space<vmem_shared>>
      tpu.wait_dma2 semaphore(%run_scoped3A : memref<!tpu.dma_semaphore, #tpu.memory_space<semaphore_mem>>) src(%dma_wait3A_99 : memref<626x144xf32, #tpu.memory_space<vmem_shared>>) dst(%dma_wait3A_97 : memref<626x144xf32, #tpu.memory_space<hbm>>)
      tpu.yield
    }) : () -> ()
    return
  }
}

module attributes {stable_mosaic.version = 14 : i64} {
  func.func @body(%arg0: i32, %arg1: memref<2000x128xf32, #tpu.memory_space<vmem>>, %arg2: memref<128x96xf32, #tpu.memory_space<vmem>>, %arg3: memref<1x96xf32, #tpu.memory_space<vmem>>, %arg4: memref<1x96xf32, #tpu.memory_space<vmem>>, %arg5: memref<2000x128xbf16, #tpu.memory_space<vmem>>, %arg6: memref<2000x16xf32, #tpu.memory_space<vmem>>) attributes {dimension_semantics = [#tpu.dimension_semantics<arbitrary>], iteration_bounds = array<i64: 5>, scalar_prefetch = 0 : i64, scratch_operands = 0 : i64, tpu.core_type = #tpu.core_type<tc>, window_params = [{transform_indices = @transform_0, window_bounds = array<i64: 2000, 128>}, {pipeline_mode = #tpu.pipeline_mode<synchronous>, transform_indices = @transform_1, window_bounds = array<i64: 128, 96>}, {pipeline_mode = #tpu.pipeline_mode<synchronous>, transform_indices = @transform_2, window_bounds = array<i64: 1, 96>}, {pipeline_mode = #tpu.pipeline_mode<synchronous>, transform_indices = @transform_3, window_bounds = array<i64: 1, 96>}, {transform_indices = @transform_4, window_bounds = array<i64: 2000, 128>}, {transform_indices = @transform_5, window_bounds = array<i64: 2000, 16>}]} {
    %get3A = arith.constant 0 : index
    %get3A_0 = arith.constant 0 : index
    %get3A_1 = vector.load %arg1[%get3A, %get3A_0] : memref<2000x128xf32, #tpu.memory_space<vmem>>, vector<2000x128xf32>
    %get3A_2 = arith.constant 0 : index
    %get3A_3 = arith.constant 0 : index
    %get3A_4 = vector.load %arg2[%get3A_2, %get3A_3] : memref<128x96xf32, #tpu.memory_space<vmem>>, vector<128x96xf32>
    %dot_general3A = arith.constant dense<0.000000e+00> : vector<2000x96xf32>
    %dot_general3A_5 = tpu.matmul %get3A_1, %get3A_4, %dot_general3A {dimension_numbers = #tpu.dot_dimension_numbers<[1], [0], [0], [1], [0, 0, 1, 1], [], []>, transpose_lhs_hint = false} : vector<2000x128xf32>, vector<128x96xf32>, vector<2000x96xf32> -> vector<2000x96xf32>
    %iota3A = tpu.iota {dimensions = array<i32: 0>} : vector<96x16xi32>
    %iota3A_6 = tpu.iota {dimensions = array<i32: 1>} : vector<96x16xi32>
    %jit3A = arith.constant 16 : i32
    %div3A = vector.broadcast %jit3A : i32 to vector<96x16xi32>
    %div3A_7 = arith.divsi %iota3A, %div3A : vector<96x16xi32>
    %sign3A = arith.constant 0 : i32
    %sign3A_8 = vector.broadcast %sign3A : i32 to vector<96x16xi32>
    %sign3A_9 = arith.cmpi sgt, %iota3A, %sign3A_8 : vector<96x16xi32>
    %sign3A_10 = arith.extui %sign3A_9 : vector<96x16xi1> to vector<96x16xi32>
    %sign3A_11 = arith.constant 0 : i32
    %sign3A_12 = vector.broadcast %sign3A_11 : i32 to vector<96x16xi32>
    %sign3A_13 = arith.cmpi slt, %iota3A, %sign3A_12 : vector<96x16xi32>
    %sign3A_14 = arith.extui %sign3A_13 : vector<96x16xi1> to vector<96x16xi32>
    %sign3A_15 = arith.subi %sign3A_10, %sign3A_14 : vector<96x16xi32>
    %sign3A_16 = arith.constant 0 : i32
    %sign3A_17 = arith.cmpi sgt, %jit3A, %sign3A_16 : i32
    %sign3A_18 = arith.extui %sign3A_17 : i1 to i32
    %sign3A_19 = arith.constant 0 : i32
    %sign3A_20 = arith.cmpi slt, %jit3A, %sign3A_19 : i32
    %sign3A_21 = arith.extui %sign3A_20 : i1 to i32
    %sign3A_22 = arith.subi %sign3A_18, %sign3A_21 : i32
    %ne3A = vector.broadcast %sign3A_22 : i32 to vector<96x16xi32>
    %ne3A_23 = arith.cmpi ne, %sign3A_15, %ne3A : vector<96x16xi32>
    %rem3A = vector.broadcast %jit3A : i32 to vector<96x16xi32>
    %rem3A_24 = arith.remsi %iota3A, %rem3A : vector<96x16xi32>
    %ne3A_25 = arith.constant 0 : i32
    %ne3A_26 = vector.broadcast %ne3A_25 : i32 to vector<96x16xi32>
    %ne3A_27 = arith.cmpi ne, %rem3A_24, %ne3A_26 : vector<96x16xi32>
    %and3A = arith.andi %ne3A_23, %ne3A_27 : vector<96x16xi1>
    %sub3A = arith.constant 1 : i32
    %sub3A_28 = vector.broadcast %sub3A : i32 to vector<96x16xi32>
    %sub3A_29 = arith.subi %div3A_7, %sub3A_28 : vector<96x16xi32>
    %select_n3A = arith.select %and3A, %sub3A_29, %div3A_7 : vector<96x16xi1>, vector<96x16xi32>
    %eq3A = arith.cmpi eq, %select_n3A, %iota3A_6 : vector<96x16xi32>
    %jit3A_30 = arith.constant 1.000000e+00 : f32
    %jit3A_31 = arith.constant 0.000000e+00 : f32
    %broadcast_in_dim3A = vector.broadcast %jit3A_30 : f32 to vector<96x16xf32>
    %broadcast_in_dim3A_32 = vector.broadcast %jit3A_31 : f32 to vector<96x16xf32>
    %select_n3A_33 = arith.select %eq3A, %broadcast_in_dim3A, %broadcast_in_dim3A_32 : vector<96x16xi1>, vector<96x16xf32>
    %get3A_34 = arith.constant 0 : index
    %get3A_35 = arith.constant 0 : index
    %get3A_36 = vector.load %arg3[%get3A_34, %get3A_35] : memref<1x96xf32, #tpu.memory_space<vmem>>, vector<1x96xf32>
    %mul3A = vector.broadcast %get3A_36 : vector<1x96xf32> to vector<2000x96xf32>
    %mul3A_37 = arith.mulf %dot_general3A_5, %mul3A : vector<2000x96xf32>
    %dot_general3A_38 = arith.constant dense<0.000000e+00> : vector<2000x16xf32>
    %dot_general3A_39 = tpu.matmul %mul3A_37, %select_n3A_33, %dot_general3A_38 {dimension_numbers = #tpu.dot_dimension_numbers<[1], [0], [0], [1], [0, 0, 1, 1], [], []>, transpose_lhs_hint = false} : vector<2000x96xf32>, vector<96x16xf32>, vector<2000x16xf32> -> vector<2000x16xf32>
    %get3A_40 = arith.constant 0 : index
    %get3A_41 = arith.constant 0 : index
    %get3A_42 = vector.load %arg4[%get3A_40, %get3A_41] : memref<1x96xf32, #tpu.memory_space<vmem>>, vector<1x96xf32>
    %mul3A_43 = vector.broadcast %get3A_42 : vector<1x96xf32> to vector<2000x96xf32>
    %mul3A_44 = arith.mulf %dot_general3A_5, %mul3A_43 : vector<2000x96xf32>
    %dot_general3A_45 = arith.constant dense<0.000000e+00> : vector<2000x16xf32>
    %dot_general3A_46 = tpu.matmul %mul3A_44, %select_n3A_33, %dot_general3A_45 {dimension_numbers = #tpu.dot_dimension_numbers<[1], [0], [0], [1], [0, 0, 1, 1], [], []>, transpose_lhs_hint = false} : vector<2000x96xf32>, vector<96x16xf32>, vector<2000x16xf32> -> vector<2000x16xf32>
    %concatenate3A = tpu.concatenate %dot_general3A_5, %dot_general3A_39 in 1 : vector<2000x96xf32>, vector<2000x16xf32> -> vector<2000x112xf32>
    %iota3A_47 = tpu.iota {dimensions = array<i32: 0>} : vector<112x128xi32>
    %iota3A_48 = tpu.iota {dimensions = array<i32: 1>} : vector<112x128xi32>
    %jit3A_49 = arith.constant 32 : i32
    %div3A_50 = vector.broadcast %jit3A_49 : i32 to vector<112x128xi32>
    %div3A_51 = arith.divsi %iota3A_48, %div3A_50 : vector<112x128xi32>
    %sign3A_52 = arith.constant 0 : i32
    %sign3A_53 = vector.broadcast %sign3A_52 : i32 to vector<112x128xi32>
    %sign3A_54 = arith.cmpi sgt, %iota3A_48, %sign3A_53 : vector<112x128xi32>
    %sign3A_55 = arith.extui %sign3A_54 : vector<112x128xi1> to vector<112x128xi32>
    %sign3A_56 = arith.constant 0 : i32
    %sign3A_57 = vector.broadcast %sign3A_56 : i32 to vector<112x128xi32>
    %sign3A_58 = arith.cmpi slt, %iota3A_48, %sign3A_57 : vector<112x128xi32>
    %sign3A_59 = arith.extui %sign3A_58 : vector<112x128xi1> to vector<112x128xi32>
    %sign3A_60 = arith.subi %sign3A_55, %sign3A_59 : vector<112x128xi32>
    %sign3A_61 = arith.constant 0 : i32
    %sign3A_62 = arith.cmpi sgt, %jit3A_49, %sign3A_61 : i32
    %sign3A_63 = arith.extui %sign3A_62 : i1 to i32
    %sign3A_64 = arith.constant 0 : i32
    %sign3A_65 = arith.cmpi slt, %jit3A_49, %sign3A_64 : i32
    %sign3A_66 = arith.extui %sign3A_65 : i1 to i32
    %sign3A_67 = arith.subi %sign3A_63, %sign3A_66 : i32
    %ne3A_68 = vector.broadcast %sign3A_67 : i32 to vector<112x128xi32>
    %ne3A_69 = arith.cmpi ne, %sign3A_60, %ne3A_68 : vector<112x128xi32>
    %rem3A_70 = vector.broadcast %jit3A_49 : i32 to vector<112x128xi32>
    %rem3A_71 = arith.remsi %iota3A_48, %rem3A_70 : vector<112x128xi32>
    %ne3A_72 = arith.constant 0 : i32
    %ne3A_73 = vector.broadcast %ne3A_72 : i32 to vector<112x128xi32>
    %ne3A_74 = arith.cmpi ne, %rem3A_71, %ne3A_73 : vector<112x128xi32>
    %and3A_75 = arith.andi %ne3A_69, %ne3A_74 : vector<112x128xi1>
    %sub3A_76 = arith.constant 1 : i32
    %sub3A_77 = vector.broadcast %sub3A_76 : i32 to vector<112x128xi32>
    %sub3A_78 = arith.subi %div3A_51, %sub3A_77 : vector<112x128xi32>
    %select_n3A_79 = arith.select %and3A_75, %sub3A_78, %div3A_51 : vector<112x128xi1>, vector<112x128xi32>
    %mul3A_80 = arith.constant 32 : i32
    %mul3A_81 = vector.broadcast %mul3A_80 : i32 to vector<112x128xi32>
    %mul3A_82 = arith.muli %mul3A_81, %select_n3A_79 : vector<112x128xi32>
    %jit3A_83 = arith.constant 2 : i32
    %eq3A_84 = arith.constant 0 : i32
    %eq3A_85 = arith.cmpi eq, %jit3A_83, %eq3A_84 : i32
    %jit3A_86 = arith.constant 1 : i32
    %select_n3A_87 = arith.select %eq3A_85, %jit3A_86, %jit3A_83 : i32
    %rem3A_88 = vector.broadcast %select_n3A_87 : i32 to vector<112x128xi32>
    %rem3A_89 = arith.remsi %iota3A_48, %rem3A_88 : vector<112x128xi32>
    %ne3A_90 = arith.constant 0 : i32
    %ne3A_91 = vector.broadcast %ne3A_90 : i32 to vector<112x128xi32>
    %ne3A_92 = arith.cmpi ne, %rem3A_89, %ne3A_91 : vector<112x128xi32>
    %lt3A = arith.constant 0 : i32
    %lt3A_93 = vector.broadcast %lt3A : i32 to vector<112x128xi32>
    %lt3A_94 = arith.cmpi slt, %rem3A_89, %lt3A_93 : vector<112x128xi32>
    %lt3A_95 = arith.constant 0 : i32
    %lt3A_96 = arith.cmpi slt, %select_n3A_87, %lt3A_95 : i32
    %ne3A_97 = vector.broadcast %lt3A_96 : i1 to vector<112x128xi1>
    %ne3A_98 = vector.broadcast %ne3A_97 : vector<112x128xi1> to vector<112x128xi1>
    %ne3A_99 = arith.xori %lt3A_94, %ne3A_98 : vector<112x128xi1>
    %and3A_100 = arith.andi %ne3A_99, %ne3A_92 : vector<112x128xi1>
    %add3A = vector.broadcast %select_n3A_87 : i32 to vector<112x128xi32>
    %add3A_101 = arith.addi %rem3A_89, %add3A : vector<112x128xi32>
    %select_n3A_102 = arith.select %and3A_100, %add3A_101, %rem3A_89 : vector<112x128xi1>, vector<112x128xi32>
    %mul3A_103 = arith.constant 16 : i32
    %mul3A_104 = vector.broadcast %mul3A_103 : i32 to vector<112x128xi32>
    %mul3A_105 = arith.muli %mul3A_104, %select_n3A_102 : vector<112x128xi32>
    %add3A_106 = arith.addi %mul3A_82, %mul3A_105 : vector<112x128xi32>
    %jit3A_107 = arith.constant 32 : i32
    %eq3A_108 = arith.constant 0 : i32
    %eq3A_109 = arith.cmpi eq, %jit3A_107, %eq3A_108 : i32
    %jit3A_110 = arith.constant 1 : i32
    %select_n3A_111 = arith.select %eq3A_109, %jit3A_110, %jit3A_107 : i32
    %rem3A_112 = vector.broadcast %select_n3A_111 : i32 to vector<112x128xi32>
    %rem3A_113 = arith.remsi %iota3A_48, %rem3A_112 : vector<112x128xi32>
    %ne3A_114 = arith.constant 0 : i32
    %ne3A_115 = vector.broadcast %ne3A_114 : i32 to vector<112x128xi32>
    %ne3A_116 = arith.cmpi ne, %rem3A_113, %ne3A_115 : vector<112x128xi32>
    %lt3A_117 = arith.constant 0 : i32
    %lt3A_118 = vector.broadcast %lt3A_117 : i32 to vector<112x128xi32>
    %lt3A_119 = arith.cmpi slt, %rem3A_113, %lt3A_118 : vector<112x128xi32>
    %lt3A_120 = arith.constant 0 : i32
    %lt3A_121 = arith.cmpi slt, %select_n3A_111, %lt3A_120 : i32
    %ne3A_122 = vector.broadcast %lt3A_121 : i1 to vector<112x128xi1>
    %ne3A_123 = vector.broadcast %ne3A_122 : vector<112x128xi1> to vector<112x128xi1>
    %ne3A_124 = arith.xori %lt3A_119, %ne3A_123 : vector<112x128xi1>
    %and3A_125 = arith.andi %ne3A_124, %ne3A_116 : vector<112x128xi1>
    %add3A_126 = vector.broadcast %select_n3A_111 : i32 to vector<112x128xi32>
    %add3A_127 = arith.addi %rem3A_113, %add3A_126 : vector<112x128xi32>
    %select_n3A_128 = arith.select %and3A_125, %add3A_127, %rem3A_113 : vector<112x128xi1>, vector<112x128xi32>
    %jit3A_129 = arith.constant 2 : i32
    %div3A_130 = vector.broadcast %jit3A_129 : i32 to vector<112x128xi32>
    %div3A_131 = arith.divsi %select_n3A_128, %div3A_130 : vector<112x128xi32>
    %sign3A_132 = arith.constant 0 : i32
    %sign3A_133 = vector.broadcast %sign3A_132 : i32 to vector<112x128xi32>
    %sign3A_134 = arith.cmpi sgt, %select_n3A_128, %sign3A_133 : vector<112x128xi32>
    %sign3A_135 = arith.extui %sign3A_134 : vector<112x128xi1> to vector<112x128xi32>
    %sign3A_136 = arith.constant 0 : i32
    %sign3A_137 = vector.broadcast %sign3A_136 : i32 to vector<112x128xi32>
    %sign3A_138 = arith.cmpi slt, %select_n3A_128, %sign3A_137 : vector<112x128xi32>
    %sign3A_139 = arith.extui %sign3A_138 : vector<112x128xi1> to vector<112x128xi32>
    %sign3A_140 = arith.subi %sign3A_135, %sign3A_139 : vector<112x128xi32>
    %sign3A_141 = arith.constant 0 : i32
    %sign3A_142 = arith.cmpi sgt, %jit3A_129, %sign3A_141 : i32
    %sign3A_143 = arith.extui %sign3A_142 : i1 to i32
    %sign3A_144 = arith.constant 0 : i32
    %sign3A_145 = arith.cmpi slt, %jit3A_129, %sign3A_144 : i32
    %sign3A_146 = arith.extui %sign3A_145 : i1 to i32
    %sign3A_147 = arith.subi %sign3A_143, %sign3A_146 : i32
    %ne3A_148 = vector.broadcast %sign3A_147 : i32 to vector<112x128xi32>
    %ne3A_149 = arith.cmpi ne, %sign3A_140, %ne3A_148 : vector<112x128xi32>
    %rem3A_150 = vector.broadcast %jit3A_129 : i32 to vector<112x128xi32>
    %rem3A_151 = arith.remsi %select_n3A_128, %rem3A_150 : vector<112x128xi32>
    %ne3A_152 = arith.constant 0 : i32
    %ne3A_153 = vector.broadcast %ne3A_152 : i32 to vector<112x128xi32>
    %ne3A_154 = arith.cmpi ne, %rem3A_151, %ne3A_153 : vector<112x128xi32>
    %and3A_155 = arith.andi %ne3A_149, %ne3A_154 : vector<112x128xi1>
    %sub3A_156 = arith.constant 1 : i32
    %sub3A_157 = vector.broadcast %sub3A_156 : i32 to vector<112x128xi32>
    %sub3A_158 = arith.subi %div3A_131, %sub3A_157 : vector<112x128xi32>
    %select_n3A_159 = arith.select %and3A_155, %sub3A_158, %div3A_131 : vector<112x128xi1>, vector<112x128xi32>
    %add3A_160 = arith.addi %add3A_106, %select_n3A_159 : vector<112x128xi32>
    %eq3A_161 = arith.cmpi eq, %iota3A_47, %add3A_160 : vector<112x128xi32>
    %jit3A_162 = arith.constant 1.000000e+00 : f32
    %jit3A_163 = arith.constant 0.000000e+00 : f32
    %broadcast_in_dim3A_164 = vector.broadcast %jit3A_162 : f32 to vector<112x128xf32>
    %broadcast_in_dim3A_165 = vector.broadcast %jit3A_163 : f32 to vector<112x128xf32>
    %select_n3A_166 = arith.select %eq3A_161, %broadcast_in_dim3A_164, %broadcast_in_dim3A_165 : vector<112x128xi1>, vector<112x128xf32>
    %dot_general3A_167 = arith.constant dense<0.000000e+00> : vector<2000x128xf32>
    %dot_general3A_168 = tpu.matmul %concatenate3A, %select_n3A_166, %dot_general3A_167 {dimension_numbers = #tpu.dot_dimension_numbers<[1], [0], [0], [1], [0, 0, 1, 1], [], []>, transpose_lhs_hint = false} : vector<2000x112xf32>, vector<112x128xf32>, vector<2000x128xf32> -> vector<2000x128xf32>
    %convert_element_type3A = arith.truncf %dot_general3A_168 : vector<2000x128xf32> to vector<2000x128xbf16>
    %swap3A = arith.constant 0 : index
    %swap3A_169 = arith.constant 0 : index
    %swap3A_170 = vector.load %arg5[%swap3A, %swap3A_169] : memref<2000x128xbf16, #tpu.memory_space<vmem>>, vector<2000x128xbf16>
    tpu.vector_store %arg5[%swap3A, %swap3A_169], %convert_element_type3A {strides = array<i32>} : memref<2000x128xbf16, #tpu.memory_space<vmem>>, vector<2000x128xbf16>,
    %swap3A_171 = arith.constant 0 : index
    %swap3A_172 = arith.constant 0 : index
    %swap3A_173 = vector.load %arg6[%swap3A_171, %swap3A_172] : memref<2000x16xf32, #tpu.memory_space<vmem>>, vector<2000x16xf32>
    tpu.vector_store %arg6[%swap3A_171, %swap3A_172], %dot_general3A_46 {strides = array<i32>} : memref<2000x16xf32, #tpu.memory_space<vmem>>, vector<2000x16xf32>,
    return
  }
  func.func @transform_0(%arg0: i32) -> (i32, i32) {
    %c0_i32 = arith.constant 0 : i32
    %c0_i32_0 = arith.constant 0 : i32
    return %arg0, %c0_i32 : i32, i32
  }
  func.func @transform_1(%arg0: i32) -> (i32, i32) {
    %c0_i32 = arith.constant 0 : i32
    %c0_i32_0 = arith.constant 0 : i32
    %c0_i32_1 = arith.constant 0 : i32
    return %c0_i32, %c0_i32_0 : i32, i32
  }
  func.func @transform_2(%arg0: i32) -> (i32, i32) {
    %c0_i32 = arith.constant 0 : i32
    %c0_i32_0 = arith.constant 0 : i32
    %c0_i32_1 = arith.constant 0 : i32
    return %c0_i32, %c0_i32_0 : i32, i32
  }
  func.func @transform_3(%arg0: i32) -> (i32, i32) {
    %c0_i32 = arith.constant 0 : i32
    %c0_i32_0 = arith.constant 0 : i32
    %c0_i32_1 = arith.constant 0 : i32
    return %c0_i32, %c0_i32_0 : i32, i32
  }
  func.func @transform_4(%arg0: i32) -> (i32, i32) {
    %c0_i32 = arith.constant 0 : i32
    %c0_i32_0 = arith.constant 0 : i32
    return %arg0, %c0_i32 : i32, i32
  }
  func.func @transform_5(%arg0: i32) -> (i32, i32) {
    %c0_i32 = arith.constant 0 : i32
    %c0_i32_0 = arith.constant 0 : i32
    return %arg0, %c0_i32 : i32, i32
  }
}

module attributes {stable_mosaic.version = 14 : i64} {
  func.func @body(%arg0: i32, %arg1: memref<2x2504x112xf32, #tpu.memory_space<vmem>>, %arg2: memref<96x128xf32, #tpu.memory_space<vmem>>, %arg3: memref<1x128xf32, #tpu.memory_space<vmem>>, %arg4: memref<1x128xf32, #tpu.memory_space<vmem>>, %arg5: memref<1x96xf32, #tpu.memory_space<vmem>>, %arg6: memref<2504x160xbf16, #tpu.memory_space<vmem>>, %arg7: memref<2504x16xf32, #tpu.memory_space<vmem>>) attributes {dimension_semantics = [#tpu.dimension_semantics<arbitrary>], iteration_bounds = array<i64: 4>, scalar_prefetch = 0 : i64, scratch_operands = 0 : i64, tpu.core_type = #tpu.core_type<tc>, window_params = [{transform_indices = @transform_0, window_bounds = array<i64: 2, 2504, 112>}, {pipeline_mode = #tpu.pipeline_mode<synchronous>, transform_indices = @transform_1, window_bounds = array<i64: 96, 128>}, {pipeline_mode = #tpu.pipeline_mode<synchronous>, transform_indices = @transform_2, window_bounds = array<i64: 1, 128>}, {pipeline_mode = #tpu.pipeline_mode<synchronous>, transform_indices = @transform_3, window_bounds = array<i64: 1, 128>}, {pipeline_mode = #tpu.pipeline_mode<synchronous>, transform_indices = @transform_4, window_bounds = array<i64: 1, 96>}, {transform_indices = @transform_5, window_bounds = array<i64: 2504, 160>}, {transform_indices = @transform_6, window_bounds = array<i64: 2504, 16>}]} {
    %get3A = arith.constant 0 : index
    %get3A_0 = arith.constant 0 : index
    %get3A_1 = arith.constant 0 : index
    %get3A_2 = vector.load %arg1[%get3A, %get3A_0, %get3A_1] : memref<2x2504x112xf32, #tpu.memory_space<vmem>>, vector<1x2504x112xf32>
    %get3A_3 = vector.shape_cast %get3A_2 : vector<1x2504x112xf32> to vector<2504x112xf32>
    %get3A_4 = arith.constant 1 : index
    %get3A_5 = arith.constant 0 : index
    %get3A_6 = arith.constant 0 : index
    %get3A_7 = vector.load %arg1[%get3A_4, %get3A_5, %get3A_6] : memref<2x2504x112xf32, #tpu.memory_space<vmem>>, vector<1x2504x112xf32>
    %get3A_8 = vector.shape_cast %get3A_7 : vector<1x2504x112xf32> to vector<2504x112xf32>
    %add3A = arith.addf %get3A_3, %get3A_8 : vector<2504x112xf32>
    %slice3A = vector.extract_strided_slice %add3A {offsets = [0, 0], sizes = [2504, 96], strides = [1, 1]} : vector<2504x112xf32> to vector<2504x96xf32>
    %slice3A_9 = vector.extract_strided_slice %add3A {offsets = [0, 96], sizes = [2504, 16], strides = [1, 1]} : vector<2504x112xf32> to vector<2504x16xf32>
    %div3A = arith.constant 1.000000e+00 : f32
    %div3A_10 = vector.broadcast %div3A : f32 to vector<2504x16xf32>
    %div3A_11 = arith.divf %div3A_10, %slice3A_9 : vector<2504x16xf32>
    %iota3A = tpu.iota {dimensions = array<i32: 0>} : vector<16x96xi32>
    %iota3A_12 = tpu.iota {dimensions = array<i32: 1>} : vector<16x96xi32>
    %jit3A = arith.constant 16 : i32
    %div3A_13 = vector.broadcast %jit3A : i32 to vector<16x96xi32>
    %div3A_14 = arith.divsi %iota3A_12, %div3A_13 : vector<16x96xi32>
    %sign3A = arith.constant 0 : i32
    %sign3A_15 = vector.broadcast %sign3A : i32 to vector<16x96xi32>
    %sign3A_16 = arith.cmpi sgt, %iota3A_12, %sign3A_15 : vector<16x96xi32>
    %sign3A_17 = arith.extui %sign3A_16 : vector<16x96xi1> to vector<16x96xi32>
    %sign3A_18 = arith.constant 0 : i32
    %sign3A_19 = vector.broadcast %sign3A_18 : i32 to vector<16x96xi32>
    %sign3A_20 = arith.cmpi slt, %iota3A_12, %sign3A_19 : vector<16x96xi32>
    %sign3A_21 = arith.extui %sign3A_20 : vector<16x96xi1> to vector<16x96xi32>
    %sign3A_22 = arith.subi %sign3A_17, %sign3A_21 : vector<16x96xi32>
    %sign3A_23 = arith.constant 0 : i32
    %sign3A_24 = arith.cmpi sgt, %jit3A, %sign3A_23 : i32
    %sign3A_25 = arith.extui %sign3A_24 : i1 to i32
    %sign3A_26 = arith.constant 0 : i32
    %sign3A_27 = arith.cmpi slt, %jit3A, %sign3A_26 : i32
    %sign3A_28 = arith.extui %sign3A_27 : i1 to i32
    %sign3A_29 = arith.subi %sign3A_25, %sign3A_28 : i32
    %ne3A = vector.broadcast %sign3A_29 : i32 to vector<16x96xi32>
    %ne3A_30 = arith.cmpi ne, %sign3A_22, %ne3A : vector<16x96xi32>
    %rem3A = vector.broadcast %jit3A : i32 to vector<16x96xi32>
    %rem3A_31 = arith.remsi %iota3A_12, %rem3A : vector<16x96xi32>
    %ne3A_32 = arith.constant 0 : i32
    %ne3A_33 = vector.broadcast %ne3A_32 : i32 to vector<16x96xi32>
    %ne3A_34 = arith.cmpi ne, %rem3A_31, %ne3A_33 : vector<16x96xi32>
    %and3A = arith.andi %ne3A_30, %ne3A_34 : vector<16x96xi1>
    %sub3A = arith.constant 1 : i32
    %sub3A_35 = vector.broadcast %sub3A : i32 to vector<16x96xi32>
    %sub3A_36 = arith.subi %div3A_14, %sub3A_35 : vector<16x96xi32>
    %select_n3A = arith.select %and3A, %sub3A_36, %div3A_14 : vector<16x96xi1>, vector<16x96xi32>
    %eq3A = arith.cmpi eq, %iota3A, %select_n3A : vector<16x96xi32>
    %jit3A_37 = arith.constant 1.000000e+00 : f32
    %jit3A_38 = arith.constant 0.000000e+00 : f32
    %broadcast_in_dim3A = vector.broadcast %jit3A_37 : f32 to vector<16x96xf32>
    %broadcast_in_dim3A_39 = vector.broadcast %jit3A_38 : f32 to vector<16x96xf32>
    %select_n3A_40 = arith.select %eq3A, %broadcast_in_dim3A, %broadcast_in_dim3A_39 : vector<16x96xi1>, vector<16x96xf32>
    %dot_general3A = arith.constant dense<0.000000e+00> : vector<2504x96xf32>
    %dot_general3A_41 = tpu.matmul %div3A_11, %select_n3A_40, %dot_general3A {dimension_numbers = #tpu.dot_dimension_numbers<[1], [0], [0], [1], [0, 0, 1, 1], [], []>, transpose_lhs_hint = false} : vector<2504x16xf32>, vector<16x96xf32>, vector<2504x96xf32> -> vector<2504x96xf32>
    %mul3A = arith.mulf %slice3A, %dot_general3A_41 : vector<2504x96xf32>
    %get3A_42 = arith.constant 0 : index
    %get3A_43 = arith.constant 0 : index
    %get3A_44 = vector.load %arg5[%get3A_42, %get3A_43] : memref<1x96xf32, #tpu.memory_space<vmem>>, vector<1x96xf32>
    %add3A_45 = vector.broadcast %get3A_44 : vector<1x96xf32> to vector<2504x96xf32>
    %add3A_46 = arith.addf %mul3A, %add3A_45 : vector<2504x96xf32>
    %max3A = arith.constant 0.000000e+00 : f32
    %max3A_47 = vector.broadcast %max3A : f32 to vector<2504x96xf32>
    %max3A_48 = arith.maximumf %add3A_46, %max3A_47 : vector<2504x96xf32>
    %get3A_49 = arith.constant 0 : index
    %get3A_50 = arith.constant 0 : index
    %get3A_51 = vector.load %arg2[%get3A_49, %get3A_50] : memref<96x128xf32, #tpu.memory_space<vmem>>, vector<96x128xf32>
    %dot_general3A_52 = arith.constant dense<0.000000e+00> : vector<2504x128xf32>
    %dot_general3A_53 = tpu.matmul %max3A_48, %get3A_51, %dot_general3A_52 {dimension_numbers = #tpu.dot_dimension_numbers<[1], [0], [0], [1], [0, 0, 1, 1], [], []>, transpose_lhs_hint = false} : vector<2504x96xf32>, vector<96x128xf32>, vector<2504x128xf32> -> vector<2504x128xf32>
    %iota3A_54 = tpu.iota {dimensions = array<i32: 0>} : vector<128x16xi32>
    %iota3A_55 = tpu.iota {dimensions = array<i32: 1>} : vector<128x16xi32>
    %jit3A_56 = arith.constant 128 : i32
    %div3A_57 = vector.broadcast %jit3A_56 : i32 to vector<128x16xi32>
    %div3A_58 = arith.divsi %iota3A_54, %div3A_57 : vector<128x16xi32>
    %sign3A_59 = arith.constant 0 : i32
    %sign3A_60 = vector.broadcast %sign3A_59 : i32 to vector<128x16xi32>
    %sign3A_61 = arith.cmpi sgt, %iota3A_54, %sign3A_60 : vector<128x16xi32>
    %sign3A_62 = arith.extui %sign3A_61 : vector<128x16xi1> to vector<128x16xi32>
    %sign3A_63 = arith.constant 0 : i32
    %sign3A_64 = vector.broadcast %sign3A_63 : i32 to vector<128x16xi32>
    %sign3A_65 = arith.cmpi slt, %iota3A_54, %sign3A_64 : vector<128x16xi32>
    %sign3A_66 = arith.extui %sign3A_65 : vector<128x16xi1> to vector<128x16xi32>
    %sign3A_67 = arith.subi %sign3A_62, %sign3A_66 : vector<128x16xi32>
    %sign3A_68 = arith.constant 0 : i32
    %sign3A_69 = arith.cmpi sgt, %jit3A_56, %sign3A_68 : i32
    %sign3A_70 = arith.extui %sign3A_69 : i1 to i32
    %sign3A_71 = arith.constant 0 : i32
    %sign3A_72 = arith.cmpi slt, %jit3A_56, %sign3A_71 : i32
    %sign3A_73 = arith.extui %sign3A_72 : i1 to i32
    %sign3A_74 = arith.subi %sign3A_70, %sign3A_73 : i32
    %ne3A_75 = vector.broadcast %sign3A_74 : i32 to vector<128x16xi32>
    %ne3A_76 = arith.cmpi ne, %sign3A_67, %ne3A_75 : vector<128x16xi32>
    %rem3A_77 = vector.broadcast %jit3A_56 : i32 to vector<128x16xi32>
    %rem3A_78 = arith.remsi %iota3A_54, %rem3A_77 : vector<128x16xi32>
    %ne3A_79 = arith.constant 0 : i32
    %ne3A_80 = vector.broadcast %ne3A_79 : i32 to vector<128x16xi32>
    %ne3A_81 = arith.cmpi ne, %rem3A_78, %ne3A_80 : vector<128x16xi32>
    %and3A_82 = arith.andi %ne3A_76, %ne3A_81 : vector<128x16xi1>
    %sub3A_83 = arith.constant 1 : i32
    %sub3A_84 = vector.broadcast %sub3A_83 : i32 to vector<128x16xi32>
    %sub3A_85 = arith.subi %div3A_58, %sub3A_84 : vector<128x16xi32>
    %select_n3A_86 = arith.select %and3A_82, %sub3A_85, %div3A_58 : vector<128x16xi1>, vector<128x16xi32>
    %eq3A_87 = arith.cmpi eq, %select_n3A_86, %iota3A_55 : vector<128x16xi32>
    %jit3A_88 = arith.constant 1.000000e+00 : f32
    %jit3A_89 = arith.constant 0.000000e+00 : f32
    %broadcast_in_dim3A_90 = vector.broadcast %jit3A_88 : f32 to vector<128x16xf32>
    %broadcast_in_dim3A_91 = vector.broadcast %jit3A_89 : f32 to vector<128x16xf32>
    %select_n3A_92 = arith.select %eq3A_87, %broadcast_in_dim3A_90, %broadcast_in_dim3A_91 : vector<128x16xi1>, vector<128x16xf32>
    %get3A_93 = arith.constant 0 : index
    %get3A_94 = arith.constant 0 : index
    %get3A_95 = vector.load %arg3[%get3A_93, %get3A_94] : memref<1x128xf32, #tpu.memory_space<vmem>>, vector<1x128xf32>
    %mul3A_96 = vector.broadcast %get3A_95 : vector<1x128xf32> to vector<2504x128xf32>
    %mul3A_97 = arith.mulf %dot_general3A_53, %mul3A_96 : vector<2504x128xf32>
    %dot_general3A_98 = arith.constant dense<0.000000e+00> : vector<2504x16xf32>
    %dot_general3A_99 = tpu.matmul %mul3A_97, %select_n3A_92, %dot_general3A_98 {dimension_numbers = #tpu.dot_dimension_numbers<[1], [0], [0], [1], [0, 0, 1, 1], [], []>, transpose_lhs_hint = false} : vector<2504x128xf32>, vector<128x16xf32>, vector<2504x16xf32> -> vector<2504x16xf32>
    %get3A_100 = arith.constant 0 : index
    %get3A_101 = arith.constant 0 : index
    %get3A_102 = vector.load %arg4[%get3A_100, %get3A_101] : memref<1x128xf32, #tpu.memory_space<vmem>>, vector<1x128xf32>
    %mul3A_103 = vector.broadcast %get3A_102 : vector<1x128xf32> to vector<2504x128xf32>
    %mul3A_104 = arith.mulf %dot_general3A_53, %mul3A_103 : vector<2504x128xf32>
    %dot_general3A_105 = arith.constant dense<0.000000e+00> : vector<2504x16xf32>
    %dot_general3A_106 = tpu.matmul %mul3A_104, %select_n3A_92, %dot_general3A_105 {dimension_numbers = #tpu.dot_dimension_numbers<[1], [0], [0], [1], [0, 0, 1, 1], [], []>, transpose_lhs_hint = false} : vector<2504x128xf32>, vector<128x16xf32>, vector<2504x16xf32> -> vector<2504x16xf32>
    %concatenate3A = tpu.concatenate %dot_general3A_53, %dot_general3A_99 in 1 : vector<2504x128xf32>, vector<2504x16xf32> -> vector<2504x144xf32>
    %iota3A_107 = tpu.iota {dimensions = array<i32: 0>} : vector<144x160xi32>
    %iota3A_108 = tpu.iota {dimensions = array<i32: 1>} : vector<144x160xi32>
    %jit3A_109 = arith.constant 32 : i32
    %div3A_110 = vector.broadcast %jit3A_109 : i32 to vector<144x160xi32>
    %div3A_111 = arith.divsi %iota3A_108, %div3A_110 : vector<144x160xi32>
    %sign3A_112 = arith.constant 0 : i32
    %sign3A_113 = vector.broadcast %sign3A_112 : i32 to vector<144x160xi32>
    %sign3A_114 = arith.cmpi sgt, %iota3A_108, %sign3A_113 : vector<144x160xi32>
    %sign3A_115 = arith.extui %sign3A_114 : vector<144x160xi1> to vector<144x160xi32>
    %sign3A_116 = arith.constant 0 : i32
    %sign3A_117 = vector.broadcast %sign3A_116 : i32 to vector<144x160xi32>
    %sign3A_118 = arith.cmpi slt, %iota3A_108, %sign3A_117 : vector<144x160xi32>
    %sign3A_119 = arith.extui %sign3A_118 : vector<144x160xi1> to vector<144x160xi32>
    %sign3A_120 = arith.subi %sign3A_115, %sign3A_119 : vector<144x160xi32>
    %sign3A_121 = arith.constant 0 : i32
    %sign3A_122 = arith.cmpi sgt, %jit3A_109, %sign3A_121 : i32
    %sign3A_123 = arith.extui %sign3A_122 : i1 to i32
    %sign3A_124 = arith.constant 0 : i32
    %sign3A_125 = arith.cmpi slt, %jit3A_109, %sign3A_124 : i32
    %sign3A_126 = arith.extui %sign3A_125 : i1 to i32
    %sign3A_127 = arith.subi %sign3A_123, %sign3A_126 : i32
    %ne3A_128 = vector.broadcast %sign3A_127 : i32 to vector<144x160xi32>
    %ne3A_129 = arith.cmpi ne, %sign3A_120, %ne3A_128 : vector<144x160xi32>
    %rem3A_130 = vector.broadcast %jit3A_109 : i32 to vector<144x160xi32>
    %rem3A_131 = arith.remsi %iota3A_108, %rem3A_130 : vector<144x160xi32>
    %ne3A_132 = arith.constant 0 : i32
    %ne3A_133 = vector.broadcast %ne3A_132 : i32 to vector<144x160xi32>
    %ne3A_134 = arith.cmpi ne, %rem3A_131, %ne3A_133 : vector<144x160xi32>
    %and3A_135 = arith.andi %ne3A_129, %ne3A_134 : vector<144x160xi1>
    %sub3A_136 = arith.constant 1 : i32
    %sub3A_137 = vector.broadcast %sub3A_136 : i32 to vector<144x160xi32>
    %sub3A_138 = arith.subi %div3A_111, %sub3A_137 : vector<144x160xi32>
    %select_n3A_139 = arith.select %and3A_135, %sub3A_138, %div3A_111 : vector<144x160xi1>, vector<144x160xi32>
    %mul3A_140 = arith.constant 32 : i32
    %mul3A_141 = vector.broadcast %mul3A_140 : i32 to vector<144x160xi32>
    %mul3A_142 = arith.muli %mul3A_141, %select_n3A_139 : vector<144x160xi32>
    %jit3A_143 = arith.constant 2 : i32
    %eq3A_144 = arith.constant 0 : i32
    %eq3A_145 = arith.cmpi eq, %jit3A_143, %eq3A_144 : i32
    %jit3A_146 = arith.constant 1 : i32
    %select_n3A_147 = arith.select %eq3A_145, %jit3A_146, %jit3A_143 : i32
    %rem3A_148 = vector.broadcast %select_n3A_147 : i32 to vector<144x160xi32>
    %rem3A_149 = arith.remsi %iota3A_108, %rem3A_148 : vector<144x160xi32>
    %ne3A_150 = arith.constant 0 : i32
    %ne3A_151 = vector.broadcast %ne3A_150 : i32 to vector<144x160xi32>
    %ne3A_152 = arith.cmpi ne, %rem3A_149, %ne3A_151 : vector<144x160xi32>
    %lt3A = arith.constant 0 : i32
    %lt3A_153 = vector.broadcast %lt3A : i32 to vector<144x160xi32>
    %lt3A_154 = arith.cmpi slt, %rem3A_149, %lt3A_153 : vector<144x160xi32>
    %lt3A_155 = arith.constant 0 : i32
    %lt3A_156 = arith.cmpi slt, %select_n3A_147, %lt3A_155 : i32
    %ne3A_157 = vector.broadcast %lt3A_156 : i1 to vector<144x160xi1>
    %ne3A_158 = vector.broadcast %ne3A_157 : vector<144x160xi1> to vector<144x160xi1>
    %ne3A_159 = arith.xori %lt3A_154, %ne3A_158 : vector<144x160xi1>
    %and3A_160 = arith.andi %ne3A_159, %ne3A_152 : vector<144x160xi1>
    %add3A_161 = vector.broadcast %select_n3A_147 : i32 to vector<144x160xi32>
    %add3A_162 = arith.addi %rem3A_149, %add3A_161 : vector<144x160xi32>
    %select_n3A_163 = arith.select %and3A_160, %add3A_162, %rem3A_149 : vector<144x160xi1>, vector<144x160xi32>
    %mul3A_164 = arith.constant 16 : i32
    %mul3A_165 = vector.broadcast %mul3A_164 : i32 to vector<144x160xi32>
    %mul3A_166 = arith.muli %mul3A_165, %select_n3A_163 : vector<144x160xi32>
    %add3A_167 = arith.addi %mul3A_142, %mul3A_166 : vector<144x160xi32>
    %jit3A_168 = arith.constant 32 : i32
    %eq3A_169 = arith.constant 0 : i32
    %eq3A_170 = arith.cmpi eq, %jit3A_168, %eq3A_169 : i32
    %jit3A_171 = arith.constant 1 : i32
    %select_n3A_172 = arith.select %eq3A_170, %jit3A_171, %jit3A_168 : i32
    %rem3A_173 = vector.broadcast %select_n3A_172 : i32 to vector<144x160xi32>
    %rem3A_174 = arith.remsi %iota3A_108, %rem3A_173 : vector<144x160xi32>
    %ne3A_175 = arith.constant 0 : i32
    %ne3A_176 = vector.broadcast %ne3A_175 : i32 to vector<144x160xi32>
    %ne3A_177 = arith.cmpi ne, %rem3A_174, %ne3A_176 : vector<144x160xi32>
    %lt3A_178 = arith.constant 0 : i32
    %lt3A_179 = vector.broadcast %lt3A_178 : i32 to vector<144x160xi32>
    %lt3A_180 = arith.cmpi slt, %rem3A_174, %lt3A_179 : vector<144x160xi32>
    %lt3A_181 = arith.constant 0 : i32
    %lt3A_182 = arith.cmpi slt, %select_n3A_172, %lt3A_181 : i32
    %ne3A_183 = vector.broadcast %lt3A_182 : i1 to vector<144x160xi1>
    %ne3A_184 = vector.broadcast %ne3A_183 : vector<144x160xi1> to vector<144x160xi1>
    %ne3A_185 = arith.xori %lt3A_180, %ne3A_184 : vector<144x160xi1>
    %and3A_186 = arith.andi %ne3A_185, %ne3A_177 : vector<144x160xi1>
    %add3A_187 = vector.broadcast %select_n3A_172 : i32 to vector<144x160xi32>
    %add3A_188 = arith.addi %rem3A_174, %add3A_187 : vector<144x160xi32>
    %select_n3A_189 = arith.select %and3A_186, %add3A_188, %rem3A_174 : vector<144x160xi1>, vector<144x160xi32>
    %jit3A_190 = arith.constant 2 : i32
    %div3A_191 = vector.broadcast %jit3A_190 : i32 to vector<144x160xi32>
    %div3A_192 = arith.divsi %select_n3A_189, %div3A_191 : vector<144x160xi32>
    %sign3A_193 = arith.constant 0 : i32
    %sign3A_194 = vector.broadcast %sign3A_193 : i32 to vector<144x160xi32>
    %sign3A_195 = arith.cmpi sgt, %select_n3A_189, %sign3A_194 : vector<144x160xi32>
    %sign3A_196 = arith.extui %sign3A_195 : vector<144x160xi1> to vector<144x160xi32>
    %sign3A_197 = arith.constant 0 : i32
    %sign3A_198 = vector.broadcast %sign3A_197 : i32 to vector<144x160xi32>
    %sign3A_199 = arith.cmpi slt, %select_n3A_189, %sign3A_198 : vector<144x160xi32>
    %sign3A_200 = arith.extui %sign3A_199 : vector<144x160xi1> to vector<144x160xi32>
    %sign3A_201 = arith.subi %sign3A_196, %sign3A_200 : vector<144x160xi32>
    %sign3A_202 = arith.constant 0 : i32
    %sign3A_203 = arith.cmpi sgt, %jit3A_190, %sign3A_202 : i32
    %sign3A_204 = arith.extui %sign3A_203 : i1 to i32
    %sign3A_205 = arith.constant 0 : i32
    %sign3A_206 = arith.cmpi slt, %jit3A_190, %sign3A_205 : i32
    %sign3A_207 = arith.extui %sign3A_206 : i1 to i32
    %sign3A_208 = arith.subi %sign3A_204, %sign3A_207 : i32
    %ne3A_209 = vector.broadcast %sign3A_208 : i32 to vector<144x160xi32>
    %ne3A_210 = arith.cmpi ne, %sign3A_201, %ne3A_209 : vector<144x160xi32>
    %rem3A_211 = vector.broadcast %jit3A_190 : i32 to vector<144x160xi32>
    %rem3A_212 = arith.remsi %select_n3A_189, %rem3A_211 : vector<144x160xi32>
    %ne3A_213 = arith.constant 0 : i32
    %ne3A_214 = vector.broadcast %ne3A_213 : i32 to vector<144x160xi32>
    %ne3A_215 = arith.cmpi ne, %rem3A_212, %ne3A_214 : vector<144x160xi32>
    %and3A_216 = arith.andi %ne3A_210, %ne3A_215 : vector<144x160xi1>
    %sub3A_217 = arith.constant 1 : i32
    %sub3A_218 = vector.broadcast %sub3A_217 : i32 to vector<144x160xi32>
    %sub3A_219 = arith.subi %div3A_192, %sub3A_218 : vector<144x160xi32>
    %select_n3A_220 = arith.select %and3A_216, %sub3A_219, %div3A_192 : vector<144x160xi1>, vector<144x160xi32>
    %add3A_221 = arith.addi %add3A_167, %select_n3A_220 : vector<144x160xi32>
    %eq3A_222 = arith.cmpi eq, %iota3A_107, %add3A_221 : vector<144x160xi32>
    %jit3A_223 = arith.constant 1.000000e+00 : f32
    %jit3A_224 = arith.constant 0.000000e+00 : f32
    %broadcast_in_dim3A_225 = vector.broadcast %jit3A_223 : f32 to vector<144x160xf32>
    %broadcast_in_dim3A_226 = vector.broadcast %jit3A_224 : f32 to vector<144x160xf32>
    %select_n3A_227 = arith.select %eq3A_222, %broadcast_in_dim3A_225, %broadcast_in_dim3A_226 : vector<144x160xi1>, vector<144x160xf32>
    %dot_general3A_228 = arith.constant dense<0.000000e+00> : vector<2504x160xf32>
    %dot_general3A_229 = tpu.matmul %concatenate3A, %select_n3A_227, %dot_general3A_228 {dimension_numbers = #tpu.dot_dimension_numbers<[1], [0], [0], [1], [0, 0, 1, 1], [], []>, transpose_lhs_hint = false} : vector<2504x144xf32>, vector<144x160xf32>, vector<2504x160xf32> -> vector<2504x160xf32>
    %convert_element_type3A = arith.truncf %dot_general3A_229 : vector<2504x160xf32> to vector<2504x160xbf16>
    %swap3A = arith.constant 0 : index
    %swap3A_230 = arith.constant 0 : index
    %swap3A_231 = vector.load %arg6[%swap3A, %swap3A_230] : memref<2504x160xbf16, #tpu.memory_space<vmem>>, vector<2504x160xbf16>
    tpu.vector_store %arg6[%swap3A, %swap3A_230], %convert_element_type3A {strides = array<i32>} : memref<2504x160xbf16, #tpu.memory_space<vmem>>, vector<2504x160xbf16>,
    %swap3A_232 = arith.constant 0 : index
    %swap3A_233 = arith.constant 0 : index
    %swap3A_234 = vector.load %arg7[%swap3A_232, %swap3A_233] : memref<2504x16xf32, #tpu.memory_space<vmem>>, vector<2504x16xf32>
    tpu.vector_store %arg7[%swap3A_232, %swap3A_233], %dot_general3A_106 {strides = array<i32>} : memref<2504x16xf32, #tpu.memory_space<vmem>>, vector<2504x16xf32>,
    return
  }
  func.func @transform_0(%arg0: i32) -> (i32, i32, i32) {
    %c0_i32 = arith.constant 0 : i32
    %c0_i32_0 = arith.constant 0 : i32
    %c0_i32_1 = arith.constant 0 : i32
    return %c0_i32, %arg0, %c0_i32_0 : i32, i32, i32
  }
  func.func @transform_1(%arg0: i32) -> (i32, i32) {
    %c0_i32 = arith.constant 0 : i32
    %c0_i32_0 = arith.constant 0 : i32
    %c0_i32_1 = arith.constant 0 : i32
    return %c0_i32, %c0_i32_0 : i32, i32
  }
  func.func @transform_2(%arg0: i32) -> (i32, i32) {
    %c0_i32 = arith.constant 0 : i32
    %c0_i32_0 = arith.constant 0 : i32
    %c0_i32_1 = arith.constant 0 : i32
    return %c0_i32, %c0_i32_0 : i32, i32
  }
  func.func @transform_3(%arg0: i32) -> (i32, i32) {
    %c0_i32 = arith.constant 0 : i32
    %c0_i32_0 = arith.constant 0 : i32
    %c0_i32_1 = arith.constant 0 : i32
    return %c0_i32, %c0_i32_0 : i32, i32
  }
  func.func @transform_4(%arg0: i32) -> (i32, i32) {
    %c0_i32 = arith.constant 0 : i32
    %c0_i32_0 = arith.constant 0 : i32
    %c0_i32_1 = arith.constant 0 : i32
    return %c0_i32, %c0_i32_0 : i32, i32
  }
  func.func @transform_5(%arg0: i32) -> (i32, i32) {
    %c0_i32 = arith.constant 0 : i32
    %c0_i32_0 = arith.constant 0 : i32
    return %arg0, %c0_i32 : i32, i32
  }
  func.func @transform_6(%arg0: i32) -> (i32, i32) {
    %c0_i32 = arith.constant 0 : i32
    %c0_i32_0 = arith.constant 0 : i32
    return %arg0, %c0_i32 : i32, i32
  }
}

module attributes {stable_mosaic.version = 14 : i64} {
  func.func @body(%arg0: i32, %arg1: memref<2x2000x144xf32, #tpu.memory_space<vmem>>, %arg2: memref<1x128xf32, #tpu.memory_space<vmem>>, %arg3: memref<2000x128xf32, #tpu.memory_space<vmem>>) attributes {dimension_semantics = [#tpu.dimension_semantics<arbitrary>], iteration_bounds = array<i64: 5>, scalar_prefetch = 0 : i64, scratch_operands = 0 : i64, tpu.core_type = #tpu.core_type<tc>, window_params = [{transform_indices = @transform_0, window_bounds = array<i64: 2, 2000, 144>}, {pipeline_mode = #tpu.pipeline_mode<synchronous>, transform_indices = @transform_1, window_bounds = array<i64: 1, 128>}, {transform_indices = @transform_2, window_bounds = array<i64: 2000, 128>}]} {
    %get3A = arith.constant 0 : index
    %get3A_0 = arith.constant 0 : index
    %get3A_1 = arith.constant 0 : index
    %get3A_2 = vector.load %arg1[%get3A, %get3A_0, %get3A_1] : memref<2x2000x144xf32, #tpu.memory_space<vmem>>, vector<1x2000x144xf32>
    %get3A_3 = vector.shape_cast %get3A_2 : vector<1x2000x144xf32> to vector<2000x144xf32>
    %get3A_4 = arith.constant 1 : index
    %get3A_5 = arith.constant 0 : index
    %get3A_6 = arith.constant 0 : index
    %get3A_7 = vector.load %arg1[%get3A_4, %get3A_5, %get3A_6] : memref<2x2000x144xf32, #tpu.memory_space<vmem>>, vector<1x2000x144xf32>
    %get3A_8 = vector.shape_cast %get3A_7 : vector<1x2000x144xf32> to vector<2000x144xf32>
    %add3A = arith.addf %get3A_3, %get3A_8 : vector<2000x144xf32>
    %slice3A = vector.extract_strided_slice %add3A {offsets = [0, 0], sizes = [2000, 128], strides = [1, 1]} : vector<2000x144xf32> to vector<2000x128xf32>
    %slice3A_9 = vector.extract_strided_slice %add3A {offsets = [0, 128], sizes = [2000, 1], strides = [1, 1]} : vector<2000x144xf32> to vector<2000x1xf32>
    %div3A = vector.broadcast %slice3A_9 : vector<2000x1xf32> to vector<2000x128xf32>
    %div3A_10 = arith.divf %slice3A, %div3A : vector<2000x128xf32>
    %get3A_11 = arith.constant 0 : index
    %get3A_12 = arith.constant 0 : index
    %get3A_13 = vector.load %arg2[%get3A_11, %get3A_12] : memref<1x128xf32, #tpu.memory_space<vmem>>, vector<1x128xf32>
    %add3A_14 = vector.broadcast %get3A_13 : vector<1x128xf32> to vector<2000x128xf32>
    %add3A_15 = arith.addf %div3A_10, %add3A_14 : vector<2000x128xf32>
    %swap3A = arith.constant 0 : index
    %swap3A_16 = arith.constant 0 : index
    %swap3A_17 = vector.load %arg3[%swap3A, %swap3A_16] : memref<2000x128xf32, #tpu.memory_space<vmem>>, vector<2000x128xf32>
    tpu.vector_store %arg3[%swap3A, %swap3A_16], %add3A_15 {strides = array<i32>} : memref<2000x128xf32, #tpu.memory_space<vmem>>, vector<2000x128xf32>,
    return
  }
  func.func @transform_0(%arg0: i32) -> (i32, i32, i32) {
    %c0_i32 = arith.constant 0 : i32
    %c0_i32_0 = arith.constant 0 : i32
    %c0_i32_1 = arith.constant 0 : i32
    return %c0_i32, %arg0, %c0_i32_0 : i32, i32, i32
  }
  func.func @transform_1(%arg0: i32) -> (i32, i32) {
    %c0_i32 = arith.constant 0 : i32
    %c0_i32_0 = arith.constant 0 : i32
    %c0_i32_1 = arith.constant 0 : i32
    return %c0_i32, %c0_i32_0 : i32, i32
  }
  func.func @transform_2(%arg0: i32) -> (i32, i32) {
    %c0_i32 = arith.constant 0 : i32
    %c0_i32_0 = arith.constant 0 : i32
    return %arg0, %c0_i32 : i32, i32
  }
}

</mosaic_0001>

<sc_bundles>
// kernel: kernel.10.cloned.1.call-start
scs
__scs_entry_jumppad:
0x0: {  	(pc) =	sbr.rel $0x88, $3  }
0x1: {  	(tag) =	ssettag $0x0;
	lr =	simm.s32 $0x1  }
0x2: {  	[smem:$0x3F97] =	sst lr;
	_ =	strace $0xD0000000  }
0x3: {  	_ = 	snop  }
0x4: {  	_ = 	snop  }
0x5: {  	_ = 	snop  }
0x6: {  	_ = 	snop  }
0x7: {  	_ = 	snop  }
__scs_overlays_trampoline_lowered:
0x8: {  	[smem:$0x3FA6] =	sst s0  }
0x9: {  	[smem:$0x3FA7] =	sst s1  }
0xa: {  	[smem:$0x3FA8] =	sst s2  }
0xb: {  	[smem:$0x3FA9] =	sst s3  }
0xc: {  	[smem:$0x3FAA] =	sst s4  }
0xd: {  	[smem:$0x3FAB] =	sst s5  }
0xe: {  	[smem:$0x3FAC] =	sst s6  }
0xf: {  	[smem:$0x3FAD] =	sst s7  }
0x10: {  	[smem:$0x3FAE] =	sst s8  }
0x11: {  	[smem:$0x3FAF] =	sst s9;
	s0 =	simm.s32 @!p0 $0x0  }
0x12: {  	s1 =	sld [smem:$0x3F95];
	s0 =	simm.s32 @p0 $0x1  }
0x13: {  	[smem:$0x3FB0] =	sst s0;
	s0 =	simm.s32 @!p1 $0x0  }
0x14: {  	s2 =	sld [smem:$0x3F94];
	s0 =	simm.s32 @p1 $0x1  }
0x15: {  	[smem:$0x3FB1] =	sst s0;
	s0 =	simm.s32 @!p2 $0x0  }
0x16: {  	s3 =	sld [smem:$0x3FDB];
	s0 =	simm.s32 @p2 $0x1  }
0x17: {  	s4 =	simm.s32 $0x1BF5;
	[smem:$0x3FB3] =	sst s0  }
0x18: {  	s0 =	sld [smem:$0x3F96];
	_ =	swait.ge [sflag:s4], $0x0  }
0x19: {  	s7 =	sld [smem:$0x3F97]  }
0x1a: {  	s8 =	sadd.s32 $0xFFFFE003, lr  }
0x1b: {  	s9 =	sadd.s32 $0xFFFFFEF7, lr;
	s5 =	simm.s32 $0xFFFFFFFF;
	p2 =	slt.u32 s8, $0xFFFFF086  }
0x1c: {  	p1 =	slt.u32 s9, $0xF7A;
	s5 =	simm.s32 @!p2 $0x0  }
0x1d: {  	s5 =	simm.s32 @p1 $0x1;
	p0 =	seq.s32 s7, s2  }
0x1e: {  	s7 =	smul.u32 @!p0 $0xF7A, s2;
	p2 =	seq.s32 @!p0 s5, $0x0  }
0x1f: {  	s9 =	smul.u32 $0xF7A, s1;
	s8 =	simm.s32 @!p0 $0x1BF5;
	p2 =	por !p2, p0  }
0x20: {  	[sflag:s8] =	ssyncset.s32 @!p0 $0xFFFFF086;
	s6 =	sadd.s32 @!p0 s3, s7;
	s7 =	simm.s32 @!p0 $0x108  }
0x21: {  	s3 =	sadd.s32 s3, s9;
	s6 =	sadd.s32 @!p0 $0x88, s6;
	s7 =	simm.s32 @p2 $0x1082  }
0x22: {  	[simem:s7], [sflag:s8] =	dma.local @!p0 [hbm:s6], $0xF7A  }
0x23: {  	s9 =	sor.u32 $0xD0000000, s2;
	s6 =	simm.s32 $0x108;
	_ =	swait.ge @!p0 [sflag:s8], $0x0  }
0x24: {  	s3 =	sadd.s32 $0x88, s3;
	s6 =	simm.s32 @!p1 $0x1082;
	[sflag:s4] =	ssyncset.s32 $0xFFFFF086  }
0x25: {  	[simem:s6], [sflag:s4] =	dma.local [hbm:s3], $0xF7A  }
0x26: {  	[smem:$0x3F97] =	sst s1;
	(tag) =	ssettag s2;
	_ =	strace s9  }
0x27: {  	s1 =	sld [smem:$0x3FA7]  }
0x28: {  	s2 =	sld [smem:$0x3FA8]  }
0x29: {  	s4 =	sld [smem:$0x3FAA]  }
0x2a: {  	p0 =	seq.s32 s5, $0x0;
	s5 =	sld [smem:$0x3FAB]  }
0x2b: {  	s6 =	sld [smem:$0x3FAC]  }
0x2c: {  	s7 =	sld [smem:$0x3FAD]  }
0x2d: {  	s3 =	simm.s32 $0x108;
	s8 =	sld [smem:$0x3FAE]  }
0x2e: {  	s3 =	simm.s32 @!p0 $0x1082;
	s9 =	sld [smem:$0x3FAF]  }
0x2f: {  	lr =	sadd.s32 s0, s3;
	s0 =	sld [smem:$0x3FA6]  }
0x30: {  	s3 =	sld [smem:$0x3FA9]  }
0x31: {  	[smem:$0x3FB2] =	sst s10  }
0x32: {  	s10 =	sld [smem:$0x3FB0];
	_ =	sdelay $0x3  }
0x33: {  	p0 =	seq.s32 s10, $0x1;
	s10 =	sld [smem:$0x3FB2];
	_ =	sdelay $0x3  }
0x34: {  	[smem:$0x3FB2] =	sst s10  }
0x35: {  	s10 =	sld [smem:$0x3FB1];
	_ =	sdelay $0x3  }
0x36: {  	p1 =	seq.s32 s10, $0x1;
	s10 =	sld [smem:$0x3FB2];
	_ =	sdelay $0x3  }
0x37: {  	[smem:$0x3FB2] =	sst s10  }
0x38: {  	s10 =	sld [smem:$0x3FB3]  }
0x39: {  	_ = 	snop;
	(pc) =	sbr.ind lr, $3  }
0x3a: {  	_ = 	snop  }
0x3b: {  	_ = 	snop  }
0x3c: {  	p2 =	seq.s32 s10, $0x1;
	s10 =	sld [smem:$0x3FB2]  }
0x3d: {  	_ =	shalt  }
0x3e: {  	_ =	shalt  }
0x3f: {  	_ =	shalt  }
0x40: {  	_ =	shalt  }
0x41: {  	_ =	shalt  }
0x42: {  	_ =	shalt  }
0x43: {  	_ =	shalt  }
0x44: {  	_ =	shalt  }
0x45: {  	_ =	shalt  }
0x46: {  	_ =	shalt  }
0x47: {  	_ =	shalt  }
0x48: {  	_ =	shalt  }
0x49: {  	_ =	shalt  }
0x4a: {  	_ =	shalt  }
0x4b: {  	_ =	shalt  }
0x4c: {  	_ =	shalt  }
0x4d: {  	_ =	shalt  }
0x4e: {  	_ =	shalt  }
0x4f: {  	_ =	shalt  }
0x50: {  	_ =	shalt  }
0x51: {  	_ =	shalt  }
0x52: {  	_ =	shalt  }
0x53: {  	_ =	shalt  }
0x54: {  	_ =	shalt  }
0x55: {  	_ =	shalt  }
0x56: {  	_ =	shalt  }
0x57: {  	_ =	shalt  }
0x58: {  	_ =	shalt  }
0x59: {  	_ =	shalt  }
0x5a: {  	_ =	shalt  }
0x5b: {  	_ =	shalt  }
0x5c: {  	_ =	shalt  }
0x5d: {  	_ =	shalt  }
0x5e: {  	_ =	shalt  }
0x5f: {  	_ =	shalt  }
0x60: {  	_ =	shalt  }
0x61: {  	_ =	shalt  }
0x62: {  	_ =	shalt  }
0x63: {  	_ =	shalt  }
0x64: {  	_ =	shalt  }
0x65: {  	_ =	shalt  }
0x66: {  	_ =	shalt  }
0x67: {  	_ =	shalt  }
0x68: {  	_ =	shalt  }
0x69: {  	_ =	shalt  }
0x6a: {  	_ =	shalt  }
0x6b: {  	_ =	shalt  }
0x6c: {  	_ =	shalt  }
0x6d: {  	_ =	shalt  }
0x6e: {  	_ =	shalt  }
0x6f: {  	_ =	shalt  }
0x70: {  	_ =	shalt  }
0x71: {  	_ =	shalt  }
0x72: {  	_ =	shalt  }
0x73: {  	_ =	shalt  }
0x74: {  	_ =	shalt  }
0x75: {  	_ =	shalt  }
0x76: {  	_ =	shalt  }
0x77: {  	_ =	shalt  }
0x78: {  	_ =	shalt  }
0x79: {  	_ =	shalt  }
0x7a: {  	_ =	shalt  }
0x7b: {  	_ =	shalt  }
0x7c: {  	_ =	shalt  }
0x7d: {  	_ =	shalt  }
0x7e: {  	_ =	shalt  }
0x7f: {  	_ =	shalt  }
0x80: {  	_ =	shalt  }
0x81: {  	_ =	shalt  }
0x82: {  	_ =	shalt  }
0x83: {  	_ =	shalt  }
0x84: {  	_ =	shalt  }
0x85: {  	_ =	shalt  }
0x86: {  	_ =	shalt  }
0x87: {  	_ =	shalt  }
.Lfunc_end0:
.L_simem_size_0:
called_computation.1_lowered:
.L_overlay_start_0:
0x88: {  	s2 =	sld [smem:$0x3FD9]  }
0x89: {  	s3 =	sld [smem:$0x3FFE];
	_ =	sdelay $0x1  }
0x8a: {  	s1 =	srdreg.scid  }
0x8b: {  	s0 =	sand.u32 $0x1, s1  }
0x8c: {  	s17 =	sshll.u32 s0, $0xA;
	s2 =	sadd.s32 s3, s2  }
0x8d: {  	s2 =	sadd.s32 s2, s17  }
0x8e: {  	[smem:$0x3FBE] =	sst s2  }
0x8f: {  	_ = 	snop  }
0x90: {  	s2 =	sld [smem:$0x3FD0];
	(tm) =	ssettm $0x1  }
0x91: {  	s18 =	sld [smem:$0x3FFB];
	_ =	sdelay $0x3  }
0x92: {  	_ =	strace s18  }
0x93: {  	s3 =	sld [smem:$0x3FFC];
	_ =	sdelay $0x3  }
0x94: {  	_ =	strace s3  }
0x95: {  	s3 =	sld [smem:$0x3FFD];
	_ =	sdelay $0x3  }
0x96: {  	_ =	strace s3  }
0x97: {  	_ =	strace $0x8FFFFFFF  }
0x98: {  	s19 =	sld [smem:$0x3FDB];
	_ =	sdelay $0x1  }
0x99: {  	s4 =	simm.s32 $_scs_section_size  }
0x9a: {  	s5 =	simm.s32 $_size__tile_overlayer_lowered;
	s6 =	simm.s32 $_tile_overlayer_lowered  }
0x9b: {  	s22 =	simm.s32 $0x1BFF;
	s21 =	sshll.u32 s6, $0x1;
	s3 =	sadd.s32 s4, s19  }
0x9c: {  	s7 =	simm.s32 $0x0;
	s20 =	sshll.u32 s5, $0x1;
	s5 =	sadd.s32 s21, s3  }
0x9d: {  	[timem:s7], [sflag:s22] =	dma.local [hbm:s5], s20  }
0x9e: {  	_ =	swait.ge [sflag:s22], s20  }
0x9f: {  	s4 =	ssub.s32 $0x0, s20;
	[sflag:s22] =	ssyncset.done $0x0  }
0xa0: {  	[sflag:s22] =	ssyncadd.s32 s4;
	_ =	sdelay $0x1  }
0xa1: {  	s23 =	simm.s32 $0x1B8B  }
0xa2: {  	_ =	swait.ge [sflag:s23], $0x1  }
0xa3: {  	[sflag:s23] =	ssyncset.done $0x0  }
0xa4: {  	s25 =	simm.s32 $0x1B8E;
	s24 =	sld [smem:$0x3FFE];
	[sflag:s23] =	ssyncadd.s32 $0xFFFFFFFF  }
0xa5: {  	s26 =	simm.s32 $execute0_lowered;
	[smem:$0x3FD2] =	sst s25  }
0xa6: {  	s5 =	sshll.u32 s26, $0x1;
	_ =	strace $0x80000049;
	[dreg:$0x1] =	wrdreg $0xFFFFFFFF  }
0xa7: {  	s28 =	simm.s32 $_size_execute0_lowered;
	s3 =	sadd.s32 s3, s5;
	[dreg:$0x0] =	wrdreg $0x0  }
0xa8: {  	s5 =	sshll.u32 s28, $0x1;
	[dreg:$0x2] =	wrdreg s3  }
0xa9: {  	[dreg:$0x3] =	wrdreg s5  }
0xaa: {  	[dreg:$0x4] =	wrdreg $0xC0  }
0xab: {  	_ =	task [dreg:s7], $0x5FFFF  }
0xac: {  	[dreg:$0x1] =	wrdreg $0xFFFFFFFF  }
0xad: {  	[dreg:$0x0] =	wrdreg $0x60  }
0xae: {  	[dreg:$0x2] =	wrdreg s2  }
0xaf: {  	[dreg:$0x3] =	wrdreg s24  }
0xb0: {  	[dreg:$0x4] =	wrdreg $0x7A000  }
0xb1: {  	[dreg:$0x5] =	wrdreg $0x9  }
0xb2: {  	_ =	task.clear_ibuf [dreg:s7], $0x6FFFF;
	_ =	strace $0x90000049  }
0xb3: {  	s29 =	simm.s32 $0x9;
	_ =	strace $0x8000004B  }
0xb4: {  	_ =	swait.ge [sflag:s29], $0x1  }
0xb5: {  	[sflag:s29] =	ssyncadd.s32 $0xFFFFFFFF  }
0xb6: {  	_ =	strace $0x9000004B  }
0xb7: {  	_ =	sfence  }
0xb8: {  	s30 =	sld [smem:$0x0];
	_ =	sdelay $0x2  }
0xb9: {  	s31 =	sshll.u32 s1, $0xD;
	s1 =	sshrl.u32 s1, $0x2  }
0xba: {  	s3 =	sand.u32 $0x4000, s31;
	s1 =	sadd.s32 s1, s30  }
0xbb: {  	s0 =	sor.u32 s3, s0;
	s1 =	sshll.u32 s1, $0x11  }
0xbc: {  	s0 =	sor.u32 s1, s0  }
0xbd: {  	s0 =	sadd.s32 $0x8F2B, s0  }
0xbe: {  	[sflag:s0] =	ssyncadd.remote.s32 $0x1  }
0xbf: {  	_ =	sfence.sel $0xFFFF  }
0xc0: {  	[dreg:$0x0] =	wrdreg $0xFFFFFFFF;
	(pc) =	sbr.abs _section_cstart, $3  }
0xc1: {  	[dreg:$0x1] =	wrdreg $0xFFFFFFFF  }
0xc2: {  	_ =	task.clear_ibuf [dreg:s7], $0x2FFFF;
	_ =	strace $0x9FFFFFFF  }
0xc3: {  	(tm) =	ssettm $0x7FFFFFFF  }
tec
execute0_lowered:
.L_overlay_start_1:
0x0: {  	(tag) =	ssettag $0x1  }
0x1: {  	s1 =	rddreg [dreg:$0x0]  }
0x2: {  	s0 =	rddreg [dreg:$0x1];
	s2 =	srdreg.scid  }
0x3: {  	s10 =	stileid.u32;
	s3 =	rddreg [dreg:$0x2];
	s6 =	simm.s32 $0x0  }
0x4: {  	s30 =	simm.s32 $0x40;
	s11 =	simm.s32 $0x2E00;
	s12 =	simm.s32 $0x5  }
0x5: {  	s13 =	simm.s32 $0x7;
	s29 =	simm.s32 $0x4;
	s4 =	smul.u32 $0x16020, s10  }
0x6: {  	s2 =	sand.u32 $0x1, s2;
	[smem:$0x7FF] =	sst s6;
	s8 =	smul.u32 $0x58080, s10  }
0x7: {  	s6 =	sadd.s32 $0xA00, s0;
	s10 =	sshll.u32 s10, $0x1;
	s5 =	smul.u32 $0x160200, s2  }
0x8: {  	_ =	strace $0x8000004A;
	s15 =	ssub.s32 $0x2, s2;
	s8 =	sshrl.u32 s8, $0x2  }
0x9: {  	s2 =	sor.u32 s2, s10;
	s19 =	sadd.s32 s4, s3;
	s8 =	sadd.s32 s8, s3  }
0xa: {  	s10 =	simm.s32 $0xC0;
	[dreg:$0x4] =	wrdreg s19;
	s16 =	sadd.s32 $0x2400, s8  }
0xb: {  	s9 =	sshrl.u32 s15, $0x1;
	s17 =	sadd.s32 $0x4800, s8;
	[dreg:$0x5] =	wrdreg s16  }
0xc: {  	s2 =	smul.u32 $0x5200, s2;
	s18 =	sadd.s32 $0x6C00, s8;
	[dreg:$0x6] =	wrdreg s17  }
0xd: {  	s14 =	sadd.s32 s4, s5;
	s20 =	sadd.s32 $0x9000, s8;
	[dreg:$0x7] =	wrdreg s18  }
0xe: {  	s5 =	sadd.s32 $0x15200, s0;
	s21 =	sadd.s32 $0xB400, s8;
	[dreg:$0x8] =	wrdreg s20  }
0xf: {  	s7 =	sshrl.u32 s14, $0x3;
	s22 =	sadd.s32 $0xD800, s8;
	[dreg:$0x9] =	wrdreg s21  }
0x10: {  	s23 =	sshrl.u32 s2, $0x3;
	s24 =	sadd.s32 $0xFC00, s8;
	[dreg:$0xa] =	wrdreg s22  }
0x11: {  	s25 =	sadd.s32 $0x12000, s8;
	s8 =	sadd.s32 $0x14400, s8;
	[dreg:$0xb] =	wrdreg s24  }
0x12: {  	s26 =	sor.u32 $0x100, s2;
	s28 =	sor.u32 $0x180, s2;
	[dreg:$0xc] =	wrdreg s25  }
0x13: {  	s14 =	simm.s32 $0x180;
	s0 =	sadd.s32 s7, s0;
	[dreg:$0xe] =	wrdreg s8  }
0x14: {  	s7 =	ssub.s32 s15, s9;
	s4 =	sadd.s32 s6, s23;
	[dreg:$0x10] =	wrdreg s26  }
0x15: {  	[dreg:$0x11] =	wrdreg s28;
	s21 =	sadd.s32 $0x200, s2;
	s22 =	sadd.s32 $0x280, s2  }
0x16: {  	s25 =	simm.s32 $0x3200;
	s20 =	simm.s32 $0xB;
	s8 =	simm.s32 $0x2  }
0x17: {  	s9 =	simm.s32 $0x1600;
	s15 =	simm.s32 $0x3;
	s17 =	simm.s32 $0x140  }
0x18: {  	s18 =	simm.s32 $0x6;
	s23 =	simm.s32 $0x8;
	s24 =	simm.s32 $0x5600  }
0x19: {  	s16 =	simm.s32 $0x9;
	[dreg:$0xd] =	wrdreg s4;
	s4 =	sadd.s32 $0x10, s4  }
0x1a: {  	s26 =	simm.s32 $0xA;
	s0 =	sadd.s32 $0x1A200, s0;
	[dreg:$0xf] =	wrdreg s4  }
0x1b: {  	s31 =	smax.u32 s7, $0x1;
	s7 =	simm.s32 $0x1C0;
	[dreg:$0x12] =	wrdreg s0  }
0x1c: {  	v0 =	vimm.f32 $0.0e+00;
	v1 =	vimm.s32 $0x0;
	[dreg:$0x13] =	wrdreg s31;
	s0 =	simm.s32 $0x100;
	s4 =	simm.s32 $0x0  }
.LBB2_1:
0x1d: {  	[dreg:$0x14] =	wrdreg s4;
	s2 =	simm.s32 $0x0;
	s4 =	simm.s32 $0x240  }
.LBB2_2:
0x1e: {  	p0 =	sne.s32 s4, $0x8DC0;
	[tilespmem:s2+$0x3280] =	vst v0  }
0x1f: {  	[tilespmem:s2+$0x3200] =	vst v0  }
0x20: {  	[tilespmem:s2+$0x3210] =	vst v0  }
0x21: {  	[tilespmem:s2+$0x3220] =	vst v0  }
.Ltmp0:
0x22: {  	[tilespmem:s2+$0x3230] =	vst v0;
	(pc) =	sbr.rel @p0 .LBB2_2-.Ltmp0, $4  }
0x23: {  	[tilespmem:s2+$0x3240] =	vst v0  }
0x24: {  	[tilespmem:s2+$0x3250] =	vst v0  }
0x25: {  	[tilespmem:s2+$0x3260] =	vst v0  }
0x26: {  	[tilespmem:s2+$0x3270] =	vst v0;
	s2 =	sshra.s32 s4, $0x2;
	s4 =	sadd.s32 $0x240, s4  }
0x27: {  	[tilespmem:s2+$0x3280] =	vst v0  }
0x28: {  	[tilespmem:s2+$0x3200] =	vst v0  }
0x29: {  	[tilespmem:s2+$0x3210] =	vst v0  }
0x2a: {  	[tilespmem:s2+$0x3220] =	vst v0  }
0x2b: {  	[tilespmem:s2+$0x3230] =	vst v0  }
0x2c: {  	[tilespmem:s2+$0x3240] =	vst v0  }
0x2d: {  	[tilespmem:s2+$0x3250] =	vst v0  }
0x2e: {  	[tilespmem:s2+$0x3260] =	vst v0  }
0x2f: {  	[tilespmem:s2+$0x3270] =	vst v0  }
0x30: {  	[spmem:s19] =	stream.linear.scatter [tilespmem:s25], [sflag:$0xB], $0x2400, $0x38;
	[tilespmem:$0x1DA20] =	vst v63  }
0x31: {  	_ =	swait.ge [sflag:s20], $0x2400  }
0x32: {  	[sflag:s20] =	ssyncset.done $0x0  }
0x33: {  	s31 =	rddreg [dreg:$0x5];
	[sflag:s20] =	ssyncadd.s32 $0xFFFFDC00  }
0x34: {  	[spmem:s31] =	stream.linear.scatter [tilespmem:s25], [sflag:$0xB], $0x2400, $0x38;
	[tilespmem:$0x1DA20] =	vst v63  }
0x35: {  	_ =	swait.ge [sflag:s20], $0x2400  }
0x36: {  	[sflag:s20] =	ssyncset.done $0x0  }
0x37: {  	s4 =	rddreg [dreg:$0x6];
	[sflag:s20] =	ssyncadd.s32 $0xFFFFDC00  }
0x38: {  	[spmem:s4] =	stream.linear.scatter [tilespmem:s25], [sflag:$0xB], $0x2400, $0x38;
	[tilespmem:$0x1DA20] =	vst v63  }
0x39: {  	_ =	swait.ge [sflag:s20], $0x2400  }
0x3a: {  	[sflag:s20] =	ssyncset.done $0x0  }
0x3b: {  	s19 =	rddreg [dreg:$0x7];
	[sflag:s20] =	ssyncadd.s32 $0xFFFFDC00  }
0x3c: {  	[spmem:s19] =	stream.linear.scatter [tilespmem:s25], [sflag:$0xB], $0x2400, $0x38;
	[tilespmem:$0x1DA20] =	vst v63  }
0x3d: {  	_ =	swait.ge [sflag:s20], $0x2400  }
0x3e: {  	[sflag:s20] =	ssyncset.done $0x0  }
0x3f: {  	s31 =	rddreg [dreg:$0x8];
	[sflag:s20] =	ssyncadd.s32 $0xFFFFDC00  }
0x40: {  	[spmem:s31] =	stream.linear.scatter [tilespmem:s25], [sflag:$0xB], $0x2400, $0x38;
	[tilespmem:$0x1DA20] =	vst v63  }
0x41: {  	_ =	swait.ge [sflag:s20], $0x2400  }
0x42: {  	[sflag:s20] =	ssyncset.done $0x0  }
0x43: {  	s4 =	rddreg [dreg:$0x9];
	[sflag:s20] =	ssyncadd.s32 $0xFFFFDC00  }
0x44: {  	[spmem:s4] =	stream.linear.scatter [tilespmem:s25], [sflag:$0xB], $0x2400, $0x38;
	[tilespmem:$0x1DA20] =	vst v63  }
0x45: {  	_ =	swait.ge [sflag:s20], $0x2400  }
0x46: {  	[sflag:s20] =	ssyncset.done $0x0  }
0x47: {  	s19 =	rddreg [dreg:$0xa];
	[sflag:s20] =	ssyncadd.s32 $0xFFFFDC00  }
0x48: {  	[spmem:s19] =	stream.linear.scatter [tilespmem:s25], [sflag:$0xB], $0x2400, $0x38;
	[tilespmem:$0x1DA20] =	vst v63  }
0x49: {  	_ =	swait.ge [sflag:s20], $0x2400  }
0x4a: {  	[sflag:s20] =	ssyncset.done $0x0  }
0x4b: {  	s31 =	rddreg [dreg:$0xb];
	[sflag:s20] =	ssyncadd.s32 $0xFFFFDC00  }
0x4c: {  	[spmem:s31] =	stream.linear.scatter [tilespmem:s25], [sflag:$0xB], $0x2400, $0x38;
	[tilespmem:$0x1DA20] =	vst v63  }
0x4d: {  	_ =	swait.ge [sflag:s20], $0x2400  }
0x4e: {  	[sflag:s20] =	ssyncset.done $0x0  }
0x4f: {  	s4 =	rddreg [dreg:$0xc];
	[sflag:s20] =	ssyncadd.s32 $0xFFFFDC00  }
0x50: {  	[spmem:s4] =	stream.linear.scatter [tilespmem:s25], [sflag:$0xB], $0x2400, $0x38;
	[tilespmem:$0x1DA20] =	vst v63  }
0x51: {  	_ =	swait.ge [sflag:s20], $0x2400  }
0x52: {  	[sflag:s20] =	ssyncset.done $0x0  }
0x53: {  	s19 =	rddreg [dreg:$0xe];
	[sflag:s20] =	ssyncadd.s32 $0xFFFFDC00  }
0x54: {  	[spmem:s19] =	stream.linear.scatter [tilespmem:s25], [sflag:$0xB], $0x1C20, $0x38;
	[tilespmem:$0x1DA20] =	vst v63  }
0x55: {  	_ =	swait.ge [sflag:s20], $0x1C20  }
0x56: {  	[sflag:s20] =	ssyncset.done $0x0  }
0x57: {  	[sflag:s20] =	ssyncadd.s32 $0xFFFFE3E0  }
0x58: {  	[bflag:$0x0] =	sbarrier.arrive $0xFFFF  }
0x59: {  	s28 =	simm.s32 $0x0;
	s20 =	rddreg [dreg:$0xd]  }
0x5a: {  	[tilespmem:s28], [sflag:$0x1] =	stream.linear.gather [hbm4b:s20+s28], $0x80, $0x38;
	[tilespmem:$0x1DA20] =	vst v63  }
0x5b: {  	s4 =	simm.s32 $0x80;
	s19 =	simm.s32 $0x1;
	s31 =	rddreg [dreg:$0xf]  }
0x5c: {  	[tilespmem:s4], [sflag:$0x2] =	stream.linear.gather [hbm4b:s31+s28], $0x80, $0x38;
	[tilespmem:$0x1DA20] =	vst v63  }
0x5d: {  	_ =	swait.ge [sflag:s19], $0x80  }
0x5e: {  	[sflag:s19] =	ssyncset.done $0x0  }
0x5f: {  	s20 =	simm.s32 $0x200;
	[sflag:s19] =	ssyncadd.s32 $0xFFFFFF80  }
0x60: {  	[tilespmem:s20], [sflag:$0x5] =	stream.indirect.gather [hbm4b:s1+s30], $0x50, s28, s30, $0xb8;
	[tilespmem:$0x1DA20] =	vst v63  }
0x61: {  	s31 =	simm.s32 $0x2A00  }
0x62: {  	[tilespmem:s31], [sflag:$0x7] =	stream.indirect.gather [hbm4b:s5+s30], $0x10, s30, s30, $0xb8;
	[tilespmem:$0x1DA20] =	vst v63  }
.LBB2_4:
0x63: {  	p0 =	seq.s32 s28, $0x0  }
0x64: {  	s2 =	simm.s32 @!p0 $0x9  }
0x65: {  	_ =	swait.ge @!p0 [sflag:s2], $0x2400  }
0x66: {  	s31 =	sshll.u32 s28, $0x9;
	s4 =	rddreg [dreg:$0x10]  }
0x67: {  	s4 =	sadd.s32 s31, s4  }
0x68: {  	[sflag:s2] =	ssyncset.done @!p0 $0x0;
	s4 =	sshrl.u32 s4, $0x3  }
0x69: {  	s19 =	simm.s32 $0x0;
	[sflag:s2] =	ssyncadd.s32 @!p0 $0xFFFFDC00;
	s4 =	sadd.s32 s6, s4  }
0x6a: {  	[tilespmem:s0], [sflag:$0x3] =	stream.linear.gather [hbm4b:s4+s19], $0x80, $0x38;
	[tilespmem:$0x1DA20] =	vst v63  }
0x6b: {  	_ =	swait.ge [sflag:s8], $0x80  }
0x6c: {  	[sflag:s8] =	ssyncset.done $0x0  }
0x6d: {  	s20 =	simm.s32 $0x80;
	[sflag:s8] =	ssyncadd.s32 $0xFFFFFF80  }
0x6e: {  	[tilespmem:s9], [sflag:$0x6] =	stream.indirect.gather [hbm4b:s1+s30], $0x50, s20, s30, $0xb8;
	[tilespmem:$0x1DA20] =	vst v63  }
0x6f: {  	_ = 	snop  }
0x70: {  	[tilespmem:s11], [sflag:$0x8] =	stream.indirect.gather [hbm4b:s5+s30], $0x10, s10, s30, $0xb8;
	[tilespmem:$0x1DA20] =	vst v63  }
0x71: {  	_ =	swait.ge [sflag:s12], $0x1400  }
0x72: {  	[sflag:s12] =	ssyncset.done $0x0  }
0x73: {  	[sflag:s12] =	ssyncadd.s32 $0xFFFFEC00  }
0x74: {  	_ =	swait.ge [sflag:s13], $0x400  }
0x75: {  	[sflag:s13] =	ssyncset.done $0x0  }
0x76: {  	s19 =	simm.s32 $0x2A0;
	[sflag:s13] =	ssyncadd.s32 $0xFFFFFC00  }
0x77: {  	s2 =	simm.s32 $0x2A20;
	v2 =	vld [tilespmem:s19+$0x90]  }
0x78: {  	v3 =	vld [tilespmem:s2+$0x10];
	_ =	sdelay $0x1  }
0x79: {  	v4 =	vld [tilespmem:s19+$0xFFFFFFA0]  }
0x7a: {  	v5 =	vld [tilespmem:s2+$0xFFFFFFE0]  }
0x7b: {  	v6 =	vld [tilespmem:s19+$0xFFFFFFF0];
	v2 =	vunpack.i.l.bf16.f32 v2  }
0x7c: {  	v7 =	vld [tilespmem:s2+$0xFFFFFFF0];
	v2 =	vadd.f32 v3, v2  }
0x7d: {  	v9 =	vld [tilespmem:s2+$0x0]  }
0x7e: {  	v4 =	vunpack.i.l.bf16.f32 v4;
	v3 =	vld [tilespmem:s19+$0x40];
	v8 =	vmul.f32 $2.000000030e-01, v2  }
0x7f: {  	v11 =	vld [tilespmem:s19+$0xFFFFFF90];
	v4 =	vadd.f32 v5, v4  }
0x80: {  	v12 =	vld [tilespmem:s19+$0xFFFFFFD0];
	v2 =	vmax.f32 v2, v8  }
0x81: {  	v13 =	vld [tilespmem:s19+$0xFFFFFFE0];
	v6 =	vunpack.i.l.bf16.f32 v6;
	v10 =	vmul.f32 $2.000000030e-01, v4;
	v2 =	vmul.f32 $1.442695020e+00, v2  }
0x82: {  	v17 =	vld [tilespmem:s19+$0x80];
	v6 =	vadd.f32 v7, v6  }
0x83: {  	v21 =	vld [tilespmem:s19+$0x10];
	v4 =	vmax.f32 v4, v10;
	v3 =	vunpack.i.l.bf16.f32 v3;
	(erf) = vpow2.f32 v2  }
0x84: {  	v5 =	vld [tilespmem:s19+$0xFFFFFF70];
	v4 =	vmul.f32 $1.442695020e+00, v4;
	v3 =	vadd.f32 v9, v3;
	v9 =	vmul.f32 $2.000000030e-01, v6  }
0x85: {  	v7 =	vld [tilespmem:s19+$0xFFFFFFC0]  }
0x86: {  	v28 =	vunpack.i.u.bf16.f32 v11;
	v8 =	vld [tilespmem:s19+$0xFFFFFF80];
	v6 =	vmax.f32 v6, v9;
	(erf) = vpow2.f32 v4  }
0x87: {  	v29 =	vunpack.i.l.bf16.f32 v11;
	v11 =	vunpack.i.u.bf16.f32 v12;
	v2 =	vld [tilespmem:s19+$0xFFFFFFB0];
	v4 =	vmul.f32 $1.442695020e+00, v6  }
0x88: {  	v22 =	vld [tilespmem:s19+$0x20];
	v16 =	vunpack.i.l.bf16.f32 v12;
	v14 =	vunpack.i.l.bf16.f32 v13;
	v10 =	vmul.f32 $2.000000030e-01, v3  }
0x89: {  	v12 =	vunpack.i.l.bf16.f32 v21;
	v20 =	vunpack.i.u.bf16.f32 v5;
	v9 =	vld [tilespmem:s19+$0x0];
	(erf) = vpow2.f32 v4  }
0x8a: {  	v19 =	vunpack.i.l.bf16.f32 v5;
	v18 =	vunpack.i.l.bf16.f32 v7;
	v3 =	vmax.f32 v3, v10  }
0x8b: {  	v25 =	vunpack.i.u.bf16.f32 v8;
	v27 =	vunpack.i.l.bf16.f32 v8;
	v3 =	vmul.f32 $1.442695020e+00, v3  }
0x8c: {  	v23 =	vld [tilespmem:s19+$0xFFFFFF60];
	v8 =	vunpack.i.u.bf16.f32 v13;
	v32 =	vunpack.i.u.bf16.f32 v2;
	v33 =	vunpack.i.l.bf16.f32 v2;
	v2 =	vpop (erf)  }
0x8d: {  	v6 =	vunpack.i.u.bf16.f32 v17;
	(erf) = vpow2.f32 v3;
	v4 =	vperm.xlane v2, v1  }
0x8e: {  	v13 =	vunpack.i.l.bf16.f32 v22;
	v10 =	vunpack.i.u.bf16.f32 v7;
	v3 =	vld [tilespmem:s19+$0x30];
	v5 =	vunpack.i.u.bf16.f32 v9  }
0x8f: {  	s4 =	simm.s32 $0x3320;
	v34 =	vld [tilespmem:s19+$0x70];
	v15 =	vunpack.i.l.bf16.f32 v9;
	v9 =	vunpack.i.l.bf16.f32 v17;
	v17 =	vpop (erf);
	v7 =	vmul.f32 v4, v6  }
0x90: {  	v24 =	vld [tilespmem:s19+$0x50];
	v35 =	vperm.xlane v17, v1;
	[tilespmem:s4+$0xFFFFFF60] =	vst v17;
	v6 =	vunpack.i.u.bf16.f32 v21;
	v21 =	vmul.f32 v4, v9  }
0x91: {  	v30 =	vld [tilespmem:s19+$0x60];
	v9 =	vunpack.i.u.bf16.f32 v22;
	v22 =	vunpack.i.l.bf16.f32 v23;
	v23 =	vunpack.i.u.bf16.f32 v23;
	[tilespmem:s4+$0x100] =	vst v7  }
0x92: {  	v31 =	vpop (erf);
	v36 =	vmul.f32 v35, v22;
	v23 =	vmul.f32 v35, v23;
	[tilespmem:s4+$0xF0] =	vst v21  }
0x93: {  	v17 =	vunpack.i.l.bf16.f32 v3;
	v63 =	vmul.f32 v35, v20;
	v27 =	vmul.f32 v35, v27;
	[tilespmem:s4+$0xFFFFFFF0] =	vst v31  }
0x94: {  	v20 =	vunpack.i.u.bf16.f32 v34;
	v28 =	vmul.f32 v35, v28;
	v7 =	vunpack.i.u.bf16.f32 v3;
	[tilespmem:s4+$0xFFFFFEE0] =	vst v36  }
0x95: {  	v26 =	vperm.xlane v31, v1;
	v21 =	vunpack.i.u.bf16.f32 v24;
	v31 =	vmul.f32 v35, v19;
	[tilespmem:s4+$0xFFFFFEF0] =	vst v23  }
0x96: {  	v19 =	vunpack.i.u.bf16.f32 v30;
	v3 =	vpop (erf);
	v23 =	vunpack.i.l.bf16.f32 v30;
	[tilespmem:s4+$0xFFFFFF10] =	vst v63;
	v30 =	vmul.f32 v35, v29  }
0x97: {  	v24 =	vunpack.i.l.bf16.f32 v24;
	v22 =	vperm.xlane v3, v1;
	[tilespmem:s4+$0xFFFFFF00] =	vst v31;
	v31 =	vmul.f32 v35, v25  }
0x98: {  	s20 =	simm.s32 $0x3E0;
	s19 =	simm.s32 $0x0;
	[tilespmem:s4+$0xFFFFFF20] =	vst v27;
	v25 =	vunpack.i.l.bf16.f32 v34;
	v29 =	vmul.f32 v26, v33;
	v27 =	vmul.f32 v26, v32  }
.LBB2_5:
0x99: {  	v32 =	vld [tilespmem:s20+$0x90];
	s19 =	sadd.s32 $0x4, s19;
	[tilespmem:s4+$0xFFFFFF30] =	vst v31;
	v18 =	vmul.f32 v26, v18;
	v10 =	vmul.f32 v26, v10;
	s2 =	sadd.s32 $0x40, s2  }
0x9a: {  	v16 =	vmul.f32 v26, v16;
	v11 =	vmul.f32 v26, v11;
	v31 =	vld [tilespmem:s2+$0x10];
	p1 =	slt.u32 s19, $0x3C;
	[tilespmem:s4+$0xFFFFFF40] =	vst v30  }
0x9b: {  	v14 =	vmul.f32 v26, v14;
	v8 =	vmul.f32 v26, v8;
	v30 =	vld [tilespmem:s20+$0xFFFFFFA0];
	[tilespmem:s4+$0xFFFFFF50] =	vst v28  }
0x9c: {  	v15 =	vmul.f32 v22, v15;
	v5 =	vmul.f32 v22, v5;
	v26 =	vld [tilespmem:s20+$0xFFFFFFF0];
	[tilespmem:s4+$0xFFFFFF70] =	vst v29  }
0x9d: {  	v12 =	vmul.f32 v22, v12;
	v6 =	vmul.f32 v22, v6;
	v28 =	vld [tilespmem:s20+$0x40];
	[tilespmem:s4+$0xFFFFFF80] =	vst v27  }
0x9e: {  	v13 =	vmul.f32 v22, v13;
	v9 =	vmul.f32 v22, v9;
	v27 =	vld [tilespmem:s2+$0xFFFFFFE0];
	v29 =	vunpack.i.l.bf16.f32 v32;
	[tilespmem:s4+$0xFFFFFF90] =	vst v18  }
0x9f: {  	v7 =	vmul.f32 v22, v7;
	v18 =	vld [tilespmem:s2+$0xFFFFFFF0];
	v29 =	vadd.f32 v31, v29;
	[tilespmem:s4+$0xFFFFFFA0] =	vst v10;
	v10 =	vmul.f32 v22, v17  }
0xa0: {  	v21 =	vmul.f32 v4, v21;
	v17 =	vunpack.i.l.bf16.f32 v30;
	v22 =	vld [tilespmem:s2+$0x0];
	[tilespmem:s4+$0xFFFFFFB0] =	vst v16;
	v16 =	vmul.f32 v4, v24  }
0xa1: {  	v23 =	vmul.f32 v4, v23;
	v24 =	vld [tilespmem:s20+$0xFFFFFF70];
	v26 =	vunpack.i.l.bf16.f32 v26;
	v30 =	vmul.f32 $2.000000030e-01, v29;
	[tilespmem:s4+$0xFFFFFFC0] =	vst v11  }
0xa2: {  	v19 =	vmul.f32 v4, v19;
	v25 =	vmul.f32 v4, v25;
	v11 =	vld [tilespmem:s20+$0xFFFFFF80];
	v28 =	vunpack.i.l.bf16.f32 v28;
	[tilespmem:s4+$0xFFFFFFD0] =	vst v14  }
0xa3: {  	v20 =	vmul.f32 v4, v20;
	v14 =	vld [tilespmem:s20+$0xFFFFFF90];
	v17 =	vadd.f32 v27, v17;
	v27 =	vmax.f32 v29, v30;
	[tilespmem:s4+$0xFFFFFFE0] =	vst v8  }
0xa4: {  	v4 =	vld [tilespmem:s20+$0xFFFFFFB0];
	v8 =	vadd.f32 v18, v26;
	v18 =	vmul.f32 $1.442695020e+00, v27;
	[tilespmem:s4+$0x0] =	vst v15  }
0xa5: {  	v15 =	vmul.f32 $2.000000030e-01, v17;
	v26 =	vld [tilespmem:s20+$0xFFFFFFC0];
	v22 =	vadd.f32 v22, v28;
	[tilespmem:s4+$0x10] =	vst v5  }
0xa6: {  	v27 =	vunpack.i.u.bf16.f32 v24;
	v5 =	vld [tilespmem:s20+$0xFFFFFFD0];
	v28 =	vmul.f32 $2.000000030e-01, v8;
	(erf) = vpow2.f32 v18;
	[tilespmem:s4+$0x20] =	vst v12  }
0xa7: {  	v29 =	vunpack.i.l.bf16.f32 v24;
	v12 =	vmax.f32 v17, v15;
	v15 =	vld [tilespmem:s20+$0xFFFFFFE0];
	v17 =	vmul.f32 $2.000000030e-01, v22;
	[tilespmem:s4+$0x30] =	vst v6  }
0xa8: {  	v30 =	vunpack.i.u.bf16.f32 v11;
	v6 =	vmul.f32 $1.442695020e+00, v12;
	v8 =	vmax.f32 v8, v28;
	v12 =	vld [tilespmem:s20+$0x0];
	[tilespmem:s4+$0x40] =	vst v13  }
0xa9: {  	v28 =	vunpack.i.l.bf16.f32 v11;
	v8 =	vmul.f32 $1.442695020e+00, v8;
	v13 =	vld [tilespmem:s20+$0x10];
	v11 =	vmax.f32 v22, v17;
	[tilespmem:s4+$0x50] =	vst v9  }
0xaa: {  	v32 =	vunpack.i.u.bf16.f32 v14;
	v17 =	vld [tilespmem:s20+$0x20];
	v9 =	vmul.f32 $1.442695020e+00, v11;
	(erf) = vpow2.f32 v6;
	[tilespmem:s4+$0x60] =	vst v10  }
0xab: {  	v33 =	vunpack.i.l.bf16.f32 v14;
	v34 =	vunpack.i.u.bf16.f32 v4;
	v22 =	vld [tilespmem:s20+$0x30];
	(erf) = vpow2.f32 v8;
	[tilespmem:s4+$0x70] =	vst v7  }
0xac: {  	v35 =	vunpack.i.l.bf16.f32 v4;
	v10 =	vunpack.i.u.bf16.f32 v26;
	v24 =	vld [tilespmem:s20+$0x80];
	(erf) = vpow2.f32 v9;
	[tilespmem:s4+$0x90] =	vst v16  }
0xad: {  	v18 =	vunpack.i.l.bf16.f32 v26;
	v11 =	vunpack.i.u.bf16.f32 v5;
	v16 =	vunpack.i.l.bf16.f32 v5;
	v31 =	vld [tilespmem:s20+$0xFFFFFF60];
	[tilespmem:s4+$0xA0] =	vst v21  }
0xae: {  	v8 =	vunpack.i.u.bf16.f32 v15;
	v14 =	vunpack.i.l.bf16.f32 v15;
	v5 =	vunpack.i.u.bf16.f32 v12;
	[tilespmem:s4+$0xB0] =	vst v23  }
0xaf: {  	v15 =	vunpack.i.l.bf16.f32 v12;
	v6 =	vunpack.i.u.bf16.f32 v13;
	v12 =	vunpack.i.l.bf16.f32 v13;
	v21 =	vpop (erf);
	[tilespmem:s4+$0xC0] =	vst v19  }
0xb0: {  	v9 =	vunpack.i.u.bf16.f32 v17;
	v13 =	vunpack.i.l.bf16.f32 v17;
	v4 =	vperm.xlane v21, v1;
	[tilespmem:s4+$0xD0] =	vst v25  }
0xb1: {  	v7 =	vunpack.i.u.bf16.f32 v22;
	v17 =	vunpack.i.l.bf16.f32 v22;
	v19 =	vunpack.i.u.bf16.f32 v24;
	[tilespmem:s4+$0xE0] =	vst v20  }
0xb2: {  	v20 =	vunpack.i.u.bf16.f32 v31;
	v22 =	vunpack.i.l.bf16.f32 v31;
	v23 =	vld [tilespmem:s20+$0x50];
	v26 =	vmul.f32 v4, v19;
	[tilespmem:s4+$0x80] =	vst v3  }
0xb3: {  	v37 =	vunpack.i.l.bf16.f32 v24;
	v25 =	vld [tilespmem:s20+$0x60];
	v24 =	vpop (erf);
	[tilespmem:s4+$0x110] =	vst v2;
	s4 =	sadd.s32 $0x240, s4;
	v2 =	vmov v21  }
0xb4: {  	v21 =	vmul.f32 v4, v37;
	v36 =	vperm.xlane v24, v1;
	v31 =	vld [tilespmem:s20+$0x70];
	[tilespmem:s4+$0x100] =	vst v26;
	v19 =	vpop (erf)  }
0xb5: {  	[tilespmem:s4+$0xFFFFFF60] =	vst v24;
	v26 =	vperm.xlane v19, v1;
	v3 =	vpop (erf)  }
0xb6: {  	v37 =	vmul.f32 v36, v22;
	v22 =	vperm.xlane v3, v1;
	[tilespmem:s4+$0xF0] =	vst v21  }
0xb7: {  	v20 =	vmul.f32 v36, v20;
	[tilespmem:s4+$0xFFFFFFF0] =	vst v19;
	v21 =	vunpack.i.u.bf16.f32 v23;
	v24 =	vunpack.i.l.bf16.f32 v23  }
.Ltmp1:
0xb8: {  	v29 =	vmul.f32 v36, v29;
	[tilespmem:s4+$0xFFFFFEE0] =	vst v37;
	v19 =	vunpack.i.u.bf16.f32 v25;
	v23 =	vunpack.i.l.bf16.f32 v25;
	(pc) =	sbr.rel @p1 .LBB2_5-.Ltmp1, $4  }
0xb9: {  	v27 =	vmul.f32 v36, v27;
	[tilespmem:s4+$0xFFFFFEF0] =	vst v20;
	v20 =	vunpack.i.u.bf16.f32 v31;
	v25 =	vunpack.i.l.bf16.f32 v31  }
0xba: {  	v31 =	vmul.f32 v36, v30;
	[tilespmem:s4+$0xFFFFFF00] =	vst v29;
	v29 =	vmul.f32 v36, v28  }
0xbb: {  	v30 =	vmul.f32 v36, v33;
	v28 =	vmul.f32 v36, v32;
	[tilespmem:s4+$0xFFFFFF10] =	vst v27  }
0xbc: {  	s20 =	sadd.s32 $0x140, s20;
	v27 =	vmul.f32 v26, v34;
	[tilespmem:s4+$0xFFFFFF20] =	vst v29;
	v29 =	vmul.f32 v26, v35  }
0xbd: {  	[tilespmem:s4+$0xFFFFFF30] =	vst v31  }
0xbe: {  	[tilespmem:s4+$0xFFFFFF40] =	vst v30  }
0xbf: {  	[tilespmem:s4+$0xFFFFFF50] =	vst v28  }
0xc0: {  	[tilespmem:s4+$0x80] =	vst v3  }
0xc1: {  	[tilespmem:s4+$0x110] =	vst v2  }
0xc2: {  	v18 =	vmul.f32 v26, v18;
	[tilespmem:s4+$0xFFFFFF70] =	vst v29  }
0xc3: {  	v10 =	vmul.f32 v26, v10;
	[tilespmem:s4+$0xFFFFFF80] =	vst v27  }
0xc4: {  	v16 =	vmul.f32 v26, v16;
	[tilespmem:s4+$0xFFFFFF90] =	vst v18  }
0xc5: {  	v11 =	vmul.f32 v26, v11;
	[tilespmem:s4+$0xFFFFFFA0] =	vst v10  }
0xc6: {  	v8 =	vmul.f32 v26, v8;
	[tilespmem:s4+$0xFFFFFFB0] =	vst v16  }
0xc7: {  	v5 =	vmul.f32 v22, v5;
	[tilespmem:s4+$0xFFFFFFC0] =	vst v11  }
0xc8: {  	v6 =	vmul.f32 v22, v6;
	[tilespmem:s4+$0xFFFFFFE0] =	vst v8  }
0xc9: {  	v10 =	vmul.f32 v26, v14;
	[tilespmem:s4+$0x10] =	vst v5  }
0xca: {  	v11 =	vmul.f32 v22, v15;
	[tilespmem:s4+$0x30] =	vst v6  }
0xcb: {  	v8 =	vmul.f32 v22, v12;
	[tilespmem:s4+$0xFFFFFFD0] =	vst v10  }
0xcc: {  	v5 =	vmul.f32 v22, v13;
	[tilespmem:s4+$0x0] =	vst v11  }
0xcd: {  	v6 =	vmul.f32 v22, v17;
	[tilespmem:s4+$0x20] =	vst v8  }
0xce: {  	v8 =	vmul.f32 v22, v9;
	[tilespmem:s4+$0x40] =	vst v5  }
0xcf: {  	v5 =	vmul.f32 v22, v7;
	[tilespmem:s4+$0x60] =	vst v6  }
0xd0: {  	v7 =	vmul.f32 v4, v24;
	[tilespmem:s4+$0x50] =	vst v8  }
0xd1: {  	v6 =	vmul.f32 v4, v21;
	[tilespmem:s4+$0x70] =	vst v5  }
0xd2: {  	v5 =	vmul.f32 v4, v23;
	[tilespmem:s4+$0x90] =	vst v7  }
0xd3: {  	v7 =	vmul.f32 v4, v19;
	[tilespmem:s4+$0xA0] =	vst v6  }
0xd4: {  	v6 =	vmul.f32 v4, v25;
	[tilespmem:s4+$0xB0] =	vst v5  }
0xd5: {  	v4 =	vmul.f32 v4, v20;
	[tilespmem:s4+$0xC0] =	vst v7  }
0xd6: {  	[tilespmem:s4+$0xD0] =	vst v6  }
0xd7: {  	s2 =	simm.s32 @!p0 $0xA;
	[tilespmem:s4+$0xE0] =	vst v4  }
0xd8: {  	[spmem:s3] =	stream.indirect.scatter.add.f32 [tilespmem:s25], [sflag:$0x9], $0x90, s30, s30, $0xb8;
	[tilespmem:$0x1DA20] =	vst v63  }
0xd9: {  	_ =	swait.ge @!p0 [sflag:s2], $0x2400  }
0xda: {  	s20 =	rddreg [dreg:$0x11]  }
0xdb: {  	s4 =	sadd.s32 s31, s20  }
0xdc: {  	[sflag:s2] =	ssyncset.done @!p0 $0x0;
	s4 =	sshrl.u32 s4, $0x3  }
0xdd: {  	[sflag:s2] =	ssyncadd.s32 @!p0 $0xFFFFDC00;
	s20 =	simm.s32 $0x0;
	s19 =	sadd.s32 s6, s4  }
0xde: {  	[tilespmem:s14], [sflag:$0x4] =	stream.linear.gather [hbm4b:s19+s20], $0x80, $0x38;
	[tilespmem:$0x1DA20] =	vst v63  }
0xdf: {  	_ =	swait.ge [sflag:s15], $0x80  }
0xe0: {  	[sflag:s15] =	ssyncset.done $0x0  }
0xe1: {  	s19 =	simm.s32 $0x200;
	[sflag:s15] =	ssyncadd.s32 $0xFFFFFF80  }
0xe2: {  	[tilespmem:s19], [sflag:$0x5] =	stream.indirect.gather [hbm4b:s1+s30], $0x50, s0, s30, $0xb8;
	[tilespmem:$0x1DA20] =	vst v63  }
0xe3: {  	s20 =	simm.s32 $0x2A00  }
0xe4: {  	[tilespmem:s20], [sflag:$0x7] =	stream.indirect.gather [hbm4b:s5+s30], $0x10, s17, s30, $0xb8;
	[tilespmem:$0x1DA20] =	vst v63  }
0xe5: {  	_ =	swait.ge [sflag:s18], $0x1400  }
0xe6: {  	[sflag:s18] =	ssyncset.done $0x0  }
0xe7: {  	[sflag:s18] =	ssyncadd.s32 $0xFFFFEC00  }
0xe8: {  	_ =	swait.ge [sflag:s23], $0x400  }
0xe9: {  	[sflag:s23] =	ssyncset.done $0x0  }
0xea: {  	s19 =	simm.s32 $0x16A0;
	[sflag:s23] =	ssyncadd.s32 $0xFFFFFC00  }
0xeb: {  	s2 =	simm.s32 $0x2E20;
	v2 =	vld [tilespmem:s19+$0x90]  }
0xec: {  	v3 =	vld [tilespmem:s2+$0x10];
	_ =	sdelay $0x1  }
0xed: {  	v4 =	vld [tilespmem:s19+$0xFFFFFFA0]  }
0xee: {  	v5 =	vld [tilespmem:s2+$0xFFFFFFE0]  }
0xef: {  	v6 =	vld [tilespmem:s19+$0xFFFFFFF0];
	v2 =	vunpack.i.l.bf16.f32 v2  }
0xf0: {  	v7 =	vld [tilespmem:s2+$0xFFFFFFF0];
	v2 =	vadd.f32 v3, v2  }
0xf1: {  	v9 =	vld [tilespmem:s2+$0x0]  }
0xf2: {  	v4 =	vunpack.i.l.bf16.f32 v4;
	v3 =	vld [tilespmem:s19+$0x40];
	v8 =	vmul.f32 $2.000000030e-01, v2  }
0xf3: {  	v11 =	vld [tilespmem:s19+$0xFFFFFF90];
	v4 =	vadd.f32 v5, v4  }
0xf4: {  	v12 =	vld [tilespmem:s19+$0xFFFFFFD0];
	v2 =	vmax.f32 v2, v8  }
0xf5: {  	v13 =	vld [tilespmem:s19+$0xFFFFFFE0];
	v6 =	vunpack.i.l.bf16.f32 v6;
	v10 =	vmul.f32 $2.000000030e-01, v4;
	v2 =	vmul.f32 $1.442695020e+00, v2  }
0xf6: {  	v17 =	vld [tilespmem:s19+$0x80];
	v6 =	vadd.f32 v7, v6  }
0xf7: {  	v21 =	vld [tilespmem:s19+$0x10];
	v4 =	vmax.f32 v4, v10;
	v3 =	vunpack.i.l.bf16.f32 v3;
	(erf) = vpow2.f32 v2  }
0xf8: {  	v5 =	vld [tilespmem:s19+$0xFFFFFF70];
	v4 =	vmul.f32 $1.442695020e+00, v4;
	v3 =	vadd.f32 v9, v3;
	v9 =	vmul.f32 $2.000000030e-01, v6  }
0xf9: {  	v7 =	vld [tilespmem:s19+$0xFFFFFFC0]  }
0xfa: {  	v28 =	vunpack.i.u.bf16.f32 v11;
	v8 =	vld [tilespmem:s19+$0xFFFFFF80];
	v6 =	vmax.f32 v6, v9;
	(erf) = vpow2.f32 v4  }
0xfb: {  	v29 =	vunpack.i.l.bf16.f32 v11;
	v11 =	vunpack.i.u.bf16.f32 v12;
	v2 =	vld [tilespmem:s19+$0xFFFFFFB0];
	v4 =	vmul.f32 $1.442695020e+00, v6  }
0xfc: {  	v22 =	vld [tilespmem:s19+$0x20];
	v16 =	vunpack.i.l.bf16.f32 v12;
	v14 =	vunpack.i.l.bf16.f32 v13;
	v10 =	vmul.f32 $2.000000030e-01, v3  }
0xfd: {  	v12 =	vunpack.i.l.bf16.f32 v21;
	v20 =	vunpack.i.u.bf16.f32 v5;
	v9 =	vld [tilespmem:s19+$0x0];
	(erf) = vpow2.f32 v4  }
0xfe: {  	v19 =	vunpack.i.l.bf16.f32 v5;
	v18 =	vunpack.i.l.bf16.f32 v7;
	v3 =	vmax.f32 v3, v10  }
0xff: {  	v25 =	vunpack.i.u.bf16.f32 v8;
	v27 =	vunpack.i.l.bf16.f32 v8;
	v3 =	vmul.f32 $1.442695020e+00, v3  }
0x100: {  	v23 =	vld [tilespmem:s19+$0xFFFFFF60];
	v8 =	vunpack.i.u.bf16.f32 v13;
	v32 =	vunpack.i.u.bf16.f32 v2;
	v33 =	vunpack.i.l.bf16.f32 v2;
	v2 =	vpop (erf)  }
0x101: {  	v6 =	vunpack.i.u.bf16.f32 v17;
	(erf) = vpow2.f32 v3;
	v4 =	vperm.xlane v2, v1  }
0x102: {  	v13 =	vunpack.i.l.bf16.f32 v22;
	v10 =	vunpack.i.u.bf16.f32 v7;
	v3 =	vld [tilespmem:s19+$0x30];
	v5 =	vunpack.i.u.bf16.f32 v9  }
0x103: {  	s4 =	simm.s32 $0x5720;
	v34 =	vld [tilespmem:s19+$0x70];
	v15 =	vunpack.i.l.bf16.f32 v9;
	v9 =	vunpack.i.l.bf16.f32 v17;
	v17 =	vpop (erf);
	v7 =	vmul.f32 v4, v6  }
0x104: {  	v24 =	vld [tilespmem:s19+$0x50];
	v35 =	vperm.xlane v17, v1;
	[tilespmem:s4+$0xFFFFFF60] =	vst v17;
	v6 =	vunpack.i.u.bf16.f32 v21;
	v21 =	vmul.f32 v4, v9  }
0x105: {  	v30 =	vld [tilespmem:s19+$0x60];
	v9 =	vunpack.i.u.bf16.f32 v22;
	v22 =	vunpack.i.l.bf16.f32 v23;
	v23 =	vunpack.i.u.bf16.f32 v23;
	[tilespmem:s4+$0x100] =	vst v7  }
0x106: {  	v31 =	vpop (erf);
	v36 =	vmul.f32 v35, v22;
	v23 =	vmul.f32 v35, v23;
	[tilespmem:s4+$0xF0] =	vst v21  }
0x107: {  	v17 =	vunpack.i.l.bf16.f32 v3;
	v63 =	vmul.f32 v35, v20;
	v27 =	vmul.f32 v35, v27;
	[tilespmem:s4+$0xFFFFFFF0] =	vst v31  }
0x108: {  	v20 =	vunpack.i.u.bf16.f32 v34;
	v28 =	vmul.f32 v35, v28;
	v7 =	vunpack.i.u.bf16.f32 v3;
	[tilespmem:s4+$0xFFFFFEE0] =	vst v36  }
0x109: {  	v26 =	vperm.xlane v31, v1;
	v21 =	vunpack.i.u.bf16.f32 v24;
	v31 =	vmul.f32 v35, v19;
	[tilespmem:s4+$0xFFFFFEF0] =	vst v23  }
0x10a: {  	v19 =	vunpack.i.u.bf16.f32 v30;
	v3 =	vpop (erf);
	v23 =	vunpack.i.l.bf16.f32 v30;
	[tilespmem:s4+$0xFFFFFF10] =	vst v63;
	v30 =	vmul.f32 v35, v29  }
0x10b: {  	v24 =	vunpack.i.l.bf16.f32 v24;
	v22 =	vperm.xlane v3, v1;
	[tilespmem:s4+$0xFFFFFF00] =	vst v31;
	v31 =	vmul.f32 v35, v25  }
0x10c: {  	s20 =	simm.s32 $0x17E0;
	s19 =	simm.s32 $0x0;
	[tilespmem:s4+$0xFFFFFF20] =	vst v27;
	v25 =	vunpack.i.l.bf16.f32 v34;
	v29 =	vmul.f32 v26, v33;
	v27 =	vmul.f32 v26, v32  }
.LBB2_7:
0x10d: {  	v32 =	vld [tilespmem:s20+$0x90];
	s19 =	sadd.s32 $0x4, s19;
	[tilespmem:s4+$0xFFFFFF30] =	vst v31;
	v18 =	vmul.f32 v26, v18;
	v10 =	vmul.f32 v26, v10;
	s2 =	sadd.s32 $0x40, s2  }
0x10e: {  	v16 =	vmul.f32 v26, v16;
	v11 =	vmul.f32 v26, v11;
	v31 =	vld [tilespmem:s2+$0x10];
	p0 =	slt.u32 s19, $0x3C;
	[tilespmem:s4+$0xFFFFFF40] =	vst v30  }
0x10f: {  	v14 =	vmul.f32 v26, v14;
	v8 =	vmul.f32 v26, v8;
	v30 =	vld [tilespmem:s20+$0xFFFFFFA0];
	[tilespmem:s4+$0xFFFFFF50] =	vst v28  }
0x110: {  	v15 =	vmul.f32 v22, v15;
	v5 =	vmul.f32 v22, v5;
	v26 =	vld [tilespmem:s20+$0xFFFFFFF0];
	[tilespmem:s4+$0xFFFFFF70] =	vst v29  }
0x111: {  	v12 =	vmul.f32 v22, v12;
	v6 =	vmul.f32 v22, v6;
	v28 =	vld [tilespmem:s20+$0x40];
	[tilespmem:s4+$0xFFFFFF80] =	vst v27  }
0x112: {  	v13 =	vmul.f32 v22, v13;
	v9 =	vmul.f32 v22, v9;
	v27 =	vld [tilespmem:s2+$0xFFFFFFE0];
	v29 =	vunpack.i.l.bf16.f32 v32;
	[tilespmem:s4+$0xFFFFFF90] =	vst v18  }
0x113: {  	v7 =	vmul.f32 v22, v7;
	v18 =	vld [tilespmem:s2+$0xFFFFFFF0];
	v29 =	vadd.f32 v31, v29;
	[tilespmem:s4+$0xFFFFFFA0] =	vst v10;
	v10 =	vmul.f32 v22, v17  }
0x114: {  	v21 =	vmul.f32 v4, v21;
	v17 =	vunpack.i.l.bf16.f32 v30;
	v22 =	vld [tilespmem:s2+$0x0];
	[tilespmem:s4+$0xFFFFFFB0] =	vst v16;
	v16 =	vmul.f32 v4, v24  }
0x115: {  	v23 =	vmul.f32 v4, v23;
	v24 =	vld [tilespmem:s20+$0xFFFFFF70];
	v26 =	vunpack.i.l.bf16.f32 v26;
	v30 =	vmul.f32 $2.000000030e-01, v29;
	[tilespmem:s4+$0xFFFFFFC0] =	vst v11  }
0x116: {  	v19 =	vmul.f32 v4, v19;
	v25 =	vmul.f32 v4, v25;
	v11 =	vld [tilespmem:s20+$0xFFFFFF80];
	v28 =	vunpack.i.l.bf16.f32 v28;
	[tilespmem:s4+$0xFFFFFFD0] =	vst v14  }
0x117: {  	v20 =	vmul.f32 v4, v20;
	v14 =	vld [tilespmem:s20+$0xFFFFFF90];
	v17 =	vadd.f32 v27, v17;
	v27 =	vmax.f32 v29, v30;
	[tilespmem:s4+$0xFFFFFFE0] =	vst v8  }
0x118: {  	v4 =	vld [tilespmem:s20+$0xFFFFFFB0];
	v8 =	vadd.f32 v18, v26;
	v18 =	vmul.f32 $1.442695020e+00, v27;
	[tilespmem:s4+$0x0] =	vst v15  }
0x119: {  	v15 =	vmul.f32 $2.000000030e-01, v17;
	v26 =	vld [tilespmem:s20+$0xFFFFFFC0];
	v22 =	vadd.f32 v22, v28;
	[tilespmem:s4+$0x10] =	vst v5  }
0x11a: {  	v27 =	vunpack.i.u.bf16.f32 v24;
	v5 =	vld [tilespmem:s20+$0xFFFFFFD0];
	v28 =	vmul.f32 $2.000000030e-01, v8;
	(erf) = vpow2.f32 v18;
	[tilespmem:s4+$0x20] =	vst v12  }
0x11b: {  	v29 =	vunpack.i.l.bf16.f32 v24;
	v12 =	vmax.f32 v17, v15;
	v15 =	vld [tilespmem:s20+$0xFFFFFFE0];
	v17 =	vmul.f32 $2.000000030e-01, v22;
	[tilespmem:s4+$0x30] =	vst v6  }
0x11c: {  	v30 =	vunpack.i.u.bf16.f32 v11;
	v6 =	vmul.f32 $1.442695020e+00, v12;
	v8 =	vmax.f32 v8, v28;
	v12 =	vld [tilespmem:s20+$0x0];
	[tilespmem:s4+$0x40] =	vst v13  }
0x11d: {  	v28 =	vunpack.i.l.bf16.f32 v11;
	v8 =	vmul.f32 $1.442695020e+00, v8;
	v13 =	vld [tilespmem:s20+$0x10];
	v11 =	vmax.f32 v22, v17;
	[tilespmem:s4+$0x50] =	vst v9  }
0x11e: {  	v32 =	vunpack.i.u.bf16.f32 v14;
	v17 =	vld [tilespmem:s20+$0x20];
	v9 =	vmul.f32 $1.442695020e+00, v11;
	(erf) = vpow2.f32 v6;
	[tilespmem:s4+$0x60] =	vst v10  }
0x11f: {  	v33 =	vunpack.i.l.bf16.f32 v14;
	v34 =	vunpack.i.u.bf16.f32 v4;
	v22 =	vld [tilespmem:s20+$0x30];
	(erf) = vpow2.f32 v8;
	[tilespmem:s4+$0x70] =	vst v7  }
0x120: {  	v35 =	vunpack.i.l.bf16.f32 v4;
	v10 =	vunpack.i.u.bf16.f32 v26;
	v24 =	vld [tilespmem:s20+$0x80];
	(erf) = vpow2.f32 v9;
	[tilespmem:s4+$0x90] =	vst v16  }
0x121: {  	v18 =	vunpack.i.l.bf16.f32 v26;
	v11 =	vunpack.i.u.bf16.f32 v5;
	v16 =	vunpack.i.l.bf16.f32 v5;
	v31 =	vld [tilespmem:s20+$0xFFFFFF60];
	[tilespmem:s4+$0xA0] =	vst v21  }
0x122: {  	v8 =	vunpack.i.u.bf16.f32 v15;
	v14 =	vunpack.i.l.bf16.f32 v15;
	v5 =	vunpack.i.u.bf16.f32 v12;
	[tilespmem:s4+$0xB0] =	vst v23  }
0x123: {  	v15 =	vunpack.i.l.bf16.f32 v12;
	v6 =	vunpack.i.u.bf16.f32 v13;
	v12 =	vunpack.i.l.bf16.f32 v13;
	v21 =	vpop (erf);
	[tilespmem:s4+$0xC0] =	vst v19  }
0x124: {  	v9 =	vunpack.i.u.bf16.f32 v17;
	v13 =	vunpack.i.l.bf16.f32 v17;
	v4 =	vperm.xlane v21, v1;
	[tilespmem:s4+$0xD0] =	vst v25  }
0x125: {  	v7 =	vunpack.i.u.bf16.f32 v22;
	v17 =	vunpack.i.l.bf16.f32 v22;
	v19 =	vunpack.i.u.bf16.f32 v24;
	[tilespmem:s4+$0xE0] =	vst v20  }
0x126: {  	v20 =	vunpack.i.u.bf16.f32 v31;
	v22 =	vunpack.i.l.bf16.f32 v31;
	v23 =	vld [tilespmem:s20+$0x50];
	v26 =	vmul.f32 v4, v19;
	[tilespmem:s4+$0x80] =	vst v3  }
0x127: {  	v37 =	vunpack.i.l.bf16.f32 v24;
	v25 =	vld [tilespmem:s20+$0x60];
	v24 =	vpop (erf);
	[tilespmem:s4+$0x110] =	vst v2;
	s4 =	sadd.s32 $0x240, s4;
	v2 =	vmov v21  }
0x128: {  	v21 =	vmul.f32 v4, v37;
	v36 =	vperm.xlane v24, v1;
	v31 =	vld [tilespmem:s20+$0x70];
	[tilespmem:s4+$0x100] =	vst v26;
	v19 =	vpop (erf)  }
0x129: {  	[tilespmem:s4+$0xFFFFFF60] =	vst v24;
	v26 =	vperm.xlane v19, v1;
	v3 =	vpop (erf)  }
0x12a: {  	v37 =	vmul.f32 v36, v22;
	v22 =	vperm.xlane v3, v1;
	[tilespmem:s4+$0xF0] =	vst v21  }
0x12b: {  	v20 =	vmul.f32 v36, v20;
	[tilespmem:s4+$0xFFFFFFF0] =	vst v19;
	v21 =	vunpack.i.u.bf16.f32 v23;
	v24 =	vunpack.i.l.bf16.f32 v23  }
.Ltmp2:
0x12c: {  	v29 =	vmul.f32 v36, v29;
	[tilespmem:s4+$0xFFFFFEE0] =	vst v37;
	v19 =	vunpack.i.u.bf16.f32 v25;
	v23 =	vunpack.i.l.bf16.f32 v25;
	(pc) =	sbr.rel @p0 .LBB2_7-.Ltmp2, $4  }
0x12d: {  	v27 =	vmul.f32 v36, v27;
	[tilespmem:s4+$0xFFFFFEF0] =	vst v20;
	v20 =	vunpack.i.u.bf16.f32 v31;
	v25 =	vunpack.i.l.bf16.f32 v31  }
0x12e: {  	v31 =	vmul.f32 v36, v30;
	[tilespmem:s4+$0xFFFFFF00] =	vst v29;
	v29 =	vmul.f32 v36, v28  }
0x12f: {  	v30 =	vmul.f32 v36, v33;
	v28 =	vmul.f32 v36, v32;
	[tilespmem:s4+$0xFFFFFF10] =	vst v27  }
0x130: {  	s20 =	sadd.s32 $0x140, s20;
	v27 =	vmul.f32 v26, v34;
	[tilespmem:s4+$0xFFFFFF20] =	vst v29;
	v29 =	vmul.f32 v26, v35  }
0x131: {  	[tilespmem:s4+$0xFFFFFF30] =	vst v31  }
0x132: {  	[tilespmem:s4+$0xFFFFFF40] =	vst v30  }
0x133: {  	[tilespmem:s4+$0xFFFFFF50] =	vst v28  }
0x134: {  	[tilespmem:s4+$0x80] =	vst v3  }
0x135: {  	[tilespmem:s4+$0x110] =	vst v2  }
0x136: {  	v18 =	vmul.f32 v26, v18;
	[tilespmem:s4+$0xFFFFFF70] =	vst v29  }
0x137: {  	v10 =	vmul.f32 v26, v10;
	[tilespmem:s4+$0xFFFFFF80] =	vst v27  }
0x138: {  	v16 =	vmul.f32 v26, v16;
	[tilespmem:s4+$0xFFFFFF90] =	vst v18  }
0x139: {  	v11 =	vmul.f32 v26, v11;
	[tilespmem:s4+$0xFFFFFFA0] =	vst v10  }
0x13a: {  	v8 =	vmul.f32 v26, v8;
	[tilespmem:s4+$0xFFFFFFB0] =	vst v16  }
0x13b: {  	v5 =	vmul.f32 v22, v5;
	[tilespmem:s4+$0xFFFFFFC0] =	vst v11  }
0x13c: {  	v6 =	vmul.f32 v22, v6;
	[tilespmem:s4+$0xFFFFFFE0] =	vst v8  }
0x13d: {  	v10 =	vmul.f32 v26, v14;
	[tilespmem:s4+$0x10] =	vst v5  }
0x13e: {  	v11 =	vmul.f32 v22, v15;
	[tilespmem:s4+$0x30] =	vst v6  }
0x13f: {  	v8 =	vmul.f32 v22, v12;
	[tilespmem:s4+$0xFFFFFFD0] =	vst v10  }
0x140: {  	v5 =	vmul.f32 v22, v13;
	[tilespmem:s4+$0x0] =	vst v11  }
0x141: {  	v6 =	vmul.f32 v22, v17;
	[tilespmem:s4+$0x20] =	vst v8  }
0x142: {  	v8 =	vmul.f32 v22, v9;
	[tilespmem:s4+$0x40] =	vst v5  }
0x143: {  	v5 =	vmul.f32 v22, v7;
	[tilespmem:s4+$0x60] =	vst v6  }
0x144: {  	v7 =	vmul.f32 v4, v24;
	[tilespmem:s4+$0x50] =	vst v8  }
0x145: {  	v6 =	vmul.f32 v4, v21;
	[tilespmem:s4+$0x70] =	vst v5  }
0x146: {  	v5 =	vmul.f32 v4, v23;
	[tilespmem:s4+$0x90] =	vst v7  }
0x147: {  	v7 =	vmul.f32 v4, v19;
	[tilespmem:s4+$0xA0] =	vst v6  }
0x148: {  	v6 =	vmul.f32 v4, v25;
	[tilespmem:s4+$0xB0] =	vst v5  }
0x149: {  	v4 =	vmul.f32 v4, v20;
	[tilespmem:s4+$0xC0] =	vst v7  }
0x14a: {  	[tilespmem:s4+$0xD0] =	vst v6  }
0x14b: {  	p0 =	seq.s32 s28, $0x28;
	[tilespmem:s4+$0xE0] =	vst v4  }
0x14c: {  	[spmem:s3] =	stream.indirect.scatter.add.f32 [tilespmem:s24], [sflag:$0xA], $0x90, s10, s30, $0xb8;
	[tilespmem:$0x1DA20] =	vst v63  }
0x14d: {  	s2 =	sadd.s32 @!p0 s31, s21;
	_ =	swait.ge [sflag:s16], $0x2400  }
0x14e: {  	s2 =	sshrl.u32 @!p0 s2, $0x3;
	[sflag:s16] =	ssyncset.done $0x0  }
0x14f: {  	s2 =	sadd.s32 @!p0 s6, s2;
	s4 =	simm.s32 @!p0 $0x0;
	[sflag:s16] =	ssyncadd.s32 $0xFFFFDC00  }
0x150: {  	[tilespmem:s4], [sflag:$0x1] =	stream.linear.gather @!p0 [hbm4b:s2+s4], $0x80, $0x38;
	[tilespmem:$0x1DA20] =	vst v63  }
0x151: {  	_ =	swait.ge [sflag:s29], $0x80  }
0x152: {  	[sflag:s29] =	ssyncset.done $0x0  }
0x153: {  	[sflag:s29] =	ssyncadd.s32 $0xFFFFFF80  }
0x154: {  	[tilespmem:s9], [sflag:$0x6] =	stream.indirect.gather [hbm4b:s1+s30], $0x50, s14, s30, $0xb8;
	[tilespmem:$0x1DA20] =	vst v63  }
0x155: {  	_ = 	snop  }
0x156: {  	[tilespmem:s11], [sflag:$0x8] =	stream.indirect.gather [hbm4b:s5+s30], $0x10, s7, s30, $0xb8;
	[tilespmem:$0x1DA20] =	vst v63  }
0x157: {  	_ =	swait.ge [sflag:s12], $0x1400  }
0x158: {  	[sflag:s12] =	ssyncset.done $0x0  }
0x159: {  	[sflag:s12] =	ssyncadd.s32 $0xFFFFEC00  }
0x15a: {  	_ =	swait.ge [sflag:s13], $0x400  }
0x15b: {  	[sflag:s13] =	ssyncset.done $0x0  }
0x15c: {  	s19 =	simm.s32 $0x2A0;
	[sflag:s13] =	ssyncadd.s32 $0xFFFFFC00  }
0x15d: {  	s2 =	simm.s32 $0x2A20;
	v2 =	vld [tilespmem:s19+$0x90]  }
0x15e: {  	v3 =	vld [tilespmem:s2+$0x10];
	_ =	sdelay $0x1  }
0x15f: {  	v4 =	vld [tilespmem:s19+$0xFFFFFFA0]  }
0x160: {  	v5 =	vld [tilespmem:s2+$0xFFFFFFE0]  }
0x161: {  	v6 =	vld [tilespmem:s19+$0xFFFFFFF0];
	v2 =	vunpack.i.l.bf16.f32 v2  }
0x162: {  	v7 =	vld [tilespmem:s2+$0xFFFFFFF0];
	v2 =	vadd.f32 v3, v2  }
0x163: {  	v9 =	vld [tilespmem:s2+$0x0]  }
0x164: {  	v4 =	vunpack.i.l.bf16.f32 v4;
	v3 =	vld [tilespmem:s19+$0x40];
	v8 =	vmul.f32 $2.000000030e-01, v2  }
0x165: {  	v11 =	vld [tilespmem:s19+$0xFFFFFF90];
	v4 =	vadd.f32 v5, v4  }
0x166: {  	v12 =	vld [tilespmem:s19+$0xFFFFFFD0];
	v2 =	vmax.f32 v2, v8  }
0x167: {  	v13 =	vld [tilespmem:s19+$0xFFFFFFE0];
	v6 =	vunpack.i.l.bf16.f32 v6;
	v10 =	vmul.f32 $2.000000030e-01, v4;
	v2 =	vmul.f32 $1.442695020e+00, v2  }
0x168: {  	v17 =	vld [tilespmem:s19+$0x80];
	v6 =	vadd.f32 v7, v6  }
0x169: {  	v21 =	vld [tilespmem:s19+$0x10];
	v4 =	vmax.f32 v4, v10;
	v3 =	vunpack.i.l.bf16.f32 v3;
	(erf) = vpow2.f32 v2  }
0x16a: {  	v5 =	vld [tilespmem:s19+$0xFFFFFF70];
	v4 =	vmul.f32 $1.442695020e+00, v4;
	v3 =	vadd.f32 v9, v3;
	v9 =	vmul.f32 $2.000000030e-01, v6  }
0x16b: {  	v7 =	vld [tilespmem:s19+$0xFFFFFFC0]  }
0x16c: {  	v28 =	vunpack.i.u.bf16.f32 v11;
	v8 =	vld [tilespmem:s19+$0xFFFFFF80];
	v6 =	vmax.f32 v6, v9;
	(erf) = vpow2.f32 v4  }
0x16d: {  	v29 =	vunpack.i.l.bf16.f32 v11;
	v11 =	vunpack.i.u.bf16.f32 v12;
	v2 =	vld [tilespmem:s19+$0xFFFFFFB0];
	v4 =	vmul.f32 $1.442695020e+00, v6  }
0x16e: {  	v22 =	vld [tilespmem:s19+$0x20];
	v16 =	vunpack.i.l.bf16.f32 v12;
	v14 =	vunpack.i.l.bf16.f32 v13;
	v10 =	vmul.f32 $2.000000030e-01, v3  }
0x16f: {  	v12 =	vunpack.i.l.bf16.f32 v21;
	v20 =	vunpack.i.u.bf16.f32 v5;
	v9 =	vld [tilespmem:s19+$0x0];
	(erf) = vpow2.f32 v4  }
0x170: {  	v19 =	vunpack.i.l.bf16.f32 v5;
	v18 =	vunpack.i.l.bf16.f32 v7;
	v3 =	vmax.f32 v3, v10  }
0x171: {  	v25 =	vunpack.i.u.bf16.f32 v8;
	v27 =	vunpack.i.l.bf16.f32 v8;
	v3 =	vmul.f32 $1.442695020e+00, v3  }
0x172: {  	v23 =	vld [tilespmem:s19+$0xFFFFFF60];
	v8 =	vunpack.i.u.bf16.f32 v13;
	v32 =	vunpack.i.u.bf16.f32 v2;
	v33 =	vunpack.i.l.bf16.f32 v2;
	v2 =	vpop (erf)  }
0x173: {  	v6 =	vunpack.i.u.bf16.f32 v17;
	(erf) = vpow2.f32 v3;
	v4 =	vperm.xlane v2, v1  }
0x174: {  	v13 =	vunpack.i.l.bf16.f32 v22;
	v10 =	vunpack.i.u.bf16.f32 v7;
	v3 =	vld [tilespmem:s19+$0x30];
	v5 =	vunpack.i.u.bf16.f32 v9  }
0x175: {  	s4 =	simm.s32 $0x3320;
	v34 =	vld [tilespmem:s19+$0x70];
	v15 =	vunpack.i.l.bf16.f32 v9;
	v9 =	vunpack.i.l.bf16.f32 v17;
	v17 =	vpop (erf);
	v7 =	vmul.f32 v4, v6  }
0x176: {  	v24 =	vld [tilespmem:s19+$0x50];
	v35 =	vperm.xlane v17, v1;
	[tilespmem:s4+$0xFFFFFF60] =	vst v17;
	v6 =	vunpack.i.u.bf16.f32 v21;
	v21 =	vmul.f32 v4, v9  }
0x177: {  	v30 =	vld [tilespmem:s19+$0x60];
	v9 =	vunpack.i.u.bf16.f32 v22;
	v22 =	vunpack.i.l.bf16.f32 v23;
	v23 =	vunpack.i.u.bf16.f32 v23;
	[tilespmem:s4+$0x100] =	vst v7  }
0x178: {  	v31 =	vpop (erf);
	v36 =	vmul.f32 v35, v22;
	v23 =	vmul.f32 v35, v23;
	[tilespmem:s4+$0xF0] =	vst v21  }
0x179: {  	v17 =	vunpack.i.l.bf16.f32 v3;
	v63 =	vmul.f32 v35, v20;
	v27 =	vmul.f32 v35, v27;
	[tilespmem:s4+$0xFFFFFFF0] =	vst v31  }
0x17a: {  	v20 =	vunpack.i.u.bf16.f32 v34;
	v28 =	vmul.f32 v35, v28;
	v7 =	vunpack.i.u.bf16.f32 v3;
	[tilespmem:s4+$0xFFFFFEE0] =	vst v36  }
0x17b: {  	v26 =	vperm.xlane v31, v1;
	v21 =	vunpack.i.u.bf16.f32 v24;
	v31 =	vmul.f32 v35, v19;
	[tilespmem:s4+$0xFFFFFEF0] =	vst v23  }
0x17c: {  	v19 =	vunpack.i.u.bf16.f32 v30;
	v3 =	vpop (erf);
	v23 =	vunpack.i.l.bf16.f32 v30;
	[tilespmem:s4+$0xFFFFFF10] =	vst v63;
	v30 =	vmul.f32 v35, v29  }
0x17d: {  	v24 =	vunpack.i.l.bf16.f32 v24;
	v22 =	vperm.xlane v3, v1;
	[tilespmem:s4+$0xFFFFFF00] =	vst v31;
	v31 =	vmul.f32 v35, v25  }
0x17e: {  	s20 =	simm.s32 $0x3E0;
	s19 =	simm.s32 $0x0;
	[tilespmem:s4+$0xFFFFFF20] =	vst v27;
	v25 =	vunpack.i.l.bf16.f32 v34;
	v29 =	vmul.f32 v26, v33;
	v27 =	vmul.f32 v26, v32  }
.LBB2_9:
0x17f: {  	v32 =	vld [tilespmem:s20+$0x90];
	s19 =	sadd.s32 $0x4, s19;
	[tilespmem:s4+$0xFFFFFF30] =	vst v31;
	v18 =	vmul.f32 v26, v18;
	v10 =	vmul.f32 v26, v10;
	s2 =	sadd.s32 $0x40, s2  }
0x180: {  	v16 =	vmul.f32 v26, v16;
	v11 =	vmul.f32 v26, v11;
	v31 =	vld [tilespmem:s2+$0x10];
	p1 =	slt.u32 s19, $0x3C;
	[tilespmem:s4+$0xFFFFFF40] =	vst v30  }
0x181: {  	v14 =	vmul.f32 v26, v14;
	v8 =	vmul.f32 v26, v8;
	v30 =	vld [tilespmem:s20+$0xFFFFFFA0];
	[tilespmem:s4+$0xFFFFFF50] =	vst v28  }
0x182: {  	v15 =	vmul.f32 v22, v15;
	v5 =	vmul.f32 v22, v5;
	v26 =	vld [tilespmem:s20+$0xFFFFFFF0];
	[tilespmem:s4+$0xFFFFFF70] =	vst v29  }
0x183: {  	v12 =	vmul.f32 v22, v12;
	v6 =	vmul.f32 v22, v6;
	v28 =	vld [tilespmem:s20+$0x40];
	[tilespmem:s4+$0xFFFFFF80] =	vst v27  }
0x184: {  	v13 =	vmul.f32 v22, v13;
	v9 =	vmul.f32 v22, v9;
	v27 =	vld [tilespmem:s2+$0xFFFFFFE0];
	v29 =	vunpack.i.l.bf16.f32 v32;
	[tilespmem:s4+$0xFFFFFF90] =	vst v18  }
0x185: {  	v7 =	vmul.f32 v22, v7;
	v18 =	vld [tilespmem:s2+$0xFFFFFFF0];
	v29 =	vadd.f32 v31, v29;
	[tilespmem:s4+$0xFFFFFFA0] =	vst v10;
	v10 =	vmul.f32 v22, v17  }
0x186: {  	v21 =	vmul.f32 v4, v21;
	v17 =	vunpack.i.l.bf16.f32 v30;
	v22 =	vld [tilespmem:s2+$0x0];
	[tilespmem:s4+$0xFFFFFFB0] =	vst v16;
	v16 =	vmul.f32 v4, v24  }
0x187: {  	v23 =	vmul.f32 v4, v23;
	v24 =	vld [tilespmem:s20+$0xFFFFFF70];
	v26 =	vunpack.i.l.bf16.f32 v26;
	v30 =	vmul.f32 $2.000000030e-01, v29;
	[tilespmem:s4+$0xFFFFFFC0] =	vst v11  }
0x188: {  	v19 =	vmul.f32 v4, v19;
	v25 =	vmul.f32 v4, v25;
	v11 =	vld [tilespmem:s20+$0xFFFFFF80];
	v28 =	vunpack.i.l.bf16.f32 v28;
	[tilespmem:s4+$0xFFFFFFD0] =	vst v14  }
0x189: {  	v20 =	vmul.f32 v4, v20;
	v14 =	vld [tilespmem:s20+$0xFFFFFF90];
	v17 =	vadd.f32 v27, v17;
	v27 =	vmax.f32 v29, v30;
	[tilespmem:s4+$0xFFFFFFE0] =	vst v8  }
0x18a: {  	v4 =	vld [tilespmem:s20+$0xFFFFFFB0];
	v8 =	vadd.f32 v18, v26;
	v18 =	vmul.f32 $1.442695020e+00, v27;
	[tilespmem:s4+$0x0] =	vst v15  }
0x18b: {  	v15 =	vmul.f32 $2.000000030e-01, v17;
	v26 =	vld [tilespmem:s20+$0xFFFFFFC0];
	v22 =	vadd.f32 v22, v28;
	[tilespmem:s4+$0x10] =	vst v5  }
0x18c: {  	v27 =	vunpack.i.u.bf16.f32 v24;
	v5 =	vld [tilespmem:s20+$0xFFFFFFD0];
	v28 =	vmul.f32 $2.000000030e-01, v8;
	(erf) = vpow2.f32 v18;
	[tilespmem:s4+$0x20] =	vst v12  }
0x18d: {  	v29 =	vunpack.i.l.bf16.f32 v24;
	v12 =	vmax.f32 v17, v15;
	v15 =	vld [tilespmem:s20+$0xFFFFFFE0];
	v17 =	vmul.f32 $2.000000030e-01, v22;
	[tilespmem:s4+$0x30] =	vst v6  }
0x18e: {  	v30 =	vunpack.i.u.bf16.f32 v11;
	v6 =	vmul.f32 $1.442695020e+00, v12;
	v8 =	vmax.f32 v8, v28;
	v12 =	vld [tilespmem:s20+$0x0];
	[tilespmem:s4+$0x40] =	vst v13  }
0x18f: {  	v28 =	vunpack.i.l.bf16.f32 v11;
	v8 =	vmul.f32 $1.442695020e+00, v8;
	v13 =	vld [tilespmem:s20+$0x10];
	v11 =	vmax.f32 v22, v17;
	[tilespmem:s4+$0x50] =	vst v9  }
0x190: {  	v32 =	vunpack.i.u.bf16.f32 v14;
	v17 =	vld [tilespmem:s20+$0x20];
	v9 =	vmul.f32 $1.442695020e+00, v11;
	(erf) = vpow2.f32 v6;
	[tilespmem:s4+$0x60] =	vst v10  }
0x191: {  	v33 =	vunpack.i.l.bf16.f32 v14;
	v34 =	vunpack.i.u.bf16.f32 v4;
	v22 =	vld [tilespmem:s20+$0x30];
	(erf) = vpow2.f32 v8;
	[tilespmem:s4+$0x70] =	vst v7  }
0x192: {  	v35 =	vunpack.i.l.bf16.f32 v4;
	v10 =	vunpack.i.u.bf16.f32 v26;
	v24 =	vld [tilespmem:s20+$0x80];
	(erf) = vpow2.f32 v9;
	[tilespmem:s4+$0x90] =	vst v16  }
0x193: {  	v18 =	vunpack.i.l.bf16.f32 v26;
	v11 =	vunpack.i.u.bf16.f32 v5;
	v16 =	vunpack.i.l.bf16.f32 v5;
	v31 =	vld [tilespmem:s20+$0xFFFFFF60];
	[tilespmem:s4+$0xA0] =	vst v21  }
0x194: {  	v8 =	vunpack.i.u.bf16.f32 v15;
	v14 =	vunpack.i.l.bf16.f32 v15;
	v5 =	vunpack.i.u.bf16.f32 v12;
	[tilespmem:s4+$0xB0] =	vst v23  }
0x195: {  	v15 =	vunpack.i.l.bf16.f32 v12;
	v6 =	vunpack.i.u.bf16.f32 v13;
	v12 =	vunpack.i.l.bf16.f32 v13;
	v21 =	vpop (erf);
	[tilespmem:s4+$0xC0] =	vst v19  }
0x196: {  	v9 =	vunpack.i.u.bf16.f32 v17;
	v13 =	vunpack.i.l.bf16.f32 v17;
	v4 =	vperm.xlane v21, v1;
	[tilespmem:s4+$0xD0] =	vst v25  }
0x197: {  	v7 =	vunpack.i.u.bf16.f32 v22;
	v17 =	vunpack.i.l.bf16.f32 v22;
	v19 =	vunpack.i.u.bf16.f32 v24;
	[tilespmem:s4+$0xE0] =	vst v20  }
0x198: {  	v20 =	vunpack.i.u.bf16.f32 v31;
	v22 =	vunpack.i.l.bf16.f32 v31;
	v23 =	vld [tilespmem:s20+$0x50];
	v26 =	vmul.f32 v4, v19;
	[tilespmem:s4+$0x80] =	vst v3  }
0x199: {  	v37 =	vunpack.i.l.bf16.f32 v24;
	v25 =	vld [tilespmem:s20+$0x60];
	v24 =	vpop (erf);
	[tilespmem:s4+$0x110] =	vst v2;
	s4 =	sadd.s32 $0x240, s4;
	v2 =	vmov v21  }
0x19a: {  	v21 =	vmul.f32 v4, v37;
	v36 =	vperm.xlane v24, v1;
	v31 =	vld [tilespmem:s20+$0x70];
	[tilespmem:s4+$0x100] =	vst v26;
	v19 =	vpop (erf)  }
0x19b: {  	[tilespmem:s4+$0xFFFFFF60] =	vst v24;
	v26 =	vperm.xlane v19, v1;
	v3 =	vpop (erf)  }
0x19c: {  	v37 =	vmul.f32 v36, v22;
	v22 =	vperm.xlane v3, v1;
	[tilespmem:s4+$0xF0] =	vst v21  }
0x19d: {  	v20 =	vmul.f32 v36, v20;
	[tilespmem:s4+$0xFFFFFFF0] =	vst v19;
	v21 =	vunpack.i.u.bf16.f32 v23;
	v24 =	vunpack.i.l.bf16.f32 v23  }
.Ltmp3:
0x19e: {  	v29 =	vmul.f32 v36, v29;
	[tilespmem:s4+$0xFFFFFEE0] =	vst v37;
	v19 =	vunpack.i.u.bf16.f32 v25;
	v23 =	vunpack.i.l.bf16.f32 v25;
	(pc) =	sbr.rel @p1 .LBB2_9-.Ltmp3, $4  }
0x19f: {  	v27 =	vmul.f32 v36, v27;
	[tilespmem:s4+$0xFFFFFEF0] =	vst v20;
	v20 =	vunpack.i.u.bf16.f32 v31;
	v25 =	vunpack.i.l.bf16.f32 v31  }
0x1a0: {  	v31 =	vmul.f32 v36, v30;
	[tilespmem:s4+$0xFFFFFF00] =	vst v29;
	v29 =	vmul.f32 v36, v28  }
0x1a1: {  	v30 =	vmul.f32 v36, v33;
	v28 =	vmul.f32 v36, v32;
	[tilespmem:s4+$0xFFFFFF10] =	vst v27  }
0x1a2: {  	s20 =	sadd.s32 $0x140, s20;
	v27 =	vmul.f32 v26, v34;
	[tilespmem:s4+$0xFFFFFF20] =	vst v29;
	v29 =	vmul.f32 v26, v35  }
0x1a3: {  	[tilespmem:s4+$0xFFFFFF30] =	vst v31  }
0x1a4: {  	[tilespmem:s4+$0xFFFFFF40] =	vst v30  }
0x1a5: {  	[tilespmem:s4+$0xFFFFFF50] =	vst v28  }
0x1a6: {  	[tilespmem:s4+$0x80] =	vst v3  }
0x1a7: {  	[tilespmem:s4+$0x110] =	vst v2  }
0x1a8: {  	v18 =	vmul.f32 v26, v18;
	[tilespmem:s4+$0xFFFFFF70] =	vst v29  }
0x1a9: {  	v10 =	vmul.f32 v26, v10;
	[tilespmem:s4+$0xFFFFFF80] =	vst v27  }
0x1aa: {  	v16 =	vmul.f32 v26, v16;
	[tilespmem:s4+$0xFFFFFF90] =	vst v18  }
0x1ab: {  	v11 =	vmul.f32 v26, v11;
	[tilespmem:s4+$0xFFFFFFA0] =	vst v10  }
0x1ac: {  	v8 =	vmul.f32 v26, v8;
	[tilespmem:s4+$0xFFFFFFB0] =	vst v16  }
0x1ad: {  	v5 =	vmul.f32 v22, v5;
	[tilespmem:s4+$0xFFFFFFC0] =	vst v11  }
0x1ae: {  	v6 =	vmul.f32 v22, v6;
	[tilespmem:s4+$0xFFFFFFE0] =	vst v8  }
0x1af: {  	v10 =	vmul.f32 v26, v14;
	[tilespmem:s4+$0x10] =	vst v5  }
0x1b0: {  	v11 =	vmul.f32 v22, v15;
	[tilespmem:s4+$0x30] =	vst v6  }
0x1b1: {  	v8 =	vmul.f32 v22, v12;
	[tilespmem:s4+$0xFFFFFFD0] =	vst v10  }
0x1b2: {  	v5 =	vmul.f32 v22, v13;
	[tilespmem:s4+$0x0] =	vst v11  }
0x1b3: {  	v6 =	vmul.f32 v22, v17;
	[tilespmem:s4+$0x20] =	vst v8  }
0x1b4: {  	v8 =	vmul.f32 v22, v9;
	[tilespmem:s4+$0x40] =	vst v5  }
0x1b5: {  	v5 =	vmul.f32 v22, v7;
	[tilespmem:s4+$0x60] =	vst v6  }
0x1b6: {  	v7 =	vmul.f32 v4, v24;
	[tilespmem:s4+$0x50] =	vst v8  }
0x1b7: {  	v6 =	vmul.f32 v4, v21;
	[tilespmem:s4+$0x70] =	vst v5  }
0x1b8: {  	v5 =	vmul.f32 v4, v23;
	[tilespmem:s4+$0x90] =	vst v7  }
0x1b9: {  	v7 =	vmul.f32 v4, v19;
	[tilespmem:s4+$0xA0] =	vst v6  }
0x1ba: {  	v6 =	vmul.f32 v4, v25;
	[tilespmem:s4+$0xB0] =	vst v5  }
0x1bb: {  	v4 =	vmul.f32 v4, v20;
	[tilespmem:s4+$0xC0] =	vst v7  }
0x1bc: {  	[tilespmem:s4+$0xD0] =	vst v6  }
0x1bd: {  	[tilespmem:s4+$0xE0] =	vst v4  }
0x1be: {  	[spmem:s3] =	stream.indirect.scatter.add.f32 [tilespmem:s25], [sflag:$0x9], $0x90, s17, s30, $0xb8;
	[tilespmem:$0x1DA20] =	vst v63  }
0x1bf: {  	s2 =	sadd.s32 @!p0 s31, s22;
	_ =	swait.ge [sflag:s26], $0x2400  }
0x1c0: {  	s19 =	simm.s32 @!p0 $0x80;
	s2 =	sshrl.u32 @!p0 s2, $0x3;
	[sflag:s26] =	ssyncset.done $0x0  }
0x1c1: {  	s2 =	sadd.s32 @!p0 s6, s2;
	s4 =	simm.s32 @!p0 $0x0;
	[sflag:s26] =	ssyncadd.s32 $0xFFFFDC00  }
0x1c2: {  	[tilespmem:s19], [sflag:$0x2] =	stream.linear.gather @!p0 [hbm4b:s2+s4], $0x80, $0x38;
	[tilespmem:$0x1DA20] =	vst v63  }
0x1c3: {  	s2 =	simm.s32 @!p0 $0x1  }
0x1c4: {  	_ =	swait.ge @!p0 [sflag:s2], $0x80  }
0x1c5: {  	[sflag:s2] =	ssyncset.done @!p0 $0x0  }
0x1c6: {  	s19 =	simm.s32 @!p0 $0x200;
	[sflag:s2] =	ssyncadd.s32 @!p0 $0xFFFFFF80;
	s2 =	simm.s32 @!p0 $0x40  }
0x1c7: {  	[tilespmem:s19], [sflag:$0x5] =	stream.indirect.gather @!p0 [hbm4b:s1+s2], $0x50, s4, s2, $0xb8;
	[tilespmem:$0x1DA20] =	vst v63  }
0x1c8: {  	s4 =	simm.s32 @!p0 $0x2A00  }
0x1c9: {  	[tilespmem:s4], [sflag:$0x7] =	stream.indirect.gather @!p0 [hbm4b:s5+s2], $0x10, s2, s2, $0xb8;
	[tilespmem:$0x1DA20] =	vst v63  }
0x1ca: {  	_ =	swait.ge [sflag:s18], $0x1400  }
0x1cb: {  	[sflag:s18] =	ssyncset.done $0x0  }
0x1cc: {  	[sflag:s18] =	ssyncadd.s32 $0xFFFFEC00  }
0x1cd: {  	_ =	swait.ge [sflag:s23], $0x400  }
0x1ce: {  	[sflag:s23] =	ssyncset.done $0x0  }
0x1cf: {  	s31 =	simm.s32 $0x16A0;
	[sflag:s23] =	ssyncadd.s32 $0xFFFFFC00  }
0x1d0: {  	s2 =	simm.s32 $0x2E20;
	v2 =	vld [tilespmem:s31+$0x90]  }
0x1d1: {  	v3 =	vld [tilespmem:s2+$0x10];
	_ =	sdelay $0x1  }
0x1d2: {  	v4 =	vld [tilespmem:s31+$0xFFFFFFA0]  }
0x1d3: {  	v5 =	vld [tilespmem:s2+$0xFFFFFFE0]  }
0x1d4: {  	v6 =	vld [tilespmem:s31+$0xFFFFFFF0];
	v2 =	vunpack.i.l.bf16.f32 v2  }
0x1d5: {  	v7 =	vld [tilespmem:s2+$0xFFFFFFF0];
	v2 =	vadd.f32 v3, v2  }
0x1d6: {  	v9 =	vld [tilespmem:s2+$0x0]  }
0x1d7: {  	v4 =	vunpack.i.l.bf16.f32 v4;
	v3 =	vld [tilespmem:s31+$0x40];
	v8 =	vmul.f32 $2.000000030e-01, v2  }
0x1d8: {  	v11 =	vld [tilespmem:s31+$0xFFFFFF90];
	v4 =	vadd.f32 v5, v4  }
0x1d9: {  	v12 =	vld [tilespmem:s31+$0xFFFFFFD0];
	v2 =	vmax.f32 v2, v8  }
0x1da: {  	v13 =	vld [tilespmem:s31+$0xFFFFFFE0];
	v6 =	vunpack.i.l.bf16.f32 v6;
	v10 =	vmul.f32 $2.000000030e-01, v4;
	v2 =	vmul.f32 $1.442695020e+00, v2  }
0x1db: {  	v17 =	vld [tilespmem:s31+$0x80];
	v6 =	vadd.f32 v7, v6  }
0x1dc: {  	v21 =	vld [tilespmem:s31+$0x10];
	v4 =	vmax.f32 v4, v10;
	v3 =	vunpack.i.l.bf16.f32 v3;
	(erf) = vpow2.f32 v2  }
0x1dd: {  	v5 =	vld [tilespmem:s31+$0xFFFFFF70];
	v4 =	vmul.f32 $1.442695020e+00, v4;
	v3 =	vadd.f32 v9, v3;
	v9 =	vmul.f32 $2.000000030e-01, v6  }
0x1de: {  	v7 =	vld [tilespmem:s31+$0xFFFFFFC0]  }
0x1df: {  	v28 =	vunpack.i.u.bf16.f32 v11;
	v8 =	vld [tilespmem:s31+$0xFFFFFF80];
	v6 =	vmax.f32 v6, v9;
	(erf) = vpow2.f32 v4  }
0x1e0: {  	v29 =	vunpack.i.l.bf16.f32 v11;
	v11 =	vunpack.i.u.bf16.f32 v12;
	v2 =	vld [tilespmem:s31+$0xFFFFFFB0];
	v4 =	vmul.f32 $1.442695020e+00, v6  }
0x1e1: {  	v22 =	vld [tilespmem:s31+$0x20];
	v16 =	vunpack.i.l.bf16.f32 v12;
	v14 =	vunpack.i.l.bf16.f32 v13;
	v10 =	vmul.f32 $2.000000030e-01, v3  }
0x1e2: {  	v12 =	vunpack.i.l.bf16.f32 v21;
	v20 =	vunpack.i.u.bf16.f32 v5;
	v9 =	vld [tilespmem:s31+$0x0];
	(erf) = vpow2.f32 v4  }
0x1e3: {  	v19 =	vunpack.i.l.bf16.f32 v5;
	v18 =	vunpack.i.l.bf16.f32 v7;
	v3 =	vmax.f32 v3, v10  }
0x1e4: {  	v25 =	vunpack.i.u.bf16.f32 v8;
	v27 =	vunpack.i.l.bf16.f32 v8;
	v3 =	vmul.f32 $1.442695020e+00, v3  }
0x1e5: {  	v23 =	vld [tilespmem:s31+$0xFFFFFF60];
	v8 =	vunpack.i.u.bf16.f32 v13;
	v32 =	vunpack.i.u.bf16.f32 v2;
	v33 =	vunpack.i.l.bf16.f32 v2;
	v2 =	vpop (erf)  }
0x1e6: {  	v6 =	vunpack.i.u.bf16.f32 v17;
	(erf) = vpow2.f32 v3;
	v4 =	vperm.xlane v2, v1  }
0x1e7: {  	v13 =	vunpack.i.l.bf16.f32 v22;
	v10 =	vunpack.i.u.bf16.f32 v7;
	v3 =	vld [tilespmem:s31+$0x30];
	v5 =	vunpack.i.u.bf16.f32 v9  }
0x1e8: {  	s4 =	simm.s32 $0x5720;
	v34 =	vld [tilespmem:s31+$0x70];
	v15 =	vunpack.i.l.bf16.f32 v9;
	v9 =	vunpack.i.l.bf16.f32 v17;
	v17 =	vpop (erf);
	v7 =	vmul.f32 v4, v6  }
0x1e9: {  	v24 =	vld [tilespmem:s31+$0x50];
	v35 =	vperm.xlane v17, v1;
	[tilespmem:s4+$0xFFFFFF60] =	vst v17;
	v6 =	vunpack.i.u.bf16.f32 v21;
	v21 =	vmul.f32 v4, v9  }
0x1ea: {  	v30 =	vld [tilespmem:s31+$0x60];
	v9 =	vunpack.i.u.bf16.f32 v22;
	v22 =	vunpack.i.l.bf16.f32 v23;
	v23 =	vunpack.i.u.bf16.f32 v23;
	[tilespmem:s4+$0x100] =	vst v7  }
0x1eb: {  	v31 =	vpop (erf);
	v36 =	vmul.f32 v35, v22;
	v23 =	vmul.f32 v35, v23;
	[tilespmem:s4+$0xF0] =	vst v21  }
0x1ec: {  	v17 =	vunpack.i.l.bf16.f32 v3;
	v63 =	vmul.f32 v35, v20;
	v27 =	vmul.f32 v35, v27;
	[tilespmem:s4+$0xFFFFFFF0] =	vst v31  }
0x1ed: {  	v20 =	vunpack.i.u.bf16.f32 v34;
	v28 =	vmul.f32 v35, v28;
	v7 =	vunpack.i.u.bf16.f32 v3;
	[tilespmem:s4+$0xFFFFFEE0] =	vst v36  }
0x1ee: {  	v26 =	vperm.xlane v31, v1;
	v21 =	vunpack.i.u.bf16.f32 v24;
	v31 =	vmul.f32 v35, v19;
	[tilespmem:s4+$0xFFFFFEF0] =	vst v23  }
0x1ef: {  	v19 =	vunpack.i.u.bf16.f32 v30;
	v3 =	vpop (erf);
	v23 =	vunpack.i.l.bf16.f32 v30;
	[tilespmem:s4+$0xFFFFFF10] =	vst v63;
	v30 =	vmul.f32 v35, v29  }
0x1f0: {  	v24 =	vunpack.i.l.bf16.f32 v24;
	v22 =	vperm.xlane v3, v1;
	[tilespmem:s4+$0xFFFFFF00] =	vst v31;
	v31 =	vmul.f32 v35, v25  }
0x1f1: {  	s20 =	simm.s32 $0x17E0;
	s19 =	simm.s32 $0x0;
	[tilespmem:s4+$0xFFFFFF20] =	vst v27;
	v25 =	vunpack.i.l.bf16.f32 v34;
	v29 =	vmul.f32 v26, v33;
	v27 =	vmul.f32 v26, v32  }
.LBB2_11:
0x1f2: {  	v32 =	vld [tilespmem:s20+$0x90];
	s19 =	sadd.s32 $0x4, s19;
	[tilespmem:s4+$0xFFFFFF30] =	vst v31;
	v18 =	vmul.f32 v26, v18;
	v10 =	vmul.f32 v26, v10;
	s2 =	sadd.s32 $0x40, s2  }
0x1f3: {  	v16 =	vmul.f32 v26, v16;
	v11 =	vmul.f32 v26, v11;
	v31 =	vld [tilespmem:s2+$0x10];
	p0 =	slt.u32 s19, $0x3C;
	[tilespmem:s4+$0xFFFFFF40] =	vst v30  }
0x1f4: {  	v14 =	vmul.f32 v26, v14;
	v8 =	vmul.f32 v26, v8;
	v30 =	vld [tilespmem:s20+$0xFFFFFFA0];
	[tilespmem:s4+$0xFFFFFF50] =	vst v28  }
0x1f5: {  	v15 =	vmul.f32 v22, v15;
	v5 =	vmul.f32 v22, v5;
	v26 =	vld [tilespmem:s20+$0xFFFFFFF0];
	[tilespmem:s4+$0xFFFFFF70] =	vst v29  }
0x1f6: {  	v12 =	vmul.f32 v22, v12;
	v6 =	vmul.f32 v22, v6;
	v28 =	vld [tilespmem:s20+$0x40];
	[tilespmem:s4+$0xFFFFFF80] =	vst v27  }
0x1f7: {  	v13 =	vmul.f32 v22, v13;
	v9 =	vmul.f32 v22, v9;
	v27 =	vld [tilespmem:s2+$0xFFFFFFE0];
	v29 =	vunpack.i.l.bf16.f32 v32;
	[tilespmem:s4+$0xFFFFFF90] =	vst v18  }
0x1f8: {  	v7 =	vmul.f32 v22, v7;
	v18 =	vld [tilespmem:s2+$0xFFFFFFF0];
	v29 =	vadd.f32 v31, v29;
	[tilespmem:s4+$0xFFFFFFA0] =	vst v10;
	v10 =	vmul.f32 v22, v17  }
0x1f9: {  	v21 =	vmul.f32 v4, v21;
	v17 =	vunpack.i.l.bf16.f32 v30;
	v22 =	vld [tilespmem:s2+$0x0];
	[tilespmem:s4+$0xFFFFFFB0] =	vst v16;
	v16 =	vmul.f32 v4, v24  }
0x1fa: {  	v23 =	vmul.f32 v4, v23;
	v24 =	vld [tilespmem:s20+$0xFFFFFF70];
	v26 =	vunpack.i.l.bf16.f32 v26;
	v30 =	vmul.f32 $2.000000030e-01, v29;
	[tilespmem:s4+$0xFFFFFFC0] =	vst v11  }
0x1fb: {  	v19 =	vmul.f32 v4, v19;
	v25 =	vmul.f32 v4, v25;
	v11 =	vld [tilespmem:s20+$0xFFFFFF80];
	v28 =	vunpack.i.l.bf16.f32 v28;
	[tilespmem:s4+$0xFFFFFFD0] =	vst v14  }
0x1fc: {  	v20 =	vmul.f32 v4, v20;
	v14 =	vld [tilespmem:s20+$0xFFFFFF90];
	v17 =	vadd.f32 v27, v17;
	v27 =	vmax.f32 v29, v30;
	[tilespmem:s4+$0xFFFFFFE0] =	vst v8  }
0x1fd: {  	v4 =	vld [tilespmem:s20+$0xFFFFFFB0];
	v8 =	vadd.f32 v18, v26;
	v18 =	vmul.f32 $1.442695020e+00, v27;
	[tilespmem:s4+$0x0] =	vst v15  }
0x1fe: {  	v15 =	vmul.f32 $2.000000030e-01, v17;
	v26 =	vld [tilespmem:s20+$0xFFFFFFC0];
	v22 =	vadd.f32 v22, v28;
	[tilespmem:s4+$0x10] =	vst v5  }
0x1ff: {  	v27 =	vunpack.i.u.bf16.f32 v24;
	v5 =	vld [tilespmem:s20+$0xFFFFFFD0];
	v28 =	vmul.f32 $2.000000030e-01, v8;
	(erf) = vpow2.f32 v18;
	[tilespmem:s4+$0x20] =	vst v12  }
0x200: {  	v29 =	vunpack.i.l.bf16.f32 v24;
	v12 =	vmax.f32 v17, v15;
	v15 =	vld [tilespmem:s20+$0xFFFFFFE0];
	v17 =	vmul.f32 $2.000000030e-01, v22;
	[tilespmem:s4+$0x30] =	vst v6  }
0x201: {  	v30 =	vunpack.i.u.bf16.f32 v11;
	v6 =	vmul.f32 $1.442695020e+00, v12;
	v8 =	vmax.f32 v8, v28;
	v12 =	vld [tilespmem:s20+$0x0];
	[tilespmem:s4+$0x40] =	vst v13  }
0x202: {  	v28 =	vunpack.i.l.bf16.f32 v11;
	v8 =	vmul.f32 $1.442695020e+00, v8;
	v13 =	vld [tilespmem:s20+$0x10];
	v11 =	vmax.f32 v22, v17;
	[tilespmem:s4+$0x50] =	vst v9  }
0x203: {  	v32 =	vunpack.i.u.bf16.f32 v14;
	v17 =	vld [tilespmem:s20+$0x20];
	v9 =	vmul.f32 $1.442695020e+00, v11;
	(erf) = vpow2.f32 v6;
	[tilespmem:s4+$0x60] =	vst v10  }
0x204: {  	v33 =	vunpack.i.l.bf16.f32 v14;
	v34 =	vunpack.i.u.bf16.f32 v4;
	v22 =	vld [tilespmem:s20+$0x30];
	(erf) = vpow2.f32 v8;
	[tilespmem:s4+$0x70] =	vst v7  }
0x205: {  	v35 =	vunpack.i.l.bf16.f32 v4;
	v10 =	vunpack.i.u.bf16.f32 v26;
	v24 =	vld [tilespmem:s20+$0x80];
	(erf) = vpow2.f32 v9;
	[tilespmem:s4+$0x90] =	vst v16  }
0x206: {  	v18 =	vunpack.i.l.bf16.f32 v26;
	v11 =	vunpack.i.u.bf16.f32 v5;
	v16 =	vunpack.i.l.bf16.f32 v5;
	v31 =	vld [tilespmem:s20+$0xFFFFFF60];
	[tilespmem:s4+$0xA0] =	vst v21  }
0x207: {  	v8 =	vunpack.i.u.bf16.f32 v15;
	v14 =	vunpack.i.l.bf16.f32 v15;
	v5 =	vunpack.i.u.bf16.f32 v12;
	[tilespmem:s4+$0xB0] =	vst v23  }
0x208: {  	v15 =	vunpack.i.l.bf16.f32 v12;
	v6 =	vunpack.i.u.bf16.f32 v13;
	v12 =	vunpack.i.l.bf16.f32 v13;
	v21 =	vpop (erf);
	[tilespmem:s4+$0xC0] =	vst v19  }
0x209: {  	v9 =	vunpack.i.u.bf16.f32 v17;
	v13 =	vunpack.i.l.bf16.f32 v17;
	v4 =	vperm.xlane v21, v1;
	[tilespmem:s4+$0xD0] =	vst v25  }
0x20a: {  	v7 =	vunpack.i.u.bf16.f32 v22;
	v17 =	vunpack.i.l.bf16.f32 v22;
	v19 =	vunpack.i.u.bf16.f32 v24;
	[tilespmem:s4+$0xE0] =	vst v20  }
0x20b: {  	v20 =	vunpack.i.u.bf16.f32 v31;
	v22 =	vunpack.i.l.bf16.f32 v31;
	v23 =	vld [tilespmem:s20+$0x50];
	v26 =	vmul.f32 v4, v19;
	[tilespmem:s4+$0x80] =	vst v3  }
0x20c: {  	v37 =	vunpack.i.l.bf16.f32 v24;
	v25 =	vld [tilespmem:s20+$0x60];
	v24 =	vpop (erf);
	[tilespmem:s4+$0x110] =	vst v2;
	s4 =	sadd.s32 $0x240, s4;
	v2 =	vmov v21  }
0x20d: {  	v21 =	vmul.f32 v4, v37;
	v36 =	vperm.xlane v24, v1;
	v31 =	vld [tilespmem:s20+$0x70];
	[tilespmem:s4+$0x100] =	vst v26;
	v19 =	vpop (erf)  }
0x20e: {  	[tilespmem:s4+$0xFFFFFF60] =	vst v24;
	v26 =	vperm.xlane v19, v1;
	v3 =	vpop (erf)  }
0x20f: {  	v37 =	vmul.f32 v36, v22;
	v22 =	vperm.xlane v3, v1;
	[tilespmem:s4+$0xF0] =	vst v21  }
0x210: {  	v20 =	vmul.f32 v36, v20;
	[tilespmem:s4+$0xFFFFFFF0] =	vst v19;
	v21 =	vunpack.i.u.bf16.f32 v23;
	v24 =	vunpack.i.l.bf16.f32 v23  }
.Ltmp4:
0x211: {  	v29 =	vmul.f32 v36, v29;
	[tilespmem:s4+$0xFFFFFEE0] =	vst v37;
	v19 =	vunpack.i.u.bf16.f32 v25;
	v23 =	vunpack.i.l.bf16.f32 v25;
	(pc) =	sbr.rel @p0 .LBB2_11-.Ltmp4, $4  }
0x212: {  	v27 =	vmul.f32 v36, v27;
	[tilespmem:s4+$0xFFFFFEF0] =	vst v20;
	v20 =	vunpack.i.u.bf16.f32 v31;
	v25 =	vunpack.i.l.bf16.f32 v31  }
0x213: {  	v31 =	vmul.f32 v36, v30;
	[tilespmem:s4+$0xFFFFFF00] =	vst v29;
	v29 =	vmul.f32 v36, v28  }
0x214: {  	v30 =	vmul.f32 v36, v33;
	v28 =	vmul.f32 v36, v32;
	[tilespmem:s4+$0xFFFFFF10] =	vst v27  }
0x215: {  	s20 =	sadd.s32 $0x140, s20;
	v27 =	vmul.f32 v26, v34;
	[tilespmem:s4+$0xFFFFFF20] =	vst v29;
	v29 =	vmul.f32 v26, v35  }
0x216: {  	[tilespmem:s4+$0xFFFFFF30] =	vst v31  }
0x217: {  	[tilespmem:s4+$0xFFFFFF40] =	vst v30  }
0x218: {  	[tilespmem:s4+$0xFFFFFF50] =	vst v28  }
0x219: {  	[tilespmem:s4+$0x80] =	vst v3  }
0x21a: {  	[tilespmem:s4+$0x110] =	vst v2  }
0x21b: {  	v18 =	vmul.f32 v26, v18;
	[tilespmem:s4+$0xFFFFFF70] =	vst v29  }
0x21c: {  	v10 =	vmul.f32 v26, v10;
	[tilespmem:s4+$0xFFFFFF80] =	vst v27  }
0x21d: {  	v16 =	vmul.f32 v26, v16;
	[tilespmem:s4+$0xFFFFFF90] =	vst v18  }
0x21e: {  	v11 =	vmul.f32 v26, v11;
	[tilespmem:s4+$0xFFFFFFA0] =	vst v10  }
0x21f: {  	v51 =	vmul.f32 v26, v14;
	[tilespmem:s4+$0xFFFFFFB0] =	vst v16  }
0x220: {  	v8 =	vmul.f32 v26, v8;
	[tilespmem:s4+$0xFFFFFFC0] =	vst v11  }
0x221: {  	v52 =	vmul.f32 v22, v15;
	[tilespmem:s4+$0xFFFFFFD0] =	vst v51  }
0x222: {  	v5 =	vmul.f32 v22, v5;
	[tilespmem:s4+$0xFFFFFFE0] =	vst v8  }
0x223: {  	v53 =	vmul.f32 v22, v12;
	[tilespmem:s4+$0x0] =	vst v52  }
0x224: {  	v6 =	vmul.f32 v22, v6;
	[tilespmem:s4+$0x10] =	vst v5  }
0x225: {  	v54 =	vmul.f32 v22, v13;
	[tilespmem:s4+$0x20] =	vst v53  }
0x226: {  	v55 =	vmul.f32 v22, v9;
	[tilespmem:s4+$0x30] =	vst v6  }
0x227: {  	v56 =	vmul.f32 v22, v17;
	[tilespmem:s4+$0x40] =	vst v54  }
0x228: {  	v57 =	vmul.f32 v22, v7;
	[tilespmem:s4+$0x50] =	vst v55  }
0x229: {  	v58 =	vmul.f32 v4, v24;
	[tilespmem:s4+$0x60] =	vst v56  }
0x22a: {  	v59 =	vmul.f32 v4, v21;
	[tilespmem:s4+$0x70] =	vst v57  }
0x22b: {  	v60 =	vmul.f32 v4, v23;
	s28 =	sadd.s32 $0x1, s28;
	[tilespmem:s4+$0x90] =	vst v58  }
0x22c: {  	v61 =	vmul.f32 v4, v19;
	p0 =	sne.s32 s28, $0x29;
	[tilespmem:s4+$0xA0] =	vst v59  }
.Ltmp5:
0x22d: {  	v62 =	vmul.f32 v4, v25;
	[tilespmem:s4+$0xB0] =	vst v60;
	(pc) =	sbr.rel @p0 .LBB2_4-.Ltmp5, $4  }
0x22e: {  	v63 =	vmul.f32 v4, v20;
	[tilespmem:s4+$0xC0] =	vst v61  }
0x22f: {  	[tilespmem:s4+$0xD0] =	vst v62  }
0x230: {  	[tilespmem:s4+$0xE0] =	vst v63  }
0x231: {  	[spmem:s3] =	stream.indirect.scatter.add.f32 [tilespmem:s24], [sflag:$0xA], $0x90, s7, s30, $0xb8;
	[tilespmem:$0x1DA20] =	vst v63  }
0x232: {  	_ =	swait.ge [sflag:s16], $0x2400  }
0x233: {  	[sflag:s16] =	ssyncset.done $0x0  }
0x234: {  	[sflag:s16] =	ssyncadd.s32 $0xFFFFDC00  }
0x235: {  	_ =	swait.ge [sflag:s26], $0x2400  }
0x236: {  	[sflag:s26] =	ssyncset.done $0x0  }
0x237: {  	[sflag:s26] =	ssyncadd.s32 $0xFFFFDC00  }
0x238: {  	s2 =	stileid.u32;
	[bflag:$0x0] =	sbarrier.arrive $0xFFFF  }
0x239: {  	s2 =	sshll.u32 s2, $0x6;
	s19 =	rddreg [dreg:$0x4]  }
0x23a: {  	s2 =	sor.u32 $0x1C0B, s2;
	s20 =	rddreg [dreg:$0x12];
	s4 =	sshrl.u32 s19, $0x3  }
0x23b: {  	[hbm:s20], [sflag:s2] =	dma.local [spmem:s4], $0x2C04  }
0x23c: {  	s20 =	simm.s32 $0xB  }
0x23d: {  	_ =	swait.ge [sflag:s20], $0x2C04  }
0x23e: {  	s28 =	rddreg [dreg:$0x14]  }
0x23f: {  	s31 =	rddreg [dreg:$0x13];
	s4 =	sadd.s32 $0x1, s28  }
0x240: {  	p0 =	sne.s32 s4, s31  }
.Ltmp6:
0x241: {  	_ = 	snop;
	(pc) =	sbr.rel @p0 .LBB2_1-.Ltmp6, $3  }
0x242: {  	_ =	sdelay $0x1  }
0x243: {  	[sflag:s20] =	ssyncset.done $0x0  }
0x244: {  	[sflag:s20] =	ssyncadd.s32 $0xFFFFD3FC  }
0x245: {  	_ =	sfence.sel $0x180000  }
0x246: {  	[bflag:$0x0] =	sbarrier.arrive $0xFFFF  }
0x247: {  	_ =	strace $0x9000004A  }
0x248: {  	s0 =	stileid.u32;
	[bflag:$0x2] =	sbarrier.arrive $0xFFFF  }
0x249: {  	p0 =	sne.s32 s0, $0x0;
	s0 =	rddreg [dreg:$0x3]  }
0x24a: {  	s0 =	sadd.s32 @!p0 $0x100000, s0  }
0x24b: {  	[sflag:s0] =	ssyncadd.tile.s32 @!p0 $0x1;
	_ =	shalt  }
.Lfunc_end2:
_tile_overlayer_lowered:
.L_overlay_start_2:
0x24c: {  	(tag) =	ssettag $0x2  }
0x24d: {  	s0 =	rddreg [dreg:$0x0];
	s2 =	stileid.u32  }
0x24e: {  	s1 =	rddreg [dreg:$0x1];
	p0 =	sne.s32 s2, $0x0  }
0x24f: {  	s3 =	rddreg [dreg:$0x2];
	[bflag:$0x3] =	sbarrier.arrive $0xFFFF;
	s2 =	simm.s32 @!p0 $0x1C0B  }
0x250: {  	[timem:s3], [sflag:s2] =	dma.local @!p0 [hbm:s0], s1  }
0x251: {  	s0 =	simm.s32 @!p0 $0xB  }
0x252: {  	_ =	swait.ge @!p0 [sflag:s0], s1  }
0x253: {  	s1 =	ssub.s32 @!p0 $0x0, s1;
	[sflag:s0] =	ssyncset.done @!p0 $0x0  }
0x254: {  	[sflag:s0] =	ssyncadd.s32 @!p0 s1  }
0x255: {  	[bflag:$0x3] =	sbarrier.arrive $0xFFFF  }
0x256: {  	_ =	shalt  }

// kernel: kernel.7.cloned.1.call-start
scs
__scs_entry_jumppad:
0x0: {  	(pc) =	sbr.rel $0x88, $3  }
0x1: {  	(tag) =	ssettag $0x0;
	lr =	simm.s32 $0x1  }
0x2: {  	[smem:$0x3F97] =	sst lr;
	_ =	strace $0xD0000000  }
0x3: {  	_ = 	snop  }
0x4: {  	_ = 	snop  }
0x5: {  	_ = 	snop  }
0x6: {  	_ = 	snop  }
0x7: {  	_ = 	snop  }
__scs_overlays_trampoline_lowered:
0x8: {  	[smem:$0x3FA6] =	sst s0  }
0x9: {  	[smem:$0x3FA7] =	sst s1  }
0xa: {  	[smem:$0x3FA8] =	sst s2  }
0xb: {  	[smem:$0x3FA9] =	sst s3  }
0xc: {  	[smem:$0x3FAA] =	sst s4  }
0xd: {  	[smem:$0x3FAB] =	sst s5  }
0xe: {  	[smem:$0x3FAC] =	sst s6  }
0xf: {  	[smem:$0x3FAD] =	sst s7  }
0x10: {  	[smem:$0x3FAE] =	sst s8  }
0x11: {  	[smem:$0x3FAF] =	sst s9;
	s0 =	simm.s32 @!p0 $0x0  }
0x12: {  	s1 =	sld [smem:$0x3F95];
	s0 =	simm.s32 @p0 $0x1  }
0x13: {  	[smem:$0x3FB0] =	sst s0;
	s0 =	simm.s32 @!p1 $0x0  }
0x14: {  	s2 =	sld [smem:$0x3F94];
	s0 =	simm.s32 @p1 $0x1  }
0x15: {  	[smem:$0x3FB1] =	sst s0;
	s0 =	simm.s32 @!p2 $0x0  }
0x16: {  	s3 =	sld [smem:$0x3FDB];
	s0 =	simm.s32 @p2 $0x1  }
0x17: {  	s4 =	simm.s32 $0x1BF5;
	[smem:$0x3FB3] =	sst s0  }
0x18: {  	s0 =	sld [smem:$0x3F96];
	_ =	swait.ge [sflag:s4], $0x0  }
0x19: {  	s7 =	sld [smem:$0x3F97]  }
0x1a: {  	s8 =	sadd.s32 $0xFFFFE003, lr  }
0x1b: {  	s9 =	sadd.s32 $0xFFFFFEF7, lr;
	s5 =	simm.s32 $0xFFFFFFFF;
	p2 =	slt.u32 s8, $0xFFFFF086  }
0x1c: {  	p1 =	slt.u32 s9, $0xF7A;
	s5 =	simm.s32 @!p2 $0x0  }
0x1d: {  	s5 =	simm.s32 @p1 $0x1;
	p0 =	seq.s32 s7, s2  }
0x1e: {  	s7 =	smul.u32 @!p0 $0xF7A, s2;
	p2 =	seq.s32 @!p0 s5, $0x0  }
0x1f: {  	s9 =	smul.u32 $0xF7A, s1;
	s8 =	simm.s32 @!p0 $0x1BF5;
	p2 =	por !p2, p0  }
0x20: {  	[sflag:s8] =	ssyncset.s32 @!p0 $0xFFFFF086;
	s6 =	sadd.s32 @!p0 s3, s7;
	s7 =	simm.s32 @!p0 $0x108  }
0x21: {  	s3 =	sadd.s32 s3, s9;
	s6 =	sadd.s32 @!p0 $0x88, s6;
	s7 =	simm.s32 @p2 $0x1082  }
0x22: {  	[simem:s7], [sflag:s8] =	dma.local @!p0 [hbm:s6], $0xF7A  }
0x23: {  	s9 =	sor.u32 $0xD0000000, s2;
	s6 =	simm.s32 $0x108;
	_ =	swait.ge @!p0 [sflag:s8], $0x0  }
0x24: {  	s3 =	sadd.s32 $0x88, s3;
	s6 =	simm.s32 @!p1 $0x1082;
	[sflag:s4] =	ssyncset.s32 $0xFFFFF086  }
0x25: {  	[simem:s6], [sflag:s4] =	dma.local [hbm:s3], $0xF7A  }
0x26: {  	[smem:$0x3F97] =	sst s1;
	(tag) =	ssettag s2;
	_ =	strace s9  }
0x27: {  	s1 =	sld [smem:$0x3FA7]  }
0x28: {  	s2 =	sld [smem:$0x3FA8]  }
0x29: {  	s4 =	sld [smem:$0x3FAA]  }
0x2a: {  	p0 =	seq.s32 s5, $0x0;
	s5 =	sld [smem:$0x3FAB]  }
0x2b: {  	s6 =	sld [smem:$0x3FAC]  }
0x2c: {  	s7 =	sld [smem:$0x3FAD]  }
0x2d: {  	s3 =	simm.s32 $0x108;
	s8 =	sld [smem:$0x3FAE]  }
0x2e: {  	s3 =	simm.s32 @!p0 $0x1082;
	s9 =	sld [smem:$0x3FAF]  }
0x2f: {  	lr =	sadd.s32 s0, s3;
	s0 =	sld [smem:$0x3FA6]  }
0x30: {  	s3 =	sld [smem:$0x3FA9]  }
0x31: {  	[smem:$0x3FB2] =	sst s10  }
0x32: {  	s10 =	sld [smem:$0x3FB0];
	_ =	sdelay $0x3  }
0x33: {  	p0 =	seq.s32 s10, $0x1;
	s10 =	sld [smem:$0x3FB2];
	_ =	sdelay $0x3  }
0x34: {  	[smem:$0x3FB2] =	sst s10  }
0x35: {  	s10 =	sld [smem:$0x3FB1];
	_ =	sdelay $0x3  }
0x36: {  	p1 =	seq.s32 s10, $0x1;
	s10 =	sld [smem:$0x3FB2];
	_ =	sdelay $0x3  }
0x37: {  	[smem:$0x3FB2] =	sst s10  }
0x38: {  	s10 =	sld [smem:$0x3FB3]  }
0x39: {  	_ = 	snop;
	(pc) =	sbr.ind lr, $3  }
0x3a: {  	_ = 	snop  }
0x3b: {  	_ = 	snop  }
0x3c: {  	p2 =	seq.s32 s10, $0x1;
	s10 =	sld [smem:$0x3FB2]  }
0x3d: {  	_ =	shalt  }
0x3e: {  	_ =	shalt  }
0x3f: {  	_ =	shalt  }
0x40: {  	_ =	shalt  }
0x41: {  	_ =	shalt  }
0x42: {  	_ =	shalt  }
0x43: {  	_ =	shalt  }
0x44: {  	_ =	shalt  }
0x45: {  	_ =	shalt  }
0x46: {  	_ =	shalt  }
0x47: {  	_ =	shalt  }
0x48: {  	_ =	shalt  }
0x49: {  	_ =	shalt  }
0x4a: {  	_ =	shalt  }
0x4b: {  	_ =	shalt  }
0x4c: {  	_ =	shalt  }
0x4d: {  	_ =	shalt  }
0x4e: {  	_ =	shalt  }
0x4f: {  	_ =	shalt  }
0x50: {  	_ =	shalt  }
0x51: {  	_ =	shalt  }
0x52: {  	_ =	shalt  }
0x53: {  	_ =	shalt  }
0x54: {  	_ =	shalt  }
0x55: {  	_ =	shalt  }
0x56: {  	_ =	shalt  }
0x57: {  	_ =	shalt  }
0x58: {  	_ =	shalt  }
0x59: {  	_ =	shalt  }
0x5a: {  	_ =	shalt  }
0x5b: {  	_ =	shalt  }
0x5c: {  	_ =	shalt  }
0x5d: {  	_ =	shalt  }
0x5e: {  	_ =	shalt  }
0x5f: {  	_ =	shalt  }
0x60: {  	_ =	shalt  }
0x61: {  	_ =	shalt  }
0x62: {  	_ =	shalt  }
0x63: {  	_ =	shalt  }
0x64: {  	_ =	shalt  }
0x65: {  	_ =	shalt  }
0x66: {  	_ =	shalt  }
0x67: {  	_ =	shalt  }
0x68: {  	_ =	shalt  }
0x69: {  	_ =	shalt  }
0x6a: {  	_ =	shalt  }
0x6b: {  	_ =	shalt  }
0x6c: {  	_ =	shalt  }
0x6d: {  	_ =	shalt  }
0x6e: {  	_ =	shalt  }
0x6f: {  	_ =	shalt  }
0x70: {  	_ =	shalt  }
0x71: {  	_ =	shalt  }
0x72: {  	_ =	shalt  }
0x73: {  	_ =	shalt  }
0x74: {  	_ =	shalt  }
0x75: {  	_ =	shalt  }
0x76: {  	_ =	shalt  }
0x77: {  	_ =	shalt  }
0x78: {  	_ =	shalt  }
0x79: {  	_ =	shalt  }
0x7a: {  	_ =	shalt  }
0x7b: {  	_ =	shalt  }
0x7c: {  	_ =	shalt  }
0x7d: {  	_ =	shalt  }
0x7e: {  	_ =	shalt  }
0x7f: {  	_ =	shalt  }
0x80: {  	_ =	shalt  }
0x81: {  	_ =	shalt  }
0x82: {  	_ =	shalt  }
0x83: {  	_ =	shalt  }
0x84: {  	_ =	shalt  }
0x85: {  	_ =	shalt  }
0x86: {  	_ =	shalt  }
0x87: {  	_ =	shalt  }
.Lfunc_end0:
.L_simem_size_0:
called_computation_lowered:
.L_overlay_start_0:
0x88: {  	s2 =	sld [smem:$0x3FD9]  }
0x89: {  	s3 =	sld [smem:$0x3FFE];
	_ =	sdelay $0x1  }
0x8a: {  	s1 =	srdreg.scid  }
0x8b: {  	s0 =	sand.u32 $0x1, s1  }
0x8c: {  	s17 =	sshll.u32 s0, $0xA;
	s2 =	sadd.s32 s3, s2  }
0x8d: {  	s2 =	sadd.s32 s2, s17  }
0x8e: {  	[smem:$0x3FBE] =	sst s2  }
0x8f: {  	_ = 	snop  }
0x90: {  	s2 =	sld [smem:$0x3FD0];
	(tm) =	ssettm $0x1  }
0x91: {  	s18 =	sld [smem:$0x3FFB];
	_ =	sdelay $0x3  }
0x92: {  	_ =	strace s18  }
0x93: {  	s3 =	sld [smem:$0x3FFC];
	_ =	sdelay $0x3  }
0x94: {  	_ =	strace s3  }
0x95: {  	s3 =	sld [smem:$0x3FFD];
	_ =	sdelay $0x3  }
0x96: {  	_ =	strace s3  }
0x97: {  	_ =	strace $0x8FFFFFFF  }
0x98: {  	s19 =	sld [smem:$0x3FDB];
	_ =	sdelay $0x1  }
0x99: {  	s4 =	simm.s32 $_scs_section_size  }
0x9a: {  	s5 =	simm.s32 $_size__tile_overlayer_lowered;
	s6 =	simm.s32 $_tile_overlayer_lowered  }
0x9b: {  	s22 =	simm.s32 $0x1BFF;
	s21 =	sshll.u32 s6, $0x1;
	s3 =	sadd.s32 s4, s19  }
0x9c: {  	s7 =	simm.s32 $0x0;
	s20 =	sshll.u32 s5, $0x1;
	s5 =	sadd.s32 s21, s3  }
0x9d: {  	[timem:s7], [sflag:s22] =	dma.local [hbm:s5], s20  }
0x9e: {  	_ =	swait.ge [sflag:s22], s20  }
0x9f: {  	s4 =	ssub.s32 $0x0, s20;
	[sflag:s22] =	ssyncset.done $0x0  }
0xa0: {  	[sflag:s22] =	ssyncadd.s32 s4;
	_ =	sdelay $0x1  }
0xa1: {  	s23 =	simm.s32 $0x1B8B  }
0xa2: {  	_ =	swait.ge [sflag:s23], $0x1  }
0xa3: {  	[sflag:s23] =	ssyncset.done $0x0  }
0xa4: {  	s25 =	simm.s32 $0x1B8E;
	s24 =	sld [smem:$0x3FFE];
	[sflag:s23] =	ssyncadd.s32 $0xFFFFFFFF  }
0xa5: {  	s26 =	simm.s32 $execute0_lowered;
	[smem:$0x3FD2] =	sst s25  }
0xa6: {  	s5 =	sshll.u32 s26, $0x1;
	_ =	strace $0x80000046;
	[dreg:$0x1] =	wrdreg $0xFFFFFFFF  }
0xa7: {  	s28 =	simm.s32 $_size_execute0_lowered;
	s3 =	sadd.s32 s3, s5;
	[dreg:$0x0] =	wrdreg $0x0  }
0xa8: {  	s5 =	sshll.u32 s28, $0x1;
	[dreg:$0x2] =	wrdreg s3  }
0xa9: {  	[dreg:$0x3] =	wrdreg s5  }
0xaa: {  	[dreg:$0x4] =	wrdreg $0xC0  }
0xab: {  	_ =	task [dreg:s7], $0x5FFFF  }
0xac: {  	[dreg:$0x1] =	wrdreg $0xFFFFFFFF  }
0xad: {  	[dreg:$0x0] =	wrdreg $0x60  }
0xae: {  	[dreg:$0x2] =	wrdreg s2  }
0xaf: {  	[dreg:$0x3] =	wrdreg s24  }
0xb0: {  	[dreg:$0x4] =	wrdreg $0x62000  }
0xb1: {  	[dreg:$0x5] =	wrdreg $0x9  }
0xb2: {  	_ =	task.clear_ibuf [dreg:s7], $0x6FFFF;
	_ =	strace $0x90000046  }
0xb3: {  	s29 =	simm.s32 $0x9;
	_ =	strace $0x80000048  }
0xb4: {  	_ =	swait.ge [sflag:s29], $0x1  }
0xb5: {  	[sflag:s29] =	ssyncadd.s32 $0xFFFFFFFF  }
0xb6: {  	_ =	strace $0x90000048  }
0xb7: {  	_ =	sfence  }
0xb8: {  	s30 =	sld [smem:$0x0];
	_ =	sdelay $0x2  }
0xb9: {  	s31 =	sshll.u32 s1, $0xD;
	s1 =	sshrl.u32 s1, $0x2  }
0xba: {  	s3 =	sand.u32 $0x4000, s31;
	s1 =	sadd.s32 s1, s30  }
0xbb: {  	s0 =	sor.u32 s3, s0;
	s1 =	sshll.u32 s1, $0x11  }
0xbc: {  	s0 =	sor.u32 s1, s0  }
0xbd: {  	s0 =	sadd.s32 $0x8F2B, s0  }
0xbe: {  	[sflag:s0] =	ssyncadd.remote.s32 $0x1  }
0xbf: {  	_ =	sfence.sel $0xFFFF  }
0xc0: {  	[dreg:$0x0] =	wrdreg $0xFFFFFFFF;
	(pc) =	sbr.abs _section_cstart, $3  }
0xc1: {  	[dreg:$0x1] =	wrdreg $0xFFFFFFFF  }
0xc2: {  	_ =	task.clear_ibuf [dreg:s7], $0x2FFFF;
	_ =	strace $0x9FFFFFFF  }
0xc3: {  	(tm) =	ssettm $0x7FFFFFFF  }
tec
execute0_lowered:
.L_overlay_start_1:
0x0: {  	(tag) =	ssettag $0x1  }
0x1: {  	s1 =	rddreg [dreg:$0x0]  }
0x2: {  	s0 =	rddreg [dreg:$0x1]  }
0x3: {  	s2 =	srdreg.scid;
	s10 =	stileid.u32  }
0x4: {  	s3 =	rddreg [dreg:$0x2];
	s6 =	simm.s32 $0x0;
	s30 =	simm.s32 $0x40  }
0x5: {  	s11 =	simm.s32 $0x2600;
	s12 =	simm.s32 $0x5;
	s8 =	smul.u32 $0x44780, s10  }
0x6: {  	s29 =	simm.s32 $0x4;
	s2 =	sand.u32 $0x1, s2;
	s4 =	smul.u32 $0x111E0, s10  }
0x7: {  	[smem:$0x7FF] =	sst s6;
	s6 =	sadd.s32 $0xA00, s0;
	s8 =	sshrl.u32 s8, $0x2  }
0x8: {  	s10 =	sshll.u32 s10, $0x1;
	s19 =	sadd.s32 s4, s3;
	s8 =	sadd.s32 s8, s3  }
0x9: {  	_ =	strace $0x80000047;
	[dreg:$0x4] =	wrdreg s19;
	s15 =	sadd.s32 $0x1C00, s8  }
0xa: {  	s5 =	smul.u32 $0x111E00, s2;
	s16 =	sadd.s32 $0x3800, s8;
	[dreg:$0x5] =	wrdreg s15  }
0xb: {  	s14 =	ssub.s32 $0x2, s2;
	s17 =	sadd.s32 $0x5400, s8;
	[dreg:$0x6] =	wrdreg s16  }
0xc: {  	s2 =	sor.u32 s2, s10;
	s18 =	sadd.s32 $0x7000, s8;
	[dreg:$0x7] =	wrdreg s17  }
0xd: {  	s10 =	simm.s32 $0xC0;
	s20 =	sadd.s32 $0x8C00, s8;
	[dreg:$0x8] =	wrdreg s18  }
0xe: {  	s9 =	sshrl.u32 s14, $0x1;
	s21 =	sadd.s32 $0xA800, s8;
	[dreg:$0x9] =	wrdreg s20  }
0xf: {  	s2 =	smul.u32 $0x5200, s2;
	s23 =	sadd.s32 $0xC400, s8;
	[dreg:$0xa] =	wrdreg s21  }
0x10: {  	s13 =	sadd.s32 s4, s5;
	s24 =	sadd.s32 $0xE000, s8;
	[dreg:$0xb] =	wrdreg s23  }
0x11: {  	s5 =	sadd.s32 $0x15200, s0;
	s8 =	sadd.s32 $0xFC00, s8;
	[dreg:$0xc] =	wrdreg s24  }
0x12: {  	s7 =	sshrl.u32 s13, $0x3;
	s25 =	sor.u32 $0x100, s2;
	[dreg:$0xe] =	wrdreg s8  }
0x13: {  	s22 =	sshrl.u32 s2, $0x3;
	s26 =	sor.u32 $0x180, s2;
	[dreg:$0x10] =	wrdreg s25  }
0x14: {  	s28 =	sadd.s32 $0x200, s2;
	s2 =	sadd.s32 $0x280, s2;
	[dreg:$0x11] =	wrdreg s26  }
0x15: {  	s13 =	simm.s32 $0x7;
	s0 =	sadd.s32 s7, s0;
	[dreg:$0x12] =	wrdreg s28  }
0x16: {  	s7 =	ssub.s32 s14, s9;
	s4 =	sadd.s32 s6, s22;
	[dreg:$0x13] =	wrdreg s2  }
0x17: {  	s25 =	simm.s32 $0x2A00;
	s8 =	simm.s32 $0x2;
	s9 =	simm.s32 $0x1200  }
0x18: {  	s14 =	simm.s32 $0x180;
	s15 =	simm.s32 $0x3;
	s17 =	simm.s32 $0x140  }
0x19: {  	s18 =	simm.s32 $0x6;
	s23 =	simm.s32 $0x8;
	s24 =	simm.s32 $0x4600  }
0x1a: {  	s16 =	simm.s32 $0x9;
	[dreg:$0xd] =	wrdreg s4;
	s4 =	sadd.s32 $0x10, s4  }
0x1b: {  	v0 =	vimm.f32 $0.0e+00;
	s26 =	simm.s32 $0xA;
	s0 =	sadd.s32 $0x1A200, s0;
	[dreg:$0xf] =	wrdreg s4  }
0x1c: {  	v1 =	vimm.s32 $0x0;
	v2 =	vimm.s32 $0x1;
	v3 =	vimm.s32 $0x2;
	s2 =	simm.s32 $0x0;
	s31 =	smax.u32 s7, $0x1;
	[dreg:$0x14] =	wrdreg s0  }
0x1d: {  	v4 =	vimm.s32 $0x3;
	v5 =	vimm.s32 $0x4;
	v6 =	vimm.s32 $0x5;
	s7 =	simm.s32 $0x1C0;
	[dreg:$0x15] =	wrdreg s31;
	s4 =	simm.s32 $0xB  }
.LBB2_1:
0x1e: {  	[dreg:$0x16] =	wrdreg s2;
	s0 =	simm.s32 $0x0;
	s2 =	simm.s32 $0x1C0  }
.LBB2_2:
0x1f: {  	p0 =	sne.s32 s2, $0x6E40;
	[tilespmem:s0+$0x2A60] =	vst v0  }
0x20: {  	[tilespmem:s0+$0x2A00] =	vst v0  }
.Ltmp0:
0x21: {  	[tilespmem:s0+$0x2A10] =	vst v0;
	(pc) =	sbr.rel @p0 .LBB2_2-.Ltmp0, $4  }
0x22: {  	[tilespmem:s0+$0x2A20] =	vst v0  }
0x23: {  	[tilespmem:s0+$0x2A30] =	vst v0  }
0x24: {  	[tilespmem:s0+$0x2A40] =	vst v0  }
0x25: {  	[tilespmem:s0+$0x2A50] =	vst v0;
	s0 =	sshra.s32 s2, $0x2;
	s2 =	sadd.s32 $0x1C0, s2  }
0x26: {  	[tilespmem:s0+$0x2A60] =	vst v0  }
0x27: {  	[tilespmem:s0+$0x2A00] =	vst v0  }
0x28: {  	[tilespmem:s0+$0x2A10] =	vst v0  }
0x29: {  	[tilespmem:s0+$0x2A20] =	vst v0  }
0x2a: {  	[tilespmem:s0+$0x2A30] =	vst v0  }
0x2b: {  	[tilespmem:s0+$0x2A40] =	vst v0  }
0x2c: {  	[tilespmem:s0+$0x2A50] =	vst v0  }
0x2d: {  	[spmem:s19] =	stream.linear.scatter [tilespmem:s25], [sflag:$0xB], $0x1C00, $0x38;
	[tilespmem:$0x173E0] =	vst v63  }
0x2e: {  	_ =	swait.ge [sflag:s4], $0x1C00  }
0x2f: {  	[sflag:s4] =	ssyncset.done $0x0  }
0x30: {  	s22 =	rddreg [dreg:$0x5];
	[sflag:s4] =	ssyncadd.s32 $0xFFFFE400  }
0x31: {  	[spmem:s22] =	stream.linear.scatter [tilespmem:s25], [sflag:$0xB], $0x1C00, $0x38;
	[tilespmem:$0x173E0] =	vst v63  }
0x32: {  	_ =	swait.ge [sflag:s4], $0x1C00  }
0x33: {  	[sflag:s4] =	ssyncset.done $0x0  }
0x34: {  	s31 =	rddreg [dreg:$0x6];
	[sflag:s4] =	ssyncadd.s32 $0xFFFFE400  }
0x35: {  	[spmem:s31] =	stream.linear.scatter [tilespmem:s25], [sflag:$0xB], $0x1C00, $0x38;
	[tilespmem:$0x173E0] =	vst v63  }
0x36: {  	_ =	swait.ge [sflag:s4], $0x1C00  }
0x37: {  	[sflag:s4] =	ssyncset.done $0x0  }
0x38: {  	s2 =	rddreg [dreg:$0x7];
	[sflag:s4] =	ssyncadd.s32 $0xFFFFE400  }
0x39: {  	[spmem:s2] =	stream.linear.scatter [tilespmem:s25], [sflag:$0xB], $0x1C00, $0x38;
	[tilespmem:$0x173E0] =	vst v63  }
0x3a: {  	_ =	swait.ge [sflag:s4], $0x1C00  }
0x3b: {  	[sflag:s4] =	ssyncset.done $0x0  }
0x3c: {  	s19 =	rddreg [dreg:$0x8];
	[sflag:s4] =	ssyncadd.s32 $0xFFFFE400  }
0x3d: {  	[spmem:s19] =	stream.linear.scatter [tilespmem:s25], [sflag:$0xB], $0x1C00, $0x38;
	[tilespmem:$0x173E0] =	vst v63  }
0x3e: {  	_ =	swait.ge [sflag:s4], $0x1C00  }
0x3f: {  	[sflag:s4] =	ssyncset.done $0x0  }
0x40: {  	s20 =	rddreg [dreg:$0x9];
	[sflag:s4] =	ssyncadd.s32 $0xFFFFE400  }
0x41: {  	[spmem:s20] =	stream.linear.scatter [tilespmem:s25], [sflag:$0xB], $0x1C00, $0x38;
	[tilespmem:$0x173E0] =	vst v63  }
0x42: {  	_ =	swait.ge [sflag:s4], $0x1C00  }
0x43: {  	[sflag:s4] =	ssyncset.done $0x0  }
0x44: {  	s21 =	rddreg [dreg:$0xa];
	[sflag:s4] =	ssyncadd.s32 $0xFFFFE400  }
0x45: {  	[spmem:s21] =	stream.linear.scatter [tilespmem:s25], [sflag:$0xB], $0x1C00, $0x38;
	[tilespmem:$0x173E0] =	vst v63  }
0x46: {  	_ =	swait.ge [sflag:s4], $0x1C00  }
0x47: {  	[sflag:s4] =	ssyncset.done $0x0  }
0x48: {  	s22 =	rddreg [dreg:$0xb];
	[sflag:s4] =	ssyncadd.s32 $0xFFFFE400  }
0x49: {  	[spmem:s22] =	stream.linear.scatter [tilespmem:s25], [sflag:$0xB], $0x1C00, $0x38;
	[tilespmem:$0x173E0] =	vst v63  }
0x4a: {  	_ =	swait.ge [sflag:s4], $0x1C00  }
0x4b: {  	[sflag:s4] =	ssyncset.done $0x0  }
0x4c: {  	s31 =	rddreg [dreg:$0xc];
	[sflag:s4] =	ssyncadd.s32 $0xFFFFE400  }
0x4d: {  	[spmem:s31] =	stream.linear.scatter [tilespmem:s25], [sflag:$0xB], $0x1C00, $0x38;
	[tilespmem:$0x173E0] =	vst v63  }
0x4e: {  	_ =	swait.ge [sflag:s4], $0x1C00  }
0x4f: {  	[sflag:s4] =	ssyncset.done $0x0  }
0x50: {  	s2 =	rddreg [dreg:$0xe];
	[sflag:s4] =	ssyncadd.s32 $0xFFFFE400  }
0x51: {  	[spmem:s2] =	stream.linear.scatter [tilespmem:s25], [sflag:$0xB], $0x15E0, $0x38;
	[tilespmem:$0x173E0] =	vst v63  }
0x52: {  	_ =	swait.ge [sflag:s4], $0x15E0  }
0x53: {  	[sflag:s4] =	ssyncset.done $0x0  }
0x54: {  	[sflag:s4] =	ssyncadd.s32 $0xFFFFEA20  }
0x55: {  	[bflag:$0x0] =	sbarrier.arrive $0xFFFF  }
0x56: {  	s28 =	simm.s32 $0x0;
	s19 =	rddreg [dreg:$0xd]  }
0x57: {  	[tilespmem:s28], [sflag:$0x1] =	stream.linear.gather [hbm4b:s19+s28], $0x80, $0x38;
	[tilespmem:$0x173E0] =	vst v63  }
0x58: {  	s21 =	simm.s32 $0x1;
	s2 =	simm.s32 $0x80;
	s20 =	rddreg [dreg:$0xf]  }
0x59: {  	[tilespmem:s2], [sflag:$0x2] =	stream.linear.gather [hbm4b:s20+s28], $0x80, $0x38;
	[tilespmem:$0x173E0] =	vst v63  }
0x5a: {  	_ =	swait.ge [sflag:s21], $0x80  }
0x5b: {  	[sflag:s21] =	ssyncset.done $0x0  }
0x5c: {  	s22 =	simm.s32 $0x200;
	[sflag:s21] =	ssyncadd.s32 $0xFFFFFF80  }
0x5d: {  	[tilespmem:s22], [sflag:$0x5] =	stream.indirect.gather [hbm4b:s1+s30], $0x40, s28, s30, $0xb8;
	[tilespmem:$0x173E0] =	vst v63  }
0x5e: {  	s31 =	simm.s32 $0x2200  }
0x5f: {  	[tilespmem:s31], [sflag:$0x7] =	stream.indirect.gather [hbm4b:s5+s30], $0x10, s30, s30, $0xb8;
	[tilespmem:$0x173E0] =	vst v63  }
.LBB2_4:
0x60: {  	p0 =	seq.s32 s28, $0x0  }
0x61: {  	s0 =	simm.s32 @!p0 $0x9  }
0x62: {  	_ =	swait.ge @!p0 [sflag:s0], $0x1C00  }
0x63: {  	s31 =	sshll.u32 s28, $0x9;
	s2 =	rddreg [dreg:$0x10]  }
0x64: {  	s2 =	sadd.s32 s31, s2  }
0x65: {  	s19 =	simm.s32 $0x0;
	[sflag:s0] =	ssyncset.done @!p0 $0x0;
	s2 =	sshrl.u32 s2, $0x3  }
0x66: {  	s4 =	simm.s32 $0x100;
	[sflag:s0] =	ssyncadd.s32 @!p0 $0xFFFFE400;
	s2 =	sadd.s32 s6, s2  }
0x67: {  	[tilespmem:s4], [sflag:$0x3] =	stream.linear.gather [hbm4b:s2+s19], $0x80, $0x38;
	[tilespmem:$0x173E0] =	vst v63  }
0x68: {  	_ =	swait.ge [sflag:s8], $0x80  }
0x69: {  	[sflag:s8] =	ssyncset.done $0x0  }
0x6a: {  	s20 =	simm.s32 $0x80;
	[sflag:s8] =	ssyncadd.s32 $0xFFFFFF80  }
0x6b: {  	[tilespmem:s9], [sflag:$0x6] =	stream.indirect.gather [hbm4b:s1+s30], $0x40, s20, s30, $0xb8;
	[tilespmem:$0x173E0] =	vst v63  }
0x6c: {  	_ = 	snop  }
0x6d: {  	[tilespmem:s11], [sflag:$0x8] =	stream.indirect.gather [hbm4b:s5+s30], $0x10, s10, s30, $0xb8;
	[tilespmem:$0x173E0] =	vst v63  }
0x6e: {  	_ =	swait.ge [sflag:s12], $0x1000  }
0x6f: {  	[sflag:s12] =	ssyncset.done $0x0  }
0x70: {  	[sflag:s12] =	ssyncadd.s32 $0xFFFFF000  }
0x71: {  	_ =	swait.ge [sflag:s13], $0x400  }
0x72: {  	[sflag:s13] =	ssyncset.done $0x0  }
0x73: {  	s21 =	simm.s32 $0x280;
	[sflag:s13] =	ssyncadd.s32 $0xFFFFFC00  }
0x74: {  	s22 =	simm.s32 $0x2220;
	v9 =	vld [tilespmem:s21+$0xFFFFFFB0]  }
0x75: {  	v8 =	vld [tilespmem:s22+$0xFFFFFFE0]  }
0x76: {  	v10 =	vld [tilespmem:s21+$0x70]  }
0x77: {  	v11 =	vld [tilespmem:s22+$0x10]  }
0x78: {  	v7 =	vld [tilespmem:s21+$0x30]  }
0x79: {  	v12 =	vld [tilespmem:s22+$0x0];
	v9 =	vunpack.i.l.bf16.f32 v9  }
0x7a: {  	v8 =	vadd.f32 v8, v9  }
0x7b: {  	v9 =	vunpack.i.l.bf16.f32 v10  }
0x7c: {  	v9 =	vadd.f32 v11, v9;
	v11 =	vmul.f32 $2.000000030e-01, v8  }
0x7d: {  	v13 =	vld [tilespmem:s21+$0xFFFFFFF0];
	v7 =	vunpack.i.l.bf16.f32 v7  }
0x7e: {  	v10 =	vld [tilespmem:s22+$0xFFFFFFF0];
	v7 =	vadd.f32 v12, v7;
	v12 =	vmul.f32 $2.000000030e-01, v9;
	v8 =	vmax.f32 v8, v11  }
0x7f: {  	v8 =	vmul.f32 $1.442695020e+00, v8  }
0x80: {  	v14 =	vmul.f32 $2.000000030e-01, v7;
	v9 =	vmax.f32 v9, v12  }
0x81: {  	v16 =	vld [tilespmem:s21+$0x60];
	v9 =	vmul.f32 $1.442695020e+00, v9;
	(erf) = vpow2.f32 v8  }
0x82: {  	v21 =	vld [tilespmem:s21+$0xFFFFFFA0];
	v11 =	vunpack.i.l.bf16.f32 v13  }
0x83: {  	s2 =	simm.s32 $0x380;
	v22 =	vld [tilespmem:s21+$0xFFFFFF80];
	v7 =	vmax.f32 v7, v14;
	v10 =	vadd.f32 v10, v11;
	(erf) = vpow2.f32 v9  }
0x84: {  	v34 =	vld [tilespmem:s2+$0x30];
	v7 =	vmul.f32 $1.442695020e+00, v7  }
0x85: {  	v8 =	vmul.f32 $2.000000030e-01, v10;
	v9 =	vld [tilespmem:s21+$0x20]  }
0x86: {  	(erf) = vpow2.f32 v7  }
0x87: {  	v30 =	vld [tilespmem:s21+$0xFFFFFFE0];
	v7 =	vmax.f32 v10, v8  }
0x88: {  	v15 =	vunpack.i.l.bf16.f32 v16;
	v27 =	vunpack.i.l.bf16.f32 v21;
	v7 =	vmul.f32 $1.442695020e+00, v7  }
0x89: {  	s4 =	simm.s32 $0x2260;
	v35 =	vunpack.i.l.bf16.f32 v22;
	v16 =	vunpack.i.u.bf16.f32 v16;
	v21 =	vunpack.i.u.bf16.f32 v21  }
0x8a: {  	v44 =	vld [tilespmem:s4+$0x0];
	v34 =	vunpack.i.l.bf16.f32 v34;
	(erf) = vpow2.f32 v7;
	v23 =	vunpack.i.u.bf16.f32 v9;
	v26 =	vpop (erf)  }
0x8b: {  	v13 =	vld [tilespmem:s21+$0xFFFFFFC0];
	v14 =	vunpack.i.l.bf16.f32 v9;
	v9 =	vperm.xlane v26, v1;
	v28 =	vperm.xlane v26, v4  }
0x8c: {  	v54 =	vunpack.i.l.bf16.f32 v30;
	v7 =	vld [tilespmem:s21+$0xFFFFFF90];
	v29 =	vpop (erf);
	v37 =	vperm.xlane v26, v6;
	v50 =	vperm.xlane v26, v2  }
0x8d: {  	v30 =	vunpack.i.u.bf16.f32 v30;
	v53 =	vperm.xlane v26, v5;
	v32 =	vperm.xlane v29, v1  }
0x8e: {  	v22 =	vunpack.i.u.bf16.f32 v22;
	v11 =	vld [tilespmem:s21+$0x40];
	v19 =	vperm.xlane v29, v2;
	v20 =	vperm.xlane v29, v3  }
0x8f: {  	v34 =	vadd.f32 v44, v34;
	v8 =	vld [tilespmem:s21+$0x10];
	v33 =	vpop (erf);
	v40 =	vperm.xlane v29, v6;
	v55 =	vperm.xlane v29, v5  }
0x90: {  	v18 =	vunpack.i.u.bf16.f32 v13;
	v36 =	vperm.xlane v33, v4;
	v38 =	vperm.xlane v33, v5  }
0x91: {  	v48 =	vld [tilespmem:s2+$0xFFFFFFF0];
	v43 =	vunpack.i.u.bf16.f32 v7;
	v39 =	vperm.xlane v33, v3;
	v35 =	vmul.f32 v9, v35  }
0x92: {  	v42 =	vld [tilespmem:s4+$0xFFFFFFF0];
	v13 =	vunpack.i.l.bf16.f32 v13;
	v9 =	vperm.xlane v26, v3;
	v28 =	vmul.f32 v28, v43  }
0x93: {  	v62 =	vld [tilespmem:s2+$0xFFFFFFB0];
	v31 =	vunpack.i.l.bf16.f32 v11;
	v47 =	vperm.xlane v33, v1;
	v49 =	vperm.xlane v33, v6  }
0x94: {  	v45 =	vld [tilespmem:s4+$0xFFFFFFE0];
	v24 =	vunpack.i.u.bf16.f32 v8;
	v21 =	vmul.f32 v37, v21;
	v27 =	vmul.f32 v53, v27  }
0x95: {  	s19 =	simm.s32 $0x2AE0;
	v52 =	vld [tilespmem:s2+$0x70];
	v7 =	vunpack.i.l.bf16.f32 v7;
	v22 =	vmul.f32 v50, v22;
	v16 =	vmul.f32 v40, v16  }
0x96: {  	v53 =	vunpack.i.l.bf16.f32 v48;
	v41 =	vpop (erf);
	v46 =	vmul.f32 v9, v7;
	[tilespmem:s19+$0xFFFFFF50] =	vst v28;
	v28 =	vld [tilespmem:s4+$0x10];
	v38 =	vmul.f32 v38, v14  }
0x97: {  	[tilespmem:s19+$0xFFFFFF80] =	vst v26;
	v57 =	vadd.f32 v42, v53;
	v61 =	vperm.xlane v41, v6;
	v51 =	vperm.xlane v41, v4  }
0x98: {  	v12 =	vld [tilespmem:s21+$0x50];
	v63 =	vperm.xlane v41, v5;
	v44 =	vperm.xlane v41, v2;
	[tilespmem:s19+$0xC0] =	vst v16;
	v16 =	vunpack.i.l.bf16.f32 v62  }
0x99: {  	[tilespmem:s19+$0xD0] =	vst v29;
	v56 =	vperm.xlane v41, v3;
	v59 =	vperm.xlane v41, v1;
	v16 =	vadd.f32 v45, v16  }
0x9a: {  	v26 =	vunpack.i.l.bf16.f32 v52;
	[tilespmem:s19+$0xFFFFFF70] =	vst v21;
	v60 =	vmul.f32 $2.000000030e-01, v57;
	v30 =	vmul.f32 v61, v30  }
0x9b: {  	[tilespmem:s19+$0xFFFFFF60] =	vst v27;
	v37 =	vmul.f32 v63, v54;
	v21 =	vmul.f32 $2.000000030e-01, v16;
	v26 =	vadd.f32 v28, v26  }
0x9c: {  	v58 =	vld [tilespmem:s21+$0xFFFFFFD0];
	v25 =	vunpack.i.l.bf16.f32 v8;
	[tilespmem:s19+$0xFFFFFF20] =	vst v35;
	v28 =	vperm.xlane v29, v4;
	v29 =	vmul.f32 $2.000000030e-01, v34  }
0x9d: {  	v8 =	vld [tilespmem:s2+$0x50];
	[tilespmem:s19+$0xFFFFFF30] =	vst v22;
	v27 =	vmax.f32 v57, v60;
	v16 =	vmax.f32 v16, v21;
	v61 =	vmul.f32 $2.000000030e-01, v26  }
0x9e: {  	v10 =	vld [tilespmem:s2+$0x60];
	[tilespmem:s19+$0xFFFFFFF0] =	vst v41;
	v21 =	vmul.f32 $1.442695020e+00, v27;
	v27 =	vmax.f32 v34, v29;
	v16 =	vmul.f32 $1.442695020e+00, v16  }
0x9f: {  	[tilespmem:s19+$0xFFFFFFE0] =	vst v30;
	v30 =	vmul.f32 v32, v31;
	v27 =	vmul.f32 $1.442695020e+00, v27;
	v26 =	vmax.f32 v26, v61  }
0xa0: {  	v17 =	vunpack.i.l.bf16.f32 v12;
	[tilespmem:s19+$0xFFFFFF40] =	vst v46;
	v29 =	vld [tilespmem:s21+$0x0];
	(erf) = vpow2.f32 v16;
	v26 =	vmul.f32 $1.442695020e+00, v26  }
0xa1: {  	v12 =	vunpack.i.u.bf16.f32 v12;
	[tilespmem:s19+$0xFFFFFFD0] =	vst v37;
	v16 =	vmul.f32 v49, v23;
	v23 =	vperm.xlane v33, v2  }
0xa2: {  	v9 =	vunpack.i.l.bf16.f32 v8;
	v22 =	vld [tilespmem:s2+$0x20];
	[tilespmem:s19+$0x60] =	vst v33;
	v33 =	vmul.f32 v36, v24;
	(erf) = vpow2.f32 v26  }
0xa3: {  	v7 =	vunpack.i.l.bf16.f32 v10;
	v31 =	vld [tilespmem:s2+$0xFFFFFFA0];
	[tilespmem:s19+$0x70] =	vst v30;
	v24 =	vmul.f32 v39, v25;
	(erf) = vpow2.f32 v27  }
0xa4: {  	v62 =	vunpack.i.l.bf16.f32 v58;
	v37 =	vmul.f32 v20, v17;
	[tilespmem:s19+$0x50] =	vst v16;
	v16 =	vmul.f32 v28, v12;
	v12 =	vld [tilespmem:s2+$0xFFFFFFC0]  }
0xa5: {  	[tilespmem:s19+$0x20] =	vst v24;
	v26 =	vunpack.i.u.bf16.f32 v29;
	v27 =	vld [tilespmem:s2+$0x10];
	(erf) = vpow2.f32 v21;
	v21 =	vmul.f32 v59, v13  }
0xa6: {  	v63 =	vunpack.i.u.bf16.f32 v58;
	v25 =	vmul.f32 v55, v15;
	v23 =	vmul.f32 v23, v26;
	[tilespmem:s19+$0xA0] =	vst v16  }
0xa7: {  	v24 =	vunpack.i.u.bf16.f32 v11;
	v28 =	vunpack.i.l.bf16.f32 v29;
	v13 =	vld [tilespmem:s2+$0x40];
	[tilespmem:s19+$0xFFFFFF90] =	vst v21;
	v21 =	vmul.f32 v44, v18  }
0xa8: {  	v11 =	vunpack.i.l.bf16.f32 v22;
	v16 =	vunpack.i.u.bf16.f32 v22;
	v22 =	vld [tilespmem:s2+$0xFFFFFF80];
	[tilespmem:s19+$0x10] =	vst v23;
	v23 =	vmul.f32 v51, v63  }
0xa9: {  	v36 =	vmul.f32 v56, v62;
	v32 =	vunpack.i.l.bf16.f32 v31;
	[tilespmem:s19+$0xB0] =	vst v25;
	v30 =	vmul.f32 v47, v28  }
0xaa: {  	v34 =	vld [tilespmem:s2+$0xFFFFFFE0];
	v14 =	vunpack.i.u.bf16.f32 v12;
	[tilespmem:s19+$0xFFFFFFC0] =	vst v23;
	v23 =	vmul.f32 v19, v24;
	v15 =	vunpack.i.u.bf16.f32 v27;
	v28 =	vpop (erf)  }
0xab: {  	s0 =	simm.s32 $0x480;
	v39 =	vld [tilespmem:s2+$0xFFFFFF90];
	v18 =	vunpack.i.l.bf16.f32 v27;
	[tilespmem:s19+$0xFFFFFFA0] =	vst v21;
	v35 =	vperm.xlane v28, v1;
	v40 =	vperm.xlane v28, v4;
	v21 =	vpop (erf)  }
0xac: {  	s20 =	simm.s32 $0x2CA0;
	s22 =	simm.s32 $0x2CA0;
	s21 =	simm.s32 $0x4;
	v19 =	vld [tilespmem:s2+$0xFFFFFFD0];
	[tilespmem:s19+$0x80] =	vst v23;
	v23 =	vunpack.i.l.bf16.f32 v13;
	v24 =	vperm.xlane v21, v1;
	v17 =	vperm.xlane v21, v2;
	v20 =	vpop (erf)  }
.LBB2_5:
0xad: {  	v41 =	vld [tilespmem:s0+$0x30];
	s21 =	sadd.s32 $0x4, s21;
	v42 =	vunpack.i.l.bf16.f32 v22;
	v29 =	vperm.xlane v20, v4;
	v25 =	vperm.xlane v21, v3;
	s22 =	sadd.s32 $0x1C0, s22;
	s4 =	sadd.s32 $0x40, s4;
	[tilespmem:s19+$0xFFFFFFB0] =	vst v36;
	v26 =	vmovc v9  }
0xae: {  	v43 =	vperm.xlane v28, v6;
	v27 =	vperm.xlane v20, v5;
	v44 =	vunpack.i.u.bf16.f32 v10;
	v36 =	vld [tilespmem:s0+$0x50];
	p1 =	slt.u32 s21, $0x3C;
	[tilespmem:s19+$0x30] =	vst v33  }
0xaf: {  	v31 =	vunpack.i.u.bf16.f32 v31;
	v45 =	vperm.xlane v20, v3;
	v33 =	vperm.xlane v21, v6;
	v10 =	vld [tilespmem:s0+$0x60];
	v46 =	vpop (erf);
	[tilespmem:s19+$0x40] =	vst v38  }
0xb0: {  	v35 =	vmul.f32 v35, v42;
	v42 =	vperm.xlane v28, v3;
	v38 =	vld [tilespmem:s4+$0xFFFFFFF0];
	v9 =	vunpack.i.u.bf16.f32 v39;
	[tilespmem:s19+$0x0] =	vst v30  }
0xb1: {  	v39 =	vunpack.i.l.bf16.f32 v39;
	v47 =	vperm.xlane v46, v6;
	v30 =	vld [tilespmem:s4+$0xFFFFFFE0];
	v40 =	vmul.f32 v40, v9;
	[tilespmem:s19+$0x90] =	vst v37;
	s19 =	smov.u32 s20;
	s20 =	smov.u32 s22  }
0xb2: {  	v39 =	vmul.f32 v42, v39;
	v42 =	vperm.xlane v20, v1;
	v37 =	vunpack.i.l.bf16.f32 v41;
	v41 =	vld [tilespmem:s4+$0x0];
	[tilespmem:s19+$0xD0] =	vst v21  }
0xb3: {  	v33 =	vmul.f32 v33, v44;
	v48 =	vld [tilespmem:s0+$0xFFFFFFF0];
	v9 =	vunpack.i.l.bf16.f32 v36;
	[tilespmem:s19+$0xFFFFFF50] =	vst v40;
	v40 =	vperm.xlane v20, v6  }
0xb4: {  	v50 =	vperm.xlane v28, v2;
	v44 =	vld [tilespmem:s0+$0xFFFFFFB0];
	v49 =	vunpack.i.l.bf16.f32 v10;
	[tilespmem:s19+$0xFFFFFF40] =	vst v39;
	v39 =	vperm.xlane v46, v4  }
0xb5: {  	v52 =	vperm.xlane v28, v5;
	v54 =	vperm.xlane v21, v5;
	v53 =	vunpack.i.l.bf16.f32 v34;
	v51 =	vld [tilespmem:s0+$0x70];
	[tilespmem:s19+$0xC0] =	vst v33  }
0xb6: {  	v33 =	vld [tilespmem:s4+$0x10];
	[tilespmem:s19+$0xFFFFFF80] =	vst v28;
	v28 =	vmul.f32 v43, v31;
	v31 =	vunpack.i.u.bf16.f32 v34;
	v34 =	vperm.xlane v46, v5  }
0xb7: {  	v32 =	vmul.f32 v52, v32;
	v37 =	vadd.f32 v41, v37;
	[tilespmem:s19+$0xFFFFFFF0] =	vst v46;
	v41 =	vperm.xlane v46, v2  }
0xb8: {  	v31 =	vmul.f32 v47, v31;
	v43 =	vunpack.i.l.bf16.f32 v48;
	[tilespmem:s19+$0xFFFFFF70] =	vst v28;
	v28 =	vperm.xlane v46, v3  }
0xb9: {  	v44 =	vunpack.i.l.bf16.f32 v44;
	v38 =	vadd.f32 v38, v43;
	[tilespmem:s19+$0xFFFFFF60] =	vst v32;
	v32 =	vmul.f32 v34, v53  }
0xba: {  	v43 =	vperm.xlane v46, v1;
	v30 =	vadd.f32 v30, v44;
	v34 =	vunpack.i.l.bf16.f32 v51;
	[tilespmem:s19+$0xFFFFFFE0] =	vst v31  }
0xbb: {  	v21 =	vperm.xlane v21, v4;
	v31 =	vmul.f32 $2.000000030e-01, v38;
	v33 =	vadd.f32 v33, v34;
	[tilespmem:s19+$0xFFFFFFD0] =	vst v32  }
0xbc: {  	v22 =	vunpack.i.u.bf16.f32 v22;
	v34 =	vmul.f32 $2.000000030e-01, v37;
	v32 =	vmul.f32 $2.000000030e-01, v30  }
0xbd: {  	v22 =	vmul.f32 v50, v22;
	v31 =	vmax.f32 v38, v31;
	v38 =	vmul.f32 $2.000000030e-01, v33  }
0xbe: {  	v30 =	vmax.f32 v30, v32;
	v32 =	vmul.f32 $1.442695020e+00, v31;
	v31 =	vmax.f32 v37, v34;
	[tilespmem:s19+$0xFFFFFF20] =	vst v35;
	v34 =	vld [tilespmem:s2+$0x0];
	s2 =	smov.u32 s0  }
0xbf: {  	v30 =	vmul.f32 $1.442695020e+00, v30;
	v31 =	vmul.f32 $1.442695020e+00, v31;
	v33 =	vmax.f32 v33, v38;
	[tilespmem:s19+$0xFFFFFF30] =	vst v22  }
0xc0: {  	v23 =	vmul.f32 v24, v23;
	v35 =	vunpack.i.l.bf16.f32 v19;
	v22 =	vmul.f32 $1.442695020e+00, v33  }
0xc1: {  	v16 =	vmul.f32 v40, v16;
	v19 =	vunpack.i.u.bf16.f32 v19;
	v24 =	vld [tilespmem:s0+$0x20];
	(erf) = vpow2.f32 v30  }
0xc2: {  	v30 =	vunpack.i.u.bf16.f32 v8;
	v8 =	vmovc v36;
	(erf) = vpow2.f32 v22;
	v22 =	vperm.xlane v20, v2;
	[tilespmem:s19+$0x70] =	vst v23  }
0xc3: {  	(erf) = vpow2.f32 v31;
	v23 =	vunpack.i.u.bf16.f32 v34;
	[tilespmem:s19+$0x50] =	vst v16;
	v16 =	vmul.f32 v21, v30  }
0xc4: {  	v33 =	vmul.f32 v29, v15;
	v30 =	vunpack.i.l.bf16.f32 v34;
	v21 =	vld [tilespmem:s0+$0x10];
	[tilespmem:s19+$0x60] =	vst v20;
	v20 =	vmul.f32 v22, v23  }
0xc5: {  	v18 =	vmul.f32 v45, v18;
	v15 =	vunpack.i.l.bf16.f32 v12;
	v30 =	vmul.f32 v42, v30;
	v12 =	vld [tilespmem:s0+$0xFFFFFFC0];
	[tilespmem:s19+$0xA0] =	vst v16  }
0xc6: {  	v15 =	vmul.f32 v43, v15;
	v31 =	vld [tilespmem:s0+$0xFFFFFFA0];
	v16 =	vunpack.i.u.bf16.f32 v24;
	(erf) = vpow2.f32 v32;
	[tilespmem:s19+$0x10] =	vst v20  }
0xc7: {  	v19 =	vmul.f32 v39, v19;
	v36 =	vmul.f32 v28, v35;
	[tilespmem:s19+$0x20] =	vst v18;
	v18 =	vunpack.i.u.bf16.f32 v13;
	v13 =	vld [tilespmem:s0+$0x40]  }
.Ltmp1:
0xc8: {  	v29 =	vmul.f32 v54, v7;
	v7 =	vmovc v49;
	v23 =	vmul.f32 v41, v14;
	v20 =	vunpack.i.l.bf16.f32 v24;
	v22 =	vld [tilespmem:s0+$0xFFFFFF80];
	[tilespmem:s19+$0xFFFFFF90] =	vst v15;
	(pc) =	sbr.rel @p1 .LBB2_5-.Ltmp1, $4  }
0xc9: {  	v38 =	vmul.f32 v27, v11;
	v11 =	vmovc v20;
	v17 =	vmul.f32 v17, v18;
	v15 =	vunpack.i.u.bf16.f32 v21;
	[tilespmem:s19+$0xFFFFFFC0] =	vst v19  }
0xca: {  	v37 =	vmul.f32 v25, v26;
	v18 =	vunpack.i.l.bf16.f32 v21;
	v14 =	vunpack.i.u.bf16.f32 v12;
	v19 =	vld [tilespmem:s0+$0xFFFFFFD0];
	v28 =	vpop (erf);
	[tilespmem:s19+$0xFFFFFFA0] =	vst v23  }
0xcb: {  	v39 =	vld [tilespmem:s0+$0xFFFFFF90];
	v32 =	vunpack.i.l.bf16.f32 v31;
	v35 =	vperm.xlane v28, v1;
	v40 =	vperm.xlane v28, v4;
	v21 =	vpop (erf);
	[tilespmem:s19+$0x80] =	vst v17  }
0xcc: {  	s0 =	sadd.s32 $0x100, s0;
	v34 =	vld [tilespmem:s2+$0xFFFFFFE0];
	v23 =	vunpack.i.l.bf16.f32 v13;
	v24 =	vperm.xlane v21, v1;
	v17 =	vperm.xlane v21, v2;
	v20 =	vpop (erf);
	[tilespmem:s19+$0xB0] =	vst v29  }
0xcd: {  	[tilespmem:s19+$0xFFFFFFB0] =	vst v36  }
0xce: {  	[tilespmem:s19+$0x30] =	vst v33  }
0xcf: {  	[tilespmem:s19+$0x40] =	vst v38  }
0xd0: {  	[tilespmem:s19+$0x0] =	vst v30  }
0xd1: {  	v27 =	vperm.xlane v21, v6;
	[tilespmem:s19+$0x90] =	vst v37  }
0xd2: {  	v10 =	vunpack.i.u.bf16.f32 v10;
	[tilespmem:s20+$0xD0] =	vst v21;
	v23 =	vmul.f32 v24, v23  }
0xd3: {  	[tilespmem:s20+$0xFFFFFF80] =	vst v28;
	v10 =	vmul.f32 v27, v10  }
0xd4: {  	v26 =	vperm.xlane v28, v3;
	v25 =	vunpack.i.u.bf16.f32 v39;
	[tilespmem:s20+$0x70] =	vst v23  }
0xd5: {  	v24 =	vperm.xlane v21, v4;
	v29 =	vunpack.i.l.bf16.f32 v39;
	v25 =	vmul.f32 v40, v25;
	v27 =	vpop (erf);
	[tilespmem:s20+$0xC0] =	vst v10  }
0xd6: {  	v8 =	vunpack.i.u.bf16.f32 v8;
	v26 =	vmul.f32 v26, v29;
	v29 =	vperm.xlane v28, v5;
	[tilespmem:s20+$0xFFFFFFF0] =	vst v27  }
0xd7: {  	v8 =	vmul.f32 v24, v8;
	[tilespmem:s20+$0xFFFFFF50] =	vst v25;
	v25 =	vperm.xlane v28, v6  }
0xd8: {  	v10 =	vperm.xlane v27, v6;
	[tilespmem:s20+$0xFFFFFF40] =	vst v26;
	v26 =	vunpack.i.u.bf16.f32 v31;
	v29 =	vmul.f32 v29, v32  }
0xd9: {  	[tilespmem:s20+$0xA0] =	vst v8;
	v8 =	vperm.xlane v27, v2;
	v25 =	vmul.f32 v25, v26;
	v26 =	vunpack.i.u.bf16.f32 v34  }
0xda: {  	v30 =	vperm.xlane v27, v5;
	[tilespmem:s20+$0xFFFFFF60] =	vst v29;
	v10 =	vmul.f32 v10, v26  }
0xdb: {  	v31 =	vunpack.i.l.bf16.f32 v34;
	v8 =	vmul.f32 v8, v14;
	v26 =	vperm.xlane v28, v2;
	[tilespmem:s20+$0xFFFFFF70] =	vst v25  }
0xdc: {  	v28 =	vmul.f32 v30, v31;
	v25 =	vunpack.i.l.bf16.f32 v22;
	[tilespmem:s20+$0xFFFFFFE0] =	vst v10;
	v10 =	vunpack.i.u.bf16.f32 v22;
	v22 =	vld [tilespmem:s2+$0x0]  }
0xdd: {  	v29 =	vperm.xlane v20, v6;
	[tilespmem:s20+$0xFFFFFFA0] =	vst v8;
	v10 =	vmul.f32 v26, v10  }
0xde: {  	v25 =	vmul.f32 v35, v25;
	[tilespmem:s20+$0xFFFFFFD0] =	vst v28  }
0xdf: {  	v23 =	vperm.xlane v20, v3;
	[tilespmem:s20+$0xFFFFFF30] =	vst v10;
	v10 =	vmul.f32 v29, v16  }
0xe0: {  	[tilespmem:s20+$0xFFFFFF20] =	vst v25;
	v16 =	vperm.xlane v20, v2  }
0xe1: {  	v18 =	vmul.f32 v23, v18;
	v25 =	vunpack.i.u.bf16.f32 v22;
	[tilespmem:s20+$0x50] =	vst v10;
	v10 =	vperm.xlane v27, v1  }
0xe2: {  	v12 =	vunpack.i.l.bf16.f32 v12;
	v24 =	vperm.xlane v27, v4;
	[tilespmem:s20+$0x60] =	vst v20;
	v16 =	vmul.f32 v16, v25  }
0xe3: {  	v23 =	vunpack.i.u.bf16.f32 v19;
	v8 =	vperm.xlane v20, v5;
	[tilespmem:s20+$0x20] =	vst v18;
	v10 =	vmul.f32 v10, v12  }
0xe4: {  	v12 =	vmul.f32 v24, v23;
	[tilespmem:s20+$0x10] =	vst v16  }
0xe5: {  	v13 =	vunpack.i.u.bf16.f32 v13;
	v8 =	vmul.f32 v8, v11;
	v16 =	vperm.xlane v21, v5;
	[tilespmem:s20+$0xFFFFFF90] =	vst v10  }
0xe6: {  	v10 =	vperm.xlane v27, v3;
	[tilespmem:s20+$0xFFFFFFC0] =	vst v12;
	v12 =	vmul.f32 v17, v13  }
0xe7: {  	v14 =	vunpack.i.l.bf16.f32 v19;
	[tilespmem:s20+$0x40] =	vst v8;
	v13 =	vperm.xlane v20, v4;
	v7 =	vmul.f32 v16, v7  }
0xe8: {  	v10 =	vmul.f32 v10, v14;
	[tilespmem:s20+$0x80] =	vst v12;
	v12 =	vperm.xlane v20, v1  }
0xe9: {  	v13 =	vmul.f32 v13, v15;
	v14 =	vunpack.i.l.bf16.f32 v22;
	[tilespmem:s20+$0xB0] =	vst v7;
	v7 =	vperm.xlane v21, v3  }
0xea: {  	[tilespmem:s20+$0xFFFFFFB0] =	vst v10;
	v10 =	vmul.f32 v12, v14  }
0xeb: {  	[tilespmem:s20+$0x30] =	vst v13;
	v7 =	vmul.f32 v7, v9  }
0xec: {  	[tilespmem:s20+$0x0] =	vst v10  }
0xed: {  	s0 =	simm.s32 @!p0 $0xA;
	[tilespmem:s20+$0x90] =	vst v7  }
0xee: {  	[spmem:s3] =	stream.indirect.scatter.add.f32 [tilespmem:s25], [sflag:$0x9], $0x70, s30, s30, $0xb8;
	[tilespmem:$0x173E0] =	vst v63  }
0xef: {  	_ =	swait.ge @!p0 [sflag:s0], $0x1C00  }
0xf0: {  	s20 =	rddreg [dreg:$0x11]  }
0xf1: {  	s2 =	sadd.s32 s31, s20  }
0xf2: {  	[sflag:s0] =	ssyncset.done @!p0 $0x0;
	s2 =	sshrl.u32 s2, $0x3  }
0xf3: {  	s22 =	simm.s32 $0x0;
	[sflag:s0] =	ssyncadd.s32 @!p0 $0xFFFFE400;
	s21 =	sadd.s32 s6, s2  }
0xf4: {  	[tilespmem:s14], [sflag:$0x4] =	stream.linear.gather [hbm4b:s21+s22], $0x80, $0x38;
	[tilespmem:$0x173E0] =	vst v63  }
0xf5: {  	_ =	swait.ge [sflag:s15], $0x80  }
0xf6: {  	[sflag:s15] =	ssyncset.done $0x0  }
0xf7: {  	s4 =	simm.s32 $0x200;
	s19 =	simm.s32 $0x100;
	[sflag:s15] =	ssyncadd.s32 $0xFFFFFF80  }
0xf8: {  	[tilespmem:s4], [sflag:$0x5] =	stream.indirect.gather [hbm4b:s1+s30], $0x40, s19, s30, $0xb8;
	[tilespmem:$0x173E0] =	vst v63  }
0xf9: {  	s20 =	simm.s32 $0x2200  }
0xfa: {  	[tilespmem:s20], [sflag:$0x7] =	stream.indirect.gather [hbm4b:s5+s30], $0x10, s17, s30, $0xb8;
	[tilespmem:$0x173E0] =	vst v63  }
0xfb: {  	_ =	swait.ge [sflag:s18], $0x1000  }
0xfc: {  	[sflag:s18] =	ssyncset.done $0x0  }
0xfd: {  	[sflag:s18] =	ssyncadd.s32 $0xFFFFF000  }
0xfe: {  	_ =	swait.ge [sflag:s23], $0x400  }
0xff: {  	[sflag:s23] =	ssyncset.done $0x0  }
0x100: {  	s21 =	simm.s32 $0x1280;
	[sflag:s23] =	ssyncadd.s32 $0xFFFFFC00  }
0x101: {  	s22 =	simm.s32 $0x2620;
	v9 =	vld [tilespmem:s21+$0xFFFFFFB0]  }
0x102: {  	v8 =	vld [tilespmem:s22+$0xFFFFFFE0]  }
0x103: {  	v10 =	vld [tilespmem:s21+$0x70]  }
0x104: {  	v11 =	vld [tilespmem:s22+$0x10]  }
0x105: {  	v7 =	vld [tilespmem:s21+$0x30]  }
0x106: {  	v12 =	vld [tilespmem:s22+$0x0];
	v9 =	vunpack.i.l.bf16.f32 v9  }
0x107: {  	v8 =	vadd.f32 v8, v9  }
0x108: {  	v9 =	vunpack.i.l.bf16.f32 v10  }
0x109: {  	v9 =	vadd.f32 v11, v9;
	v11 =	vmul.f32 $2.000000030e-01, v8  }
0x10a: {  	v13 =	vld [tilespmem:s21+$0xFFFFFFF0];
	v7 =	vunpack.i.l.bf16.f32 v7  }
0x10b: {  	v10 =	vld [tilespmem:s22+$0xFFFFFFF0];
	v7 =	vadd.f32 v12, v7;
	v12 =	vmul.f32 $2.000000030e-01, v9;
	v8 =	vmax.f32 v8, v11  }
0x10c: {  	v8 =	vmul.f32 $1.442695020e+00, v8  }
0x10d: {  	v14 =	vmul.f32 $2.000000030e-01, v7;
	v9 =	vmax.f32 v9, v12  }
0x10e: {  	v16 =	vld [tilespmem:s21+$0x60];
	v9 =	vmul.f32 $1.442695020e+00, v9;
	(erf) = vpow2.f32 v8  }
0x10f: {  	v21 =	vld [tilespmem:s21+$0xFFFFFFA0];
	v11 =	vunpack.i.l.bf16.f32 v13  }
0x110: {  	s2 =	simm.s32 $0x1380;
	v22 =	vld [tilespmem:s21+$0xFFFFFF80];
	v7 =	vmax.f32 v7, v14;
	v10 =	vadd.f32 v10, v11;
	(erf) = vpow2.f32 v9  }
0x111: {  	v57 =	vld [tilespmem:s2+$0x30];
	v7 =	vmul.f32 $1.442695020e+00, v7  }
0x112: {  	v8 =	vmul.f32 $2.000000030e-01, v10;
	v9 =	vld [tilespmem:s21+$0x20]  }
0x113: {  	(erf) = vpow2.f32 v7  }
0x114: {  	v30 =	vld [tilespmem:s21+$0xFFFFFFE0];
	v7 =	vmax.f32 v10, v8  }
0x115: {  	v15 =	vunpack.i.l.bf16.f32 v16;
	v27 =	vunpack.i.l.bf16.f32 v21;
	v7 =	vmul.f32 $1.442695020e+00, v7  }
0x116: {  	s4 =	simm.s32 $0x2660;
	v58 =	vunpack.i.l.bf16.f32 v22;
	v16 =	vunpack.i.u.bf16.f32 v16;
	v21 =	vunpack.i.u.bf16.f32 v21  }
0x117: {  	v44 =	vld [tilespmem:s4+$0x0];
	v34 =	vunpack.i.l.bf16.f32 v57;
	(erf) = vpow2.f32 v7;
	v23 =	vunpack.i.u.bf16.f32 v9;
	v26 =	vpop (erf)  }
0x118: {  	v13 =	vld [tilespmem:s21+$0xFFFFFFC0];
	v14 =	vunpack.i.l.bf16.f32 v9;
	v9 =	vperm.xlane v26, v1;
	v28 =	vperm.xlane v26, v4  }
0x119: {  	v54 =	vunpack.i.l.bf16.f32 v30;
	v7 =	vld [tilespmem:s21+$0xFFFFFF90];
	v29 =	vpop (erf);
	v59 =	vperm.xlane v26, v6;
	v50 =	vperm.xlane v26, v2  }
0x11a: {  	v30 =	vunpack.i.u.bf16.f32 v30;
	v53 =	vperm.xlane v26, v5;
	v32 =	vperm.xlane v29, v1  }
0x11b: {  	v22 =	vunpack.i.u.bf16.f32 v22;
	v11 =	vld [tilespmem:s21+$0x40];
	v19 =	vperm.xlane v29, v2;
	v20 =	vperm.xlane v29, v3  }
0x11c: {  	v34 =	vadd.f32 v44, v34;
	v8 =	vld [tilespmem:s21+$0x10];
	v33 =	vpop (erf);
	v60 =	vperm.xlane v29, v6;
	v55 =	vperm.xlane v29, v5  }
0x11d: {  	v18 =	vunpack.i.u.bf16.f32 v13;
	v36 =	vperm.xlane v33, v4;
	v38 =	vperm.xlane v33, v5  }
0x11e: {  	v48 =	vld [tilespmem:s2+$0xFFFFFFF0];
	v43 =	vunpack.i.u.bf16.f32 v7;
	v39 =	vperm.xlane v33, v3;
	v35 =	vmul.f32 v9, v58  }
0x11f: {  	v42 =	vld [tilespmem:s4+$0xFFFFFFF0];
	v13 =	vunpack.i.l.bf16.f32 v13;
	v9 =	vperm.xlane v26, v3;
	v28 =	vmul.f32 v28, v43  }
0x120: {  	v62 =	vld [tilespmem:s2+$0xFFFFFFB0];
	v31 =	vunpack.i.l.bf16.f32 v11;
	v47 =	vperm.xlane v33, v1;
	v49 =	vperm.xlane v33, v6  }
0x121: {  	v45 =	vld [tilespmem:s4+$0xFFFFFFE0];
	v24 =	vunpack.i.u.bf16.f32 v8;
	v21 =	vmul.f32 v59, v21;
	v27 =	vmul.f32 v53, v27  }
0x122: {  	s19 =	simm.s32 $0x46E0;
	v52 =	vld [tilespmem:s2+$0x70];
	v7 =	vunpack.i.l.bf16.f32 v7;
	v22 =	vmul.f32 v50, v22;
	v16 =	vmul.f32 v60, v16  }
0x123: {  	v53 =	vunpack.i.l.bf16.f32 v48;
	v41 =	vpop (erf);
	v46 =	vmul.f32 v9, v7;
	[tilespmem:s19+$0xFFFFFF50] =	vst v28;
	v28 =	vld [tilespmem:s4+$0x10];
	v38 =	vmul.f32 v38, v14  }
0x124: {  	[tilespmem:s19+$0xFFFFFF80] =	vst v26;
	v57 =	vadd.f32 v42, v53;
	v61 =	vperm.xlane v41, v6;
	v51 =	vperm.xlane v41, v4  }
0x125: {  	v12 =	vld [tilespmem:s21+$0x50];
	v63 =	vperm.xlane v41, v5;
	v44 =	vperm.xlane v41, v2;
	[tilespmem:s19+$0xC0] =	vst v16;
	v16 =	vunpack.i.l.bf16.f32 v62  }
0x126: {  	[tilespmem:s19+$0xD0] =	vst v29;
	v56 =	vperm.xlane v41, v3;
	v59 =	vperm.xlane v41, v1;
	v16 =	vadd.f32 v45, v16  }
0x127: {  	v26 =	vunpack.i.l.bf16.f32 v52;
	[tilespmem:s19+$0xFFFFFF70] =	vst v21;
	v60 =	vmul.f32 $2.000000030e-01, v57;
	v30 =	vmul.f32 v61, v30  }
0x128: {  	[tilespmem:s19+$0xFFFFFF60] =	vst v27;
	v37 =	vmul.f32 v63, v54;
	v21 =	vmul.f32 $2.000000030e-01, v16;
	v26 =	vadd.f32 v28, v26  }
0x129: {  	v10 =	vld [tilespmem:s2+$0x60];
	v25 =	vunpack.i.l.bf16.f32 v8;
	[tilespmem:s19+$0xFFFFFF20] =	vst v35;
	v28 =	vperm.xlane v29, v4;
	v29 =	vmul.f32 $2.000000030e-01, v34  }
0x12a: {  	v8 =	vld [tilespmem:s2+$0x50];
	[tilespmem:s19+$0xFFFFFF30] =	vst v22;
	v27 =	vmax.f32 v57, v60;
	v16 =	vmax.f32 v16, v21;
	v61 =	vmul.f32 $2.000000030e-01, v26  }
0x12b: {  	v58 =	vld [tilespmem:s21+$0xFFFFFFD0];
	[tilespmem:s19+$0xFFFFFFF0] =	vst v41;
	v21 =	vmul.f32 $1.442695020e+00, v27;
	v27 =	vmax.f32 v34, v29;
	v16 =	vmul.f32 $1.442695020e+00, v16  }
0x12c: {  	[tilespmem:s19+$0xFFFFFFE0] =	vst v30;
	v30 =	vmul.f32 v32, v31;
	v27 =	vmul.f32 $1.442695020e+00, v27;
	v26 =	vmax.f32 v26, v61  }
0x12d: {  	v17 =	vunpack.i.l.bf16.f32 v12;
	[tilespmem:s19+$0xFFFFFF40] =	vst v46;
	v29 =	vld [tilespmem:s21+$0x0];
	(erf) = vpow2.f32 v16;
	v26 =	vmul.f32 $1.442695020e+00, v26  }
0x12e: {  	v12 =	vunpack.i.u.bf16.f32 v12;
	[tilespmem:s19+$0xFFFFFFD0] =	vst v37;
	v16 =	vmul.f32 v49, v23;
	v23 =	vperm.xlane v33, v2  }
0x12f: {  	v9 =	vunpack.i.l.bf16.f32 v8;
	v22 =	vld [tilespmem:s2+$0x20];
	[tilespmem:s19+$0x60] =	vst v33;
	v33 =	vmul.f32 v36, v24;
	(erf) = vpow2.f32 v26  }
0x130: {  	v7 =	vunpack.i.l.bf16.f32 v10;
	v31 =	vld [tilespmem:s2+$0xFFFFFFA0];
	[tilespmem:s19+$0x70] =	vst v30;
	v24 =	vmul.f32 v39, v25;
	(erf) = vpow2.f32 v27  }
0x131: {  	v62 =	vunpack.i.l.bf16.f32 v58;
	v37 =	vmul.f32 v20, v17;
	[tilespmem:s19+$0x50] =	vst v16;
	v16 =	vmul.f32 v28, v12;
	v12 =	vld [tilespmem:s2+$0xFFFFFFC0]  }
0x132: {  	[tilespmem:s19+$0x20] =	vst v24;
	v26 =	vunpack.i.u.bf16.f32 v29;
	v27 =	vld [tilespmem:s2+$0x10];
	(erf) = vpow2.f32 v21;
	v21 =	vmul.f32 v59, v13  }
0x133: {  	v63 =	vunpack.i.u.bf16.f32 v58;
	v25 =	vmul.f32 v55, v15;
	v23 =	vmul.f32 v23, v26;
	[tilespmem:s19+$0xA0] =	vst v16  }
0x134: {  	v24 =	vunpack.i.u.bf16.f32 v11;
	v28 =	vunpack.i.l.bf16.f32 v29;
	v13 =	vld [tilespmem:s2+$0x40];
	[tilespmem:s19+$0xFFFFFF90] =	vst v21;
	v21 =	vmul.f32 v44, v18  }
0x135: {  	v11 =	vunpack.i.l.bf16.f32 v22;
	v16 =	vunpack.i.u.bf16.f32 v22;
	v22 =	vld [tilespmem:s2+$0xFFFFFF80];
	[tilespmem:s19+$0x10] =	vst v23;
	v23 =	vmul.f32 v51, v63  }
0x136: {  	v36 =	vmul.f32 v56, v62;
	v32 =	vunpack.i.l.bf16.f32 v31;
	[tilespmem:s19+$0xB0] =	vst v25;
	v30 =	vmul.f32 v47, v28  }
0x137: {  	v34 =	vld [tilespmem:s2+$0xFFFFFFE0];
	v14 =	vunpack.i.u.bf16.f32 v12;
	[tilespmem:s19+$0xFFFFFFC0] =	vst v23;
	v23 =	vmul.f32 v19, v24;
	v15 =	vunpack.i.u.bf16.f32 v27;
	v28 =	vpop (erf)  }
0x138: {  	s0 =	simm.s32 $0x1480;
	v39 =	vld [tilespmem:s2+$0xFFFFFF90];
	v18 =	vunpack.i.l.bf16.f32 v27;
	[tilespmem:s19+$0xFFFFFFA0] =	vst v21;
	v35 =	vperm.xlane v28, v1;
	v40 =	vperm.xlane v28, v4;
	v21 =	vpop (erf)  }
0x139: {  	s20 =	simm.s32 $0x48A0;
	s22 =	simm.s32 $0x48A0;
	s21 =	simm.s32 $0x4;
	v19 =	vld [tilespmem:s2+$0xFFFFFFD0];
	[tilespmem:s19+$0x80] =	vst v23;
	v23 =	vunpack.i.l.bf16.f32 v13;
	v24 =	vperm.xlane v21, v1;
	v17 =	vperm.xlane v21, v2;
	v20 =	vpop (erf)  }
.LBB2_7:
0x13a: {  	v41 =	vld [tilespmem:s0+$0x30];
	s21 =	sadd.s32 $0x4, s21;
	v42 =	vunpack.i.l.bf16.f32 v22;
	v29 =	vperm.xlane v20, v4;
	v25 =	vperm.xlane v21, v3;
	s22 =	sadd.s32 $0x1C0, s22;
	s4 =	sadd.s32 $0x40, s4;
	[tilespmem:s19+$0xFFFFFFB0] =	vst v36;
	v26 =	vmovc v9  }
0x13b: {  	v43 =	vperm.xlane v28, v6;
	v27 =	vperm.xlane v20, v5;
	v44 =	vunpack.i.u.bf16.f32 v10;
	v36 =	vld [tilespmem:s0+$0x50];
	p0 =	slt.u32 s21, $0x3C;
	[tilespmem:s19+$0x30] =	vst v33  }
0x13c: {  	v31 =	vunpack.i.u.bf16.f32 v31;
	v45 =	vperm.xlane v20, v3;
	v33 =	vperm.xlane v21, v6;
	v10 =	vld [tilespmem:s0+$0x60];
	v46 =	vpop (erf);
	[tilespmem:s19+$0x40] =	vst v38  }
0x13d: {  	v35 =	vmul.f32 v35, v42;
	v42 =	vperm.xlane v28, v3;
	v38 =	vld [tilespmem:s4+$0xFFFFFFF0];
	v9 =	vunpack.i.u.bf16.f32 v39;
	[tilespmem:s19+$0x0] =	vst v30  }
0x13e: {  	v39 =	vunpack.i.l.bf16.f32 v39;
	v47 =	vperm.xlane v46, v6;
	v30 =	vld [tilespmem:s4+$0xFFFFFFE0];
	v40 =	vmul.f32 v40, v9;
	[tilespmem:s19+$0x90] =	vst v37;
	s19 =	smov.u32 s20;
	s20 =	smov.u32 s22  }
0x13f: {  	v39 =	vmul.f32 v42, v39;
	v42 =	vperm.xlane v20, v1;
	v37 =	vunpack.i.l.bf16.f32 v41;
	v41 =	vld [tilespmem:s4+$0x0];
	[tilespmem:s19+$0xD0] =	vst v21  }
0x140: {  	v33 =	vmul.f32 v33, v44;
	v48 =	vld [tilespmem:s0+$0xFFFFFFF0];
	v9 =	vunpack.i.l.bf16.f32 v36;
	[tilespmem:s19+$0xFFFFFF50] =	vst v40;
	v40 =	vperm.xlane v20, v6  }
0x141: {  	v50 =	vperm.xlane v28, v2;
	v44 =	vld [tilespmem:s0+$0xFFFFFFB0];
	v49 =	vunpack.i.l.bf16.f32 v10;
	[tilespmem:s19+$0xFFFFFF40] =	vst v39;
	v39 =	vperm.xlane v46, v4  }
0x142: {  	v52 =	vperm.xlane v28, v5;
	v54 =	vperm.xlane v21, v5;
	v53 =	vunpack.i.l.bf16.f32 v34;
	v51 =	vld [tilespmem:s0+$0x70];
	[tilespmem:s19+$0xC0] =	vst v33  }
0x143: {  	v33 =	vld [tilespmem:s4+$0x10];
	[tilespmem:s19+$0xFFFFFF80] =	vst v28;
	v28 =	vmul.f32 v43, v31;
	v31 =	vunpack.i.u.bf16.f32 v34;
	v34 =	vperm.xlane v46, v5  }
0x144: {  	v32 =	vmul.f32 v52, v32;
	v37 =	vadd.f32 v41, v37;
	[tilespmem:s19+$0xFFFFFFF0] =	vst v46;
	v41 =	vperm.xlane v46, v2  }
0x145: {  	v31 =	vmul.f32 v47, v31;
	v43 =	vunpack.i.l.bf16.f32 v48;
	[tilespmem:s19+$0xFFFFFF70] =	vst v28;
	v28 =	vperm.xlane v46, v3  }
0x146: {  	v44 =	vunpack.i.l.bf16.f32 v44;
	v38 =	vadd.f32 v38, v43;
	[tilespmem:s19+$0xFFFFFF60] =	vst v32;
	v32 =	vmul.f32 v34, v53  }
0x147: {  	v43 =	vperm.xlane v46, v1;
	v30 =	vadd.f32 v30, v44;
	v34 =	vunpack.i.l.bf16.f32 v51;
	[tilespmem:s19+$0xFFFFFFE0] =	vst v31  }
0x148: {  	v21 =	vperm.xlane v21, v4;
	v31 =	vmul.f32 $2.000000030e-01, v38;
	v33 =	vadd.f32 v33, v34;
	[tilespmem:s19+$0xFFFFFFD0] =	vst v32  }
0x149: {  	v22 =	vunpack.i.u.bf16.f32 v22;
	v34 =	vmul.f32 $2.000000030e-01, v37;
	v32 =	vmul.f32 $2.000000030e-01, v30  }
0x14a: {  	v22 =	vmul.f32 v50, v22;
	v31 =	vmax.f32 v38, v31;
	v38 =	vmul.f32 $2.000000030e-01, v33  }
0x14b: {  	v30 =	vmax.f32 v30, v32;
	v32 =	vmul.f32 $1.442695020e+00, v31;
	v31 =	vmax.f32 v37, v34;
	[tilespmem:s19+$0xFFFFFF20] =	vst v35;
	v34 =	vld [tilespmem:s2+$0x0];
	s2 =	smov.u32 s0  }
0x14c: {  	v30 =	vmul.f32 $1.442695020e+00, v30;
	v31 =	vmul.f32 $1.442695020e+00, v31;
	v33 =	vmax.f32 v33, v38;
	[tilespmem:s19+$0xFFFFFF30] =	vst v22  }
0x14d: {  	v23 =	vmul.f32 v24, v23;
	v35 =	vunpack.i.l.bf16.f32 v19;
	v22 =	vmul.f32 $1.442695020e+00, v33  }
0x14e: {  	v16 =	vmul.f32 v40, v16;
	v19 =	vunpack.i.u.bf16.f32 v19;
	v24 =	vld [tilespmem:s0+$0x20];
	(erf) = vpow2.f32 v30  }
0x14f: {  	v30 =	vunpack.i.u.bf16.f32 v8;
	v8 =	vmovc v36;
	(erf) = vpow2.f32 v22;
	v22 =	vperm.xlane v20, v2;
	[tilespmem:s19+$0x70] =	vst v23  }
0x150: {  	(erf) = vpow2.f32 v31;
	v23 =	vunpack.i.u.bf16.f32 v34;
	[tilespmem:s19+$0x50] =	vst v16;
	v16 =	vmul.f32 v21, v30  }
0x151: {  	v33 =	vmul.f32 v29, v15;
	v30 =	vunpack.i.l.bf16.f32 v34;
	v21 =	vld [tilespmem:s0+$0x10];
	[tilespmem:s19+$0x60] =	vst v20;
	v20 =	vmul.f32 v22, v23  }
0x152: {  	v18 =	vmul.f32 v45, v18;
	v15 =	vunpack.i.l.bf16.f32 v12;
	v30 =	vmul.f32 v42, v30;
	v12 =	vld [tilespmem:s0+$0xFFFFFFC0];
	[tilespmem:s19+$0xA0] =	vst v16  }
0x153: {  	v15 =	vmul.f32 v43, v15;
	v31 =	vld [tilespmem:s0+$0xFFFFFFA0];
	v16 =	vunpack.i.u.bf16.f32 v24;
	(erf) = vpow2.f32 v32;
	[tilespmem:s19+$0x10] =	vst v20  }
0x154: {  	v19 =	vmul.f32 v39, v19;
	v36 =	vmul.f32 v28, v35;
	[tilespmem:s19+$0x20] =	vst v18;
	v18 =	vunpack.i.u.bf16.f32 v13;
	v13 =	vld [tilespmem:s0+$0x40]  }
.Ltmp2:
0x155: {  	v29 =	vmul.f32 v54, v7;
	v7 =	vmovc v49;
	v23 =	vmul.f32 v41, v14;
	v20 =	vunpack.i.l.bf16.f32 v24;
	v22 =	vld [tilespmem:s0+$0xFFFFFF80];
	[tilespmem:s19+$0xFFFFFF90] =	vst v15;
	(pc) =	sbr.rel @p0 .LBB2_7-.Ltmp2, $4  }
0x156: {  	v38 =	vmul.f32 v27, v11;
	v11 =	vmovc v20;
	v17 =	vmul.f32 v17, v18;
	v15 =	vunpack.i.u.bf16.f32 v21;
	[tilespmem:s19+$0xFFFFFFC0] =	vst v19  }
0x157: {  	v37 =	vmul.f32 v25, v26;
	v18 =	vunpack.i.l.bf16.f32 v21;
	v14 =	vunpack.i.u.bf16.f32 v12;
	v19 =	vld [tilespmem:s0+$0xFFFFFFD0];
	v28 =	vpop (erf);
	[tilespmem:s19+$0xFFFFFFA0] =	vst v23  }
0x158: {  	v39 =	vld [tilespmem:s0+$0xFFFFFF90];
	v32 =	vunpack.i.l.bf16.f32 v31;
	v35 =	vperm.xlane v28, v1;
	v40 =	vperm.xlane v28, v4;
	v21 =	vpop (erf);
	[tilespmem:s19+$0x80] =	vst v17  }
0x159: {  	s0 =	sadd.s32 $0x100, s0;
	v34 =	vld [tilespmem:s2+$0xFFFFFFE0];
	v23 =	vunpack.i.l.bf16.f32 v13;
	v24 =	vperm.xlane v21, v1;
	v17 =	vperm.xlane v21, v2;
	v20 =	vpop (erf);
	[tilespmem:s19+$0xB0] =	vst v29  }
0x15a: {  	[tilespmem:s19+$0xFFFFFFB0] =	vst v36  }
0x15b: {  	[tilespmem:s19+$0x30] =	vst v33  }
0x15c: {  	[tilespmem:s19+$0x40] =	vst v38  }
0x15d: {  	[tilespmem:s19+$0x0] =	vst v30  }
0x15e: {  	v27 =	vperm.xlane v21, v6;
	[tilespmem:s19+$0x90] =	vst v37  }
0x15f: {  	v10 =	vunpack.i.u.bf16.f32 v10;
	[tilespmem:s20+$0xD0] =	vst v21;
	v23 =	vmul.f32 v24, v23  }
0x160: {  	[tilespmem:s20+$0xFFFFFF80] =	vst v28;
	v10 =	vmul.f32 v27, v10  }
0x161: {  	v26 =	vperm.xlane v28, v3;
	v25 =	vunpack.i.u.bf16.f32 v39;
	[tilespmem:s20+$0x70] =	vst v23  }
0x162: {  	v24 =	vperm.xlane v21, v4;
	v29 =	vunpack.i.l.bf16.f32 v39;
	v25 =	vmul.f32 v40, v25;
	v27 =	vpop (erf);
	[tilespmem:s20+$0xC0] =	vst v10  }
0x163: {  	v8 =	vunpack.i.u.bf16.f32 v8;
	v26 =	vmul.f32 v26, v29;
	v29 =	vperm.xlane v28, v5;
	[tilespmem:s20+$0xFFFFFFF0] =	vst v27  }
0x164: {  	v8 =	vmul.f32 v24, v8;
	[tilespmem:s20+$0xFFFFFF50] =	vst v25;
	v25 =	vperm.xlane v28, v6  }
0x165: {  	v10 =	vperm.xlane v27, v6;
	[tilespmem:s20+$0xFFFFFF40] =	vst v26;
	v26 =	vunpack.i.u.bf16.f32 v31;
	v29 =	vmul.f32 v29, v32  }
0x166: {  	[tilespmem:s20+$0xA0] =	vst v8;
	v8 =	vperm.xlane v27, v2;
	v25 =	vmul.f32 v25, v26;
	v26 =	vunpack.i.u.bf16.f32 v34  }
0x167: {  	v30 =	vperm.xlane v27, v5;
	[tilespmem:s20+$0xFFFFFF60] =	vst v29;
	v10 =	vmul.f32 v10, v26  }
0x168: {  	v31 =	vunpack.i.l.bf16.f32 v34;
	v8 =	vmul.f32 v8, v14;
	v26 =	vperm.xlane v28, v2;
	[tilespmem:s20+$0xFFFFFF70] =	vst v25  }
0x169: {  	v28 =	vmul.f32 v30, v31;
	v25 =	vunpack.i.l.bf16.f32 v22;
	[tilespmem:s20+$0xFFFFFFE0] =	vst v10;
	v10 =	vunpack.i.u.bf16.f32 v22;
	v22 =	vld [tilespmem:s2+$0x0]  }
0x16a: {  	v29 =	vperm.xlane v20, v6;
	[tilespmem:s20+$0xFFFFFFA0] =	vst v8;
	v10 =	vmul.f32 v26, v10  }
0x16b: {  	v25 =	vmul.f32 v35, v25;
	[tilespmem:s20+$0xFFFFFFD0] =	vst v28  }
0x16c: {  	v23 =	vperm.xlane v20, v3;
	[tilespmem:s20+$0xFFFFFF30] =	vst v10;
	v10 =	vmul.f32 v29, v16  }
0x16d: {  	[tilespmem:s20+$0xFFFFFF20] =	vst v25;
	v16 =	vperm.xlane v20, v2  }
0x16e: {  	v18 =	vmul.f32 v23, v18;
	v25 =	vunpack.i.u.bf16.f32 v22;
	[tilespmem:s20+$0x50] =	vst v10;
	v10 =	vperm.xlane v27, v1  }
0x16f: {  	v12 =	vunpack.i.l.bf16.f32 v12;
	v24 =	vperm.xlane v27, v4;
	[tilespmem:s20+$0x60] =	vst v20;
	v16 =	vmul.f32 v16, v25  }
0x170: {  	v23 =	vunpack.i.u.bf16.f32 v19;
	v8 =	vperm.xlane v20, v5;
	[tilespmem:s20+$0x20] =	vst v18;
	v10 =	vmul.f32 v10, v12  }
0x171: {  	v12 =	vmul.f32 v24, v23;
	[tilespmem:s20+$0x10] =	vst v16  }
0x172: {  	v13 =	vunpack.i.u.bf16.f32 v13;
	v8 =	vmul.f32 v8, v11;
	v16 =	vperm.xlane v21, v5;
	[tilespmem:s20+$0xFFFFFF90] =	vst v10  }
0x173: {  	v10 =	vperm.xlane v27, v3;
	[tilespmem:s20+$0xFFFFFFC0] =	vst v12;
	v12 =	vmul.f32 v17, v13  }
0x174: {  	v14 =	vunpack.i.l.bf16.f32 v19;
	[tilespmem:s20+$0x40] =	vst v8;
	v13 =	vperm.xlane v20, v4;
	v7 =	vmul.f32 v16, v7  }
0x175: {  	v10 =	vmul.f32 v10, v14;
	[tilespmem:s20+$0x80] =	vst v12;
	v12 =	vperm.xlane v20, v1  }
0x176: {  	v13 =	vmul.f32 v13, v15;
	v14 =	vunpack.i.l.bf16.f32 v22;
	[tilespmem:s20+$0xB0] =	vst v7;
	v7 =	vperm.xlane v21, v3  }
0x177: {  	[tilespmem:s20+$0xFFFFFFB0] =	vst v10;
	v10 =	vmul.f32 v12, v14  }
0x178: {  	[tilespmem:s20+$0x30] =	vst v13;
	v7 =	vmul.f32 v7, v9  }
0x179: {  	[tilespmem:s20+$0x0] =	vst v10  }
0x17a: {  	[tilespmem:s20+$0x90] =	vst v7  }
0x17b: {  	[spmem:s3] =	stream.indirect.scatter.add.f32 [tilespmem:s24], [sflag:$0xA], $0x70, s10, s30, $0xb8;
	[tilespmem:$0x173E0] =	vst v63  }
0x17c: {  	_ =	swait.ge [sflag:s16], $0x1C00  }
0x17d: {  	p0 =	seq.s32 s28, $0x28;
	s0 =	rddreg [dreg:$0x12]  }
0x17e: {  	s0 =	sadd.s32 @!p0 s31, s0  }
0x17f: {  	[sflag:s16] =	ssyncset.done $0x0;
	s0 =	sshrl.u32 @!p0 s0, $0x3  }
0x180: {  	s2 =	simm.s32 @!p0 $0x0;
	[sflag:s16] =	ssyncadd.s32 $0xFFFFE400;
	s0 =	sadd.s32 @!p0 s6, s0  }
0x181: {  	[tilespmem:s2], [sflag:$0x1] =	stream.linear.gather @!p0 [hbm4b:s0+s2], $0x80, $0x38;
	[tilespmem:$0x173E0] =	vst v63  }
0x182: {  	_ =	swait.ge [sflag:s29], $0x80  }
0x183: {  	[sflag:s29] =	ssyncset.done $0x0  }
0x184: {  	[sflag:s29] =	ssyncadd.s32 $0xFFFFFF80  }
0x185: {  	[tilespmem:s9], [sflag:$0x6] =	stream.indirect.gather [hbm4b:s1+s30], $0x40, s14, s30, $0xb8;
	[tilespmem:$0x173E0] =	vst v63  }
0x186: {  	_ = 	snop  }
0x187: {  	[tilespmem:s11], [sflag:$0x8] =	stream.indirect.gather [hbm4b:s5+s30], $0x10, s7, s30, $0xb8;
	[tilespmem:$0x173E0] =	vst v63  }
0x188: {  	_ =	swait.ge [sflag:s12], $0x1000  }
0x189: {  	[sflag:s12] =	ssyncset.done $0x0  }
0x18a: {  	[sflag:s12] =	ssyncadd.s32 $0xFFFFF000  }
0x18b: {  	_ =	swait.ge [sflag:s13], $0x400  }
0x18c: {  	[sflag:s13] =	ssyncset.done $0x0  }
0x18d: {  	s21 =	simm.s32 $0x280;
	[sflag:s13] =	ssyncadd.s32 $0xFFFFFC00  }
0x18e: {  	s22 =	simm.s32 $0x2220;
	v9 =	vld [tilespmem:s21+$0xFFFFFFB0]  }
0x18f: {  	v8 =	vld [tilespmem:s22+$0xFFFFFFE0]  }
0x190: {  	v10 =	vld [tilespmem:s21+$0x70]  }
0x191: {  	v11 =	vld [tilespmem:s22+$0x10]  }
0x192: {  	v7 =	vld [tilespmem:s21+$0x30]  }
0x193: {  	v12 =	vld [tilespmem:s22+$0x0];
	v9 =	vunpack.i.l.bf16.f32 v9  }
0x194: {  	v8 =	vadd.f32 v8, v9  }
0x195: {  	v9 =	vunpack.i.l.bf16.f32 v10  }
0x196: {  	v9 =	vadd.f32 v11, v9;
	v11 =	vmul.f32 $2.000000030e-01, v8  }
0x197: {  	v13 =	vld [tilespmem:s21+$0xFFFFFFF0];
	v7 =	vunpack.i.l.bf16.f32 v7  }
0x198: {  	v10 =	vld [tilespmem:s22+$0xFFFFFFF0];
	v7 =	vadd.f32 v12, v7;
	v12 =	vmul.f32 $2.000000030e-01, v9;
	v8 =	vmax.f32 v8, v11  }
0x199: {  	v8 =	vmul.f32 $1.442695020e+00, v8  }
0x19a: {  	v14 =	vmul.f32 $2.000000030e-01, v7;
	v9 =	vmax.f32 v9, v12  }
0x19b: {  	v16 =	vld [tilespmem:s21+$0x60];
	v9 =	vmul.f32 $1.442695020e+00, v9;
	(erf) = vpow2.f32 v8  }
0x19c: {  	v21 =	vld [tilespmem:s21+$0xFFFFFFA0];
	v11 =	vunpack.i.l.bf16.f32 v13  }
0x19d: {  	s2 =	simm.s32 $0x380;
	v22 =	vld [tilespmem:s21+$0xFFFFFF80];
	v7 =	vmax.f32 v7, v14;
	v10 =	vadd.f32 v10, v11;
	(erf) = vpow2.f32 v9  }
0x19e: {  	v57 =	vld [tilespmem:s2+$0x30];
	v7 =	vmul.f32 $1.442695020e+00, v7  }
0x19f: {  	v8 =	vmul.f32 $2.000000030e-01, v10;
	v9 =	vld [tilespmem:s21+$0x20]  }
0x1a0: {  	(erf) = vpow2.f32 v7  }
0x1a1: {  	v30 =	vld [tilespmem:s21+$0xFFFFFFE0];
	v7 =	vmax.f32 v10, v8  }
0x1a2: {  	v15 =	vunpack.i.l.bf16.f32 v16;
	v27 =	vunpack.i.l.bf16.f32 v21;
	v7 =	vmul.f32 $1.442695020e+00, v7  }
0x1a3: {  	s4 =	simm.s32 $0x2260;
	v58 =	vunpack.i.l.bf16.f32 v22;
	v16 =	vunpack.i.u.bf16.f32 v16;
	v21 =	vunpack.i.u.bf16.f32 v21  }
0x1a4: {  	v44 =	vld [tilespmem:s4+$0x0];
	v34 =	vunpack.i.l.bf16.f32 v57;
	(erf) = vpow2.f32 v7;
	v23 =	vunpack.i.u.bf16.f32 v9;
	v26 =	vpop (erf)  }
0x1a5: {  	v13 =	vld [tilespmem:s21+$0xFFFFFFC0];
	v14 =	vunpack.i.l.bf16.f32 v9;
	v9 =	vperm.xlane v26, v1;
	v28 =	vperm.xlane v26, v4  }
0x1a6: {  	v54 =	vunpack.i.l.bf16.f32 v30;
	v7 =	vld [tilespmem:s21+$0xFFFFFF90];
	v29 =	vpop (erf);
	v59 =	vperm.xlane v26, v6;
	v50 =	vperm.xlane v26, v2  }
0x1a7: {  	v30 =	vunpack.i.u.bf16.f32 v30;
	v53 =	vperm.xlane v26, v5;
	v32 =	vperm.xlane v29, v1  }
0x1a8: {  	v22 =	vunpack.i.u.bf16.f32 v22;
	v11 =	vld [tilespmem:s21+$0x40];
	v19 =	vperm.xlane v29, v2;
	v20 =	vperm.xlane v29, v3  }
0x1a9: {  	v34 =	vadd.f32 v44, v34;
	v8 =	vld [tilespmem:s21+$0x10];
	v33 =	vpop (erf);
	v60 =	vperm.xlane v29, v6;
	v55 =	vperm.xlane v29, v5  }
0x1aa: {  	v18 =	vunpack.i.u.bf16.f32 v13;
	v36 =	vperm.xlane v33, v4;
	v38 =	vperm.xlane v33, v5  }
0x1ab: {  	v48 =	vld [tilespmem:s2+$0xFFFFFFF0];
	v43 =	vunpack.i.u.bf16.f32 v7;
	v39 =	vperm.xlane v33, v3;
	v35 =	vmul.f32 v9, v58  }
0x1ac: {  	v42 =	vld [tilespmem:s4+$0xFFFFFFF0];
	v13 =	vunpack.i.l.bf16.f32 v13;
	v9 =	vperm.xlane v26, v3;
	v28 =	vmul.f32 v28, v43  }
0x1ad: {  	v62 =	vld [tilespmem:s2+$0xFFFFFFB0];
	v31 =	vunpack.i.l.bf16.f32 v11;
	v47 =	vperm.xlane v33, v1;
	v49 =	vperm.xlane v33, v6  }
0x1ae: {  	v45 =	vld [tilespmem:s4+$0xFFFFFFE0];
	v24 =	vunpack.i.u.bf16.f32 v8;
	v21 =	vmul.f32 v59, v21;
	v27 =	vmul.f32 v53, v27  }
0x1af: {  	s19 =	simm.s32 $0x2AE0;
	v52 =	vld [tilespmem:s2+$0x70];
	v7 =	vunpack.i.l.bf16.f32 v7;
	v22 =	vmul.f32 v50, v22;
	v16 =	vmul.f32 v60, v16  }
0x1b0: {  	v53 =	vunpack.i.l.bf16.f32 v48;
	v41 =	vpop (erf);
	v46 =	vmul.f32 v9, v7;
	[tilespmem:s19+$0xFFFFFF50] =	vst v28;
	v28 =	vld [tilespmem:s4+$0x10];
	v38 =	vmul.f32 v38, v14  }
0x1b1: {  	[tilespmem:s19+$0xFFFFFF80] =	vst v26;
	v57 =	vadd.f32 v42, v53;
	v61 =	vperm.xlane v41, v6;
	v51 =	vperm.xlane v41, v4  }
0x1b2: {  	v12 =	vld [tilespmem:s21+$0x50];
	v63 =	vperm.xlane v41, v5;
	v44 =	vperm.xlane v41, v2;
	[tilespmem:s19+$0xC0] =	vst v16;
	v16 =	vunpack.i.l.bf16.f32 v62  }
0x1b3: {  	[tilespmem:s19+$0xD0] =	vst v29;
	v56 =	vperm.xlane v41, v3;
	v59 =	vperm.xlane v41, v1;
	v16 =	vadd.f32 v45, v16  }
0x1b4: {  	v26 =	vunpack.i.l.bf16.f32 v52;
	[tilespmem:s19+$0xFFFFFF70] =	vst v21;
	v60 =	vmul.f32 $2.000000030e-01, v57;
	v30 =	vmul.f32 v61, v30  }
0x1b5: {  	[tilespmem:s19+$0xFFFFFF60] =	vst v27;
	v37 =	vmul.f32 v63, v54;
	v21 =	vmul.f32 $2.000000030e-01, v16;
	v26 =	vadd.f32 v28, v26  }
0x1b6: {  	v10 =	vld [tilespmem:s2+$0x60];
	v25 =	vunpack.i.l.bf16.f32 v8;
	[tilespmem:s19+$0xFFFFFF20] =	vst v35;
	v28 =	vperm.xlane v29, v4;
	v29 =	vmul.f32 $2.000000030e-01, v34  }
0x1b7: {  	v8 =	vld [tilespmem:s2+$0x50];
	[tilespmem:s19+$0xFFFFFF30] =	vst v22;
	v27 =	vmax.f32 v57, v60;
	v16 =	vmax.f32 v16, v21;
	v61 =	vmul.f32 $2.000000030e-01, v26  }
0x1b8: {  	v58 =	vld [tilespmem:s21+$0xFFFFFFD0];
	[tilespmem:s19+$0xFFFFFFF0] =	vst v41;
	v21 =	vmul.f32 $1.442695020e+00, v27;
	v27 =	vmax.f32 v34, v29;
	v16 =	vmul.f32 $1.442695020e+00, v16  }
0x1b9: {  	[tilespmem:s19+$0xFFFFFFE0] =	vst v30;
	v30 =	vmul.f32 v32, v31;
	v27 =	vmul.f32 $1.442695020e+00, v27;
	v26 =	vmax.f32 v26, v61  }
0x1ba: {  	v17 =	vunpack.i.l.bf16.f32 v12;
	[tilespmem:s19+$0xFFFFFF40] =	vst v46;
	v29 =	vld [tilespmem:s21+$0x0];
	(erf) = vpow2.f32 v16;
	v26 =	vmul.f32 $1.442695020e+00, v26  }
0x1bb: {  	v12 =	vunpack.i.u.bf16.f32 v12;
	[tilespmem:s19+$0xFFFFFFD0] =	vst v37;
	v16 =	vmul.f32 v49, v23;
	v23 =	vperm.xlane v33, v2  }
0x1bc: {  	v9 =	vunpack.i.l.bf16.f32 v8;
	v22 =	vld [tilespmem:s2+$0x20];
	[tilespmem:s19+$0x60] =	vst v33;
	v33 =	vmul.f32 v36, v24;
	(erf) = vpow2.f32 v26  }
0x1bd: {  	v7 =	vunpack.i.l.bf16.f32 v10;
	v31 =	vld [tilespmem:s2+$0xFFFFFFA0];
	[tilespmem:s19+$0x70] =	vst v30;
	v24 =	vmul.f32 v39, v25;
	(erf) = vpow2.f32 v27  }
0x1be: {  	v62 =	vunpack.i.l.bf16.f32 v58;
	v37 =	vmul.f32 v20, v17;
	[tilespmem:s19+$0x50] =	vst v16;
	v16 =	vmul.f32 v28, v12;
	v12 =	vld [tilespmem:s2+$0xFFFFFFC0]  }
0x1bf: {  	[tilespmem:s19+$0x20] =	vst v24;
	v26 =	vunpack.i.u.bf16.f32 v29;
	v27 =	vld [tilespmem:s2+$0x10];
	(erf) = vpow2.f32 v21;
	v21 =	vmul.f32 v59, v13  }
0x1c0: {  	v63 =	vunpack.i.u.bf16.f32 v58;
	v25 =	vmul.f32 v55, v15;
	v23 =	vmul.f32 v23, v26;
	[tilespmem:s19+$0xA0] =	vst v16  }
0x1c1: {  	v24 =	vunpack.i.u.bf16.f32 v11;
	v28 =	vunpack.i.l.bf16.f32 v29;
	v13 =	vld [tilespmem:s2+$0x40];
	[tilespmem:s19+$0xFFFFFF90] =	vst v21;
	v21 =	vmul.f32 v44, v18  }
0x1c2: {  	v11 =	vunpack.i.l.bf16.f32 v22;
	v16 =	vunpack.i.u.bf16.f32 v22;
	v22 =	vld [tilespmem:s2+$0xFFFFFF80];
	[tilespmem:s19+$0x10] =	vst v23;
	v23 =	vmul.f32 v51, v63  }
0x1c3: {  	v36 =	vmul.f32 v56, v62;
	v32 =	vunpack.i.l.bf16.f32 v31;
	[tilespmem:s19+$0xB0] =	vst v25;
	v30 =	vmul.f32 v47, v28  }
0x1c4: {  	v34 =	vld [tilespmem:s2+$0xFFFFFFE0];
	v14 =	vunpack.i.u.bf16.f32 v12;
	[tilespmem:s19+$0xFFFFFFC0] =	vst v23;
	v23 =	vmul.f32 v19, v24;
	v15 =	vunpack.i.u.bf16.f32 v27;
	v28 =	vpop (erf)  }
0x1c5: {  	s20 =	simm.s32 $0x2CA0;
	v39 =	vld [tilespmem:s2+$0xFFFFFF90];
	v18 =	vunpack.i.l.bf16.f32 v27;
	[tilespmem:s19+$0xFFFFFFA0] =	vst v21;
	v35 =	vperm.xlane v28, v1;
	v40 =	vperm.xlane v28, v4;
	v21 =	vpop (erf)  }
0x1c6: {  	s0 =	simm.s32 $0x480;
	s22 =	simm.s32 $0x2CA0;
	s21 =	simm.s32 $0x4;
	v19 =	vld [tilespmem:s2+$0xFFFFFFD0];
	[tilespmem:s19+$0x80] =	vst v23;
	v23 =	vunpack.i.l.bf16.f32 v13;
	v24 =	vperm.xlane v21, v1;
	v17 =	vperm.xlane v21, v2;
	v20 =	vpop (erf)  }
.LBB2_9:
0x1c7: {  	v41 =	vld [tilespmem:s0+$0x30];
	s21 =	sadd.s32 $0x4, s21;
	v42 =	vunpack.i.l.bf16.f32 v22;
	v29 =	vperm.xlane v20, v4;
	v25 =	vperm.xlane v21, v3;
	s22 =	sadd.s32 $0x1C0, s22;
	s4 =	sadd.s32 $0x40, s4;
	[tilespmem:s19+$0xFFFFFFB0] =	vst v36;
	v26 =	vmovc v9  }
0x1c8: {  	v43 =	vperm.xlane v28, v6;
	v27 =	vperm.xlane v20, v5;
	v44 =	vunpack.i.u.bf16.f32 v10;
	v36 =	vld [tilespmem:s0+$0x50];
	p1 =	slt.u32 s21, $0x3C;
	[tilespmem:s19+$0x30] =	vst v33  }
0x1c9: {  	v31 =	vunpack.i.u.bf16.f32 v31;
	v45 =	vperm.xlane v20, v3;
	v33 =	vperm.xlane v21, v6;
	v10 =	vld [tilespmem:s0+$0x60];
	v46 =	vpop (erf);
	[tilespmem:s19+$0x40] =	vst v38  }
0x1ca: {  	v35 =	vmul.f32 v35, v42;
	v42 =	vperm.xlane v28, v3;
	v38 =	vld [tilespmem:s4+$0xFFFFFFF0];
	v9 =	vunpack.i.u.bf16.f32 v39;
	[tilespmem:s19+$0x0] =	vst v30  }
0x1cb: {  	v39 =	vunpack.i.l.bf16.f32 v39;
	v47 =	vperm.xlane v46, v6;
	v30 =	vld [tilespmem:s4+$0xFFFFFFE0];
	v40 =	vmul.f32 v40, v9;
	[tilespmem:s19+$0x90] =	vst v37;
	s19 =	smov.u32 s20;
	s20 =	smov.u32 s22  }
0x1cc: {  	v39 =	vmul.f32 v42, v39;
	v42 =	vperm.xlane v20, v1;
	v37 =	vunpack.i.l.bf16.f32 v41;
	v41 =	vld [tilespmem:s4+$0x0];
	[tilespmem:s19+$0xD0] =	vst v21  }
0x1cd: {  	v33 =	vmul.f32 v33, v44;
	v48 =	vld [tilespmem:s0+$0xFFFFFFF0];
	v9 =	vunpack.i.l.bf16.f32 v36;
	[tilespmem:s19+$0xFFFFFF50] =	vst v40;
	v40 =	vperm.xlane v20, v6  }
0x1ce: {  	v50 =	vperm.xlane v28, v2;
	v44 =	vld [tilespmem:s0+$0xFFFFFFB0];
	v49 =	vunpack.i.l.bf16.f32 v10;
	[tilespmem:s19+$0xFFFFFF40] =	vst v39;
	v39 =	vperm.xlane v46, v4  }
0x1cf: {  	v52 =	vperm.xlane v28, v5;
	v54 =	vperm.xlane v21, v5;
	v53 =	vunpack.i.l.bf16.f32 v34;
	v51 =	vld [tilespmem:s0+$0x70];
	[tilespmem:s19+$0xC0] =	vst v33  }
0x1d0: {  	v33 =	vld [tilespmem:s4+$0x10];
	[tilespmem:s19+$0xFFFFFF80] =	vst v28;
	v28 =	vmul.f32 v43, v31;
	v31 =	vunpack.i.u.bf16.f32 v34;
	v34 =	vperm.xlane v46, v5  }
0x1d1: {  	v32 =	vmul.f32 v52, v32;
	v37 =	vadd.f32 v41, v37;
	[tilespmem:s19+$0xFFFFFFF0] =	vst v46;
	v41 =	vperm.xlane v46, v2  }
0x1d2: {  	v31 =	vmul.f32 v47, v31;
	v43 =	vunpack.i.l.bf16.f32 v48;
	[tilespmem:s19+$0xFFFFFF70] =	vst v28;
	v28 =	vperm.xlane v46, v3  }
0x1d3: {  	v44 =	vunpack.i.l.bf16.f32 v44;
	v38 =	vadd.f32 v38, v43;
	[tilespmem:s19+$0xFFFFFF60] =	vst v32;
	v32 =	vmul.f32 v34, v53  }
0x1d4: {  	v43 =	vperm.xlane v46, v1;
	v30 =	vadd.f32 v30, v44;
	v34 =	vunpack.i.l.bf16.f32 v51;
	[tilespmem:s19+$0xFFFFFFE0] =	vst v31  }
0x1d5: {  	v21 =	vperm.xlane v21, v4;
	v31 =	vmul.f32 $2.000000030e-01, v38;
	v33 =	vadd.f32 v33, v34;
	[tilespmem:s19+$0xFFFFFFD0] =	vst v32  }
0x1d6: {  	v22 =	vunpack.i.u.bf16.f32 v22;
	v34 =	vmul.f32 $2.000000030e-01, v37;
	v32 =	vmul.f32 $2.000000030e-01, v30  }
0x1d7: {  	v22 =	vmul.f32 v50, v22;
	v31 =	vmax.f32 v38, v31;
	v38 =	vmul.f32 $2.000000030e-01, v33  }
0x1d8: {  	v30 =	vmax.f32 v30, v32;
	v32 =	vmul.f32 $1.442695020e+00, v31;
	v31 =	vmax.f32 v37, v34;
	[tilespmem:s19+$0xFFFFFF20] =	vst v35;
	v34 =	vld [tilespmem:s2+$0x0];
	s2 =	smov.u32 s0  }
0x1d9: {  	v30 =	vmul.f32 $1.442695020e+00, v30;
	v31 =	vmul.f32 $1.442695020e+00, v31;
	v33 =	vmax.f32 v33, v38;
	[tilespmem:s19+$0xFFFFFF30] =	vst v22  }
0x1da: {  	v23 =	vmul.f32 v24, v23;
	v35 =	vunpack.i.l.bf16.f32 v19;
	v22 =	vmul.f32 $1.442695020e+00, v33  }
0x1db: {  	v16 =	vmul.f32 v40, v16;
	v19 =	vunpack.i.u.bf16.f32 v19;
	v24 =	vld [tilespmem:s0+$0x20];
	(erf) = vpow2.f32 v30  }
0x1dc: {  	v30 =	vunpack.i.u.bf16.f32 v8;
	v8 =	vmovc v36;
	(erf) = vpow2.f32 v22;
	v22 =	vperm.xlane v20, v2;
	[tilespmem:s19+$0x70] =	vst v23  }
0x1dd: {  	(erf) = vpow2.f32 v31;
	v23 =	vunpack.i.u.bf16.f32 v34;
	[tilespmem:s19+$0x50] =	vst v16;
	v16 =	vmul.f32 v21, v30  }
0x1de: {  	v33 =	vmul.f32 v29, v15;
	v30 =	vunpack.i.l.bf16.f32 v34;
	v21 =	vld [tilespmem:s0+$0x10];
	[tilespmem:s19+$0x60] =	vst v20;
	v20 =	vmul.f32 v22, v23  }
0x1df: {  	v18 =	vmul.f32 v45, v18;
	v15 =	vunpack.i.l.bf16.f32 v12;
	v30 =	vmul.f32 v42, v30;
	v12 =	vld [tilespmem:s0+$0xFFFFFFC0];
	[tilespmem:s19+$0xA0] =	vst v16  }
0x1e0: {  	v15 =	vmul.f32 v43, v15;
	v31 =	vld [tilespmem:s0+$0xFFFFFFA0];
	v16 =	vunpack.i.u.bf16.f32 v24;
	(erf) = vpow2.f32 v32;
	[tilespmem:s19+$0x10] =	vst v20  }
0x1e1: {  	v19 =	vmul.f32 v39, v19;
	v36 =	vmul.f32 v28, v35;
	[tilespmem:s19+$0x20] =	vst v18;
	v18 =	vunpack.i.u.bf16.f32 v13;
	v13 =	vld [tilespmem:s0+$0x40]  }
.Ltmp3:
0x1e2: {  	v29 =	vmul.f32 v54, v7;
	v7 =	vmovc v49;
	v23 =	vmul.f32 v41, v14;
	v20 =	vunpack.i.l.bf16.f32 v24;
	v22 =	vld [tilespmem:s0+$0xFFFFFF80];
	[tilespmem:s19+$0xFFFFFF90] =	vst v15;
	(pc) =	sbr.rel @p1 .LBB2_9-.Ltmp3, $4  }
0x1e3: {  	v38 =	vmul.f32 v27, v11;
	v11 =	vmovc v20;
	v17 =	vmul.f32 v17, v18;
	v15 =	vunpack.i.u.bf16.f32 v21;
	[tilespmem:s19+$0xFFFFFFC0] =	vst v19  }
0x1e4: {  	v37 =	vmul.f32 v25, v26;
	v18 =	vunpack.i.l.bf16.f32 v21;
	v14 =	vunpack.i.u.bf16.f32 v12;
	v19 =	vld [tilespmem:s0+$0xFFFFFFD0];
	v28 =	vpop (erf);
	[tilespmem:s19+$0xFFFFFFA0] =	vst v23  }
0x1e5: {  	v39 =	vld [tilespmem:s0+$0xFFFFFF90];
	v32 =	vunpack.i.l.bf16.f32 v31;
	v35 =	vperm.xlane v28, v1;
	v40 =	vperm.xlane v28, v4;
	v21 =	vpop (erf);
	[tilespmem:s19+$0x80] =	vst v17  }
0x1e6: {  	s0 =	sadd.s32 $0x100, s0;
	v34 =	vld [tilespmem:s2+$0xFFFFFFE0];
	v23 =	vunpack.i.l.bf16.f32 v13;
	v24 =	vperm.xlane v21, v1;
	v17 =	vperm.xlane v21, v2;
	v20 =	vpop (erf);
	[tilespmem:s19+$0xB0] =	vst v29  }
0x1e7: {  	[tilespmem:s19+$0xFFFFFFB0] =	vst v36  }
0x1e8: {  	[tilespmem:s19+$0x30] =	vst v33  }
0x1e9: {  	[tilespmem:s19+$0x40] =	vst v38  }
0x1ea: {  	[tilespmem:s19+$0x0] =	vst v30  }
0x1eb: {  	v27 =	vperm.xlane v21, v6;
	[tilespmem:s19+$0x90] =	vst v37  }
0x1ec: {  	v10 =	vunpack.i.u.bf16.f32 v10;
	[tilespmem:s20+$0xD0] =	vst v21;
	v23 =	vmul.f32 v24, v23  }
0x1ed: {  	[tilespmem:s20+$0xFFFFFF80] =	vst v28;
	v10 =	vmul.f32 v27, v10  }
0x1ee: {  	v26 =	vperm.xlane v28, v3;
	v25 =	vunpack.i.u.bf16.f32 v39;
	[tilespmem:s20+$0x70] =	vst v23  }
0x1ef: {  	v24 =	vperm.xlane v21, v4;
	v29 =	vunpack.i.l.bf16.f32 v39;
	v25 =	vmul.f32 v40, v25;
	v27 =	vpop (erf);
	[tilespmem:s20+$0xC0] =	vst v10  }
0x1f0: {  	v8 =	vunpack.i.u.bf16.f32 v8;
	v26 =	vmul.f32 v26, v29;
	v29 =	vperm.xlane v28, v5;
	[tilespmem:s20+$0xFFFFFFF0] =	vst v27  }
0x1f1: {  	v8 =	vmul.f32 v24, v8;
	[tilespmem:s20+$0xFFFFFF50] =	vst v25;
	v25 =	vperm.xlane v28, v6  }
0x1f2: {  	v10 =	vperm.xlane v27, v6;
	[tilespmem:s20+$0xFFFFFF40] =	vst v26;
	v26 =	vunpack.i.u.bf16.f32 v31;
	v29 =	vmul.f32 v29, v32  }
0x1f3: {  	[tilespmem:s20+$0xA0] =	vst v8;
	v8 =	vperm.xlane v27, v2;
	v25 =	vmul.f32 v25, v26;
	v26 =	vunpack.i.u.bf16.f32 v34  }
0x1f4: {  	v30 =	vperm.xlane v27, v5;
	[tilespmem:s20+$0xFFFFFF60] =	vst v29;
	v10 =	vmul.f32 v10, v26  }
0x1f5: {  	v31 =	vunpack.i.l.bf16.f32 v34;
	v8 =	vmul.f32 v8, v14;
	v26 =	vperm.xlane v28, v2;
	[tilespmem:s20+$0xFFFFFF70] =	vst v25  }
0x1f6: {  	v28 =	vmul.f32 v30, v31;
	v25 =	vunpack.i.l.bf16.f32 v22;
	[tilespmem:s20+$0xFFFFFFE0] =	vst v10;
	v10 =	vunpack.i.u.bf16.f32 v22;
	v22 =	vld [tilespmem:s2+$0x0]  }
0x1f7: {  	v29 =	vperm.xlane v20, v6;
	[tilespmem:s20+$0xFFFFFFA0] =	vst v8;
	v10 =	vmul.f32 v26, v10  }
0x1f8: {  	v25 =	vmul.f32 v35, v25;
	[tilespmem:s20+$0xFFFFFFD0] =	vst v28  }
0x1f9: {  	v23 =	vperm.xlane v20, v3;
	[tilespmem:s20+$0xFFFFFF30] =	vst v10;
	v10 =	vmul.f32 v29, v16  }
0x1fa: {  	[tilespmem:s20+$0xFFFFFF20] =	vst v25;
	v16 =	vperm.xlane v20, v2  }
0x1fb: {  	v18 =	vmul.f32 v23, v18;
	v25 =	vunpack.i.u.bf16.f32 v22;
	[tilespmem:s20+$0x50] =	vst v10;
	v10 =	vperm.xlane v27, v1  }
0x1fc: {  	v12 =	vunpack.i.l.bf16.f32 v12;
	v24 =	vperm.xlane v27, v4;
	[tilespmem:s20+$0x60] =	vst v20;
	v16 =	vmul.f32 v16, v25  }
0x1fd: {  	v23 =	vunpack.i.u.bf16.f32 v19;
	v8 =	vperm.xlane v20, v5;
	[tilespmem:s20+$0x20] =	vst v18;
	v10 =	vmul.f32 v10, v12  }
0x1fe: {  	v12 =	vmul.f32 v24, v23;
	[tilespmem:s20+$0x10] =	vst v16  }
0x1ff: {  	v13 =	vunpack.i.u.bf16.f32 v13;
	v8 =	vmul.f32 v8, v11;
	v16 =	vperm.xlane v21, v5;
	[tilespmem:s20+$0xFFFFFF90] =	vst v10  }
0x200: {  	v10 =	vperm.xlane v27, v3;
	[tilespmem:s20+$0xFFFFFFC0] =	vst v12;
	v12 =	vmul.f32 v17, v13  }
0x201: {  	v14 =	vunpack.i.l.bf16.f32 v19;
	[tilespmem:s20+$0x40] =	vst v8;
	v13 =	vperm.xlane v20, v4;
	v7 =	vmul.f32 v16, v7  }
0x202: {  	v10 =	vmul.f32 v10, v14;
	[tilespmem:s20+$0x80] =	vst v12;
	v12 =	vperm.xlane v20, v1  }
0x203: {  	v13 =	vmul.f32 v13, v15;
	v14 =	vunpack.i.l.bf16.f32 v22;
	[tilespmem:s20+$0xB0] =	vst v7;
	v7 =	vperm.xlane v21, v3  }
0x204: {  	[tilespmem:s20+$0xFFFFFFB0] =	vst v10;
	v10 =	vmul.f32 v12, v14  }
0x205: {  	[tilespmem:s20+$0x30] =	vst v13;
	v7 =	vmul.f32 v7, v9  }
0x206: {  	[tilespmem:s20+$0x0] =	vst v10  }
0x207: {  	[tilespmem:s20+$0x90] =	vst v7  }
0x208: {  	[spmem:s3] =	stream.indirect.scatter.add.f32 [tilespmem:s25], [sflag:$0x9], $0x70, s17, s30, $0xb8;
	[tilespmem:$0x173E0] =	vst v63  }
0x209: {  	_ =	swait.ge [sflag:s26], $0x1C00  }
0x20a: {  	s0 =	rddreg [dreg:$0x13]  }
0x20b: {  	s0 =	sadd.s32 @!p0 s31, s0  }
0x20c: {  	s4 =	simm.s32 @!p0 $0x80;
	[sflag:s26] =	ssyncset.done $0x0;
	s0 =	sshrl.u32 @!p0 s0, $0x3  }
0x20d: {  	s2 =	simm.s32 @!p0 $0x0;
	[sflag:s26] =	ssyncadd.s32 $0xFFFFE400;
	s0 =	sadd.s32 @!p0 s6, s0  }
0x20e: {  	[tilespmem:s4], [sflag:$0x2] =	stream.linear.gather @!p0 [hbm4b:s0+s2], $0x80, $0x38;
	[tilespmem:$0x173E0] =	vst v63  }
0x20f: {  	s0 =	simm.s32 @!p0 $0x1  }
0x210: {  	_ =	swait.ge @!p0 [sflag:s0], $0x80  }
0x211: {  	[sflag:s0] =	ssyncset.done @!p0 $0x0  }
0x212: {  	s4 =	simm.s32 @!p0 $0x200;
	[sflag:s0] =	ssyncadd.s32 @!p0 $0xFFFFFF80;
	s0 =	simm.s32 @!p0 $0x40  }
0x213: {  	[tilespmem:s4], [sflag:$0x5] =	stream.indirect.gather @!p0 [hbm4b:s1+s0], $0x40, s2, s0, $0xb8;
	[tilespmem:$0x173E0] =	vst v63  }
0x214: {  	s2 =	simm.s32 @!p0 $0x2200  }
0x215: {  	[tilespmem:s2], [sflag:$0x7] =	stream.indirect.gather @!p0 [hbm4b:s5+s0], $0x10, s0, s0, $0xb8;
	[tilespmem:$0x173E0] =	vst v63  }
0x216: {  	_ =	swait.ge [sflag:s18], $0x1000  }
0x217: {  	[sflag:s18] =	ssyncset.done $0x0  }
0x218: {  	[sflag:s18] =	ssyncadd.s32 $0xFFFFF000  }
0x219: {  	_ =	swait.ge [sflag:s23], $0x400  }
0x21a: {  	[sflag:s23] =	ssyncset.done $0x0  }
0x21b: {  	s22 =	simm.s32 $0x1280;
	[sflag:s23] =	ssyncadd.s32 $0xFFFFFC00  }
0x21c: {  	s31 =	simm.s32 $0x2620;
	v9 =	vld [tilespmem:s22+$0xFFFFFFB0]  }
0x21d: {  	v8 =	vld [tilespmem:s31+$0xFFFFFFE0]  }
0x21e: {  	v10 =	vld [tilespmem:s22+$0x70]  }
0x21f: {  	v11 =	vld [tilespmem:s31+$0x10]  }
0x220: {  	v7 =	vld [tilespmem:s22+$0x30]  }
0x221: {  	v12 =	vld [tilespmem:s31+$0x0];
	v9 =	vunpack.i.l.bf16.f32 v9  }
0x222: {  	v8 =	vadd.f32 v8, v9  }
0x223: {  	v9 =	vunpack.i.l.bf16.f32 v10  }
0x224: {  	v9 =	vadd.f32 v11, v9;
	v11 =	vmul.f32 $2.000000030e-01, v8  }
0x225: {  	v13 =	vld [tilespmem:s22+$0xFFFFFFF0];
	v7 =	vunpack.i.l.bf16.f32 v7  }
0x226: {  	v10 =	vld [tilespmem:s31+$0xFFFFFFF0];
	v7 =	vadd.f32 v12, v7;
	v12 =	vmul.f32 $2.000000030e-01, v9;
	v8 =	vmax.f32 v8, v11  }
0x227: {  	v8 =	vmul.f32 $1.442695020e+00, v8  }
0x228: {  	v14 =	vmul.f32 $2.000000030e-01, v7;
	v9 =	vmax.f32 v9, v12  }
0x229: {  	v16 =	vld [tilespmem:s22+$0x60];
	v9 =	vmul.f32 $1.442695020e+00, v9;
	(erf) = vpow2.f32 v8  }
0x22a: {  	v21 =	vld [tilespmem:s22+$0xFFFFFFA0];
	v11 =	vunpack.i.l.bf16.f32 v13  }
0x22b: {  	s2 =	simm.s32 $0x1380;
	v22 =	vld [tilespmem:s22+$0xFFFFFF80];
	v7 =	vmax.f32 v7, v14;
	v10 =	vadd.f32 v10, v11;
	(erf) = vpow2.f32 v9  }
0x22c: {  	v57 =	vld [tilespmem:s2+$0x30];
	v7 =	vmul.f32 $1.442695020e+00, v7  }
0x22d: {  	v8 =	vmul.f32 $2.000000030e-01, v10;
	v9 =	vld [tilespmem:s22+$0x20]  }
0x22e: {  	(erf) = vpow2.f32 v7  }
0x22f: {  	v30 =	vld [tilespmem:s22+$0xFFFFFFE0];
	v7 =	vmax.f32 v10, v8  }
0x230: {  	v15 =	vunpack.i.l.bf16.f32 v16;
	v27 =	vunpack.i.l.bf16.f32 v21;
	v7 =	vmul.f32 $1.442695020e+00, v7  }
0x231: {  	s4 =	simm.s32 $0x2660;
	v58 =	vunpack.i.l.bf16.f32 v22;
	v16 =	vunpack.i.u.bf16.f32 v16;
	v21 =	vunpack.i.u.bf16.f32 v21  }
0x232: {  	v44 =	vld [tilespmem:s4+$0x0];
	v34 =	vunpack.i.l.bf16.f32 v57;
	(erf) = vpow2.f32 v7;
	v23 =	vunpack.i.u.bf16.f32 v9;
	v26 =	vpop (erf)  }
0x233: {  	v13 =	vld [tilespmem:s22+$0xFFFFFFC0];
	v14 =	vunpack.i.l.bf16.f32 v9;
	v9 =	vperm.xlane v26, v1;
	v28 =	vperm.xlane v26, v4  }
0x234: {  	v54 =	vunpack.i.l.bf16.f32 v30;
	v7 =	vld [tilespmem:s22+$0xFFFFFF90];
	v29 =	vpop (erf);
	v59 =	vperm.xlane v26, v6;
	v50 =	vperm.xlane v26, v2  }
0x235: {  	v30 =	vunpack.i.u.bf16.f32 v30;
	v53 =	vperm.xlane v26, v5;
	v32 =	vperm.xlane v29, v1  }
0x236: {  	v22 =	vunpack.i.u.bf16.f32 v22;
	v11 =	vld [tilespmem:s22+$0x40];
	v19 =	vperm.xlane v29, v2;
	v20 =	vperm.xlane v29, v3  }
0x237: {  	v34 =	vadd.f32 v44, v34;
	v8 =	vld [tilespmem:s22+$0x10];
	v33 =	vpop (erf);
	v60 =	vperm.xlane v29, v6;
	v55 =	vperm.xlane v29, v5  }
0x238: {  	v18 =	vunpack.i.u.bf16.f32 v13;
	v36 =	vperm.xlane v33, v4;
	v38 =	vperm.xlane v33, v5  }
0x239: {  	v48 =	vld [tilespmem:s2+$0xFFFFFFF0];
	v43 =	vunpack.i.u.bf16.f32 v7;
	v39 =	vperm.xlane v33, v3;
	v35 =	vmul.f32 v9, v58  }
0x23a: {  	v42 =	vld [tilespmem:s4+$0xFFFFFFF0];
	v13 =	vunpack.i.l.bf16.f32 v13;
	v9 =	vperm.xlane v26, v3;
	v28 =	vmul.f32 v28, v43  }
0x23b: {  	v62 =	vld [tilespmem:s2+$0xFFFFFFB0];
	v31 =	vunpack.i.l.bf16.f32 v11;
	v47 =	vperm.xlane v33, v1;
	v49 =	vperm.xlane v33, v6  }
0x23c: {  	v45 =	vld [tilespmem:s4+$0xFFFFFFE0];
	v24 =	vunpack.i.u.bf16.f32 v8;
	v21 =	vmul.f32 v59, v21;
	v27 =	vmul.f32 v53, v27  }
0x23d: {  	s19 =	simm.s32 $0x46E0;
	v52 =	vld [tilespmem:s2+$0x70];
	v7 =	vunpack.i.l.bf16.f32 v7;
	v22 =	vmul.f32 v50, v22;
	v16 =	vmul.f32 v60, v16  }
0x23e: {  	v53 =	vunpack.i.l.bf16.f32 v48;
	v41 =	vpop (erf);
	v46 =	vmul.f32 v9, v7;
	[tilespmem:s19+$0xFFFFFF50] =	vst v28;
	v28 =	vld [tilespmem:s4+$0x10];
	v38 =	vmul.f32 v38, v14  }
0x23f: {  	[tilespmem:s19+$0xFFFFFF80] =	vst v26;
	v57 =	vadd.f32 v42, v53;
	v61 =	vperm.xlane v41, v6;
	v51 =	vperm.xlane v41, v4  }
0x240: {  	v12 =	vld [tilespmem:s22+$0x50];
	v63 =	vperm.xlane v41, v5;
	v44 =	vperm.xlane v41, v2;
	[tilespmem:s19+$0xC0] =	vst v16;
	v16 =	vunpack.i.l.bf16.f32 v62  }
0x241: {  	[tilespmem:s19+$0xD0] =	vst v29;
	v56 =	vperm.xlane v41, v3;
	v59 =	vperm.xlane v41, v1;
	v16 =	vadd.f32 v45, v16  }
0x242: {  	v26 =	vunpack.i.l.bf16.f32 v52;
	[tilespmem:s19+$0xFFFFFF70] =	vst v21;
	v60 =	vmul.f32 $2.000000030e-01, v57;
	v30 =	vmul.f32 v61, v30  }
0x243: {  	[tilespmem:s19+$0xFFFFFF60] =	vst v27;
	v37 =	vmul.f32 v63, v54;
	v21 =	vmul.f32 $2.000000030e-01, v16;
	v26 =	vadd.f32 v28, v26  }
0x244: {  	v10 =	vld [tilespmem:s2+$0x60];
	v25 =	vunpack.i.l.bf16.f32 v8;
	[tilespmem:s19+$0xFFFFFF20] =	vst v35;
	v28 =	vperm.xlane v29, v4;
	v29 =	vmul.f32 $2.000000030e-01, v34  }
0x245: {  	v8 =	vld [tilespmem:s2+$0x50];
	[tilespmem:s19+$0xFFFFFF30] =	vst v22;
	v27 =	vmax.f32 v57, v60;
	v16 =	vmax.f32 v16, v21;
	v61 =	vmul.f32 $2.000000030e-01, v26  }
0x246: {  	v58 =	vld [tilespmem:s22+$0xFFFFFFD0];
	[tilespmem:s19+$0xFFFFFFF0] =	vst v41;
	v21 =	vmul.f32 $1.442695020e+00, v27;
	v27 =	vmax.f32 v34, v29;
	v16 =	vmul.f32 $1.442695020e+00, v16  }
0x247: {  	[tilespmem:s19+$0xFFFFFFE0] =	vst v30;
	v30 =	vmul.f32 v32, v31;
	v27 =	vmul.f32 $1.442695020e+00, v27;
	v26 =	vmax.f32 v26, v61  }
0x248: {  	v17 =	vunpack.i.l.bf16.f32 v12;
	[tilespmem:s19+$0xFFFFFF40] =	vst v46;
	v29 =	vld [tilespmem:s22+$0x0];
	(erf) = vpow2.f32 v16;
	v26 =	vmul.f32 $1.442695020e+00, v26  }
0x249: {  	v12 =	vunpack.i.u.bf16.f32 v12;
	[tilespmem:s19+$0xFFFFFFD0] =	vst v37;
	v16 =	vmul.f32 v49, v23;
	v23 =	vperm.xlane v33, v2  }
0x24a: {  	v9 =	vunpack.i.l.bf16.f32 v8;
	v22 =	vld [tilespmem:s2+$0x20];
	[tilespmem:s19+$0x60] =	vst v33;
	v33 =	vmul.f32 v36, v24;
	(erf) = vpow2.f32 v26  }
0x24b: {  	v7 =	vunpack.i.l.bf16.f32 v10;
	v31 =	vld [tilespmem:s2+$0xFFFFFFA0];
	[tilespmem:s19+$0x70] =	vst v30;
	v24 =	vmul.f32 v39, v25;
	(erf) = vpow2.f32 v27  }
0x24c: {  	v62 =	vunpack.i.l.bf16.f32 v58;
	v37 =	vmul.f32 v20, v17;
	[tilespmem:s19+$0x50] =	vst v16;
	v16 =	vmul.f32 v28, v12;
	v12 =	vld [tilespmem:s2+$0xFFFFFFC0]  }
0x24d: {  	[tilespmem:s19+$0x20] =	vst v24;
	v26 =	vunpack.i.u.bf16.f32 v29;
	v27 =	vld [tilespmem:s2+$0x10];
	(erf) = vpow2.f32 v21;
	v21 =	vmul.f32 v59, v13  }
0x24e: {  	v63 =	vunpack.i.u.bf16.f32 v58;
	v25 =	vmul.f32 v55, v15;
	v23 =	vmul.f32 v23, v26;
	[tilespmem:s19+$0xA0] =	vst v16  }
0x24f: {  	v24 =	vunpack.i.u.bf16.f32 v11;
	v28 =	vunpack.i.l.bf16.f32 v29;
	v13 =	vld [tilespmem:s2+$0x40];
	[tilespmem:s19+$0xFFFFFF90] =	vst v21;
	v21 =	vmul.f32 v44, v18  }
0x250: {  	v11 =	vunpack.i.l.bf16.f32 v22;
	v16 =	vunpack.i.u.bf16.f32 v22;
	v22 =	vld [tilespmem:s2+$0xFFFFFF80];
	[tilespmem:s19+$0x10] =	vst v23;
	v23 =	vmul.f32 v51, v63  }
0x251: {  	v36 =	vmul.f32 v56, v62;
	v32 =	vunpack.i.l.bf16.f32 v31;
	[tilespmem:s19+$0xB0] =	vst v25;
	v30 =	vmul.f32 v47, v28  }
0x252: {  	v34 =	vld [tilespmem:s2+$0xFFFFFFE0];
	v14 =	vunpack.i.u.bf16.f32 v12;
	[tilespmem:s19+$0xFFFFFFC0] =	vst v23;
	v23 =	vmul.f32 v19, v24;
	v15 =	vunpack.i.u.bf16.f32 v27;
	v28 =	vpop (erf)  }
0x253: {  	s21 =	simm.s32 $0x4;
	v39 =	vld [tilespmem:s2+$0xFFFFFF90];
	v18 =	vunpack.i.l.bf16.f32 v27;
	[tilespmem:s19+$0xFFFFFFA0] =	vst v21;
	v35 =	vperm.xlane v28, v1;
	v40 =	vperm.xlane v28, v4;
	v21 =	vpop (erf)  }
0x254: {  	s20 =	simm.s32 $0x48A0;
	s0 =	simm.s32 $0x1480;
	s22 =	simm.s32 $0x48A0;
	v19 =	vld [tilespmem:s2+$0xFFFFFFD0];
	[tilespmem:s19+$0x80] =	vst v23;
	v23 =	vunpack.i.l.bf16.f32 v13;
	v24 =	vperm.xlane v21, v1;
	v17 =	vperm.xlane v21, v2;
	v20 =	vpop (erf)  }
.LBB2_11:
0x255: {  	v41 =	vld [tilespmem:s0+$0x30];
	s21 =	sadd.s32 $0x4, s21;
	v42 =	vunpack.i.l.bf16.f32 v22;
	v29 =	vperm.xlane v20, v4;
	v25 =	vperm.xlane v21, v3;
	s22 =	sadd.s32 $0x1C0, s22;
	s4 =	sadd.s32 $0x40, s4;
	[tilespmem:s19+$0xFFFFFFB0] =	vst v36;
	v26 =	vmovc v9  }
0x256: {  	v43 =	vperm.xlane v28, v6;
	v27 =	vperm.xlane v20, v5;
	v44 =	vunpack.i.u.bf16.f32 v10;
	v36 =	vld [tilespmem:s0+$0x50];
	p0 =	slt.u32 s21, $0x3C;
	[tilespmem:s19+$0x30] =	vst v33  }
0x257: {  	v31 =	vunpack.i.u.bf16.f32 v31;
	v45 =	vperm.xlane v20, v3;
	v33 =	vperm.xlane v21, v6;
	v10 =	vld [tilespmem:s0+$0x60];
	v46 =	vpop (erf);
	[tilespmem:s19+$0x40] =	vst v38  }
0x258: {  	v35 =	vmul.f32 v35, v42;
	v42 =	vperm.xlane v28, v3;
	v38 =	vld [tilespmem:s4+$0xFFFFFFF0];
	v9 =	vunpack.i.u.bf16.f32 v39;
	[tilespmem:s19+$0x0] =	vst v30  }
0x259: {  	v39 =	vunpack.i.l.bf16.f32 v39;
	v47 =	vperm.xlane v46, v6;
	v30 =	vld [tilespmem:s4+$0xFFFFFFE0];
	v40 =	vmul.f32 v40, v9;
	[tilespmem:s19+$0x90] =	vst v37;
	s19 =	smov.u32 s20;
	s20 =	smov.u32 s22  }
0x25a: {  	v39 =	vmul.f32 v42, v39;
	v42 =	vperm.xlane v20, v1;
	v37 =	vunpack.i.l.bf16.f32 v41;
	v41 =	vld [tilespmem:s4+$0x0];
	[tilespmem:s19+$0xD0] =	vst v21  }
0x25b: {  	v33 =	vmul.f32 v33, v44;
	v48 =	vld [tilespmem:s0+$0xFFFFFFF0];
	v9 =	vunpack.i.l.bf16.f32 v36;
	[tilespmem:s19+$0xFFFFFF50] =	vst v40;
	v40 =	vperm.xlane v20, v6  }
0x25c: {  	v50 =	vperm.xlane v28, v2;
	v44 =	vld [tilespmem:s0+$0xFFFFFFB0];
	v49 =	vunpack.i.l.bf16.f32 v10;
	[tilespmem:s19+$0xFFFFFF40] =	vst v39;
	v39 =	vperm.xlane v46, v4  }
0x25d: {  	v52 =	vperm.xlane v28, v5;
	v54 =	vperm.xlane v21, v5;
	v53 =	vunpack.i.l.bf16.f32 v34;
	v51 =	vld [tilespmem:s0+$0x70];
	[tilespmem:s19+$0xC0] =	vst v33  }
0x25e: {  	v33 =	vld [tilespmem:s4+$0x10];
	[tilespmem:s19+$0xFFFFFF80] =	vst v28;
	v28 =	vmul.f32 v43, v31;
	v31 =	vunpack.i.u.bf16.f32 v34;
	v34 =	vperm.xlane v46, v5  }
0x25f: {  	v32 =	vmul.f32 v52, v32;
	v37 =	vadd.f32 v41, v37;
	[tilespmem:s19+$0xFFFFFFF0] =	vst v46;
	v41 =	vperm.xlane v46, v2  }
0x260: {  	v31 =	vmul.f32 v47, v31;
	v43 =	vunpack.i.l.bf16.f32 v48;
	[tilespmem:s19+$0xFFFFFF70] =	vst v28;
	v28 =	vperm.xlane v46, v3  }
0x261: {  	v44 =	vunpack.i.l.bf16.f32 v44;
	v38 =	vadd.f32 v38, v43;
	[tilespmem:s19+$0xFFFFFF60] =	vst v32;
	v32 =	vmul.f32 v34, v53  }
0x262: {  	v43 =	vperm.xlane v46, v1;
	v30 =	vadd.f32 v30, v44;
	v34 =	vunpack.i.l.bf16.f32 v51;
	[tilespmem:s19+$0xFFFFFFE0] =	vst v31  }
0x263: {  	v21 =	vperm.xlane v21, v4;
	v31 =	vmul.f32 $2.000000030e-01, v38;
	v33 =	vadd.f32 v33, v34;
	[tilespmem:s19+$0xFFFFFFD0] =	vst v32  }
0x264: {  	v22 =	vunpack.i.u.bf16.f32 v22;
	v34 =	vmul.f32 $2.000000030e-01, v37;
	v32 =	vmul.f32 $2.000000030e-01, v30  }
0x265: {  	v22 =	vmul.f32 v50, v22;
	v31 =	vmax.f32 v38, v31;
	v38 =	vmul.f32 $2.000000030e-01, v33  }
0x266: {  	v30 =	vmax.f32 v30, v32;
	v32 =	vmul.f32 $1.442695020e+00, v31;
	v31 =	vmax.f32 v37, v34;
	[tilespmem:s19+$0xFFFFFF20] =	vst v35;
	v34 =	vld [tilespmem:s2+$0x0];
	s2 =	smov.u32 s0  }
0x267: {  	v30 =	vmul.f32 $1.442695020e+00, v30;
	v31 =	vmul.f32 $1.442695020e+00, v31;
	v33 =	vmax.f32 v33, v38;
	[tilespmem:s19+$0xFFFFFF30] =	vst v22  }
0x268: {  	v23 =	vmul.f32 v24, v23;
	v35 =	vunpack.i.l.bf16.f32 v19;
	v22 =	vmul.f32 $1.442695020e+00, v33  }
0x269: {  	v16 =	vmul.f32 v40, v16;
	v19 =	vunpack.i.u.bf16.f32 v19;
	v24 =	vld [tilespmem:s0+$0x20];
	(erf) = vpow2.f32 v30  }
0x26a: {  	v30 =	vunpack.i.u.bf16.f32 v8;
	v8 =	vmovc v36;
	(erf) = vpow2.f32 v22;
	v22 =	vperm.xlane v20, v2;
	[tilespmem:s19+$0x70] =	vst v23  }
0x26b: {  	(erf) = vpow2.f32 v31;
	v23 =	vunpack.i.u.bf16.f32 v34;
	[tilespmem:s19+$0x50] =	vst v16;
	v16 =	vmul.f32 v21, v30  }
0x26c: {  	v33 =	vmul.f32 v29, v15;
	v30 =	vunpack.i.l.bf16.f32 v34;
	v21 =	vld [tilespmem:s0+$0x10];
	[tilespmem:s19+$0x60] =	vst v20;
	v20 =	vmul.f32 v22, v23  }
0x26d: {  	v18 =	vmul.f32 v45, v18;
	v15 =	vunpack.i.l.bf16.f32 v12;
	v30 =	vmul.f32 v42, v30;
	v12 =	vld [tilespmem:s0+$0xFFFFFFC0];
	[tilespmem:s19+$0xA0] =	vst v16  }
0x26e: {  	v15 =	vmul.f32 v43, v15;
	v31 =	vld [tilespmem:s0+$0xFFFFFFA0];
	v16 =	vunpack.i.u.bf16.f32 v24;
	(erf) = vpow2.f32 v32;
	[tilespmem:s19+$0x10] =	vst v20  }
0x26f: {  	v19 =	vmul.f32 v39, v19;
	v36 =	vmul.f32 v28, v35;
	[tilespmem:s19+$0x20] =	vst v18;
	v18 =	vunpack.i.u.bf16.f32 v13;
	v13 =	vld [tilespmem:s0+$0x40]  }
.Ltmp4:
0x270: {  	v29 =	vmul.f32 v54, v7;
	v7 =	vmovc v49;
	v23 =	vmul.f32 v41, v14;
	v20 =	vunpack.i.l.bf16.f32 v24;
	v22 =	vld [tilespmem:s0+$0xFFFFFF80];
	[tilespmem:s19+$0xFFFFFF90] =	vst v15;
	(pc) =	sbr.rel @p0 .LBB2_11-.Ltmp4, $4  }
0x271: {  	v38 =	vmul.f32 v27, v11;
	v11 =	vmovc v20;
	v17 =	vmul.f32 v17, v18;
	v15 =	vunpack.i.u.bf16.f32 v21;
	[tilespmem:s19+$0xFFFFFFC0] =	vst v19  }
0x272: {  	v37 =	vmul.f32 v25, v26;
	v18 =	vunpack.i.l.bf16.f32 v21;
	v14 =	vunpack.i.u.bf16.f32 v12;
	v19 =	vld [tilespmem:s0+$0xFFFFFFD0];
	v28 =	vpop (erf);
	[tilespmem:s19+$0xFFFFFFA0] =	vst v23  }
0x273: {  	v39 =	vld [tilespmem:s0+$0xFFFFFF90];
	v32 =	vunpack.i.l.bf16.f32 v31;
	v35 =	vperm.xlane v28, v1;
	v40 =	vperm.xlane v28, v4;
	v21 =	vpop (erf);
	[tilespmem:s19+$0x80] =	vst v17  }
0x274: {  	s0 =	sadd.s32 $0x100, s0;
	v34 =	vld [tilespmem:s2+$0xFFFFFFE0];
	v23 =	vunpack.i.l.bf16.f32 v13;
	v24 =	vperm.xlane v21, v1;
	v17 =	vperm.xlane v21, v2;
	v20 =	vpop (erf);
	[tilespmem:s19+$0xB0] =	vst v29  }
0x275: {  	[tilespmem:s19+$0xFFFFFFB0] =	vst v36  }
0x276: {  	[tilespmem:s19+$0x30] =	vst v33  }
0x277: {  	[tilespmem:s19+$0x40] =	vst v38  }
0x278: {  	[tilespmem:s19+$0x0] =	vst v30  }
0x279: {  	[tilespmem:s19+$0x90] =	vst v37  }
0x27a: {  	[tilespmem:s20+$0xD0] =	vst v21  }
0x27b: {  	[tilespmem:s20+$0xFFFFFF80] =	vst v28  }
0x27c: {  	v27 =	vperm.xlane v21, v6;
	v45 =	vld [tilespmem:s2+$0x0];
	[tilespmem:s20+$0x60] =	vst v20;
	v13 =	vunpack.i.u.bf16.f32 v13;
	v23 =	vmul.f32 v24, v23;
	v33 =	vpop (erf)  }
0x27d: {  	v10 =	vunpack.i.u.bf16.f32 v10;
	v46 =	vperm.xlane v20, v6;
	v58 =	vmul.f32 v17, v13;
	[tilespmem:s20+$0xFFFFFFF0] =	vst v33  }
0x27e: {  	v47 =	vperm.xlane v21, v4;
	v10 =	vmul.f32 v27, v10;
	[tilespmem:s20+$0x70] =	vst v23  }
0x27f: {  	v8 =	vunpack.i.u.bf16.f32 v8;
	v50 =	vperm.xlane v20, v3;
	v48 =	vmul.f32 v46, v16;
	[tilespmem:s20+$0x80] =	vst v58  }
0x280: {  	v56 =	vperm.xlane v21, v5;
	v8 =	vmul.f32 v47, v8;
	[tilespmem:s20+$0xC0] =	vst v10  }
0x281: {  	v59 =	vperm.xlane v20, v4;
	v18 =	vmul.f32 v50, v18;
	[tilespmem:s20+$0x50] =	vst v48  }
0x282: {  	v7 =	vmul.f32 v56, v7;
	[tilespmem:s20+$0xA0] =	vst v8  }
0x283: {  	v26 =	vperm.xlane v28, v3;
	v13 =	vmul.f32 v59, v15;
	v25 =	vunpack.i.u.bf16.f32 v39;
	[tilespmem:s20+$0x20] =	vst v18  }
0x284: {  	v36 =	vperm.xlane v28, v5;
	v29 =	vunpack.i.l.bf16.f32 v39;
	v25 =	vmul.f32 v40, v25;
	[tilespmem:s20+$0xB0] =	vst v7  }
0x285: {  	v37 =	vperm.xlane v33, v6;
	v26 =	vmul.f32 v26, v29;
	[tilespmem:s20+$0x30] =	vst v13  }
0x286: {  	v39 =	vperm.xlane v33, v5;
	v38 =	vunpack.i.u.bf16.f32 v34;
	v29 =	vmul.f32 v36, v32;
	[tilespmem:s20+$0xFFFFFF50] =	vst v25  }
0x287: {  	v53 =	vperm.xlane v33, v4;
	v40 =	vunpack.i.l.bf16.f32 v34;
	v10 =	vmul.f32 v37, v38;
	[tilespmem:s20+$0xFFFFFF40] =	vst v26  }
0x288: {  	v62 =	vperm.xlane v28, v6;
	v54 =	vunpack.i.u.bf16.f32 v19;
	v43 =	vmul.f32 v39, v40;
	[tilespmem:s20+$0xFFFFFF60] =	vst v29  }
0x289: {  	v63 =	vunpack.i.u.bf16.f32 v31;
	v49 =	vperm.xlane v20, v2;
	v55 =	vmul.f32 v53, v54;
	[tilespmem:s20+$0xFFFFFFE0] =	vst v10  }
0x28a: {  	v8 =	vperm.xlane v33, v2;
	v51 =	vunpack.i.u.bf16.f32 v45;
	v25 =	vmul.f32 v62, v63;
	[tilespmem:s20+$0xFFFFFFD0] =	vst v43  }
0x28b: {  	v7 =	vperm.xlane v21, v3;
	v16 =	vmul.f32 v49, v51;
	[tilespmem:s20+$0xFFFFFFC0] =	vst v55  }
0x28c: {  	v42 =	vperm.xlane v28, v2;
	v8 =	vmul.f32 v8, v14;
	[tilespmem:s20+$0xFFFFFF70] =	vst v25  }
0x28d: {  	v44 =	vunpack.i.u.bf16.f32 v22;
	v61 =	vperm.xlane v20, v1;
	v7 =	vmul.f32 v7, v9;
	[tilespmem:s20+$0x10] =	vst v16  }
0x28e: {  	v62 =	vunpack.i.l.bf16.f32 v45;
	v10 =	vmul.f32 v42, v44;
	[tilespmem:s20+$0xFFFFFFA0] =	vst v8  }
0x28f: {  	v41 =	vunpack.i.l.bf16.f32 v22;
	v52 =	vperm.xlane v33, v1;
	v63 =	vmul.f32 v61, v62;
	[tilespmem:s20+$0x90] =	vst v7  }
0x290: {  	v12 =	vunpack.i.l.bf16.f32 v12;
	s28 =	sadd.s32 $0x1, s28;
	v25 =	vmul.f32 v35, v41;
	v8 =	vperm.xlane v20, v5;
	[tilespmem:s20+$0xFFFFFF30] =	vst v10  }
0x291: {  	p0 =	sne.s32 s28, $0x29;
	v57 =	vperm.xlane v33, v3;
	v10 =	vmul.f32 v52, v12;
	[tilespmem:s20+$0x0] =	vst v63  }
.Ltmp5:
0x292: {  	v60 =	vunpack.i.l.bf16.f32 v19;
	[tilespmem:s20+$0xFFFFFF20] =	vst v25;
	v8 =	vmul.f32 v8, v11;
	(pc) =	sbr.rel @p0 .LBB2_4-.Ltmp5, $4  }
0x293: {  	[tilespmem:s20+$0xFFFFFF90] =	vst v10;
	v10 =	vmul.f32 v57, v60  }
0x294: {  	[tilespmem:s20+$0x40] =	vst v8  }
0x295: {  	[tilespmem:s20+$0xFFFFFFB0] =	vst v10  }
0x296: {  	[spmem:s3] =	stream.indirect.scatter.add.f32 [tilespmem:s24], [sflag:$0xA], $0x70, s7, s30, $0xb8;
	[tilespmem:$0x173E0] =	vst v63  }
0x297: {  	_ =	swait.ge [sflag:s16], $0x1C00  }
0x298: {  	[sflag:s16] =	ssyncset.done $0x0  }
0x299: {  	[sflag:s16] =	ssyncadd.s32 $0xFFFFE400  }
0x29a: {  	_ =	swait.ge [sflag:s26], $0x1C00  }
0x29b: {  	[sflag:s26] =	ssyncset.done $0x0  }
0x29c: {  	[sflag:s26] =	ssyncadd.s32 $0xFFFFE400  }
0x29d: {  	s0 =	stileid.u32;
	[bflag:$0x0] =	sbarrier.arrive $0xFFFF  }
0x29e: {  	s0 =	sshll.u32 s0, $0x6;
	s19 =	rddreg [dreg:$0x4]  }
0x29f: {  	s0 =	sor.u32 $0x1C0B, s0;
	s4 =	rddreg [dreg:$0x14];
	s2 =	sshrl.u32 s19, $0x3  }
0x2a0: {  	[hbm:s4], [sflag:s0] =	dma.local [spmem:s2], $0x223C  }
0x2a1: {  	s4 =	simm.s32 $0xB  }
0x2a2: {  	_ =	swait.ge [sflag:s4], $0x223C  }
0x2a3: {  	s28 =	rddreg [dreg:$0x16]  }
0x2a4: {  	s31 =	rddreg [dreg:$0x15];
	s2 =	sadd.s32 $0x1, s28  }
0x2a5: {  	p0 =	sne.s32 s2, s31  }
.Ltmp6:
0x2a6: {  	_ = 	snop;
	(pc) =	sbr.rel @p0 .LBB2_1-.Ltmp6, $3  }
0x2a7: {  	_ =	sdelay $0x1  }
0x2a8: {  	[sflag:s4] =	ssyncset.done $0x0  }
0x2a9: {  	[sflag:s4] =	ssyncadd.s32 $0xFFFFDDC4  }
0x2aa: {  	_ =	sfence.sel $0x180000  }
0x2ab: {  	[bflag:$0x0] =	sbarrier.arrive $0xFFFF  }
0x2ac: {  	_ =	strace $0x90000047  }
0x2ad: {  	s0 =	stileid.u32;
	[bflag:$0x2] =	sbarrier.arrive $0xFFFF  }
0x2ae: {  	p0 =	sne.s32 s0, $0x0;
	s0 =	rddreg [dreg:$0x3]  }
0x2af: {  	s0 =	sadd.s32 @!p0 $0x100000, s0  }
0x2b0: {  	[sflag:s0] =	ssyncadd.tile.s32 @!p0 $0x1;
	_ =	shalt  }
.Lfunc_end2:
_tile_overlayer_lowered:
.L_overlay_start_2:
0x2b1: {  	(tag) =	ssettag $0x2  }
0x2b2: {  	s0 =	rddreg [dreg:$0x0];
	s2 =	stileid.u32  }
0x2b3: {  	s1 =	rddreg [dreg:$0x1];
	p0 =	sne.s32 s2, $0x0  }
0x2b4: {  	s3 =	rddreg [dreg:$0x2];
	[bflag:$0x3] =	sbarrier.arrive $0xFFFF;
	s2 =	simm.s32 @!p0 $0x1C0B  }
0x2b5: {  	[timem:s3], [sflag:s2] =	dma.local @!p0 [hbm:s0], s1  }
0x2b6: {  	s0 =	simm.s32 @!p0 $0xB  }
0x2b7: {  	_ =	swait.ge @!p0 [sflag:s0], s1  }
0x2b8: {  	s1 =	ssub.s32 @!p0 $0x0, s1;
	[sflag:s0] =	ssyncset.done @!p0 $0x0  }
0x2b9: {  	[sflag:s0] =	ssyncadd.s32 @!p0 s1  }
0x2ba: {  	[bflag:$0x3] =	sbarrier.arrive $0xFFFF  }
0x2bb: {  	_ =	shalt  }

</sc_bundles>
